<compile_context>
chip_gen: v7x
topology: tpu7x:2x2x1
jax: 0.10.2.dev20260603
libtpu: 0.0.44.dev20260713+nightly
codegen_flags: <defaults>
</compile_context>

<pallas_src>
import numpy as np
import jax
import jax.numpy as jnp
from jax import lax
from jax.experimental import pallas as pl
from jax.experimental.pallas import tpu as pltpu
from jax.experimental.pallas import tpu_sc as plsc

L = 16
T = 524288
F = 2
N_MIN = 16
N_MAX = 512
D = 4
MASK = T - 1
_PRIMES_I32 = [1, 2654435761 - (1 << 32), 805459861, 3674653429 - (1 << 32)]

NC = 2
NS = 16
NW = NC * NS
LANES = 16

N_PTS = 65536
NP = N_PTS // NW
CH = 256
NG = CH // LANES
NCH = NP // CH


def _res_levels():
    b = np.exp((np.log(N_MAX) - np.log(N_MIN)) / (L - 1))
    return [int(np.floor(N_MIN * (b ** l))) for l in range(L)]


def _sc_body(xT_hbm, tbl_hbm, res_hbm, enc_hbm,
             x_v, res_v, idx0_v, idx1_v, w0_v, w1_v,
             feat0_v, feat1_v, out_v, tbl_sh, sem0, sem1, sem2, sem4):
    sid = lax.axis_index("s")
    wid = sid * NC + lax.axis_index("c")
    base = wid * NP
    for d in range(D):
        pltpu.sync_copy(xT_hbm.at[pl.ds(d * N_PTS + base, NP)],
                        x_v.at[pl.ds(d * NP, NP)])
    pltpu.sync_copy(res_hbm, res_v)
    primes = [jnp.full((LANES,), p, jnp.int32) for p in _PRIMES_I32]
    SLICE = T // NS

    def p1(c, idx_v, w_v, res_s, off_s):
        cb = c * CH

        @plsc.parallel_loop(0, NG, 1, unroll=2)
        def body(g):
            pb = cb + g * LANES
            fr = []
            ab = []
            for d in range(D):
                xv = x_v[pl.ds(d * NP + pb, LANES)]
                pos = xv * res_s
                ip = pos.astype(jnp.int32)
                fr.append(pos - ip.astype(jnp.float32))
                a = ip * primes[d] if d else ip
                ab.append((a, a + primes[d]))
            h01 = [ab[0][b0] ^ ab[1][b1] for b1 in range(2) for b0 in range(2)]
            h23 = [ab[2][b2] ^ ab[3][b3] for b3 in range(2) for b2 in range(2)]
            for ci in range(2 ** D):
                h = h01[ci & 3] ^ h23[(ci >> 2) & 3]
                idx_v[pl.ds(ci * CH + g * LANES, LANES)] = (h & MASK) + off_s
            gs = [1.0 - f for f in fr]
            p01 = [gs[0] * gs[1], fr[0] * gs[1], gs[0] * fr[1], fr[0] * fr[1]]
            p23 = [gs[2] * gs[3], fr[2] * gs[3], gs[2] * fr[3], fr[2] * fr[3]]
            for ci in range(2 ** D):
                w_v[pl.ds(ci * CH + g * LANES, LANES)] = (
                    p01[ci & 3] * p23[(ci >> 2) & 3])

    def start(idx_v, feats_v, sem):
        pltpu.async_copy(tbl_sh.at[idx_v], feats_v, sem)

    def wait(idx_v, feats_v, sem):
        pltpu.make_async_copy(tbl_sh.at[idx_v], feats_v, sem).wait()

    def p2(c, w_v, feats_v, obuf):
        cb = c * CH

        @plsc.parallel_loop(0, NG, 1, unroll=2)
        def body(g):
            z = jnp.zeros((LANES,), jnp.float32)
            acc = [z, z, z, z]
            for ci in range(2 ** D):
                wv = w_v[pl.ds(ci * CH + g * LANES, LANES)]
                fv = feats_v[pl.ds(ci * CH + g * LANES, LANES)]
                f0 = lax.bitcast_convert_type(fv << 16, jnp.float32)
                f1 = lax.bitcast_convert_type(fv & jnp.int32(-65536), jnp.float32)
                acc[ci & 1] = acc[ci & 1] + wv * f0
                acc[2 + (ci & 1)] = acc[2 + (ci & 1)] + wv * f1
            out_v[obuf, 0, pl.ds(cb + g * LANES, LANES)] = acc[0] + acc[1]
            out_v[obuf, 1, pl.ds(cb + g * LANES, LANES)] = acc[2] + acc[3]

    pltpu.sync_copy(tbl_hbm.at[pl.ds(sid * SLICE, SLICE)],
                    tbl_sh.at[pl.ds(sid * SLICE, SLICE)])
    plsc.subcore_barrier()

    def level_body(l, _):
        buf = l & 1
        nxt = l + 1

        @pl.when(nxt < L)
        def _():
            pltpu.async_copy(
                tbl_hbm.at[pl.ds(nxt * T + sid * SLICE, SLICE)],
                tbl_sh.at[pl.ds((nxt & 1) * T + sid * SLICE, SLICE)],
                sem2)

        res_s = res_v[pl.ds(l * LANES, LANES)]
        off_s = jnp.full((LANES,), buf * T, jnp.int32)

        p1(0, idx0_v, w0_v, res_s, off_s)
        start(idx0_v, feat0_v, sem0)

        def pair(k, _):
            c0 = 2 * k
            p1(c0 + 1, idx1_v, w1_v, res_s, off_s)
            start(idx1_v, feat1_v, sem1)
            wait(idx0_v, feat0_v, sem0)
            p2(c0, w0_v, feat0_v, buf)

            @pl.when(k < NCH // 2 - 1)
            def _():
                p1(c0 + 2, idx0_v, w0_v, res_s, off_s)
                start(idx0_v, feat0_v, sem0)

            wait(idx1_v, feat1_v, sem1)
            p2(c0 + 1, w1_v, feat1_v, buf)
            return 0

        lax.fori_loop(0, NCH // 2, pair, 0)
        pltpu.async_copy(out_v.at[buf],
                         enc_hbm.at[pl.ds(2 * l, 2), pl.ds(base, NP)], sem4)

        @pl.when(l > 0)
        def _():
            pltpu.make_async_copy(
                out_v.at[1 - buf],
                enc_hbm.at[pl.ds(2 * (l - 1), 2), pl.ds(base, NP)], sem4).wait()

        @pl.when(nxt < L)
        def _():
            pltpu.make_async_copy(
                tbl_hbm.at[pl.ds(nxt * T + sid * SLICE, SLICE)],
                tbl_sh.at[pl.ds((nxt & 1) * T + sid * SLICE, SLICE)],
                sem2).wait()

        plsc.subcore_barrier()
        return 0

    lax.fori_loop(0, L, level_body, 0)
    pltpu.make_async_copy(
        out_v.at[(L - 1) & 1],
        enc_hbm.at[pl.ds(2 * (L - 1), 2), pl.ds(base, NP)], sem4).wait()


def _sc_encode(xT, tbl, res_rep):
    mesh = plsc.VectorSubcoreMesh(core_axis_name="c", subcore_axis_name="s",
                                  num_cores=NC, num_subcores=NS)
    fn = pl.kernel(
        _sc_body,
        out_type=jax.ShapeDtypeStruct((2 * L, N_PTS), jnp.float32),
        mesh=mesh,
        scratch_types=[
            pltpu.VMEM((D * NP,), jnp.float32),
            pltpu.VMEM((L * LANES,), jnp.float32),
            pltpu.VMEM((16 * CH,), jnp.int32),
            pltpu.VMEM((16 * CH,), jnp.int32),
            pltpu.VMEM((16 * CH,), jnp.float32),
            pltpu.VMEM((16 * CH,), jnp.float32),
            pltpu.VMEM((16 * CH,), jnp.int32),
            pltpu.VMEM((16 * CH,), jnp.int32),
            pltpu.VMEM((2, F, NP), jnp.float32),
            pltpu.VMEM_SHARED((2 * T,), jnp.int32),
            pltpu.SemaphoreType.DMA,
            pltpu.SemaphoreType.DMA,
            pltpu.SemaphoreType.DMA,
            pltpu.SemaphoreType.DMA,
        ],
    )
    return fn(xT, tbl, res_rep)


def _mlp_body(enc_ref, w1_ref, w2_ref, w3_ref, out_ref):
    e = enc_ref[...]
    h = lax.dot_general(e, w1_ref[...], (((0,), (0,)), ((), ())),
                        preferred_element_type=jnp.float32)
    h = jnp.maximum(h, 0.0)
    h = jnp.maximum(jnp.dot(h, w2_ref[...], preferred_element_type=jnp.float32), 0.0)
    out_ref[...] = jnp.dot(h, w3_ref[...], preferred_element_type=jnp.float32)


def _mlp(enc, W1, W2, W3):
    BN = 4096
    return pl.pallas_call(
        _mlp_body,
        grid=(N_PTS // BN,),
        in_specs=[
            pl.BlockSpec((2 * L, BN), lambda i: (0, i)),
            pl.BlockSpec(W1.shape, lambda i: (0, 0)),
            pl.BlockSpec(W2.shape, lambda i: (0, 0)),
            pl.BlockSpec(W3.shape, lambda i: (0, 0)),
        ],
        out_specs=pl.BlockSpec((BN, 9), lambda i: (i, 0)),
        out_shape=jax.ShapeDtypeStruct((N_PTS, 9), jnp.float32),
    )(enc, W1, W2, W3)


def kernel(img_pixel_indices, pose_extended, hash_tables, W1, W2, W3):
    x = jnp.concatenate([img_pixel_indices, pose_extended], axis=1)
    xT = x.T.reshape(-1)
    tbl = lax.bitcast_convert_type(
        hash_tables.astype(jnp.bfloat16), jnp.int32).reshape(L * T)
    res = _res_levels()
    res_rep = jnp.asarray(np.repeat(np.array(res, np.float32), LANES))
    enc = _sc_encode(xT, tbl, res_rep)
    return _mlp(enc, W1, W2, W3)

# --- scband reference (transcript-rebuilt; emitter-appended) ---
"""Pipeline reference for scband-hash-grid-w-pose-28544352649908 (READ-ONLY COPY).

The authoritative reference and input builder live on the scoring server;
editing this copy changes nothing except your own understanding.
"""

import jax, jax.numpy as jnp
import numpy as np

L = 16
T = 524288
F = 2
N_MIN = 16
N_MAX = 512
D = 4
PRIMES = jnp.array([1, 2654435761, 805459861, 3674653429], dtype=jnp.uint32)
OFFSETS = jnp.array([[(i >> d) & 1 for d in range(D)] for i in range(2 ** D)], dtype=jnp.uint32)


def hash_encode(x, tables):
    # x: [N, 4] in [0, 1); tables: [L, T, F]
    b = np.exp((np.log(N_MAX) - np.log(N_MIN)) / (L - 1))
    N = x.shape[0]
    outs = []
    for l in range(L):
        res = int(np.floor(N_MIN * (b ** l)))
        pos = x * res
        pos0f = jnp.floor(pos)
        frac = pos - pos0f
        pos0 = pos0f.astype(jnp.uint32)
        corners = pos0[:, None, :] + OFFSETS[None, :, :]  # [N, 16, 4]
        h = corners * PRIMES[None, None, :]
        idx = (h[..., 0] ^ h[..., 1] ^ h[..., 2] ^ h[..., 3]) % jnp.uint32(T)  # [N, 16]
        feats = jnp.take(tables[l], idx.astype(jnp.int32), axis=0)  # [N, 16, F]
        w = jnp.ones((N, 2 ** D), dtype=x.dtype)
        offs_f = OFFSETS.astype(x.dtype)
        for d in range(D):
            fd = frac[:, None, d]
            od = offs_f[None, :, d]
            w = w * (od * fd + (1.0 - od) * (1.0 - fd))
        outs.append(jnp.sum(w[..., None] * feats, axis=1))  # [N, F]
    return jnp.concatenate(outs, axis=1)  # [N, L*F]


def setup_inputs(seed: int = 0) -> dict:
    key = jax.random.key(seed)
    k1, k2, k3, k4, k5, k6 = jax.random.split(key, 6)
    N = 65536
    img_pixel_indices = jax.random.uniform(k1, (N, 2), dtype=jnp.float32)
    pose_extended = jax.random.uniform(k2, (N, 2), dtype=jnp.float32)
    hash_tables = jax.random.uniform(k3, (L, T, F), dtype=jnp.float32, minval=-1e-4, maxval=1e-4)
    enc_dim = L * F
    W1 = jax.random.normal(k4, (enc_dim, 64), dtype=jnp.float32) * 0.05
    W2 = jax.random.normal(k5, (64, 64), dtype=jnp.float32) * 0.05
    W3 = jax.random.normal(k6, (64, 9), dtype=jnp.float32) * 0.05
    return {"img_pixel_indices": img_pixel_indices, "pose_extended": pose_extended,
            "hash_tables": hash_tables, "W1": W1, "W2": W2, "W3": W3}


def reference(img_pixel_indices, pose_extended, hash_tables, W1, W2, W3):
    # uv_encoding(cat(img_pixel_indices, pose_extended)) -> network -> 9-dim dynamic uv texture
    x = jnp.concatenate([img_pixel_indices, pose_extended], axis=1)  # [N, 4]
    enc = hash_encode(x, hash_tables)  # [N, 32]
    h = jax.nn.relu(enc @ W1)
    h = jax.nn.relu(h @ W2)
    uv_tex_dynamic = h @ W3  # [N, 9]
    return uv_tex_dynamic

if __name__ == "__main__":
    import jax
    _d = setup_inputs()
    print(jax.jit(kernel)(*tuple(_d.values())))

</pallas_src>

<mosaic_0001>
#map = affine_map<(d0, d1) -> (0)>
#map1 = affine_map<(d0, d1) -> (0, 0)>
module attributes {stable_mosaic.version = 14 : i64} {
  func.func @_sc_body(%arg0: i32, %arg1: i32, %arg2: memref<262144xf32, #tpu.memory_space<hbm>>, %arg3: memref<8388608xi32, #tpu.memory_space<hbm>>, %arg4: memref<256xf32, #tpu.memory_space<hbm>>, %arg5: memref<32x65536xf32, #tpu.memory_space<hbm>>, %arg6: memref<8192xf32, #tpu.memory_space<vmem>>, %arg7: memref<256xf32, #tpu.memory_space<vmem>>, %arg8: memref<4096xi32, #tpu.memory_space<vmem>>, %arg9: memref<4096xi32, #tpu.memory_space<vmem>>, %arg10: memref<4096xf32, #tpu.memory_space<vmem>>, %arg11: memref<4096xf32, #tpu.memory_space<vmem>>, %arg12: memref<4096xi32, #tpu.memory_space<vmem>>, %arg13: memref<4096xi32, #tpu.memory_space<vmem>>, %arg14: memref<2x2x2048xf32, #tpu.memory_space<vmem>>, %arg15: memref<1048576xi32, #tpu.memory_space<vmem_shared>>, %arg16: memref<!tpu.dma_semaphore, #tpu.memory_space<semaphore_mem>>, %arg17: memref<!tpu.dma_semaphore, #tpu.memory_space<semaphore_mem>>, %arg18: memref<!tpu.dma_semaphore, #tpu.memory_space<semaphore_mem>>, %arg19: memref<!tpu.dma_semaphore, #tpu.memory_space<semaphore_mem>>) attributes {dimension_semantics = [#tpu.dimension_semantics<core_parallel>, #tpu.dimension_semantics<subcore_parallel>], iteration_bounds = array<i64: 2, 16>, scalar_prefetch = 0 : i64, scratch_operands = 14 : i64, tpu.core_type = #tpu.core_type<sc_vector_subcore>, window_params = [{transform_indices = #map}, {transform_indices = #map}, {transform_indices = #map}, {transform_indices = #map1}]} {
    %mul3A = arith.constant 2 : i32
    %mul3A_0 = arith.muli %arg1, %mul3A : i32
    %add3A = arith.addi %mul3A_0, %arg0 : i32
    %mul3A_1 = arith.constant 2048 : i32
    %mul3A_2 = arith.muli %add3A, %mul3A_1 : i32
    %add3A_3 = arith.constant 0 : i32
    %add3A_4 = arith.addi %add3A_3, %mul3A_2 : i32
    "tpu.region"() ({
      %run_scoped3A = tpu.sem_alloc : memref<!tpu.dma_semaphore, #tpu.memory_space<semaphore_mem>>
      %dma_start3A = arith.constant 0 : i32
      %dma_start3A_40 = tpu.memref_slice %arg6[%dma_start3A] : memref<8192xf32, #tpu.memory_space<vmem>> -> memref<2048xf32, #tpu.memory_space<vmem>>
      %dma_start3A_41 = tpu.memref_slice %arg2[%add3A_4] : memref<262144xf32, #tpu.memory_space<hbm>> -> memref<2048xf32, #tpu.memory_space<hbm>>
      %dma_start3A_42 = arith.constant 0 : i32
      %dma_start3A_43 = tpu.memref_slice %arg6[%dma_start3A_42] : memref<8192xf32, #tpu.memory_space<vmem>> -> memref<2048xf32, #tpu.memory_space<vmem>>
      %dma_start3A_44 = tpu.memref_slice %arg2[%add3A_4] : memref<262144xf32, #tpu.memory_space<hbm>> -> memref<2048xf32, #tpu.memory_space<hbm>>
      tpu.enqueue_dma source(%dma_start3A_44 : memref<2048xf32, #tpu.memory_space<hbm>>) target(%dma_start3A_43 : memref<2048xf32, #tpu.memory_space<vmem>>) target_semaphore(%run_scoped3A : memref<!tpu.dma_semaphore, #tpu.memory_space<semaphore_mem>>)
      %dma_wait3A_45 = arith.constant 0 : i32
      %dma_wait3A_46 = tpu.memref_slice %arg6[%dma_wait3A_45] : memref<8192xf32, #tpu.memory_space<vmem>> -> memref<2048xf32, #tpu.memory_space<vmem>>
      %dma_wait3A_47 = tpu.memref_slice %arg2[%add3A_4] : memref<262144xf32, #tpu.memory_space<hbm>> -> memref<2048xf32, #tpu.memory_space<hbm>>
      %dma_wait3A_48 = arith.constant 0 : i32
      %dma_wait3A_49 = tpu.memref_slice %arg6[%dma_wait3A_48] : memref<8192xf32, #tpu.memory_space<vmem>> -> memref<2048xf32, #tpu.memory_space<vmem>>
      %dma_wait3A_50 = tpu.memref_slice %arg2[%add3A_4] : memref<262144xf32, #tpu.memory_space<hbm>> -> memref<2048xf32, #tpu.memory_space<hbm>>
      tpu.wait_dma2 semaphore(%run_scoped3A : memref<!tpu.dma_semaphore, #tpu.memory_space<semaphore_mem>>) src(%dma_wait3A_50 : memref<2048xf32, #tpu.memory_space<hbm>>) dst(%dma_wait3A_49 : memref<2048xf32, #tpu.memory_space<vmem>>)
      tpu.yield
    }) : () -> ()
    %add3A_5 = arith.constant 65536 : i32
    %add3A_6 = arith.addi %add3A_5, %mul3A_2 : i32
    "tpu.region"() ({
      %run_scoped3A = tpu.sem_alloc : memref<!tpu.dma_semaphore, #tpu.memory_space<semaphore_mem>>
      %dma_start3A = arith.constant 2048 : i32
      %dma_start3A_40 = tpu.memref_slice %arg6[%dma_start3A] : memref<8192xf32, #tpu.memory_space<vmem>> -> memref<2048xf32, #tpu.memory_space<vmem>>
      %dma_start3A_41 = tpu.memref_slice %arg2[%add3A_6] : memref<262144xf32, #tpu.memory_space<hbm>> -> memref<2048xf32, #tpu.memory_space<hbm>>
      %dma_start3A_42 = arith.constant 2048 : i32
      %dma_start3A_43 = tpu.memref_slice %arg6[%dma_start3A_42] : memref<8192xf32, #tpu.memory_space<vmem>> -> memref<2048xf32, #tpu.memory_space<vmem>>
      %dma_start3A_44 = tpu.memref_slice %arg2[%add3A_6] : memref<262144xf32, #tpu.memory_space<hbm>> -> memref<2048xf32, #tpu.memory_space<hbm>>
      tpu.enqueue_dma source(%dma_start3A_44 : memref<2048xf32, #tpu.memory_space<hbm>>) target(%dma_start3A_43 : memref<2048xf32, #tpu.memory_space<vmem>>) target_semaphore(%run_scoped3A : memref<!tpu.dma_semaphore, #tpu.memory_space<semaphore_mem>>)
      %dma_wait3A_45 = arith.constant 2048 : i32
      %dma_wait3A_46 = tpu.memref_slice %arg6[%dma_wait3A_45] : memref<8192xf32, #tpu.memory_space<vmem>> -> memref<2048xf32, #tpu.memory_space<vmem>>
      %dma_wait3A_47 = tpu.memref_slice %arg2[%add3A_6] : memref<262144xf32, #tpu.memory_space<hbm>> -> memref<2048xf32, #tpu.memory_space<hbm>>
      %dma_wait3A_48 = arith.constant 2048 : i32
      %dma_wait3A_49 = tpu.memref_slice %arg6[%dma_wait3A_48] : memref<8192xf32, #tpu.memory_space<vmem>> -> memref<2048xf32, #tpu.memory_space<vmem>>
      %dma_wait3A_50 = tpu.memref_slice %arg2[%add3A_6] : memref<262144xf32, #tpu.memory_space<hbm>> -> memref<2048xf32, #tpu.memory_space<hbm>>
      tpu.wait_dma2 semaphore(%run_scoped3A : memref<!tpu.dma_semaphore, #tpu.memory_space<semaphore_mem>>) src(%dma_wait3A_50 : memref<2048xf32, #tpu.memory_space<hbm>>) dst(%dma_wait3A_49 : memref<2048xf32, #tpu.memory_space<vmem>>)
      tpu.yield
    }) : () -> ()
    %add3A_7 = arith.constant 131072 : i32
    %add3A_8 = arith.addi %add3A_7, %mul3A_2 : i32
    "tpu.region"() ({
      %run_scoped3A = tpu.sem_alloc : memref<!tpu.dma_semaphore, #tpu.memory_space<semaphore_mem>>
      %dma_start3A = arith.constant 4096 : i32
      %dma_start3A_40 = tpu.memref_slice %arg6[%dma_start3A] : memref<8192xf32, #tpu.memory_space<vmem>> -> memref<2048xf32, #tpu.memory_space<vmem>>
      %dma_start3A_41 = tpu.memref_slice %arg2[%add3A_8] : memref<262144xf32, #tpu.memory_space<hbm>> -> memref<2048xf32, #tpu.memory_space<hbm>>
      %dma_start3A_42 = arith.constant 4096 : i32
      %dma_start3A_43 = tpu.memref_slice %arg6[%dma_start3A_42] : memref<8192xf32, #tpu.memory_space<vmem>> -> memref<2048xf32, #tpu.memory_space<vmem>>
      %dma_start3A_44 = tpu.memref_slice %arg2[%add3A_8] : memref<262144xf32, #tpu.memory_space<hbm>> -> memref<2048xf32, #tpu.memory_space<hbm>>
      tpu.enqueue_dma source(%dma_start3A_44 : memref<2048xf32, #tpu.memory_space<hbm>>) target(%dma_start3A_43 : memref<2048xf32, #tpu.memory_space<vmem>>) target_semaphore(%run_scoped3A : memref<!tpu.dma_semaphore, #tpu.memory_space<semaphore_mem>>)
      %dma_wait3A_45 = arith.constant 4096 : i32
      %dma_wait3A_46 = tpu.memref_slice %arg6[%dma_wait3A_45] : memref<8192xf32, #tpu.memory_space<vmem>> -> memref<2048xf32, #tpu.memory_space<vmem>>
      %dma_wait3A_47 = tpu.memref_slice %arg2[%add3A_8] : memref<262144xf32, #tpu.memory_space<hbm>> -> memref<2048xf32, #tpu.memory_space<hbm>>
      %dma_wait3A_48 = arith.constant 4096 : i32
      %dma_wait3A_49 = tpu.memref_slice %arg6[%dma_wait3A_48] : memref<8192xf32, #tpu.memory_space<vmem>> -> memref<2048xf32, #tpu.memory_space<vmem>>
      %dma_wait3A_50 = tpu.memref_slice %arg2[%add3A_8] : memref<262144xf32, #tpu.memory_space<hbm>> -> memref<2048xf32, #tpu.memory_space<hbm>>
      tpu.wait_dma2 semaphore(%run_scoped3A : memref<!tpu.dma_semaphore, #tpu.memory_space<semaphore_mem>>) src(%dma_wait3A_50 : memref<2048xf32, #tpu.memory_space<hbm>>) dst(%dma_wait3A_49 : memref<2048xf32, #tpu.memory_space<vmem>>)
      tpu.yield
    }) : () -> ()
    %add3A_9 = arith.constant 196608 : i32
    %add3A_10 = arith.addi %add3A_9, %mul3A_2 : i32
    "tpu.region"() ({
      %run_scoped3A = tpu.sem_alloc : memref<!tpu.dma_semaphore, #tpu.memory_space<semaphore_mem>>
      %dma_start3A = arith.constant 6144 : i32
      %dma_start3A_40 = tpu.memref_slice %arg6[%dma_start3A] : memref<8192xf32, #tpu.memory_space<vmem>> -> memref<2048xf32, #tpu.memory_space<vmem>>
      %dma_start3A_41 = tpu.memref_slice %arg2[%add3A_10] : memref<262144xf32, #tpu.memory_space<hbm>> -> memref<2048xf32, #tpu.memory_space<hbm>>
      %dma_start3A_42 = arith.constant 6144 : i32
      %dma_start3A_43 = tpu.memref_slice %arg6[%dma_start3A_42] : memref<8192xf32, #tpu.memory_space<vmem>> -> memref<2048xf32, #tpu.memory_space<vmem>>
      %dma_start3A_44 = tpu.memref_slice %arg2[%add3A_10] : memref<262144xf32, #tpu.memory_space<hbm>> -> memref<2048xf32, #tpu.memory_space<hbm>>
      tpu.enqueue_dma source(%dma_start3A_44 : memref<2048xf32, #tpu.memory_space<hbm>>) target(%dma_start3A_43 : memref<2048xf32, #tpu.memory_space<vmem>>) target_semaphore(%run_scoped3A : memref<!tpu.dma_semaphore, #tpu.memory_space<semaphore_mem>>)
      %dma_wait3A_45 = arith.constant 6144 : i32
      %dma_wait3A_46 = tpu.memref_slice %arg6[%dma_wait3A_45] : memref<8192xf32, #tpu.memory_space<vmem>> -> memref<2048xf32, #tpu.memory_space<vmem>>
      %dma_wait3A_47 = tpu.memref_slice %arg2[%add3A_10] : memref<262144xf32, #tpu.memory_space<hbm>> -> memref<2048xf32, #tpu.memory_space<hbm>>
      %dma_wait3A_48 = arith.constant 6144 : i32
      %dma_wait3A_49 = tpu.memref_slice %arg6[%dma_wait3A_48] : memref<8192xf32, #tpu.memory_space<vmem>> -> memref<2048xf32, #tpu.memory_space<vmem>>
      %dma_wait3A_50 = tpu.memref_slice %arg2[%add3A_10] : memref<262144xf32, #tpu.memory_space<hbm>> -> memref<2048xf32, #tpu.memory_space<hbm>>
      tpu.wait_dma2 semaphore(%run_scoped3A : memref<!tpu.dma_semaphore, #tpu.memory_space<semaphore_mem>>) src(%dma_wait3A_50 : memref<2048xf32, #tpu.memory_space<hbm>>) dst(%dma_wait3A_49 : memref<2048xf32, #tpu.memory_space<vmem>>)
      tpu.yield
    }) : () -> ()
    "tpu.region"() ({
      %run_scoped3A = tpu.sem_alloc : memref<!tpu.dma_semaphore, #tpu.memory_space<semaphore_mem>>
      tpu.enqueue_dma source(%arg4 : memref<256xf32, #tpu.memory_space<hbm>>) target(%arg7 : memref<256xf32, #tpu.memory_space<vmem>>) target_semaphore(%run_scoped3A : memref<!tpu.dma_semaphore, #tpu.memory_space<semaphore_mem>>)
      tpu.wait_dma2 semaphore(%run_scoped3A : memref<!tpu.dma_semaphore, #tpu.memory_space<semaphore_mem>>) src(%arg4 : memref<256xf32, #tpu.memory_space<hbm>>) dst(%arg7 : memref<256xf32, #tpu.memory_space<vmem>>)
      tpu.yield
    }) : () -> ()
    %broadcast_in_dim3A = arith.constant 1 : i32
    %broadcast_in_dim3A_11 = vector.broadcast %broadcast_in_dim3A : i32 to vector<16xi32>
    %broadcast_in_dim3A_12 = arith.constant -1640531535 : i32
    %broadcast_in_dim3A_13 = vector.broadcast %broadcast_in_dim3A_12 : i32 to vector<16xi32>
    %broadcast_in_dim3A_14 = arith.constant 805459861 : i32
    %broadcast_in_dim3A_15 = vector.broadcast %broadcast_in_dim3A_14 : i32 to vector<16xi32>
    %broadcast_in_dim3A_16 = arith.constant -620313867 : i32
    %broadcast_in_dim3A_17 = vector.broadcast %broadcast_in_dim3A_16 : i32 to vector<16xi32>
    %mul3A_18 = arith.constant 32768 : i32
    %mul3A_19 = arith.muli %arg1, %mul3A_18 : i32
    %mul3A_20 = arith.constant 32768 : i32
    %mul3A_21 = arith.muli %arg1, %mul3A_20 : i32
    "tpu.region"() ({
      %run_scoped3A = tpu.sem_alloc : memref<!tpu.dma_semaphore, #tpu.memory_space<semaphore_mem>>
      %dma_start3A = tpu.memref_slice %arg15[%mul3A_21] : memref<1048576xi32, #tpu.memory_space<vmem_shared>> -> memref<32768xi32, #tpu.memory_space<vmem_shared>>
      %dma_start3A_40 = tpu.memref_slice %arg3[%mul3A_19] : memref<8388608xi32, #tpu.memory_space<hbm>> -> memref<32768xi32, #tpu.memory_space<hbm>>
      tpu.enqueue_dma source(%dma_start3A_40 : memref<32768xi32, #tpu.memory_space<hbm>>) target(%dma_start3A : memref<32768xi32, #tpu.memory_space<vmem_shared>>) target_semaphore(%run_scoped3A : memref<!tpu.dma_semaphore, #tpu.memory_space<semaphore_mem>>)
      %dma_wait3A_41 = tpu.memref_slice %arg15[%mul3A_21] : memref<1048576xi32, #tpu.memory_space<vmem_shared>> -> memref<32768xi32, #tpu.memory_space<vmem_shared>>
      %dma_wait3A_42 = tpu.memref_slice %arg3[%mul3A_19] : memref<8388608xi32, #tpu.memory_space<hbm>> -> memref<32768xi32, #tpu.memory_space<hbm>>
      tpu.wait_dma2 semaphore(%run_scoped3A : memref<!tpu.dma_semaphore, #tpu.memory_space<semaphore_mem>>) src(%dma_wait3A_42 : memref<32768xi32, #tpu.memory_space<hbm>>) dst(%dma_wait3A_41 : memref<32768xi32, #tpu.memory_space<vmem_shared>>)
      tpu.yield
    }) : () -> ()
    %barrier3A = arith.constant 0 : index
    tpu.barrier barrier_id(%barrier3A)
    %scan3A = arith.constant 0 : i32
    %scan3A_22 = arith.constant 0 : i32
    %scan3A_23 = arith.constant 16 : i32
    %scan3A_24 = arith.addi %scan3A_22, %scan3A_23 : i32
    %scan3A_25 = arith.constant 1 : i32
    %scan3A_26 = scf.for %scan3A_40 = %scan3A_22 to %scan3A_24 step %scan3A_25 iter_args(%scan3A_41 = %scan3A) -> (i32)  : i32 {
      %and3A = arith.constant 1 : i32
      %and3A_42 = arith.andi %scan3A_40, %and3A : i32
      %add3A_43 = arith.constant 1 : i32
      %add3A_44 = arith.addi %scan3A_40, %add3A_43 : i32
      %lt3A = arith.constant 16 : i32
      %lt3A_45 = arith.cmpi slt, %add3A_44, %lt3A : i32
      %convert_element_type3A = arith.extui %lt3A_45 : i1 to i32
      %cond3A = arith.constant 0 : i32
      %cond3A_46 = arith.cmpi ne, %convert_element_type3A, %cond3A : i32
      scf.if %cond3A_46 {
        %mul3A_87 = arith.constant 524288 : i32
        %mul3A_88 = arith.muli %add3A_44, %mul3A_87 : i32
        %mul3A_89 = arith.constant 32768 : i32
        %mul3A_90 = arith.muli %arg1, %mul3A_89 : i32
        %add3A_91 = arith.addi %mul3A_88, %mul3A_90 : i32
        %and3A_92 = arith.constant 1 : i32
        %and3A_93 = arith.andi %add3A_44, %and3A_92 : i32
        %mul3A_94 = arith.constant 524288 : i32
        %mul3A_95 = arith.muli %and3A_93, %mul3A_94 : i32
        %mul3A_96 = arith.constant 32768 : i32
        %mul3A_97 = arith.muli %arg1, %mul3A_96 : i32
        %add3A_98 = arith.addi %mul3A_95, %mul3A_97 : i32
        %dma_start3A_99 = tpu.memref_slice %arg15[%add3A_98] : memref<1048576xi32, #tpu.memory_space<vmem_shared>> -> memref<32768xi32, #tpu.memory_space<vmem_shared>>
        %dma_start3A_100 = tpu.memref_slice %arg3[%add3A_91] : memref<8388608xi32, #tpu.memory_space<hbm>> -> memref<32768xi32, #tpu.memory_space<hbm>>
        tpu.enqueue_dma source(%dma_start3A_100 : memref<32768xi32, #tpu.memory_space<hbm>>) target(%dma_start3A_99 : memref<32768xi32, #tpu.memory_space<vmem_shared>>) target_semaphore(%arg18 : memref<!tpu.dma_semaphore, #tpu.memory_space<semaphore_mem>>)
      } else {
      }
      %mul3A_47 = arith.constant 16 : i32
      %mul3A_48 = arith.muli %scan3A_40, %mul3A_47 : i32
      %get3A = arith.index_cast %mul3A_48 : i32 to index
      %get3A_49 = tpu.vector_load %arg7[%get3A] {strides = array<i32>} : memref<256xf32, #tpu.memory_space<vmem>>, vector<16xf32>,
      %get3A_50 = vector.shape_cast %get3A_49 : vector<16xf32> to vector<16xf32>
      %mul3A_51 = arith.constant 524288 : i32
      %mul3A_52 = arith.muli %and3A_42, %mul3A_51 : i32
      %broadcast_in_dim3A_53 = vector.broadcast %mul3A_52 : i32 to vector<16xi32>
      %parallel_loop3A = arith.constant 0 : i32
      %parallel_loop3A_54 = arith.constant 16 : i32
      %parallel_loop3A_55 = arith.constant 1 : i32
      scf.for %parallel_loop3A_87 = %parallel_loop3A to %parallel_loop3A_54 step %parallel_loop3A_55  : i32 {
        %parallel_loop3A_88 = arith.constant 16 : i32
        %parallel_loop3A_89 = arith.muli %parallel_loop3A_87, %parallel_loop3A_88 : i32
        %parallel_loop3A_90 = arith.constant 0 : i32
        %parallel_loop3A_91 = arith.addi %parallel_loop3A_90, %parallel_loop3A_89 : i32
        %parallel_loop3A_92 = arith.constant 0 : i32
        %parallel_loop3A_93 = arith.addi %parallel_loop3A_92, %parallel_loop3A_91 : i32
        %parallel_loop3A_94 = arith.index_cast %parallel_loop3A_93 : i32 to index
        %parallel_loop3A_95 = tpu.vector_load %arg6[%parallel_loop3A_94] {strides = array<i32>} : memref<8192xf32, #tpu.memory_space<vmem>>, vector<16xf32>,
        %parallel_loop3A_96 = vector.shape_cast %parallel_loop3A_95 : vector<16xf32> to vector<16xf32>
        %parallel_loop3A_97 = arith.mulf %parallel_loop3A_96, %get3A_50 : vector<16xf32>
        %parallel_loop3A_98 = arith.fptosi %parallel_loop3A_97 : vector<16xf32> to vector<16xi32>
        %parallel_loop3A_99 = arith.sitofp %parallel_loop3A_98 : vector<16xi32> to vector<16xf32>
        %parallel_loop3A_100 = arith.subf %parallel_loop3A_97, %parallel_loop3A_99 : vector<16xf32>
        %parallel_loop3A_101 = arith.addi %parallel_loop3A_98, %broadcast_in_dim3A_11 : vector<16xi32>
        %parallel_loop3A_102 = arith.constant 2048 : i32
        %parallel_loop3A_103 = arith.addi %parallel_loop3A_102, %parallel_loop3A_91 : i32
        %parallel_loop3A_104 = arith.index_cast %parallel_loop3A_103 : i32 to index
        %parallel_loop3A_105 = tpu.vector_load %arg6[%parallel_loop3A_104] {strides = array<i32>} : memref<8192xf32, #tpu.memory_space<vmem>>, vector<16xf32>,
        %parallel_loop3A_106 = vector.shape_cast %parallel_loop3A_105 : vector<16xf32> to vector<16xf32>
        %parallel_loop3A_107 = arith.mulf %parallel_loop3A_106, %get3A_50 : vector<16xf32>
        %parallel_loop3A_108 = arith.fptosi %parallel_loop3A_107 : vector<16xf32> to vector<16xi32>
        %parallel_loop3A_109 = arith.sitofp %parallel_loop3A_108 : vector<16xi32> to vector<16xf32>
        %parallel_loop3A_110 = arith.subf %parallel_loop3A_107, %parallel_loop3A_109 : vector<16xf32>
        %parallel_loop3A_111 = arith.muli %parallel_loop3A_108, %broadcast_in_dim3A_13 : vector<16xi32>
        %parallel_loop3A_112 = arith.addi %parallel_loop3A_111, %broadcast_in_dim3A_13 : vector<16xi32>
        %parallel_loop3A_113 = arith.constant 4096 : i32
        %parallel_loop3A_114 = arith.addi %parallel_loop3A_113, %parallel_loop3A_91 : i32
        %parallel_loop3A_115 = arith.index_cast %parallel_loop3A_114 : i32 to index
        %parallel_loop3A_116 = tpu.vector_load %arg6[%parallel_loop3A_115] {strides = array<i32>} : memref<8192xf32, #tpu.memory_space<vmem>>, vector<16xf32>,
        %parallel_loop3A_117 = vector.shape_cast %parallel_loop3A_116 : vector<16xf32> to vector<16xf32>
        %parallel_loop3A_118 = arith.mulf %parallel_loop3A_117, %get3A_50 : vector<16xf32>
        %parallel_loop3A_119 = arith.fptosi %parallel_loop3A_118 : vector<16xf32> to vector<16xi32>
        %parallel_loop3A_120 = arith.sitofp %parallel_loop3A_119 : vector<16xi32> to vector<16xf32>
        %parallel_loop3A_121 = arith.subf %parallel_loop3A_118, %parallel_loop3A_120 : vector<16xf32>
        %parallel_loop3A_122 = arith.muli %parallel_loop3A_119, %broadcast_in_dim3A_15 : vector<16xi32>
        %parallel_loop3A_123 = arith.addi %parallel_loop3A_122, %broadcast_in_dim3A_15 : vector<16xi32>
        %parallel_loop3A_124 = arith.constant 6144 : i32
        %parallel_loop3A_125 = arith.addi %parallel_loop3A_124, %parallel_loop3A_91 : i32
        %parallel_loop3A_126 = arith.index_cast %parallel_loop3A_125 : i32 to index
        %parallel_loop3A_127 = tpu.vector_load %arg6[%parallel_loop3A_126] {strides = array<i32>} : memref<8192xf32, #tpu.memory_space<vmem>>, vector<16xf32>,
        %parallel_loop3A_128 = vector.shape_cast %parallel_loop3A_127 : vector<16xf32> to vector<16xf32>
        %parallel_loop3A_129 = arith.mulf %parallel_loop3A_128, %get3A_50 : vector<16xf32>
        %parallel_loop3A_130 = arith.fptosi %parallel_loop3A_129 : vector<16xf32> to vector<16xi32>
        %parallel_loop3A_131 = arith.sitofp %parallel_loop3A_130 : vector<16xi32> to vector<16xf32>
        %parallel_loop3A_132 = arith.subf %parallel_loop3A_129, %parallel_loop3A_131 : vector<16xf32>
        %parallel_loop3A_133 = arith.muli %parallel_loop3A_130, %broadcast_in_dim3A_17 : vector<16xi32>
        %parallel_loop3A_134 = arith.addi %parallel_loop3A_133, %broadcast_in_dim3A_17 : vector<16xi32>
        %parallel_loop3A_135 = arith.xori %parallel_loop3A_98, %parallel_loop3A_111 : vector<16xi32>
        %parallel_loop3A_136 = arith.xori %parallel_loop3A_101, %parallel_loop3A_111 : vector<16xi32>
        %parallel_loop3A_137 = arith.xori %parallel_loop3A_98, %parallel_loop3A_112 : vector<16xi32>
        %parallel_loop3A_138 = arith.xori %parallel_loop3A_101, %parallel_loop3A_112 : vector<16xi32>
        %parallel_loop3A_139 = arith.xori %parallel_loop3A_122, %parallel_loop3A_133 : vector<16xi32>
        %parallel_loop3A_140 = arith.xori %parallel_loop3A_123, %parallel_loop3A_133 : vector<16xi32>
        %parallel_loop3A_141 = arith.xori %parallel_loop3A_122, %parallel_loop3A_134 : vector<16xi32>
        %parallel_loop3A_142 = arith.xori %parallel_loop3A_123, %parallel_loop3A_134 : vector<16xi32>
        %parallel_loop3A_143 = arith.xori %parallel_loop3A_135, %parallel_loop3A_139 : vector<16xi32>
        %parallel_loop3A_144 = arith.constant 524287 : i32
        %parallel_loop3A_145 = vector.broadcast %parallel_loop3A_144 : i32 to vector<16xi32>
        %parallel_loop3A_146 = arith.andi %parallel_loop3A_143, %parallel_loop3A_145 : vector<16xi32>
        %parallel_loop3A_147 = arith.addi %parallel_loop3A_146, %broadcast_in_dim3A_53 : vector<16xi32>
        %parallel_loop3A_148 = arith.constant 16 : i32
        %parallel_loop3A_149 = arith.muli %parallel_loop3A_87, %parallel_loop3A_148 : i32
        %parallel_loop3A_150 = arith.constant 0 : i32
        %parallel_loop3A_151 = arith.addi %parallel_loop3A_150, %parallel_loop3A_149 : i32
        %parallel_loop3A_152 = arith.index_cast %parallel_loop3A_151 : i32 to index
        %parallel_loop3A_153 = tpu.vector_load %arg8[%parallel_loop3A_152] {strides = array<i32>} : memref<4096xi32, #tpu.memory_space<vmem>>, vector<16xi32>,
        %parallel_loop3A_154 = vector.shape_cast %parallel_loop3A_153 : vector<16xi32> to vector<16xi32>
        %parallel_loop3A_155 = vector.shape_cast %parallel_loop3A_147 : vector<16xi32> to vector<16xi32>
        tpu.vector_store %arg8[%parallel_loop3A_152], %parallel_loop3A_155 {strides = array<i32>} : memref<4096xi32, #tpu.memory_space<vmem>>, vector<16xi32>,
        %parallel_loop3A_156 = arith.xori %parallel_loop3A_136, %parallel_loop3A_139 : vector<16xi32>
        %parallel_loop3A_157 = arith.constant 524287 : i32
        %parallel_loop3A_158 = vector.broadcast %parallel_loop3A_157 : i32 to vector<16xi32>
        %parallel_loop3A_159 = arith.andi %parallel_loop3A_156, %parallel_loop3A_158 : vector<16xi32>
        %parallel_loop3A_160 = arith.addi %parallel_loop3A_159, %broadcast_in_dim3A_53 : vector<16xi32>
        %parallel_loop3A_161 = arith.constant 16 : i32
        %parallel_loop3A_162 = arith.muli %parallel_loop3A_87, %parallel_loop3A_161 : i32
        %parallel_loop3A_163 = arith.constant 256 : i32
        %parallel_loop3A_164 = arith.addi %parallel_loop3A_163, %parallel_loop3A_162 : i32
        %parallel_loop3A_165 = arith.index_cast %parallel_loop3A_164 : i32 to index
        %parallel_loop3A_166 = tpu.vector_load %arg8[%parallel_loop3A_165] {strides = array<i32>} : memref<4096xi32, #tpu.memory_space<vmem>>, vector<16xi32>,
        %parallel_loop3A_167 = vector.shape_cast %parallel_loop3A_166 : vector<16xi32> to vector<16xi32>
        %parallel_loop3A_168 = vector.shape_cast %parallel_loop3A_160 : vector<16xi32> to vector<16xi32>
        tpu.vector_store %arg8[%parallel_loop3A_165], %parallel_loop3A_168 {strides = array<i32>} : memref<4096xi32, #tpu.memory_space<vmem>>, vector<16xi32>,
        %parallel_loop3A_169 = arith.xori %parallel_loop3A_137, %parallel_loop3A_139 : vector<16xi32>
        %parallel_loop3A_170 = arith.constant 524287 : i32
        %parallel_loop3A_171 = vector.broadcast %parallel_loop3A_170 : i32 to vector<16xi32>
        %parallel_loop3A_172 = arith.andi %parallel_loop3A_169, %parallel_loop3A_171 : vector<16xi32>
        %parallel_loop3A_173 = arith.addi %parallel_loop3A_172, %broadcast_in_dim3A_53 : vector<16xi32>
        %parallel_loop3A_174 = arith.constant 16 : i32
        %parallel_loop3A_175 = arith.muli %parallel_loop3A_87, %parallel_loop3A_174 : i32
        %parallel_loop3A_176 = arith.constant 512 : i32
        %parallel_loop3A_177 = arith.addi %parallel_loop3A_176, %parallel_loop3A_175 : i32
        %parallel_loop3A_178 = arith.index_cast %parallel_loop3A_177 : i32 to index
        %parallel_loop3A_179 = tpu.vector_load %arg8[%parallel_loop3A_178] {strides = array<i32>} : memref<4096xi32, #tpu.memory_space<vmem>>, vector<16xi32>,
        %parallel_loop3A_180 = vector.shape_cast %parallel_loop3A_179 : vector<16xi32> to vector<16xi32>
        %parallel_loop3A_181 = vector.shape_cast %parallel_loop3A_173 : vector<16xi32> to vector<16xi32>
        tpu.vector_store %arg8[%parallel_loop3A_178], %parallel_loop3A_181 {strides = array<i32>} : memref<4096xi32, #tpu.memory_space<vmem>>, vector<16xi32>,
        %parallel_loop3A_182 = arith.xori %parallel_loop3A_138, %parallel_loop3A_139 : vector<16xi32>
        %parallel_loop3A_183 = arith.constant 524287 : i32
        %parallel_loop3A_184 = vector.broadcast %parallel_loop3A_183 : i32 to vector<16xi32>
        %parallel_loop3A_185 = arith.andi %parallel_loop3A_182, %parallel_loop3A_184 : vector<16xi32>
        %parallel_loop3A_186 = arith.addi %parallel_loop3A_185, %broadcast_in_dim3A_53 : vector<16xi32>
        %parallel_loop3A_187 = arith.constant 16 : i32
        %parallel_loop3A_188 = arith.muli %parallel_loop3A_87, %parallel_loop3A_187 : i32
        %parallel_loop3A_189 = arith.constant 768 : i32
        %parallel_loop3A_190 = arith.addi %parallel_loop3A_189, %parallel_loop3A_188 : i32
        %parallel_loop3A_191 = arith.index_cast %parallel_loop3A_190 : i32 to index
        %parallel_loop3A_192 = tpu.vector_load %arg8[%parallel_loop3A_191] {strides = array<i32>} : memref<4096xi32, #tpu.memory_space<vmem>>, vector<16xi32>,
        %parallel_loop3A_193 = vector.shape_cast %parallel_loop3A_192 : vector<16xi32> to vector<16xi32>
        %parallel_loop3A_194 = vector.shape_cast %parallel_loop3A_186 : vector<16xi32> to vector<16xi32>
        tpu.vector_store %arg8[%parallel_loop3A_191], %parallel_loop3A_194 {strides = array<i32>} : memref<4096xi32, #tpu.memory_space<vmem>>, vector<16xi32>,
        %parallel_loop3A_195 = arith.xori %parallel_loop3A_135, %parallel_loop3A_140 : vector<16xi32>
        %parallel_loop3A_196 = arith.constant 524287 : i32
        %parallel_loop3A_197 = vector.broadcast %parallel_loop3A_196 : i32 to vector<16xi32>
        %parallel_loop3A_198 = arith.andi %parallel_loop3A_195, %parallel_loop3A_197 : vector<16xi32>
        %parallel_loop3A_199 = arith.addi %parallel_loop3A_198, %broadcast_in_dim3A_53 : vector<16xi32>
        %parallel_loop3A_200 = arith.constant 16 : i32
        %parallel_loop3A_201 = arith.muli %parallel_loop3A_87, %parallel_loop3A_200 : i32
        %parallel_loop3A_202 = arith.constant 1024 : i32
        %parallel_loop3A_203 = arith.addi %parallel_loop3A_202, %parallel_loop3A_201 : i32
        %parallel_loop3A_204 = arith.index_cast %parallel_loop3A_203 : i32 to index
        %parallel_loop3A_205 = tpu.vector_load %arg8[%parallel_loop3A_204] {strides = array<i32>} : memref<4096xi32, #tpu.memory_space<vmem>>, vector<16xi32>,
        %parallel_loop3A_206 = vector.shape_cast %parallel_loop3A_205 : vector<16xi32> to vector<16xi32>
        %parallel_loop3A_207 = vector.shape_cast %parallel_loop3A_199 : vector<16xi32> to vector<16xi32>
        tpu.vector_store %arg8[%parallel_loop3A_204], %parallel_loop3A_207 {strides = array<i32>} : memref<4096xi32, #tpu.memory_space<vmem>>, vector<16xi32>,
        %parallel_loop3A_208 = arith.xori %parallel_loop3A_136, %parallel_loop3A_140 : vector<16xi32>
        %parallel_loop3A_209 = arith.constant 524287 : i32
        %parallel_loop3A_210 = vector.broadcast %parallel_loop3A_209 : i32 to vector<16xi32>
        %parallel_loop3A_211 = arith.andi %parallel_loop3A_208, %parallel_loop3A_210 : vector<16xi32>
        %parallel_loop3A_212 = arith.addi %parallel_loop3A_211, %broadcast_in_dim3A_53 : vector<16xi32>
        %parallel_loop3A_213 = arith.constant 16 : i32
        %parallel_loop3A_214 = arith.muli %parallel_loop3A_87, %parallel_loop3A_213 : i32
        %parallel_loop3A_215 = arith.constant 1280 : i32
        %parallel_loop3A_216 = arith.addi %parallel_loop3A_215, %parallel_loop3A_214 : i32
        %parallel_loop3A_217 = arith.index_cast %parallel_loop3A_216 : i32 to index
        %parallel_loop3A_218 = tpu.vector_load %arg8[%parallel_loop3A_217] {strides = array<i32>} : memref<4096xi32, #tpu.memory_space<vmem>>, vector<16xi32>,
        %parallel_loop3A_219 = vector.shape_cast %parallel_loop3A_218 : vector<16xi32> to vector<16xi32>
        %parallel_loop3A_220 = vector.shape_cast %parallel_loop3A_212 : vector<16xi32> to vector<16xi32>
        tpu.vector_store %arg8[%parallel_loop3A_217], %parallel_loop3A_220 {strides = array<i32>} : memref<4096xi32, #tpu.memory_space<vmem>>, vector<16xi32>,
        %parallel_loop3A_221 = arith.xori %parallel_loop3A_137, %parallel_loop3A_140 : vector<16xi32>
        %parallel_loop3A_222 = arith.constant 524287 : i32
        %parallel_loop3A_223 = vector.broadcast %parallel_loop3A_222 : i32 to vector<16xi32>
        %parallel_loop3A_224 = arith.andi %parallel_loop3A_221, %parallel_loop3A_223 : vector<16xi32>
        %parallel_loop3A_225 = arith.addi %parallel_loop3A_224, %broadcast_in_dim3A_53 : vector<16xi32>
        %parallel_loop3A_226 = arith.constant 16 : i32
        %parallel_loop3A_227 = arith.muli %parallel_loop3A_87, %parallel_loop3A_226 : i32
        %parallel_loop3A_228 = arith.constant 1536 : i32
        %parallel_loop3A_229 = arith.addi %parallel_loop3A_228, %parallel_loop3A_227 : i32
        %parallel_loop3A_230 = arith.index_cast %parallel_loop3A_229 : i32 to index
        %parallel_loop3A_231 = tpu.vector_load %arg8[%parallel_loop3A_230] {strides = array<i32>} : memref<4096xi32, #tpu.memory_space<vmem>>, vector<16xi32>,
        %parallel_loop3A_232 = vector.shape_cast %parallel_loop3A_231 : vector<16xi32> to vector<16xi32>
        %parallel_loop3A_233 = vector.shape_cast %parallel_loop3A_225 : vector<16xi32> to vector<16xi32>
        tpu.vector_store %arg8[%parallel_loop3A_230], %parallel_loop3A_233 {strides = array<i32>} : memref<4096xi32, #tpu.memory_space<vmem>>, vector<16xi32>,
        %parallel_loop3A_234 = arith.xori %parallel_loop3A_138, %parallel_loop3A_140 : vector<16xi32>
        %parallel_loop3A_235 = arith.constant 524287 : i32
        %parallel_loop3A_236 = vector.broadcast %parallel_loop3A_235 : i32 to vector<16xi32>
        %parallel_loop3A_237 = arith.andi %parallel_loop3A_234, %parallel_loop3A_236 : vector<16xi32>
        %parallel_loop3A_238 = arith.addi %parallel_loop3A_237, %broadcast_in_dim3A_53 : vector<16xi32>
        %parallel_loop3A_239 = arith.constant 16 : i32
        %parallel_loop3A_240 = arith.muli %parallel_loop3A_87, %parallel_loop3A_239 : i32
        %parallel_loop3A_241 = arith.constant 1792 : i32
        %parallel_loop3A_242 = arith.addi %parallel_loop3A_241, %parallel_loop3A_240 : i32
        %parallel_loop3A_243 = arith.index_cast %parallel_loop3A_242 : i32 to index
        %parallel_loop3A_244 = tpu.vector_load %arg8[%parallel_loop3A_243] {strides = array<i32>} : memref<4096xi32, #tpu.memory_space<vmem>>, vector<16xi32>,
        %parallel_loop3A_245 = vector.shape_cast %parallel_loop3A_244 : vector<16xi32> to vector<16xi32>
        %parallel_loop3A_246 = vector.shape_cast %parallel_loop3A_238 : vector<16xi32> to vector<16xi32>
        tpu.vector_store %arg8[%parallel_loop3A_243], %parallel_loop3A_246 {strides = array<i32>} : memref<4096xi32, #tpu.memory_space<vmem>>, vector<16xi32>,
        %parallel_loop3A_247 = arith.xori %parallel_loop3A_135, %parallel_loop3A_141 : vector<16xi32>
        %parallel_loop3A_248 = arith.constant 524287 : i32
        %parallel_loop3A_249 = vector.broadcast %parallel_loop3A_248 : i32 to vector<16xi32>
        %parallel_loop3A_250 = arith.andi %parallel_loop3A_247, %parallel_loop3A_249 : vector<16xi32>
        %parallel_loop3A_251 = arith.addi %parallel_loop3A_250, %broadcast_in_dim3A_53 : vector<16xi32>
        %parallel_loop3A_252 = arith.constant 16 : i32
        %parallel_loop3A_253 = arith.muli %parallel_loop3A_87, %parallel_loop3A_252 : i32
        %parallel_loop3A_254 = arith.constant 2048 : i32
        %parallel_loop3A_255 = arith.addi %parallel_loop3A_254, %parallel_loop3A_253 : i32
        %parallel_loop3A_256 = arith.index_cast %parallel_loop3A_255 : i32 to index
        %parallel_loop3A_257 = tpu.vector_load %arg8[%parallel_loop3A_256] {strides = array<i32>} : memref<4096xi32, #tpu.memory_space<vmem>>, vector<16xi32>,
        %parallel_loop3A_258 = vector.shape_cast %parallel_loop3A_257 : vector<16xi32> to vector<16xi32>
        %parallel_loop3A_259 = vector.shape_cast %parallel_loop3A_251 : vector<16xi32> to vector<16xi32>
        tpu.vector_store %arg8[%parallel_loop3A_256], %parallel_loop3A_259 {strides = array<i32>} : memref<4096xi32, #tpu.memory_space<vmem>>, vector<16xi32>,
        %parallel_loop3A_260 = arith.xori %parallel_loop3A_136, %parallel_loop3A_141 : vector<16xi32>
        %parallel_loop3A_261 = arith.constant 524287 : i32
        %parallel_loop3A_262 = vector.broadcast %parallel_loop3A_261 : i32 to vector<16xi32>
        %parallel_loop3A_263 = arith.andi %parallel_loop3A_260, %parallel_loop3A_262 : vector<16xi32>
        %parallel_loop3A_264 = arith.addi %parallel_loop3A_263, %broadcast_in_dim3A_53 : vector<16xi32>
        %parallel_loop3A_265 = arith.constant 16 : i32
        %parallel_loop3A_266 = arith.muli %parallel_loop3A_87, %parallel_loop3A_265 : i32
        %parallel_loop3A_267 = arith.constant 2304 : i32
        %parallel_loop3A_268 = arith.addi %parallel_loop3A_267, %parallel_loop3A_266 : i32
        %parallel_loop3A_269 = arith.index_cast %parallel_loop3A_268 : i32 to index
        %parallel_loop3A_270 = tpu.vector_load %arg8[%parallel_loop3A_269] {strides = array<i32>} : memref<4096xi32, #tpu.memory_space<vmem>>, vector<16xi32>,
        %parallel_loop3A_271 = vector.shape_cast %parallel_loop3A_270 : vector<16xi32> to vector<16xi32>
        %parallel_loop3A_272 = vector.shape_cast %parallel_loop3A_264 : vector<16xi32> to vector<16xi32>
        tpu.vector_store %arg8[%parallel_loop3A_269], %parallel_loop3A_272 {strides = array<i32>} : memref<4096xi32, #tpu.memory_space<vmem>>, vector<16xi32>,
        %parallel_loop3A_273 = arith.xori %parallel_loop3A_137, %parallel_loop3A_141 : vector<16xi32>
        %parallel_loop3A_274 = arith.constant 524287 : i32
        %parallel_loop3A_275 = vector.broadcast %parallel_loop3A_274 : i32 to vector<16xi32>
        %parallel_loop3A_276 = arith.andi %parallel_loop3A_273, %parallel_loop3A_275 : vector<16xi32>
        %parallel_loop3A_277 = arith.addi %parallel_loop3A_276, %broadcast_in_dim3A_53 : vector<16xi32>
        %parallel_loop3A_278 = arith.constant 16 : i32
        %parallel_loop3A_279 = arith.muli %parallel_loop3A_87, %parallel_loop3A_278 : i32
        %parallel_loop3A_280 = arith.constant 2560 : i32
        %parallel_loop3A_281 = arith.addi %parallel_loop3A_280, %parallel_loop3A_279 : i32
        %parallel_loop3A_282 = arith.index_cast %parallel_loop3A_281 : i32 to index
        %parallel_loop3A_283 = tpu.vector_load %arg8[%parallel_loop3A_282] {strides = array<i32>} : memref<4096xi32, #tpu.memory_space<vmem>>, vector<16xi32>,
        %parallel_loop3A_284 = vector.shape_cast %parallel_loop3A_283 : vector<16xi32> to vector<16xi32>
        %parallel_loop3A_285 = vector.shape_cast %parallel_loop3A_277 : vector<16xi32> to vector<16xi32>
        tpu.vector_store %arg8[%parallel_loop3A_282], %parallel_loop3A_285 {strides = array<i32>} : memref<4096xi32, #tpu.memory_space<vmem>>, vector<16xi32>,
        %parallel_loop3A_286 = arith.xori %parallel_loop3A_138, %parallel_loop3A_141 : vector<16xi32>
        %parallel_loop3A_287 = arith.constant 524287 : i32
        %parallel_loop3A_288 = vector.broadcast %parallel_loop3A_287 : i32 to vector<16xi32>
        %parallel_loop3A_289 = arith.andi %parallel_loop3A_286, %parallel_loop3A_288 : vector<16xi32>
        %parallel_loop3A_290 = arith.addi %parallel_loop3A_289, %broadcast_in_dim3A_53 : vector<16xi32>
        %parallel_loop3A_291 = arith.constant 16 : i32
        %parallel_loop3A_292 = arith.muli %parallel_loop3A_87, %parallel_loop3A_291 : i32
        %parallel_loop3A_293 = arith.constant 2816 : i32
        %parallel_loop3A_294 = arith.addi %parallel_loop3A_293, %parallel_loop3A_292 : i32
        %parallel_loop3A_295 = arith.index_cast %parallel_loop3A_294 : i32 to index
        %parallel_loop3A_296 = tpu.vector_load %arg8[%parallel_loop3A_295] {strides = array<i32>} : memref<4096xi32, #tpu.memory_space<vmem>>, vector<16xi32>,
        %parallel_loop3A_297 = vector.shape_cast %parallel_loop3A_296 : vector<16xi32> to vector<16xi32>
        %parallel_loop3A_298 = vector.shape_cast %parallel_loop3A_290 : vector<16xi32> to vector<16xi32>
        tpu.vector_store %arg8[%parallel_loop3A_295], %parallel_loop3A_298 {strides = array<i32>} : memref<4096xi32, #tpu.memory_space<vmem>>, vector<16xi32>,
        %parallel_loop3A_299 = arith.xori %parallel_loop3A_135, %parallel_loop3A_142 : vector<16xi32>
        %parallel_loop3A_300 = arith.constant 524287 : i32
        %parallel_loop3A_301 = vector.broadcast %parallel_loop3A_300 : i32 to vector<16xi32>
        %parallel_loop3A_302 = arith.andi %parallel_loop3A_299, %parallel_loop3A_301 : vector<16xi32>
        %parallel_loop3A_303 = arith.addi %parallel_loop3A_302, %broadcast_in_dim3A_53 : vector<16xi32>
        %parallel_loop3A_304 = arith.constant 16 : i32
        %parallel_loop3A_305 = arith.muli %parallel_loop3A_87, %parallel_loop3A_304 : i32
        %parallel_loop3A_306 = arith.constant 3072 : i32
        %parallel_loop3A_307 = arith.addi %parallel_loop3A_306, %parallel_loop3A_305 : i32
        %parallel_loop3A_308 = arith.index_cast %parallel_loop3A_307 : i32 to index
        %parallel_loop3A_309 = tpu.vector_load %arg8[%parallel_loop3A_308] {strides = array<i32>} : memref<4096xi32, #tpu.memory_space<vmem>>, vector<16xi32>,
        %parallel_loop3A_310 = vector.shape_cast %parallel_loop3A_309 : vector<16xi32> to vector<16xi32>
        %parallel_loop3A_311 = vector.shape_cast %parallel_loop3A_303 : vector<16xi32> to vector<16xi32>
        tpu.vector_store %arg8[%parallel_loop3A_308], %parallel_loop3A_311 {strides = array<i32>} : memref<4096xi32, #tpu.memory_space<vmem>>, vector<16xi32>,
        %parallel_loop3A_312 = arith.xori %parallel_loop3A_136, %parallel_loop3A_142 : vector<16xi32>
        %parallel_loop3A_313 = arith.constant 524287 : i32
        %parallel_loop3A_314 = vector.broadcast %parallel_loop3A_313 : i32 to vector<16xi32>
        %parallel_loop3A_315 = arith.andi %parallel_loop3A_312, %parallel_loop3A_314 : vector<16xi32>
        %parallel_loop3A_316 = arith.addi %parallel_loop3A_315, %broadcast_in_dim3A_53 : vector<16xi32>
        %parallel_loop3A_317 = arith.constant 16 : i32
        %parallel_loop3A_318 = arith.muli %parallel_loop3A_87, %parallel_loop3A_317 : i32
        %parallel_loop3A_319 = arith.constant 3328 : i32
        %parallel_loop3A_320 = arith.addi %parallel_loop3A_319, %parallel_loop3A_318 : i32
        %parallel_loop3A_321 = arith.index_cast %parallel_loop3A_320 : i32 to index
        %parallel_loop3A_322 = tpu.vector_load %arg8[%parallel_loop3A_321] {strides = array<i32>} : memref<4096xi32, #tpu.memory_space<vmem>>, vector<16xi32>,
        %parallel_loop3A_323 = vector.shape_cast %parallel_loop3A_322 : vector<16xi32> to vector<16xi32>
        %parallel_loop3A_324 = vector.shape_cast %parallel_loop3A_316 : vector<16xi32> to vector<16xi32>
        tpu.vector_store %arg8[%parallel_loop3A_321], %parallel_loop3A_324 {strides = array<i32>} : memref<4096xi32, #tpu.memory_space<vmem>>, vector<16xi32>,
        %parallel_loop3A_325 = arith.xori %parallel_loop3A_137, %parallel_loop3A_142 : vector<16xi32>
        %parallel_loop3A_326 = arith.constant 524287 : i32
        %parallel_loop3A_327 = vector.broadcast %parallel_loop3A_326 : i32 to vector<16xi32>
        %parallel_loop3A_328 = arith.andi %parallel_loop3A_325, %parallel_loop3A_327 : vector<16xi32>
        %parallel_loop3A_329 = arith.addi %parallel_loop3A_328, %broadcast_in_dim3A_53 : vector<16xi32>
        %parallel_loop3A_330 = arith.constant 16 : i32
        %parallel_loop3A_331 = arith.muli %parallel_loop3A_87, %parallel_loop3A_330 : i32
        %parallel_loop3A_332 = arith.constant 3584 : i32
        %parallel_loop3A_333 = arith.addi %parallel_loop3A_332, %parallel_loop3A_331 : i32
        %parallel_loop3A_334 = arith.index_cast %parallel_loop3A_333 : i32 to index
        %parallel_loop3A_335 = tpu.vector_load %arg8[%parallel_loop3A_334] {strides = array<i32>} : memref<4096xi32, #tpu.memory_space<vmem>>, vector<16xi32>,
        %parallel_loop3A_336 = vector.shape_cast %parallel_loop3A_335 : vector<16xi32> to vector<16xi32>
        %parallel_loop3A_337 = vector.shape_cast %parallel_loop3A_329 : vector<16xi32> to vector<16xi32>
        tpu.vector_store %arg8[%parallel_loop3A_334], %parallel_loop3A_337 {strides = array<i32>} : memref<4096xi32, #tpu.memory_space<vmem>>, vector<16xi32>,
        %parallel_loop3A_338 = arith.xori %parallel_loop3A_138, %parallel_loop3A_142 : vector<16xi32>
        %parallel_loop3A_339 = arith.constant 524287 : i32
        %parallel_loop3A_340 = vector.broadcast %parallel_loop3A_339 : i32 to vector<16xi32>
        %parallel_loop3A_341 = arith.andi %parallel_loop3A_338, %parallel_loop3A_340 : vector<16xi32>
        %parallel_loop3A_342 = arith.addi %parallel_loop3A_341, %broadcast_in_dim3A_53 : vector<16xi32>
        %parallel_loop3A_343 = arith.constant 16 : i32
        %parallel_loop3A_344 = arith.muli %parallel_loop3A_87, %parallel_loop3A_343 : i32
        %parallel_loop3A_345 = arith.constant 3840 : i32
        %parallel_loop3A_346 = arith.addi %parallel_loop3A_345, %parallel_loop3A_344 : i32
        %parallel_loop3A_347 = arith.index_cast %parallel_loop3A_346 : i32 to index
        %parallel_loop3A_348 = tpu.vector_load %arg8[%parallel_loop3A_347] {strides = array<i32>} : memref<4096xi32, #tpu.memory_space<vmem>>, vector<16xi32>,
        %parallel_loop3A_349 = vector.shape_cast %parallel_loop3A_348 : vector<16xi32> to vector<16xi32>
        %parallel_loop3A_350 = vector.shape_cast %parallel_loop3A_342 : vector<16xi32> to vector<16xi32>
        tpu.vector_store %arg8[%parallel_loop3A_347], %parallel_loop3A_350 {strides = array<i32>} : memref<4096xi32, #tpu.memory_space<vmem>>, vector<16xi32>,
        %parallel_loop3A_351 = arith.constant 1.000000e+00 : f32
        %parallel_loop3A_352 = vector.broadcast %parallel_loop3A_351 : f32 to vector<16xf32>
        %parallel_loop3A_353 = arith.subf %parallel_loop3A_352, %parallel_loop3A_100 : vector<16xf32>
        %parallel_loop3A_354 = arith.constant 1.000000e+00 : f32
        %parallel_loop3A_355 = vector.broadcast %parallel_loop3A_354 : f32 to vector<16xf32>
        %parallel_loop3A_356 = arith.subf %parallel_loop3A_355, %parallel_loop3A_110 : vector<16xf32>
        %parallel_loop3A_357 = arith.constant 1.000000e+00 : f32
        %parallel_loop3A_358 = vector.broadcast %parallel_loop3A_357 : f32 to vector<16xf32>
        %parallel_loop3A_359 = arith.subf %parallel_loop3A_358, %parallel_loop3A_121 : vector<16xf32>
        %parallel_loop3A_360 = arith.constant 1.000000e+00 : f32
        %parallel_loop3A_361 = vector.broadcast %parallel_loop3A_360 : f32 to vector<16xf32>
        %parallel_loop3A_362 = arith.subf %parallel_loop3A_361, %parallel_loop3A_132 : vector<16xf32>
        %parallel_loop3A_363 = arith.mulf %parallel_loop3A_353, %parallel_loop3A_356 : vector<16xf32>
        %parallel_loop3A_364 = arith.mulf %parallel_loop3A_100, %parallel_loop3A_356 : vector<16xf32>
        %parallel_loop3A_365 = arith.mulf %parallel_loop3A_353, %parallel_loop3A_110 : vector<16xf32>
        %parallel_loop3A_366 = arith.mulf %parallel_loop3A_100, %parallel_loop3A_110 : vector<16xf32>
        %parallel_loop3A_367 = arith.mulf %parallel_loop3A_359, %parallel_loop3A_362 : vector<16xf32>
        %parallel_loop3A_368 = arith.mulf %parallel_loop3A_121, %parallel_loop3A_362 : vector<16xf32>
        %parallel_loop3A_369 = arith.mulf %parallel_loop3A_359, %parallel_loop3A_132 : vector<16xf32>
        %parallel_loop3A_370 = arith.mulf %parallel_loop3A_121, %parallel_loop3A_132 : vector<16xf32>
        %parallel_loop3A_371 = arith.mulf %parallel_loop3A_363, %parallel_loop3A_367 : vector<16xf32>
        %parallel_loop3A_372 = arith.constant 16 : i32
        %parallel_loop3A_373 = arith.muli %parallel_loop3A_87, %parallel_loop3A_372 : i32
        %parallel_loop3A_374 = arith.constant 0 : i32
        %parallel_loop3A_375 = arith.addi %parallel_loop3A_374, %parallel_loop3A_373 : i32
        %parallel_loop3A_376 = arith.index_cast %parallel_loop3A_375 : i32 to index
        %parallel_loop3A_377 = tpu.vector_load %arg10[%parallel_loop3A_376] {strides = array<i32>} : memref<4096xf32, #tpu.memory_space<vmem>>, vector<16xf32>,
        %parallel_loop3A_378 = vector.shape_cast %parallel_loop3A_377 : vector<16xf32> to vector<16xf32>
        %parallel_loop3A_379 = vector.shape_cast %parallel_loop3A_371 : vector<16xf32> to vector<16xf32>
        tpu.vector_store %arg10[%parallel_loop3A_376], %parallel_loop3A_379 {strides = array<i32>} : memref<4096xf32, #tpu.memory_space<vmem>>, vector<16xf32>,
        %parallel_loop3A_380 = arith.mulf %parallel_loop3A_364, %parallel_loop3A_367 : vector<16xf32>
        %parallel_loop3A_381 = arith.constant 16 : i32
        %parallel_loop3A_382 = arith.muli %parallel_loop3A_87, %parallel_loop3A_381 : i32
        %parallel_loop3A_383 = arith.constant 256 : i32
        %parallel_loop3A_384 = arith.addi %parallel_loop3A_383, %parallel_loop3A_382 : i32
        %parallel_loop3A_385 = arith.index_cast %parallel_loop3A_384 : i32 to index
        %parallel_loop3A_386 = tpu.vector_load %arg10[%parallel_loop3A_385] {strides = array<i32>} : memref<4096xf32, #tpu.memory_space<vmem>>, vector<16xf32>,
        %parallel_loop3A_387 = vector.shape_cast %parallel_loop3A_386 : vector<16xf32> to vector<16xf32>
        %parallel_loop3A_388 = vector.shape_cast %parallel_loop3A_380 : vector<16xf32> to vector<16xf32>
        tpu.vector_store %arg10[%parallel_loop3A_385], %parallel_loop3A_388 {strides = array<i32>} : memref<4096xf32, #tpu.memory_space<vmem>>, vector<16xf32>,
        %parallel_loop3A_389 = arith.mulf %parallel_loop3A_365, %parallel_loop3A_367 : vector<16xf32>
        %parallel_loop3A_390 = arith.constant 16 : i32
        %parallel_loop3A_391 = arith.muli %parallel_loop3A_87, %parallel_loop3A_390 : i32
        %parallel_loop3A_392 = arith.constant 512 : i32
        %parallel_loop3A_393 = arith.addi %parallel_loop3A_392, %parallel_loop3A_391 : i32
        %parallel_loop3A_394 = arith.index_cast %parallel_loop3A_393 : i32 to index
        %parallel_loop3A_395 = tpu.vector_load %arg10[%parallel_loop3A_394] {strides = array<i32>} : memref<4096xf32, #tpu.memory_space<vmem>>, vector<16xf32>,
        %parallel_loop3A_396 = vector.shape_cast %parallel_loop3A_395 : vector<16xf32> to vector<16xf32>
        %parallel_loop3A_397 = vector.shape_cast %parallel_loop3A_389 : vector<16xf32> to vector<16xf32>
        tpu.vector_store %arg10[%parallel_loop3A_394], %parallel_loop3A_397 {strides = array<i32>} : memref<4096xf32, #tpu.memory_space<vmem>>, vector<16xf32>,
        %parallel_loop3A_398 = arith.mulf %parallel_loop3A_366, %parallel_loop3A_367 : vector<16xf32>
        %parallel_loop3A_399 = arith.constant 16 : i32
        %parallel_loop3A_400 = arith.muli %parallel_loop3A_87, %parallel_loop3A_399 : i32
        %parallel_loop3A_401 = arith.constant 768 : i32
        %parallel_loop3A_402 = arith.addi %parallel_loop3A_401, %parallel_loop3A_400 : i32
        %parallel_loop3A_403 = arith.index_cast %parallel_loop3A_402 : i32 to index
        %parallel_loop3A_404 = tpu.vector_load %arg10[%parallel_loop3A_403] {strides = array<i32>} : memref<4096xf32, #tpu.memory_space<vmem>>, vector<16xf32>,
        %parallel_loop3A_405 = vector.shape_cast %parallel_loop3A_404 : vector<16xf32> to vector<16xf32>
        %parallel_loop3A_406 = vector.shape_cast %parallel_loop3A_398 : vector<16xf32> to vector<16xf32>
        tpu.vector_store %arg10[%parallel_loop3A_403], %parallel_loop3A_406 {strides = array<i32>} : memref<4096xf32, #tpu.memory_space<vmem>>, vector<16xf32>,
        %parallel_loop3A_407 = arith.mulf %parallel_loop3A_363, %parallel_loop3A_368 : vector<16xf32>
        %parallel_loop3A_408 = arith.constant 16 : i32
        %parallel_loop3A_409 = arith.muli %parallel_loop3A_87, %parallel_loop3A_408 : i32
        %parallel_loop3A_410 = arith.constant 1024 : i32
        %parallel_loop3A_411 = arith.addi %parallel_loop3A_410, %parallel_loop3A_409 : i32
        %parallel_loop3A_412 = arith.index_cast %parallel_loop3A_411 : i32 to index
        %parallel_loop3A_413 = tpu.vector_load %arg10[%parallel_loop3A_412] {strides = array<i32>} : memref<4096xf32, #tpu.memory_space<vmem>>, vector<16xf32>,
        %parallel_loop3A_414 = vector.shape_cast %parallel_loop3A_413 : vector<16xf32> to vector<16xf32>
        %parallel_loop3A_415 = vector.shape_cast %parallel_loop3A_407 : vector<16xf32> to vector<16xf32>
        tpu.vector_store %arg10[%parallel_loop3A_412], %parallel_loop3A_415 {strides = array<i32>} : memref<4096xf32, #tpu.memory_space<vmem>>, vector<16xf32>,
        %parallel_loop3A_416 = arith.mulf %parallel_loop3A_364, %parallel_loop3A_368 : vector<16xf32>
        %parallel_loop3A_417 = arith.constant 16 : i32
        %parallel_loop3A_418 = arith.muli %parallel_loop3A_87, %parallel_loop3A_417 : i32
        %parallel_loop3A_419 = arith.constant 1280 : i32
        %parallel_loop3A_420 = arith.addi %parallel_loop3A_419, %parallel_loop3A_418 : i32
        %parallel_loop3A_421 = arith.index_cast %parallel_loop3A_420 : i32 to index
        %parallel_loop3A_422 = tpu.vector_load %arg10[%parallel_loop3A_421] {strides = array<i32>} : memref<4096xf32, #tpu.memory_space<vmem>>, vector<16xf32>,
        %parallel_loop3A_423 = vector.shape_cast %parallel_loop3A_422 : vector<16xf32> to vector<16xf32>
        %parallel_loop3A_424 = vector.shape_cast %parallel_loop3A_416 : vector<16xf32> to vector<16xf32>
        tpu.vector_store %arg10[%parallel_loop3A_421], %parallel_loop3A_424 {strides = array<i32>} : memref<4096xf32, #tpu.memory_space<vmem>>, vector<16xf32>,
        %parallel_loop3A_425 = arith.mulf %parallel_loop3A_365, %parallel_loop3A_368 : vector<16xf32>
        %parallel_loop3A_426 = arith.constant 16 : i32
        %parallel_loop3A_427 = arith.muli %parallel_loop3A_87, %parallel_loop3A_426 : i32
        %parallel_loop3A_428 = arith.constant 1536 : i32
        %parallel_loop3A_429 = arith.addi %parallel_loop3A_428, %parallel_loop3A_427 : i32
        %parallel_loop3A_430 = arith.index_cast %parallel_loop3A_429 : i32 to index
        %parallel_loop3A_431 = tpu.vector_load %arg10[%parallel_loop3A_430] {strides = array<i32>} : memref<4096xf32, #tpu.memory_space<vmem>>, vector<16xf32>,
        %parallel_loop3A_432 = vector.shape_cast %parallel_loop3A_431 : vector<16xf32> to vector<16xf32>
        %parallel_loop3A_433 = vector.shape_cast %parallel_loop3A_425 : vector<16xf32> to vector<16xf32>
        tpu.vector_store %arg10[%parallel_loop3A_430], %parallel_loop3A_433 {strides = array<i32>} : memref<4096xf32, #tpu.memory_space<vmem>>, vector<16xf32>,
        %parallel_loop3A_434 = arith.mulf %parallel_loop3A_366, %parallel_loop3A_368 : vector<16xf32>
        %parallel_loop3A_435 = arith.constant 16 : i32
        %parallel_loop3A_436 = arith.muli %parallel_loop3A_87, %parallel_loop3A_435 : i32
        %parallel_loop3A_437 = arith.constant 1792 : i32
        %parallel_loop3A_438 = arith.addi %parallel_loop3A_437, %parallel_loop3A_436 : i32
        %parallel_loop3A_439 = arith.index_cast %parallel_loop3A_438 : i32 to index
        %parallel_loop3A_440 = tpu.vector_load %arg10[%parallel_loop3A_439] {strides = array<i32>} : memref<4096xf32, #tpu.memory_space<vmem>>, vector<16xf32>,
        %parallel_loop3A_441 = vector.shape_cast %parallel_loop3A_440 : vector<16xf32> to vector<16xf32>
        %parallel_loop3A_442 = vector.shape_cast %parallel_loop3A_434 : vector<16xf32> to vector<16xf32>
        tpu.vector_store %arg10[%parallel_loop3A_439], %parallel_loop3A_442 {strides = array<i32>} : memref<4096xf32, #tpu.memory_space<vmem>>, vector<16xf32>,
        %parallel_loop3A_443 = arith.mulf %parallel_loop3A_363, %parallel_loop3A_369 : vector<16xf32>
        %parallel_loop3A_444 = arith.constant 16 : i32
        %parallel_loop3A_445 = arith.muli %parallel_loop3A_87, %parallel_loop3A_444 : i32
        %parallel_loop3A_446 = arith.constant 2048 : i32
        %parallel_loop3A_447 = arith.addi %parallel_loop3A_446, %parallel_loop3A_445 : i32
        %parallel_loop3A_448 = arith.index_cast %parallel_loop3A_447 : i32 to index
        %parallel_loop3A_449 = tpu.vector_load %arg10[%parallel_loop3A_448] {strides = array<i32>} : memref<4096xf32, #tpu.memory_space<vmem>>, vector<16xf32>,
        %parallel_loop3A_450 = vector.shape_cast %parallel_loop3A_449 : vector<16xf32> to vector<16xf32>
        %parallel_loop3A_451 = vector.shape_cast %parallel_loop3A_443 : vector<16xf32> to vector<16xf32>
        tpu.vector_store %arg10[%parallel_loop3A_448], %parallel_loop3A_451 {strides = array<i32>} : memref<4096xf32, #tpu.memory_space<vmem>>, vector<16xf32>,
        %parallel_loop3A_452 = arith.mulf %parallel_loop3A_364, %parallel_loop3A_369 : vector<16xf32>
        %parallel_loop3A_453 = arith.constant 16 : i32
        %parallel_loop3A_454 = arith.muli %parallel_loop3A_87, %parallel_loop3A_453 : i32
        %parallel_loop3A_455 = arith.constant 2304 : i32
        %parallel_loop3A_456 = arith.addi %parallel_loop3A_455, %parallel_loop3A_454 : i32
        %parallel_loop3A_457 = arith.index_cast %parallel_loop3A_456 : i32 to index
        %parallel_loop3A_458 = tpu.vector_load %arg10[%parallel_loop3A_457] {strides = array<i32>} : memref<4096xf32, #tpu.memory_space<vmem>>, vector<16xf32>,
        %parallel_loop3A_459 = vector.shape_cast %parallel_loop3A_458 : vector<16xf32> to vector<16xf32>
        %parallel_loop3A_460 = vector.shape_cast %parallel_loop3A_452 : vector<16xf32> to vector<16xf32>
        tpu.vector_store %arg10[%parallel_loop3A_457], %parallel_loop3A_460 {strides = array<i32>} : memref<4096xf32, #tpu.memory_space<vmem>>, vector<16xf32>,
        %parallel_loop3A_461 = arith.mulf %parallel_loop3A_365, %parallel_loop3A_369 : vector<16xf32>
        %parallel_loop3A_462 = arith.constant 16 : i32
        %parallel_loop3A_463 = arith.muli %parallel_loop3A_87, %parallel_loop3A_462 : i32
        %parallel_loop3A_464 = arith.constant 2560 : i32
        %parallel_loop3A_465 = arith.addi %parallel_loop3A_464, %parallel_loop3A_463 : i32
        %parallel_loop3A_466 = arith.index_cast %parallel_loop3A_465 : i32 to index
        %parallel_loop3A_467 = tpu.vector_load %arg10[%parallel_loop3A_466] {strides = array<i32>} : memref<4096xf32, #tpu.memory_space<vmem>>, vector<16xf32>,
        %parallel_loop3A_468 = vector.shape_cast %parallel_loop3A_467 : vector<16xf32> to vector<16xf32>
        %parallel_loop3A_469 = vector.shape_cast %parallel_loop3A_461 : vector<16xf32> to vector<16xf32>
        tpu.vector_store %arg10[%parallel_loop3A_466], %parallel_loop3A_469 {strides = array<i32>} : memref<4096xf32, #tpu.memory_space<vmem>>, vector<16xf32>,
        %parallel_loop3A_470 = arith.mulf %parallel_loop3A_366, %parallel_loop3A_369 : vector<16xf32>
        %parallel_loop3A_471 = arith.constant 16 : i32
        %parallel_loop3A_472 = arith.muli %parallel_loop3A_87, %parallel_loop3A_471 : i32
        %parallel_loop3A_473 = arith.constant 2816 : i32
        %parallel_loop3A_474 = arith.addi %parallel_loop3A_473, %parallel_loop3A_472 : i32
        %parallel_loop3A_475 = arith.index_cast %parallel_loop3A_474 : i32 to index
        %parallel_loop3A_476 = tpu.vector_load %arg10[%parallel_loop3A_475] {strides = array<i32>} : memref<4096xf32, #tpu.memory_space<vmem>>, vector<16xf32>,
        %parallel_loop3A_477 = vector.shape_cast %parallel_loop3A_476 : vector<16xf32> to vector<16xf32>
        %parallel_loop3A_478 = vector.shape_cast %parallel_loop3A_470 : vector<16xf32> to vector<16xf32>
        tpu.vector_store %arg10[%parallel_loop3A_475], %parallel_loop3A_478 {strides = array<i32>} : memref<4096xf32, #tpu.memory_space<vmem>>, vector<16xf32>,
        %parallel_loop3A_479 = arith.mulf %parallel_loop3A_363, %parallel_loop3A_370 : vector<16xf32>
        %parallel_loop3A_480 = arith.constant 16 : i32
        %parallel_loop3A_481 = arith.muli %parallel_loop3A_87, %parallel_loop3A_480 : i32
        %parallel_loop3A_482 = arith.constant 3072 : i32
        %parallel_loop3A_483 = arith.addi %parallel_loop3A_482, %parallel_loop3A_481 : i32
        %parallel_loop3A_484 = arith.index_cast %parallel_loop3A_483 : i32 to index
        %parallel_loop3A_485 = tpu.vector_load %arg10[%parallel_loop3A_484] {strides = array<i32>} : memref<4096xf32, #tpu.memory_space<vmem>>, vector<16xf32>,
        %parallel_loop3A_486 = vector.shape_cast %parallel_loop3A_485 : vector<16xf32> to vector<16xf32>
        %parallel_loop3A_487 = vector.shape_cast %parallel_loop3A_479 : vector<16xf32> to vector<16xf32>
        tpu.vector_store %arg10[%parallel_loop3A_484], %parallel_loop3A_487 {strides = array<i32>} : memref<4096xf32, #tpu.memory_space<vmem>>, vector<16xf32>,
        %parallel_loop3A_488 = arith.mulf %parallel_loop3A_364, %parallel_loop3A_370 : vector<16xf32>
        %parallel_loop3A_489 = arith.constant 16 : i32
        %parallel_loop3A_490 = arith.muli %parallel_loop3A_87, %parallel_loop3A_489 : i32
        %parallel_loop3A_491 = arith.constant 3328 : i32
        %parallel_loop3A_492 = arith.addi %parallel_loop3A_491, %parallel_loop3A_490 : i32
        %parallel_loop3A_493 = arith.index_cast %parallel_loop3A_492 : i32 to index
        %parallel_loop3A_494 = tpu.vector_load %arg10[%parallel_loop3A_493] {strides = array<i32>} : memref<4096xf32, #tpu.memory_space<vmem>>, vector<16xf32>,
        %parallel_loop3A_495 = vector.shape_cast %parallel_loop3A_494 : vector<16xf32> to vector<16xf32>
        %parallel_loop3A_496 = vector.shape_cast %parallel_loop3A_488 : vector<16xf32> to vector<16xf32>
        tpu.vector_store %arg10[%parallel_loop3A_493], %parallel_loop3A_496 {strides = array<i32>} : memref<4096xf32, #tpu.memory_space<vmem>>, vector<16xf32>,
        %parallel_loop3A_497 = arith.mulf %parallel_loop3A_365, %parallel_loop3A_370 : vector<16xf32>
        %parallel_loop3A_498 = arith.constant 16 : i32
        %parallel_loop3A_499 = arith.muli %parallel_loop3A_87, %parallel_loop3A_498 : i32
        %parallel_loop3A_500 = arith.constant 3584 : i32
        %parallel_loop3A_501 = arith.addi %parallel_loop3A_500, %parallel_loop3A_499 : i32
        %parallel_loop3A_502 = arith.index_cast %parallel_loop3A_501 : i32 to index
        %parallel_loop3A_503 = tpu.vector_load %arg10[%parallel_loop3A_502] {strides = array<i32>} : memref<4096xf32, #tpu.memory_space<vmem>>, vector<16xf32>,
        %parallel_loop3A_504 = vector.shape_cast %parallel_loop3A_503 : vector<16xf32> to vector<16xf32>
        %parallel_loop3A_505 = vector.shape_cast %parallel_loop3A_497 : vector<16xf32> to vector<16xf32>
        tpu.vector_store %arg10[%parallel_loop3A_502], %parallel_loop3A_505 {strides = array<i32>} : memref<4096xf32, #tpu.memory_space<vmem>>, vector<16xf32>,
        %parallel_loop3A_506 = arith.mulf %parallel_loop3A_366, %parallel_loop3A_370 : vector<16xf32>
        %parallel_loop3A_507 = arith.constant 16 : i32
        %parallel_loop3A_508 = arith.muli %parallel_loop3A_87, %parallel_loop3A_507 : i32
        %parallel_loop3A_509 = arith.constant 3840 : i32
        %parallel_loop3A_510 = arith.addi %parallel_loop3A_509, %parallel_loop3A_508 : i32
        %parallel_loop3A_511 = arith.index_cast %parallel_loop3A_510 : i32 to index
        %parallel_loop3A_512 = tpu.vector_load %arg10[%parallel_loop3A_511] {strides = array<i32>} : memref<4096xf32, #tpu.memory_space<vmem>>, vector<16xf32>,
        %parallel_loop3A_513 = vector.shape_cast %parallel_loop3A_512 : vector<16xf32> to vector<16xf32>
        %parallel_loop3A_514 = vector.shape_cast %parallel_loop3A_506 : vector<16xf32> to vector<16xf32>
        tpu.vector_store %arg10[%parallel_loop3A_511], %parallel_loop3A_514 {strides = array<i32>} : memref<4096xf32, #tpu.memory_space<vmem>>, vector<16xf32>,
      } {sc.loop_unroll_factor = 2 : i64, sc.parallel_access}
      %dma_start3A = arith.constant 0 : i32
      %dma_start3A_56 = tpu.memref_slice %arg15[%dma_start3A] : memref<1048576xi32, #tpu.memory_space<vmem_shared>> -> memref<1048576xi32, #tpu.memory_space<vmem_shared>>
      tpu.enqueue_indirect_dma source(%dma_start3A_56 : memref<1048576xi32, #tpu.memory_space<vmem_shared>>) target(%arg12 : memref<4096xi32, #tpu.memory_space<vmem>>) offsets(%arg8 : memref<4096xi32, #tpu.memory_space<vmem>>) semaphore(%arg16 : memref<!tpu.dma_semaphore, #tpu.memory_space<semaphore_mem>>)
      %scan3A_57 = arith.constant 0 : i32
      %scan3A_58 = arith.constant 0 : i32
      %scan3A_59 = arith.constant 4 : i32
      %scan3A_60 = arith.addi %scan3A_58, %scan3A_59 : i32
      %scan3A_61 = arith.constant 1 : i32
      %scan3A_62 = scf.for %scan3A_87 = %scan3A_58 to %scan3A_60 step %scan3A_61 iter_args(%scan3A_88 = %scan3A_57) -> (i32)  : i32 {
        %mul3A_89 = arith.constant 2 : i32
        %mul3A_90 = arith.muli %mul3A_89, %scan3A_87 : i32
        %add3A_91 = arith.constant 1 : i32
        %add3A_92 = arith.addi %mul3A_90, %add3A_91 : i32
        %mul3A_93 = arith.constant 256 : i32
        %mul3A_94 = arith.muli %add3A_92, %mul3A_93 : i32
        %parallel_loop3A_95 = arith.constant 0 : i32
        %parallel_loop3A_96 = arith.constant 16 : i32
        %parallel_loop3A_97 = arith.constant 1 : i32
        scf.for %parallel_loop3A_122 = %parallel_loop3A_95 to %parallel_loop3A_96 step %parallel_loop3A_97  : i32 {
          %parallel_loop3A_123 = arith.constant 16 : i32
          %parallel_loop3A_124 = arith.muli %parallel_loop3A_122, %parallel_loop3A_123 : i32
          %parallel_loop3A_125 = arith.addi %mul3A_94, %parallel_loop3A_124 : i32
          %parallel_loop3A_126 = arith.constant 0 : i32
          %parallel_loop3A_127 = arith.addi %parallel_loop3A_126, %parallel_loop3A_125 : i32
          %parallel_loop3A_128 = arith.index_cast %parallel_loop3A_127 : i32 to index
          %parallel_loop3A_129 = tpu.vector_load %arg6[%parallel_loop3A_128] {strides = array<i32>} : memref<8192xf32, #tpu.memory_space<vmem>>, vector<16xf32>,
          %parallel_loop3A_130 = vector.shape_cast %parallel_loop3A_129 : vector<16xf32> to vector<16xf32>
          %parallel_loop3A_131 = arith.mulf %parallel_loop3A_130, %get3A_50 : vector<16xf32>
          %parallel_loop3A_132 = arith.fptosi %parallel_loop3A_131 : vector<16xf32> to vector<16xi32>
          %parallel_loop3A_133 = arith.sitofp %parallel_loop3A_132 : vector<16xi32> to vector<16xf32>
          %parallel_loop3A_134 = arith.subf %parallel_loop3A_131, %parallel_loop3A_133 : vector<16xf32>
          %parallel_loop3A_135 = arith.addi %parallel_loop3A_132, %broadcast_in_dim3A_11 : vector<16xi32>
          %parallel_loop3A_136 = arith.constant 2048 : i32
          %parallel_loop3A_137 = arith.addi %parallel_loop3A_136, %parallel_loop3A_125 : i32
          %parallel_loop3A_138 = arith.index_cast %parallel_loop3A_137 : i32 to index
          %parallel_loop3A_139 = tpu.vector_load %arg6[%parallel_loop3A_138] {strides = array<i32>} : memref<8192xf32, #tpu.memory_space<vmem>>, vector<16xf32>,
          %parallel_loop3A_140 = vector.shape_cast %parallel_loop3A_139 : vector<16xf32> to vector<16xf32>
          %parallel_loop3A_141 = arith.mulf %parallel_loop3A_140, %get3A_50 : vector<16xf32>
          %parallel_loop3A_142 = arith.fptosi %parallel_loop3A_141 : vector<16xf32> to vector<16xi32>
          %parallel_loop3A_143 = arith.sitofp %parallel_loop3A_142 : vector<16xi32> to vector<16xf32>
          %parallel_loop3A_144 = arith.subf %parallel_loop3A_141, %parallel_loop3A_143 : vector<16xf32>
          %parallel_loop3A_145 = arith.muli %parallel_loop3A_142, %broadcast_in_dim3A_13 : vector<16xi32>
          %parallel_loop3A_146 = arith.addi %parallel_loop3A_145, %broadcast_in_dim3A_13 : vector<16xi32>
          %parallel_loop3A_147 = arith.constant 4096 : i32
          %parallel_loop3A_148 = arith.addi %parallel_loop3A_147, %parallel_loop3A_125 : i32
          %parallel_loop3A_149 = arith.index_cast %parallel_loop3A_148 : i32 to index
          %parallel_loop3A_150 = tpu.vector_load %arg6[%parallel_loop3A_149] {strides = array<i32>} : memref<8192xf32, #tpu.memory_space<vmem>>, vector<16xf32>,
          %parallel_loop3A_151 = vector.shape_cast %parallel_loop3A_150 : vector<16xf32> to vector<16xf32>
          %parallel_loop3A_152 = arith.mulf %parallel_loop3A_151, %get3A_50 : vector<16xf32>
          %parallel_loop3A_153 = arith.fptosi %parallel_loop3A_152 : vector<16xf32> to vector<16xi32>
          %parallel_loop3A_154 = arith.sitofp %parallel_loop3A_153 : vector<16xi32> to vector<16xf32>
          %parallel_loop3A_155 = arith.subf %parallel_loop3A_152, %parallel_loop3A_154 : vector<16xf32>
          %parallel_loop3A_156 = arith.muli %parallel_loop3A_153, %broadcast_in_dim3A_15 : vector<16xi32>
          %parallel_loop3A_157 = arith.addi %parallel_loop3A_156, %broadcast_in_dim3A_15 : vector<16xi32>
          %parallel_loop3A_158 = arith.constant 6144 : i32
          %parallel_loop3A_159 = arith.addi %parallel_loop3A_158, %parallel_loop3A_125 : i32
          %parallel_loop3A_160 = arith.index_cast %parallel_loop3A_159 : i32 to index
          %parallel_loop3A_161 = tpu.vector_load %arg6[%parallel_loop3A_160] {strides = array<i32>} : memref<8192xf32, #tpu.memory_space<vmem>>, vector<16xf32>,
          %parallel_loop3A_162 = vector.shape_cast %parallel_loop3A_161 : vector<16xf32> to vector<16xf32>
          %parallel_loop3A_163 = arith.mulf %parallel_loop3A_162, %get3A_50 : vector<16xf32>
          %parallel_loop3A_164 = arith.fptosi %parallel_loop3A_163 : vector<16xf32> to vector<16xi32>
          %parallel_loop3A_165 = arith.sitofp %parallel_loop3A_164 : vector<16xi32> to vector<16xf32>
          %parallel_loop3A_166 = arith.subf %parallel_loop3A_163, %parallel_loop3A_165 : vector<16xf32>
          %parallel_loop3A_167 = arith.muli %parallel_loop3A_164, %broadcast_in_dim3A_17 : vector<16xi32>
          %parallel_loop3A_168 = arith.addi %parallel_loop3A_167, %broadcast_in_dim3A_17 : vector<16xi32>
          %parallel_loop3A_169 = arith.xori %parallel_loop3A_132, %parallel_loop3A_145 : vector<16xi32>
          %parallel_loop3A_170 = arith.xori %parallel_loop3A_135, %parallel_loop3A_145 : vector<16xi32>
          %parallel_loop3A_171 = arith.xori %parallel_loop3A_132, %parallel_loop3A_146 : vector<16xi32>
          %parallel_loop3A_172 = arith.xori %parallel_loop3A_135, %parallel_loop3A_146 : vector<16xi32>
          %parallel_loop3A_173 = arith.xori %parallel_loop3A_156, %parallel_loop3A_167 : vector<16xi32>
          %parallel_loop3A_174 = arith.xori %parallel_loop3A_157, %parallel_loop3A_167 : vector<16xi32>
          %parallel_loop3A_175 = arith.xori %parallel_loop3A_156, %parallel_loop3A_168 : vector<16xi32>
          %parallel_loop3A_176 = arith.xori %parallel_loop3A_157, %parallel_loop3A_168 : vector<16xi32>
          %parallel_loop3A_177 = arith.xori %parallel_loop3A_169, %parallel_loop3A_173 : vector<16xi32>
          %parallel_loop3A_178 = arith.constant 524287 : i32
          %parallel_loop3A_179 = vector.broadcast %parallel_loop3A_178 : i32 to vector<16xi32>
          %parallel_loop3A_180 = arith.andi %parallel_loop3A_177, %parallel_loop3A_179 : vector<16xi32>
          %parallel_loop3A_181 = arith.addi %parallel_loop3A_180, %broadcast_in_dim3A_53 : vector<16xi32>
          %parallel_loop3A_182 = arith.constant 16 : i32
          %parallel_loop3A_183 = arith.muli %parallel_loop3A_122, %parallel_loop3A_182 : i32
          %parallel_loop3A_184 = arith.constant 0 : i32
          %parallel_loop3A_185 = arith.addi %parallel_loop3A_184, %parallel_loop3A_183 : i32
          %parallel_loop3A_186 = arith.index_cast %parallel_loop3A_185 : i32 to index
          %parallel_loop3A_187 = tpu.vector_load %arg9[%parallel_loop3A_186] {strides = array<i32>} : memref<4096xi32, #tpu.memory_space<vmem>>, vector<16xi32>,
          %parallel_loop3A_188 = vector.shape_cast %parallel_loop3A_187 : vector<16xi32> to vector<16xi32>
          %parallel_loop3A_189 = vector.shape_cast %parallel_loop3A_181 : vector<16xi32> to vector<16xi32>
          tpu.vector_store %arg9[%parallel_loop3A_186], %parallel_loop3A_189 {strides = array<i32>} : memref<4096xi32, #tpu.memory_space<vmem>>, vector<16xi32>,
          %parallel_loop3A_190 = arith.xori %parallel_loop3A_170, %parallel_loop3A_173 : vector<16xi32>
          %parallel_loop3A_191 = arith.constant 524287 : i32
          %parallel_loop3A_192 = vector.broadcast %parallel_loop3A_191 : i32 to vector<16xi32>
          %parallel_loop3A_193 = arith.andi %parallel_loop3A_190, %parallel_loop3A_192 : vector<16xi32>
          %parallel_loop3A_194 = arith.addi %parallel_loop3A_193, %broadcast_in_dim3A_53 : vector<16xi32>
          %parallel_loop3A_195 = arith.constant 16 : i32
          %parallel_loop3A_196 = arith.muli %parallel_loop3A_122, %parallel_loop3A_195 : i32
          %parallel_loop3A_197 = arith.constant 256 : i32
          %parallel_loop3A_198 = arith.addi %parallel_loop3A_197, %parallel_loop3A_196 : i32
          %parallel_loop3A_199 = arith.index_cast %parallel_loop3A_198 : i32 to index
          %parallel_loop3A_200 = tpu.vector_load %arg9[%parallel_loop3A_199] {strides = array<i32>} : memref<4096xi32, #tpu.memory_space<vmem>>, vector<16xi32>,
          %parallel_loop3A_201 = vector.shape_cast %parallel_loop3A_200 : vector<16xi32> to vector<16xi32>
          %parallel_loop3A_202 = vector.shape_cast %parallel_loop3A_194 : vector<16xi32> to vector<16xi32>
          tpu.vector_store %arg9[%parallel_loop3A_199], %parallel_loop3A_202 {strides = array<i32>} : memref<4096xi32, #tpu.memory_space<vmem>>, vector<16xi32>,
          %parallel_loop3A_203 = arith.xori %parallel_loop3A_171, %parallel_loop3A_173 : vector<16xi32>
          %parallel_loop3A_204 = arith.constant 524287 : i32
          %parallel_loop3A_205 = vector.broadcast %parallel_loop3A_204 : i32 to vector<16xi32>
          %parallel_loop3A_206 = arith.andi %parallel_loop3A_203, %parallel_loop3A_205 : vector<16xi32>
          %parallel_loop3A_207 = arith.addi %parallel_loop3A_206, %broadcast_in_dim3A_53 : vector<16xi32>
          %parallel_loop3A_208 = arith.constant 16 : i32
          %parallel_loop3A_209 = arith.muli %parallel_loop3A_122, %parallel_loop3A_208 : i32
          %parallel_loop3A_210 = arith.constant 512 : i32
          %parallel_loop3A_211 = arith.addi %parallel_loop3A_210, %parallel_loop3A_209 : i32
          %parallel_loop3A_212 = arith.index_cast %parallel_loop3A_211 : i32 to index
          %parallel_loop3A_213 = tpu.vector_load %arg9[%parallel_loop3A_212] {strides = array<i32>} : memref<4096xi32, #tpu.memory_space<vmem>>, vector<16xi32>,
          %parallel_loop3A_214 = vector.shape_cast %parallel_loop3A_213 : vector<16xi32> to vector<16xi32>
          %parallel_loop3A_215 = vector.shape_cast %parallel_loop3A_207 : vector<16xi32> to vector<16xi32>
          tpu.vector_store %arg9[%parallel_loop3A_212], %parallel_loop3A_215 {strides = array<i32>} : memref<4096xi32, #tpu.memory_space<vmem>>, vector<16xi32>,
          %parallel_loop3A_216 = arith.xori %parallel_loop3A_172, %parallel_loop3A_173 : vector<16xi32>
          %parallel_loop3A_217 = arith.constant 524287 : i32
          %parallel_loop3A_218 = vector.broadcast %parallel_loop3A_217 : i32 to vector<16xi32>
          %parallel_loop3A_219 = arith.andi %parallel_loop3A_216, %parallel_loop3A_218 : vector<16xi32>
          %parallel_loop3A_220 = arith.addi %parallel_loop3A_219, %broadcast_in_dim3A_53 : vector<16xi32>
          %parallel_loop3A_221 = arith.constant 16 : i32
          %parallel_loop3A_222 = arith.muli %parallel_loop3A_122, %parallel_loop3A_221 : i32
          %parallel_loop3A_223 = arith.constant 768 : i32
          %parallel_loop3A_224 = arith.addi %parallel_loop3A_223, %parallel_loop3A_222 : i32
          %parallel_loop3A_225 = arith.index_cast %parallel_loop3A_224 : i32 to index
          %parallel_loop3A_226 = tpu.vector_load %arg9[%parallel_loop3A_225] {strides = array<i32>} : memref<4096xi32, #tpu.memory_space<vmem>>, vector<16xi32>,
          %parallel_loop3A_227 = vector.shape_cast %parallel_loop3A_226 : vector<16xi32> to vector<16xi32>
          %parallel_loop3A_228 = vector.shape_cast %parallel_loop3A_220 : vector<16xi32> to vector<16xi32>
          tpu.vector_store %arg9[%parallel_loop3A_225], %parallel_loop3A_228 {strides = array<i32>} : memref<4096xi32, #tpu.memory_space<vmem>>, vector<16xi32>,
          %parallel_loop3A_229 = arith.xori %parallel_loop3A_169, %parallel_loop3A_174 : vector<16xi32>
          %parallel_loop3A_230 = arith.constant 524287 : i32
          %parallel_loop3A_231 = vector.broadcast %parallel_loop3A_230 : i32 to vector<16xi32>
          %parallel_loop3A_232 = arith.andi %parallel_loop3A_229, %parallel_loop3A_231 : vector<16xi32>
          %parallel_loop3A_233 = arith.addi %parallel_loop3A_232, %broadcast_in_dim3A_53 : vector<16xi32>
          %parallel_loop3A_234 = arith.constant 16 : i32
          %parallel_loop3A_235 = arith.muli %parallel_loop3A_122, %parallel_loop3A_234 : i32
          %parallel_loop3A_236 = arith.constant 1024 : i32
          %parallel_loop3A_237 = arith.addi %parallel_loop3A_236, %parallel_loop3A_235 : i32
          %parallel_loop3A_238 = arith.index_cast %parallel_loop3A_237 : i32 to index
          %parallel_loop3A_239 = tpu.vector_load %arg9[%parallel_loop3A_238] {strides = array<i32>} : memref<4096xi32, #tpu.memory_space<vmem>>, vector<16xi32>,
          %parallel_loop3A_240 = vector.shape_cast %parallel_loop3A_239 : vector<16xi32> to vector<16xi32>
          %parallel_loop3A_241 = vector.shape_cast %parallel_loop3A_233 : vector<16xi32> to vector<16xi32>
          tpu.vector_store %arg9[%parallel_loop3A_238], %parallel_loop3A_241 {strides = array<i32>} : memref<4096xi32, #tpu.memory_space<vmem>>, vector<16xi32>,
          %parallel_loop3A_242 = arith.xori %parallel_loop3A_170, %parallel_loop3A_174 : vector<16xi32>
          %parallel_loop3A_243 = arith.constant 524287 : i32
          %parallel_loop3A_244 = vector.broadcast %parallel_loop3A_243 : i32 to vector<16xi32>
          %parallel_loop3A_245 = arith.andi %parallel_loop3A_242, %parallel_loop3A_244 : vector<16xi32>
          %parallel_loop3A_246 = arith.addi %parallel_loop3A_245, %broadcast_in_dim3A_53 : vector<16xi32>
          %parallel_loop3A_247 = arith.constant 16 : i32
          %parallel_loop3A_248 = arith.muli %parallel_loop3A_122, %parallel_loop3A_247 : i32
          %parallel_loop3A_249 = arith.constant 1280 : i32
          %parallel_loop3A_250 = arith.addi %parallel_loop3A_249, %parallel_loop3A_248 : i32
          %parallel_loop3A_251 = arith.index_cast %parallel_loop3A_250 : i32 to index
          %parallel_loop3A_252 = tpu.vector_load %arg9[%parallel_loop3A_251] {strides = array<i32>} : memref<4096xi32, #tpu.memory_space<vmem>>, vector<16xi32>,
          %parallel_loop3A_253 = vector.shape_cast %parallel_loop3A_252 : vector<16xi32> to vector<16xi32>
          %parallel_loop3A_254 = vector.shape_cast %parallel_loop3A_246 : vector<16xi32> to vector<16xi32>
          tpu.vector_store %arg9[%parallel_loop3A_251], %parallel_loop3A_254 {strides = array<i32>} : memref<4096xi32, #tpu.memory_space<vmem>>, vector<16xi32>,
          %parallel_loop3A_255 = arith.xori %parallel_loop3A_171, %parallel_loop3A_174 : vector<16xi32>
          %parallel_loop3A_256 = arith.constant 524287 : i32
          %parallel_loop3A_257 = vector.broadcast %parallel_loop3A_256 : i32 to vector<16xi32>
          %parallel_loop3A_258 = arith.andi %parallel_loop3A_255, %parallel_loop3A_257 : vector<16xi32>
          %parallel_loop3A_259 = arith.addi %parallel_loop3A_258, %broadcast_in_dim3A_53 : vector<16xi32>
          %parallel_loop3A_260 = arith.constant 16 : i32
          %parallel_loop3A_261 = arith.muli %parallel_loop3A_122, %parallel_loop3A_260 : i32
          %parallel_loop3A_262 = arith.constant 1536 : i32
          %parallel_loop3A_263 = arith.addi %parallel_loop3A_262, %parallel_loop3A_261 : i32
          %parallel_loop3A_264 = arith.index_cast %parallel_loop3A_263 : i32 to index
          %parallel_loop3A_265 = tpu.vector_load %arg9[%parallel_loop3A_264] {strides = array<i32>} : memref<4096xi32, #tpu.memory_space<vmem>>, vector<16xi32>,
          %parallel_loop3A_266 = vector.shape_cast %parallel_loop3A_265 : vector<16xi32> to vector<16xi32>
          %parallel_loop3A_267 = vector.shape_cast %parallel_loop3A_259 : vector<16xi32> to vector<16xi32>
          tpu.vector_store %arg9[%parallel_loop3A_264], %parallel_loop3A_267 {strides = array<i32>} : memref<4096xi32, #tpu.memory_space<vmem>>, vector<16xi32>,
          %parallel_loop3A_268 = arith.xori %parallel_loop3A_172, %parallel_loop3A_174 : vector<16xi32>
          %parallel_loop3A_269 = arith.constant 524287 : i32
          %parallel_loop3A_270 = vector.broadcast %parallel_loop3A_269 : i32 to vector<16xi32>
          %parallel_loop3A_271 = arith.andi %parallel_loop3A_268, %parallel_loop3A_270 : vector<16xi32>
          %parallel_loop3A_272 = arith.addi %parallel_loop3A_271, %broadcast_in_dim3A_53 : vector<16xi32>
          %parallel_loop3A_273 = arith.constant 16 : i32
          %parallel_loop3A_274 = arith.muli %parallel_loop3A_122, %parallel_loop3A_273 : i32
          %parallel_loop3A_275 = arith.constant 1792 : i32
          %parallel_loop3A_276 = arith.addi %parallel_loop3A_275, %parallel_loop3A_274 : i32
          %parallel_loop3A_277 = arith.index_cast %parallel_loop3A_276 : i32 to index
          %parallel_loop3A_278 = tpu.vector_load %arg9[%parallel_loop3A_277] {strides = array<i32>} : memref<4096xi32, #tpu.memory_space<vmem>>, vector<16xi32>,
          %parallel_loop3A_279 = vector.shape_cast %parallel_loop3A_278 : vector<16xi32> to vector<16xi32>
          %parallel_loop3A_280 = vector.shape_cast %parallel_loop3A_272 : vector<16xi32> to vector<16xi32>
          tpu.vector_store %arg9[%parallel_loop3A_277], %parallel_loop3A_280 {strides = array<i32>} : memref<4096xi32, #tpu.memory_space<vmem>>, vector<16xi32>,
          %parallel_loop3A_281 = arith.xori %parallel_loop3A_169, %parallel_loop3A_175 : vector<16xi32>
          %parallel_loop3A_282 = arith.constant 524287 : i32
          %parallel_loop3A_283 = vector.broadcast %parallel_loop3A_282 : i32 to vector<16xi32>
          %parallel_loop3A_284 = arith.andi %parallel_loop3A_281, %parallel_loop3A_283 : vector<16xi32>
          %parallel_loop3A_285 = arith.addi %parallel_loop3A_284, %broadcast_in_dim3A_53 : vector<16xi32>
          %parallel_loop3A_286 = arith.constant 16 : i32
          %parallel_loop3A_287 = arith.muli %parallel_loop3A_122, %parallel_loop3A_286 : i32
          %parallel_loop3A_288 = arith.constant 2048 : i32
          %parallel_loop3A_289 = arith.addi %parallel_loop3A_288, %parallel_loop3A_287 : i32
          %parallel_loop3A_290 = arith.index_cast %parallel_loop3A_289 : i32 to index
          %parallel_loop3A_291 = tpu.vector_load %arg9[%parallel_loop3A_290] {strides = array<i32>} : memref<4096xi32, #tpu.memory_space<vmem>>, vector<16xi32>,
          %parallel_loop3A_292 = vector.shape_cast %parallel_loop3A_291 : vector<16xi32> to vector<16xi32>
          %parallel_loop3A_293 = vector.shape_cast %parallel_loop3A_285 : vector<16xi32> to vector<16xi32>
          tpu.vector_store %arg9[%parallel_loop3A_290], %parallel_loop3A_293 {strides = array<i32>} : memref<4096xi32, #tpu.memory_space<vmem>>, vector<16xi32>,
          %parallel_loop3A_294 = arith.xori %parallel_loop3A_170, %parallel_loop3A_175 : vector<16xi32>
          %parallel_loop3A_295 = arith.constant 524287 : i32
          %parallel_loop3A_296 = vector.broadcast %parallel_loop3A_295 : i32 to vector<16xi32>
          %parallel_loop3A_297 = arith.andi %parallel_loop3A_294, %parallel_loop3A_296 : vector<16xi32>
          %parallel_loop3A_298 = arith.addi %parallel_loop3A_297, %broadcast_in_dim3A_53 : vector<16xi32>
          %parallel_loop3A_299 = arith.constant 16 : i32
          %parallel_loop3A_300 = arith.muli %parallel_loop3A_122, %parallel_loop3A_299 : i32
          %parallel_loop3A_301 = arith.constant 2304 : i32
          %parallel_loop3A_302 = arith.addi %parallel_loop3A_301, %parallel_loop3A_300 : i32
          %parallel_loop3A_303 = arith.index_cast %parallel_loop3A_302 : i32 to index
          %parallel_loop3A_304 = tpu.vector_load %arg9[%parallel_loop3A_303] {strides = array<i32>} : memref<4096xi32, #tpu.memory_space<vmem>>, vector<16xi32>,
          %parallel_loop3A_305 = vector.shape_cast %parallel_loop3A_304 : vector<16xi32> to vector<16xi32>
          %parallel_loop3A_306 = vector.shape_cast %parallel_loop3A_298 : vector<16xi32> to vector<16xi32>
          tpu.vector_store %arg9[%parallel_loop3A_303], %parallel_loop3A_306 {strides = array<i32>} : memref<4096xi32, #tpu.memory_space<vmem>>, vector<16xi32>,
          %parallel_loop3A_307 = arith.xori %parallel_loop3A_171, %parallel_loop3A_175 : vector<16xi32>
          %parallel_loop3A_308 = arith.constant 524287 : i32
          %parallel_loop3A_309 = vector.broadcast %parallel_loop3A_308 : i32 to vector<16xi32>
          %parallel_loop3A_310 = arith.andi %parallel_loop3A_307, %parallel_loop3A_309 : vector<16xi32>
          %parallel_loop3A_311 = arith.addi %parallel_loop3A_310, %broadcast_in_dim3A_53 : vector<16xi32>
          %parallel_loop3A_312 = arith.constant 16 : i32
          %parallel_loop3A_313 = arith.muli %parallel_loop3A_122, %parallel_loop3A_312 : i32
          %parallel_loop3A_314 = arith.constant 2560 : i32
          %parallel_loop3A_315 = arith.addi %parallel_loop3A_314, %parallel_loop3A_313 : i32
          %parallel_loop3A_316 = arith.index_cast %parallel_loop3A_315 : i32 to index
          %parallel_loop3A_317 = tpu.vector_load %arg9[%parallel_loop3A_316] {strides = array<i32>} : memref<4096xi32, #tpu.memory_space<vmem>>, vector<16xi32>,
          %parallel_loop3A_318 = vector.shape_cast %parallel_loop3A_317 : vector<16xi32> to vector<16xi32>
          %parallel_loop3A_319 = vector.shape_cast %parallel_loop3A_311 : vector<16xi32> to vector<16xi32>
          tpu.vector_store %arg9[%parallel_loop3A_316], %parallel_loop3A_319 {strides = array<i32>} : memref<4096xi32, #tpu.memory_space<vmem>>, vector<16xi32>,
          %parallel_loop3A_320 = arith.xori %parallel_loop3A_172, %parallel_loop3A_175 : vector<16xi32>
          %parallel_loop3A_321 = arith.constant 524287 : i32
          %parallel_loop3A_322 = vector.broadcast %parallel_loop3A_321 : i32 to vector<16xi32>
          %parallel_loop3A_323 = arith.andi %parallel_loop3A_320, %parallel_loop3A_322 : vector<16xi32>
          %parallel_loop3A_324 = arith.addi %parallel_loop3A_323, %broadcast_in_dim3A_53 : vector<16xi32>
          %parallel_loop3A_325 = arith.constant 16 : i32
          %parallel_loop3A_326 = arith.muli %parallel_loop3A_122, %parallel_loop3A_325 : i32
          %parallel_loop3A_327 = arith.constant 2816 : i32
          %parallel_loop3A_328 = arith.addi %parallel_loop3A_327, %parallel_loop3A_326 : i32
          %parallel_loop3A_329 = arith.index_cast %parallel_loop3A_328 : i32 to index
          %parallel_loop3A_330 = tpu.vector_load %arg9[%parallel_loop3A_329] {strides = array<i32>} : memref<4096xi32, #tpu.memory_space<vmem>>, vector<16xi32>,
          %parallel_loop3A_331 = vector.shape_cast %parallel_loop3A_330 : vector<16xi32> to vector<16xi32>
          %parallel_loop3A_332 = vector.shape_cast %parallel_loop3A_324 : vector<16xi32> to vector<16xi32>
          tpu.vector_store %arg9[%parallel_loop3A_329], %parallel_loop3A_332 {strides = array<i32>} : memref<4096xi32, #tpu.memory_space<vmem>>, vector<16xi32>,
          %parallel_loop3A_333 = arith.xori %parallel_loop3A_169, %parallel_loop3A_176 : vector<16xi32>
          %parallel_loop3A_334 = arith.constant 524287 : i32
          %parallel_loop3A_335 = vector.broadcast %parallel_loop3A_334 : i32 to vector<16xi32>
          %parallel_loop3A_336 = arith.andi %parallel_loop3A_333, %parallel_loop3A_335 : vector<16xi32>
          %parallel_loop3A_337 = arith.addi %parallel_loop3A_336, %broadcast_in_dim3A_53 : vector<16xi32>
          %parallel_loop3A_338 = arith.constant 16 : i32
          %parallel_loop3A_339 = arith.muli %parallel_loop3A_122, %parallel_loop3A_338 : i32
          %parallel_loop3A_340 = arith.constant 3072 : i32
          %parallel_loop3A_341 = arith.addi %parallel_loop3A_340, %parallel_loop3A_339 : i32
          %parallel_loop3A_342 = arith.index_cast %parallel_loop3A_341 : i32 to index
          %parallel_loop3A_343 = tpu.vector_load %arg9[%parallel_loop3A_342] {strides = array<i32>} : memref<4096xi32, #tpu.memory_space<vmem>>, vector<16xi32>,
          %parallel_loop3A_344 = vector.shape_cast %parallel_loop3A_343 : vector<16xi32> to vector<16xi32>
          %parallel_loop3A_345 = vector.shape_cast %parallel_loop3A_337 : vector<16xi32> to vector<16xi32>
          tpu.vector_store %arg9[%parallel_loop3A_342], %parallel_loop3A_345 {strides = array<i32>} : memref<4096xi32, #tpu.memory_space<vmem>>, vector<16xi32>,
          %parallel_loop3A_346 = arith.xori %parallel_loop3A_170, %parallel_loop3A_176 : vector<16xi32>
          %parallel_loop3A_347 = arith.constant 524287 : i32
          %parallel_loop3A_348 = vector.broadcast %parallel_loop3A_347 : i32 to vector<16xi32>
          %parallel_loop3A_349 = arith.andi %parallel_loop3A_346, %parallel_loop3A_348 : vector<16xi32>
          %parallel_loop3A_350 = arith.addi %parallel_loop3A_349, %broadcast_in_dim3A_53 : vector<16xi32>
          %parallel_loop3A_351 = arith.constant 16 : i32
          %parallel_loop3A_352 = arith.muli %parallel_loop3A_122, %parallel_loop3A_351 : i32
          %parallel_loop3A_353 = arith.constant 3328 : i32
          %parallel_loop3A_354 = arith.addi %parallel_loop3A_353, %parallel_loop3A_352 : i32
          %parallel_loop3A_355 = arith.index_cast %parallel_loop3A_354 : i32 to index
          %parallel_loop3A_356 = tpu.vector_load %arg9[%parallel_loop3A_355] {strides = array<i32>} : memref<4096xi32, #tpu.memory_space<vmem>>, vector<16xi32>,
          %parallel_loop3A_357 = vector.shape_cast %parallel_loop3A_356 : vector<16xi32> to vector<16xi32>
          %parallel_loop3A_358 = vector.shape_cast %parallel_loop3A_350 : vector<16xi32> to vector<16xi32>
          tpu.vector_store %arg9[%parallel_loop3A_355], %parallel_loop3A_358 {strides = array<i32>} : memref<4096xi32, #tpu.memory_space<vmem>>, vector<16xi32>,
          %parallel_loop3A_359 = arith.xori %parallel_loop3A_171, %parallel_loop3A_176 : vector<16xi32>
          %parallel_loop3A_360 = arith.constant 524287 : i32
          %parallel_loop3A_361 = vector.broadcast %parallel_loop3A_360 : i32 to vector<16xi32>
          %parallel_loop3A_362 = arith.andi %parallel_loop3A_359, %parallel_loop3A_361 : vector<16xi32>
          %parallel_loop3A_363 = arith.addi %parallel_loop3A_362, %broadcast_in_dim3A_53 : vector<16xi32>
          %parallel_loop3A_364 = arith.constant 16 : i32
          %parallel_loop3A_365 = arith.muli %parallel_loop3A_122, %parallel_loop3A_364 : i32
          %parallel_loop3A_366 = arith.constant 3584 : i32
          %parallel_loop3A_367 = arith.addi %parallel_loop3A_366, %parallel_loop3A_365 : i32
          %parallel_loop3A_368 = arith.index_cast %parallel_loop3A_367 : i32 to index
          %parallel_loop3A_369 = tpu.vector_load %arg9[%parallel_loop3A_368] {strides = array<i32>} : memref<4096xi32, #tpu.memory_space<vmem>>, vector<16xi32>,
          %parallel_loop3A_370 = vector.shape_cast %parallel_loop3A_369 : vector<16xi32> to vector<16xi32>
          %parallel_loop3A_371 = vector.shape_cast %parallel_loop3A_363 : vector<16xi32> to vector<16xi32>
          tpu.vector_store %arg9[%parallel_loop3A_368], %parallel_loop3A_371 {strides = array<i32>} : memref<4096xi32, #tpu.memory_space<vmem>>, vector<16xi32>,
          %parallel_loop3A_372 = arith.xori %parallel_loop3A_172, %parallel_loop3A_176 : vector<16xi32>
          %parallel_loop3A_373 = arith.constant 524287 : i32
          %parallel_loop3A_374 = vector.broadcast %parallel_loop3A_373 : i32 to vector<16xi32>
          %parallel_loop3A_375 = arith.andi %parallel_loop3A_372, %parallel_loop3A_374 : vector<16xi32>
          %parallel_loop3A_376 = arith.addi %parallel_loop3A_375, %broadcast_in_dim3A_53 : vector<16xi32>
          %parallel_loop3A_377 = arith.constant 16 : i32
          %parallel_loop3A_378 = arith.muli %parallel_loop3A_122, %parallel_loop3A_377 : i32
          %parallel_loop3A_379 = arith.constant 3840 : i32
          %parallel_loop3A_380 = arith.addi %parallel_loop3A_379, %parallel_loop3A_378 : i32
          %parallel_loop3A_381 = arith.index_cast %parallel_loop3A_380 : i32 to index
          %parallel_loop3A_382 = tpu.vector_load %arg9[%parallel_loop3A_381] {strides = array<i32>} : memref<4096xi32, #tpu.memory_space<vmem>>, vector<16xi32>,
          %parallel_loop3A_383 = vector.shape_cast %parallel_loop3A_382 : vector<16xi32> to vector<16xi32>
          %parallel_loop3A_384 = vector.shape_cast %parallel_loop3A_376 : vector<16xi32> to vector<16xi32>
          tpu.vector_store %arg9[%parallel_loop3A_381], %parallel_loop3A_384 {strides = array<i32>} : memref<4096xi32, #tpu.memory_space<vmem>>, vector<16xi32>,
          %parallel_loop3A_385 = arith.constant 1.000000e+00 : f32
          %parallel_loop3A_386 = vector.broadcast %parallel_loop3A_385 : f32 to vector<16xf32>
          %parallel_loop3A_387 = arith.subf %parallel_loop3A_386, %parallel_loop3A_134 : vector<16xf32>
          %parallel_loop3A_388 = arith.constant 1.000000e+00 : f32
          %parallel_loop3A_389 = vector.broadcast %parallel_loop3A_388 : f32 to vector<16xf32>
          %parallel_loop3A_390 = arith.subf %parallel_loop3A_389, %parallel_loop3A_144 : vector<16xf32>
          %parallel_loop3A_391 = arith.constant 1.000000e+00 : f32
          %parallel_loop3A_392 = vector.broadcast %parallel_loop3A_391 : f32 to vector<16xf32>
          %parallel_loop3A_393 = arith.subf %parallel_loop3A_392, %parallel_loop3A_155 : vector<16xf32>
          %parallel_loop3A_394 = arith.constant 1.000000e+00 : f32
          %parallel_loop3A_395 = vector.broadcast %parallel_loop3A_394 : f32 to vector<16xf32>
          %parallel_loop3A_396 = arith.subf %parallel_loop3A_395, %parallel_loop3A_166 : vector<16xf32>
          %parallel_loop3A_397 = arith.mulf %parallel_loop3A_387, %parallel_loop3A_390 : vector<16xf32>
          %parallel_loop3A_398 = arith.mulf %parallel_loop3A_134, %parallel_loop3A_390 : vector<16xf32>
          %parallel_loop3A_399 = arith.mulf %parallel_loop3A_387, %parallel_loop3A_144 : vector<16xf32>
          %parallel_loop3A_400 = arith.mulf %parallel_loop3A_134, %parallel_loop3A_144 : vector<16xf32>
          %parallel_loop3A_401 = arith.mulf %parallel_loop3A_393, %parallel_loop3A_396 : vector<16xf32>
          %parallel_loop3A_402 = arith.mulf %parallel_loop3A_155, %parallel_loop3A_396 : vector<16xf32>
          %parallel_loop3A_403 = arith.mulf %parallel_loop3A_393, %parallel_loop3A_166 : vector<16xf32>
          %parallel_loop3A_404 = arith.mulf %parallel_loop3A_155, %parallel_loop3A_166 : vector<16xf32>
          %parallel_loop3A_405 = arith.mulf %parallel_loop3A_397, %parallel_loop3A_401 : vector<16xf32>
          %parallel_loop3A_406 = arith.constant 16 : i32
          %parallel_loop3A_407 = arith.muli %parallel_loop3A_122, %parallel_loop3A_406 : i32
          %parallel_loop3A_408 = arith.constant 0 : i32
          %parallel_loop3A_409 = arith.addi %parallel_loop3A_408, %parallel_loop3A_407 : i32
          %parallel_loop3A_410 = arith.index_cast %parallel_loop3A_409 : i32 to index
          %parallel_loop3A_411 = tpu.vector_load %arg11[%parallel_loop3A_410] {strides = array<i32>} : memref<4096xf32, #tpu.memory_space<vmem>>, vector<16xf32>,
          %parallel_loop3A_412 = vector.shape_cast %parallel_loop3A_411 : vector<16xf32> to vector<16xf32>
          %parallel_loop3A_413 = vector.shape_cast %parallel_loop3A_405 : vector<16xf32> to vector<16xf32>
          tpu.vector_store %arg11[%parallel_loop3A_410], %parallel_loop3A_413 {strides = array<i32>} : memref<4096xf32, #tpu.memory_space<vmem>>, vector<16xf32>,
          %parallel_loop3A_414 = arith.mulf %parallel_loop3A_398, %parallel_loop3A_401 : vector<16xf32>
          %parallel_loop3A_415 = arith.constant 16 : i32
          %parallel_loop3A_416 = arith.muli %parallel_loop3A_122, %parallel_loop3A_415 : i32
          %parallel_loop3A_417 = arith.constant 256 : i32
          %parallel_loop3A_418 = arith.addi %parallel_loop3A_417, %parallel_loop3A_416 : i32
          %parallel_loop3A_419 = arith.index_cast %parallel_loop3A_418 : i32 to index
          %parallel_loop3A_420 = tpu.vector_load %arg11[%parallel_loop3A_419] {strides = array<i32>} : memref<4096xf32, #tpu.memory_space<vmem>>, vector<16xf32>,
          %parallel_loop3A_421 = vector.shape_cast %parallel_loop3A_420 : vector<16xf32> to vector<16xf32>
          %parallel_loop3A_422 = vector.shape_cast %parallel_loop3A_414 : vector<16xf32> to vector<16xf32>
          tpu.vector_store %arg11[%parallel_loop3A_419], %parallel_loop3A_422 {strides = array<i32>} : memref<4096xf32, #tpu.memory_space<vmem>>, vector<16xf32>,
          %parallel_loop3A_423 = arith.mulf %parallel_loop3A_399, %parallel_loop3A_401 : vector<16xf32>
          %parallel_loop3A_424 = arith.constant 16 : i32
          %parallel_loop3A_425 = arith.muli %parallel_loop3A_122, %parallel_loop3A_424 : i32
          %parallel_loop3A_426 = arith.constant 512 : i32
          %parallel_loop3A_427 = arith.addi %parallel_loop3A_426, %parallel_loop3A_425 : i32
          %parallel_loop3A_428 = arith.index_cast %parallel_loop3A_427 : i32 to index
          %parallel_loop3A_429 = tpu.vector_load %arg11[%parallel_loop3A_428] {strides = array<i32>} : memref<4096xf32, #tpu.memory_space<vmem>>, vector<16xf32>,
          %parallel_loop3A_430 = vector.shape_cast %parallel_loop3A_429 : vector<16xf32> to vector<16xf32>
          %parallel_loop3A_431 = vector.shape_cast %parallel_loop3A_423 : vector<16xf32> to vector<16xf32>
          tpu.vector_store %arg11[%parallel_loop3A_428], %parallel_loop3A_431 {strides = array<i32>} : memref<4096xf32, #tpu.memory_space<vmem>>, vector<16xf32>,
          %parallel_loop3A_432 = arith.mulf %parallel_loop3A_400, %parallel_loop3A_401 : vector<16xf32>
          %parallel_loop3A_433 = arith.constant 16 : i32
          %parallel_loop3A_434 = arith.muli %parallel_loop3A_122, %parallel_loop3A_433 : i32
          %parallel_loop3A_435 = arith.constant 768 : i32
          %parallel_loop3A_436 = arith.addi %parallel_loop3A_435, %parallel_loop3A_434 : i32
          %parallel_loop3A_437 = arith.index_cast %parallel_loop3A_436 : i32 to index
          %parallel_loop3A_438 = tpu.vector_load %arg11[%parallel_loop3A_437] {strides = array<i32>} : memref<4096xf32, #tpu.memory_space<vmem>>, vector<16xf32>,
          %parallel_loop3A_439 = vector.shape_cast %parallel_loop3A_438 : vector<16xf32> to vector<16xf32>
          %parallel_loop3A_440 = vector.shape_cast %parallel_loop3A_432 : vector<16xf32> to vector<16xf32>
          tpu.vector_store %arg11[%parallel_loop3A_437], %parallel_loop3A_440 {strides = array<i32>} : memref<4096xf32, #tpu.memory_space<vmem>>, vector<16xf32>,
          %parallel_loop3A_441 = arith.mulf %parallel_loop3A_397, %parallel_loop3A_402 : vector<16xf32>
          %parallel_loop3A_442 = arith.constant 16 : i32
          %parallel_loop3A_443 = arith.muli %parallel_loop3A_122, %parallel_loop3A_442 : i32
          %parallel_loop3A_444 = arith.constant 1024 : i32
          %parallel_loop3A_445 = arith.addi %parallel_loop3A_444, %parallel_loop3A_443 : i32
          %parallel_loop3A_446 = arith.index_cast %parallel_loop3A_445 : i32 to index
          %parallel_loop3A_447 = tpu.vector_load %arg11[%parallel_loop3A_446] {strides = array<i32>} : memref<4096xf32, #tpu.memory_space<vmem>>, vector<16xf32>,
          %parallel_loop3A_448 = vector.shape_cast %parallel_loop3A_447 : vector<16xf32> to vector<16xf32>
          %parallel_loop3A_449 = vector.shape_cast %parallel_loop3A_441 : vector<16xf32> to vector<16xf32>
          tpu.vector_store %arg11[%parallel_loop3A_446], %parallel_loop3A_449 {strides = array<i32>} : memref<4096xf32, #tpu.memory_space<vmem>>, vector<16xf32>,
          %parallel_loop3A_450 = arith.mulf %parallel_loop3A_398, %parallel_loop3A_402 : vector<16xf32>
          %parallel_loop3A_451 = arith.constant 16 : i32
          %parallel_loop3A_452 = arith.muli %parallel_loop3A_122, %parallel_loop3A_451 : i32
          %parallel_loop3A_453 = arith.constant 1280 : i32
          %parallel_loop3A_454 = arith.addi %parallel_loop3A_453, %parallel_loop3A_452 : i32
          %parallel_loop3A_455 = arith.index_cast %parallel_loop3A_454 : i32 to index
          %parallel_loop3A_456 = tpu.vector_load %arg11[%parallel_loop3A_455] {strides = array<i32>} : memref<4096xf32, #tpu.memory_space<vmem>>, vector<16xf32>,
          %parallel_loop3A_457 = vector.shape_cast %parallel_loop3A_456 : vector<16xf32> to vector<16xf32>
          %parallel_loop3A_458 = vector.shape_cast %parallel_loop3A_450 : vector<16xf32> to vector<16xf32>
          tpu.vector_store %arg11[%parallel_loop3A_455], %parallel_loop3A_458 {strides = array<i32>} : memref<4096xf32, #tpu.memory_space<vmem>>, vector<16xf32>,
          %parallel_loop3A_459 = arith.mulf %parallel_loop3A_399, %parallel_loop3A_402 : vector<16xf32>
          %parallel_loop3A_460 = arith.constant 16 : i32
          %parallel_loop3A_461 = arith.muli %parallel_loop3A_122, %parallel_loop3A_460 : i32
          %parallel_loop3A_462 = arith.constant 1536 : i32
          %parallel_loop3A_463 = arith.addi %parallel_loop3A_462, %parallel_loop3A_461 : i32
          %parallel_loop3A_464 = arith.index_cast %parallel_loop3A_463 : i32 to index
          %parallel_loop3A_465 = tpu.vector_load %arg11[%parallel_loop3A_464] {strides = array<i32>} : memref<4096xf32, #tpu.memory_space<vmem>>, vector<16xf32>,
          %parallel_loop3A_466 = vector.shape_cast %parallel_loop3A_465 : vector<16xf32> to vector<16xf32>
          %parallel_loop3A_467 = vector.shape_cast %parallel_loop3A_459 : vector<16xf32> to vector<16xf32>
          tpu.vector_store %arg11[%parallel_loop3A_464], %parallel_loop3A_467 {strides = array<i32>} : memref<4096xf32, #tpu.memory_space<vmem>>, vector<16xf32>,
          %parallel_loop3A_468 = arith.mulf %parallel_loop3A_400, %parallel_loop3A_402 : vector<16xf32>
          %parallel_loop3A_469 = arith.constant 16 : i32
          %parallel_loop3A_470 = arith.muli %parallel_loop3A_122, %parallel_loop3A_469 : i32
          %parallel_loop3A_471 = arith.constant 1792 : i32
          %parallel_loop3A_472 = arith.addi %parallel_loop3A_471, %parallel_loop3A_470 : i32
          %parallel_loop3A_473 = arith.index_cast %parallel_loop3A_472 : i32 to index
          %parallel_loop3A_474 = tpu.vector_load %arg11[%parallel_loop3A_473] {strides = array<i32>} : memref<4096xf32, #tpu.memory_space<vmem>>, vector<16xf32>,
          %parallel_loop3A_475 = vector.shape_cast %parallel_loop3A_474 : vector<16xf32> to vector<16xf32>
          %parallel_loop3A_476 = vector.shape_cast %parallel_loop3A_468 : vector<16xf32> to vector<16xf32>
          tpu.vector_store %arg11[%parallel_loop3A_473], %parallel_loop3A_476 {strides = array<i32>} : memref<4096xf32, #tpu.memory_space<vmem>>, vector<16xf32>,
          %parallel_loop3A_477 = arith.mulf %parallel_loop3A_397, %parallel_loop3A_403 : vector<16xf32>
          %parallel_loop3A_478 = arith.constant 16 : i32
          %parallel_loop3A_479 = arith.muli %parallel_loop3A_122, %parallel_loop3A_478 : i32
          %parallel_loop3A_480 = arith.constant 2048 : i32
          %parallel_loop3A_481 = arith.addi %parallel_loop3A_480, %parallel_loop3A_479 : i32
          %parallel_loop3A_482 = arith.index_cast %parallel_loop3A_481 : i32 to index
          %parallel_loop3A_483 = tpu.vector_load %arg11[%parallel_loop3A_482] {strides = array<i32>} : memref<4096xf32, #tpu.memory_space<vmem>>, vector<16xf32>,
          %parallel_loop3A_484 = vector.shape_cast %parallel_loop3A_483 : vector<16xf32> to vector<16xf32>
          %parallel_loop3A_485 = vector.shape_cast %parallel_loop3A_477 : vector<16xf32> to vector<16xf32>
          tpu.vector_store %arg11[%parallel_loop3A_482], %parallel_loop3A_485 {strides = array<i32>} : memref<4096xf32, #tpu.memory_space<vmem>>, vector<16xf32>,
          %parallel_loop3A_486 = arith.mulf %parallel_loop3A_398, %parallel_loop3A_403 : vector<16xf32>
          %parallel_loop3A_487 = arith.constant 16 : i32
          %parallel_loop3A_488 = arith.muli %parallel_loop3A_122, %parallel_loop3A_487 : i32
          %parallel_loop3A_489 = arith.constant 2304 : i32
          %parallel_loop3A_490 = arith.addi %parallel_loop3A_489, %parallel_loop3A_488 : i32
          %parallel_loop3A_491 = arith.index_cast %parallel_loop3A_490 : i32 to index
          %parallel_loop3A_492 = tpu.vector_load %arg11[%parallel_loop3A_491] {strides = array<i32>} : memref<4096xf32, #tpu.memory_space<vmem>>, vector<16xf32>,
          %parallel_loop3A_493 = vector.shape_cast %parallel_loop3A_492 : vector<16xf32> to vector<16xf32>
          %parallel_loop3A_494 = vector.shape_cast %parallel_loop3A_486 : vector<16xf32> to vector<16xf32>
          tpu.vector_store %arg11[%parallel_loop3A_491], %parallel_loop3A_494 {strides = array<i32>} : memref<4096xf32, #tpu.memory_space<vmem>>, vector<16xf32>,
          %parallel_loop3A_495 = arith.mulf %parallel_loop3A_399, %parallel_loop3A_403 : vector<16xf32>
          %parallel_loop3A_496 = arith.constant 16 : i32
          %parallel_loop3A_497 = arith.muli %parallel_loop3A_122, %parallel_loop3A_496 : i32
          %parallel_loop3A_498 = arith.constant 2560 : i32
          %parallel_loop3A_499 = arith.addi %parallel_loop3A_498, %parallel_loop3A_497 : i32
          %parallel_loop3A_500 = arith.index_cast %parallel_loop3A_499 : i32 to index
          %parallel_loop3A_501 = tpu.vector_load %arg11[%parallel_loop3A_500] {strides = array<i32>} : memref<4096xf32, #tpu.memory_space<vmem>>, vector<16xf32>,
          %parallel_loop3A_502 = vector.shape_cast %parallel_loop3A_501 : vector<16xf32> to vector<16xf32>
          %parallel_loop3A_503 = vector.shape_cast %parallel_loop3A_495 : vector<16xf32> to vector<16xf32>
          tpu.vector_store %arg11[%parallel_loop3A_500], %parallel_loop3A_503 {strides = array<i32>} : memref<4096xf32, #tpu.memory_space<vmem>>, vector<16xf32>,
          %parallel_loop3A_504 = arith.mulf %parallel_loop3A_400, %parallel_loop3A_403 : vector<16xf32>
          %parallel_loop3A_505 = arith.constant 16 : i32
          %parallel_loop3A_506 = arith.muli %parallel_loop3A_122, %parallel_loop3A_505 : i32
          %parallel_loop3A_507 = arith.constant 2816 : i32
          %parallel_loop3A_508 = arith.addi %parallel_loop3A_507, %parallel_loop3A_506 : i32
          %parallel_loop3A_509 = arith.index_cast %parallel_loop3A_508 : i32 to index
          %parallel_loop3A_510 = tpu.vector_load %arg11[%parallel_loop3A_509] {strides = array<i32>} : memref<4096xf32, #tpu.memory_space<vmem>>, vector<16xf32>,
          %parallel_loop3A_511 = vector.shape_cast %parallel_loop3A_510 : vector<16xf32> to vector<16xf32>
          %parallel_loop3A_512 = vector.shape_cast %parallel_loop3A_504 : vector<16xf32> to vector<16xf32>
          tpu.vector_store %arg11[%parallel_loop3A_509], %parallel_loop3A_512 {strides = array<i32>} : memref<4096xf32, #tpu.memory_space<vmem>>, vector<16xf32>,
          %parallel_loop3A_513 = arith.mulf %parallel_loop3A_397, %parallel_loop3A_404 : vector<16xf32>
          %parallel_loop3A_514 = arith.constant 16 : i32
          %parallel_loop3A_515 = arith.muli %parallel_loop3A_122, %parallel_loop3A_514 : i32
          %parallel_loop3A_516 = arith.constant 3072 : i32
          %parallel_loop3A_517 = arith.addi %parallel_loop3A_516, %parallel_loop3A_515 : i32
          %parallel_loop3A_518 = arith.index_cast %parallel_loop3A_517 : i32 to index
          %parallel_loop3A_519 = tpu.vector_load %arg11[%parallel_loop3A_518] {strides = array<i32>} : memref<4096xf32, #tpu.memory_space<vmem>>, vector<16xf32>,
          %parallel_loop3A_520 = vector.shape_cast %parallel_loop3A_519 : vector<16xf32> to vector<16xf32>
          %parallel_loop3A_521 = vector.shape_cast %parallel_loop3A_513 : vector<16xf32> to vector<16xf32>
          tpu.vector_store %arg11[%parallel_loop3A_518], %parallel_loop3A_521 {strides = array<i32>} : memref<4096xf32, #tpu.memory_space<vmem>>, vector<16xf32>,
          %parallel_loop3A_522 = arith.mulf %parallel_loop3A_398, %parallel_loop3A_404 : vector<16xf32>
          %parallel_loop3A_523 = arith.constant 16 : i32
          %parallel_loop3A_524 = arith.muli %parallel_loop3A_122, %parallel_loop3A_523 : i32
          %parallel_loop3A_525 = arith.constant 3328 : i32
          %parallel_loop3A_526 = arith.addi %parallel_loop3A_525, %parallel_loop3A_524 : i32
          %parallel_loop3A_527 = arith.index_cast %parallel_loop3A_526 : i32 to index
          %parallel_loop3A_528 = tpu.vector_load %arg11[%parallel_loop3A_527] {strides = array<i32>} : memref<4096xf32, #tpu.memory_space<vmem>>, vector<16xf32>,
          %parallel_loop3A_529 = vector.shape_cast %parallel_loop3A_528 : vector<16xf32> to vector<16xf32>
          %parallel_loop3A_530 = vector.shape_cast %parallel_loop3A_522 : vector<16xf32> to vector<16xf32>
          tpu.vector_store %arg11[%parallel_loop3A_527], %parallel_loop3A_530 {strides = array<i32>} : memref<4096xf32, #tpu.memory_space<vmem>>, vector<16xf32>,
          %parallel_loop3A_531 = arith.mulf %parallel_loop3A_399, %parallel_loop3A_404 : vector<16xf32>
          %parallel_loop3A_532 = arith.constant 16 : i32
          %parallel_loop3A_533 = arith.muli %parallel_loop3A_122, %parallel_loop3A_532 : i32
          %parallel_loop3A_534 = arith.constant 3584 : i32
          %parallel_loop3A_535 = arith.addi %parallel_loop3A_534, %parallel_loop3A_533 : i32
          %parallel_loop3A_536 = arith.index_cast %parallel_loop3A_535 : i32 to index
          %parallel_loop3A_537 = tpu.vector_load %arg11[%parallel_loop3A_536] {strides = array<i32>} : memref<4096xf32, #tpu.memory_space<vmem>>, vector<16xf32>,
          %parallel_loop3A_538 = vector.shape_cast %parallel_loop3A_537 : vector<16xf32> to vector<16xf32>
          %parallel_loop3A_539 = vector.shape_cast %parallel_loop3A_531 : vector<16xf32> to vector<16xf32>
          tpu.vector_store %arg11[%parallel_loop3A_536], %parallel_loop3A_539 {strides = array<i32>} : memref<4096xf32, #tpu.memory_space<vmem>>, vector<16xf32>,
          %parallel_loop3A_540 = arith.mulf %parallel_loop3A_400, %parallel_loop3A_404 : vector<16xf32>
          %parallel_loop3A_541 = arith.constant 16 : i32
          %parallel_loop3A_542 = arith.muli %parallel_loop3A_122, %parallel_loop3A_541 : i32
          %parallel_loop3A_543 = arith.constant 3840 : i32
          %parallel_loop3A_544 = arith.addi %parallel_loop3A_543, %parallel_loop3A_542 : i32
          %parallel_loop3A_545 = arith.index_cast %parallel_loop3A_544 : i32 to index
          %parallel_loop3A_546 = tpu.vector_load %arg11[%parallel_loop3A_545] {strides = array<i32>} : memref<4096xf32, #tpu.memory_space<vmem>>, vector<16xf32>,
          %parallel_loop3A_547 = vector.shape_cast %parallel_loop3A_546 : vector<16xf32> to vector<16xf32>
          %parallel_loop3A_548 = vector.shape_cast %parallel_loop3A_540 : vector<16xf32> to vector<16xf32>
          tpu.vector_store %arg11[%parallel_loop3A_545], %parallel_loop3A_548 {strides = array<i32>} : memref<4096xf32, #tpu.memory_space<vmem>>, vector<16xf32>,
        } {sc.loop_unroll_factor = 2 : i64, sc.parallel_access}
        %dma_start3A_98 = arith.constant 0 : i32
        %dma_start3A_99 = tpu.memref_slice %arg15[%dma_start3A_98] : memref<1048576xi32, #tpu.memory_space<vmem_shared>> -> memref<1048576xi32, #tpu.memory_space<vmem_shared>>
        tpu.enqueue_indirect_dma source(%dma_start3A_99 : memref<1048576xi32, #tpu.memory_space<vmem_shared>>) target(%arg13 : memref<4096xi32, #tpu.memory_space<vmem>>) offsets(%arg9 : memref<4096xi32, #tpu.memory_space<vmem>>) semaphore(%arg17 : memref<!tpu.dma_semaphore, #tpu.memory_space<semaphore_mem>>)
        %dma_wait3A_100 = arith.constant 0 : i32
        %dma_wait3A_101 = tpu.memref_slice %arg15[%dma_wait3A_100] : memref<1048576xi32, #tpu.memory_space<vmem_shared>> -> memref<1048576xi32, #tpu.memory_space<vmem_shared>>
        tpu.wait_indirect_dma semaphore(%arg16 : memref<!tpu.dma_semaphore, #tpu.memory_space<semaphore_mem>>) src(%dma_wait3A_101 : memref<1048576xi32, #tpu.memory_space<vmem_shared>>) dst(%arg12 : memref<4096xi32, #tpu.memory_space<vmem>>)
        %mul3A_102 = arith.constant 256 : i32
        %mul3A_103 = arith.muli %mul3A_90, %mul3A_102 : i32
        %parallel_loop3A_104 = arith.constant 0 : i32
        %parallel_loop3A_105 = arith.constant 16 : i32
        %parallel_loop3A_106 = arith.constant 1 : i32
        scf.for %parallel_loop3A_122 = %parallel_loop3A_104 to %parallel_loop3A_105 step %parallel_loop3A_106  : i32 {
          %parallel_loop3A_123 = arith.constant 0.000000e+00 : f32
          %parallel_loop3A_124 = vector.broadcast %parallel_loop3A_123 : f32 to vector<16xf32>
          %parallel_loop3A_125 = arith.constant 16 : i32
          %parallel_loop3A_126 = arith.muli %parallel_loop3A_122, %parallel_loop3A_125 : i32
          %parallel_loop3A_127 = arith.constant 0 : i32
          %parallel_loop3A_128 = arith.addi %parallel_loop3A_127, %parallel_loop3A_126 : i32
          %parallel_loop3A_129 = arith.index_cast %parallel_loop3A_128 : i32 to index
          %parallel_loop3A_130 = tpu.vector_load %arg10[%parallel_loop3A_129] {strides = array<i32>} : memref<4096xf32, #tpu.memory_space<vmem>>, vector<16xf32>,
          %parallel_loop3A_131 = vector.shape_cast %parallel_loop3A_130 : vector<16xf32> to vector<16xf32>
          %parallel_loop3A_132 = arith.constant 16 : i32
          %parallel_loop3A_133 = arith.muli %parallel_loop3A_122, %parallel_loop3A_132 : i32
          %parallel_loop3A_134 = arith.constant 0 : i32
          %parallel_loop3A_135 = arith.addi %parallel_loop3A_134, %parallel_loop3A_133 : i32
          %parallel_loop3A_136 = arith.index_cast %parallel_loop3A_135 : i32 to index
          %parallel_loop3A_137 = tpu.vector_load %arg12[%parallel_loop3A_136] {strides = array<i32>} : memref<4096xi32, #tpu.memory_space<vmem>>, vector<16xi32>,
          %parallel_loop3A_138 = vector.shape_cast %parallel_loop3A_137 : vector<16xi32> to vector<16xi32>
          %parallel_loop3A_139 = arith.constant 16 : i32
          %parallel_loop3A_140 = vector.broadcast %parallel_loop3A_139 : i32 to vector<16xi32>
          %parallel_loop3A_141 = arith.shli %parallel_loop3A_138, %parallel_loop3A_140 : vector<16xi32>
          %parallel_loop3A_142 = tpu.bitcast %parallel_loop3A_141 : vector<16xi32> -> vector<16xf32>
          %parallel_loop3A_143 = arith.constant -65536 : i32
          %parallel_loop3A_144 = vector.broadcast %parallel_loop3A_143 : i32 to vector<16xi32>
          %parallel_loop3A_145 = arith.andi %parallel_loop3A_138, %parallel_loop3A_144 : vector<16xi32>
          %parallel_loop3A_146 = tpu.bitcast %parallel_loop3A_145 : vector<16xi32> -> vector<16xf32>
          %parallel_loop3A_147 = arith.mulf %parallel_loop3A_131, %parallel_loop3A_142 : vector<16xf32>
          %parallel_loop3A_148 = arith.addf %parallel_loop3A_124, %parallel_loop3A_147 : vector<16xf32>
          %parallel_loop3A_149 = arith.mulf %parallel_loop3A_131, %parallel_loop3A_146 : vector<16xf32>
          %parallel_loop3A_150 = arith.addf %parallel_loop3A_124, %parallel_loop3A_149 : vector<16xf32>
          %parallel_loop3A_151 = arith.constant 16 : i32
          %parallel_loop3A_152 = arith.muli %parallel_loop3A_122, %parallel_loop3A_151 : i32
          %parallel_loop3A_153 = arith.constant 256 : i32
          %parallel_loop3A_154 = arith.addi %parallel_loop3A_153, %parallel_loop3A_152 : i32
          %parallel_loop3A_155 = arith.index_cast %parallel_loop3A_154 : i32 to index
          %parallel_loop3A_156 = tpu.vector_load %arg10[%parallel_loop3A_155] {strides = array<i32>} : memref<4096xf32, #tpu.memory_space<vmem>>, vector<16xf32>,
          %parallel_loop3A_157 = vector.shape_cast %parallel_loop3A_156 : vector<16xf32> to vector<16xf32>
          %parallel_loop3A_158 = arith.constant 16 : i32
          %parallel_loop3A_159 = arith.muli %parallel_loop3A_122, %parallel_loop3A_158 : i32
          %parallel_loop3A_160 = arith.constant 256 : i32
          %parallel_loop3A_161 = arith.addi %parallel_loop3A_160, %parallel_loop3A_159 : i32
          %parallel_loop3A_162 = arith.index_cast %parallel_loop3A_161 : i32 to index
          %parallel_loop3A_163 = tpu.vector_load %arg12[%parallel_loop3A_162] {strides = array<i32>} : memref<4096xi32, #tpu.memory_space<vmem>>, vector<16xi32>,
          %parallel_loop3A_164 = vector.shape_cast %parallel_loop3A_163 : vector<16xi32> to vector<16xi32>
          %parallel_loop3A_165 = arith.constant 16 : i32
          %parallel_loop3A_166 = vector.broadcast %parallel_loop3A_165 : i32 to vector<16xi32>
          %parallel_loop3A_167 = arith.shli %parallel_loop3A_164, %parallel_loop3A_166 : vector<16xi32>
          %parallel_loop3A_168 = tpu.bitcast %parallel_loop3A_167 : vector<16xi32> -> vector<16xf32>
          %parallel_loop3A_169 = arith.constant -65536 : i32
          %parallel_loop3A_170 = vector.broadcast %parallel_loop3A_169 : i32 to vector<16xi32>
          %parallel_loop3A_171 = arith.andi %parallel_loop3A_164, %parallel_loop3A_170 : vector<16xi32>
          %parallel_loop3A_172 = tpu.bitcast %parallel_loop3A_171 : vector<16xi32> -> vector<16xf32>
          %parallel_loop3A_173 = arith.mulf %parallel_loop3A_157, %parallel_loop3A_168 : vector<16xf32>
          %parallel_loop3A_174 = arith.addf %parallel_loop3A_124, %parallel_loop3A_173 : vector<16xf32>
          %parallel_loop3A_175 = arith.mulf %parallel_loop3A_157, %parallel_loop3A_172 : vector<16xf32>
          %parallel_loop3A_176 = arith.addf %parallel_loop3A_124, %parallel_loop3A_175 : vector<16xf32>
          %parallel_loop3A_177 = arith.constant 16 : i32
          %parallel_loop3A_178 = arith.muli %parallel_loop3A_122, %parallel_loop3A_177 : i32
          %parallel_loop3A_179 = arith.constant 512 : i32
          %parallel_loop3A_180 = arith.addi %parallel_loop3A_179, %parallel_loop3A_178 : i32
          %parallel_loop3A_181 = arith.index_cast %parallel_loop3A_180 : i32 to index
          %parallel_loop3A_182 = tpu.vector_load %arg10[%parallel_loop3A_181] {strides = array<i32>} : memref<4096xf32, #tpu.memory_space<vmem>>, vector<16xf32>,
          %parallel_loop3A_183 = vector.shape_cast %parallel_loop3A_182 : vector<16xf32> to vector<16xf32>
          %parallel_loop3A_184 = arith.constant 16 : i32
          %parallel_loop3A_185 = arith.muli %parallel_loop3A_122, %parallel_loop3A_184 : i32
          %parallel_loop3A_186 = arith.constant 512 : i32
          %parallel_loop3A_187 = arith.addi %parallel_loop3A_186, %parallel_loop3A_185 : i32
          %parallel_loop3A_188 = arith.index_cast %parallel_loop3A_187 : i32 to index
          %parallel_loop3A_189 = tpu.vector_load %arg12[%parallel_loop3A_188] {strides = array<i32>} : memref<4096xi32, #tpu.memory_space<vmem>>, vector<16xi32>,
          %parallel_loop3A_190 = vector.shape_cast %parallel_loop3A_189 : vector<16xi32> to vector<16xi32>
          %parallel_loop3A_191 = arith.constant 16 : i32
          %parallel_loop3A_192 = vector.broadcast %parallel_loop3A_191 : i32 to vector<16xi32>
          %parallel_loop3A_193 = arith.shli %parallel_loop3A_190, %parallel_loop3A_192 : vector<16xi32>
          %parallel_loop3A_194 = tpu.bitcast %parallel_loop3A_193 : vector<16xi32> -> vector<16xf32>
          %parallel_loop3A_195 = arith.constant -65536 : i32
          %parallel_loop3A_196 = vector.broadcast %parallel_loop3A_195 : i32 to vector<16xi32>
          %parallel_loop3A_197 = arith.andi %parallel_loop3A_190, %parallel_loop3A_196 : vector<16xi32>
          %parallel_loop3A_198 = tpu.bitcast %parallel_loop3A_197 : vector<16xi32> -> vector<16xf32>
          %parallel_loop3A_199 = arith.mulf %parallel_loop3A_183, %parallel_loop3A_194 : vector<16xf32>
          %parallel_loop3A_200 = arith.addf %parallel_loop3A_148, %parallel_loop3A_199 : vector<16xf32>
          %parallel_loop3A_201 = arith.mulf %parallel_loop3A_183, %parallel_loop3A_198 : vector<16xf32>
          %parallel_loop3A_202 = arith.addf %parallel_loop3A_150, %parallel_loop3A_201 : vector<16xf32>
          %parallel_loop3A_203 = arith.constant 16 : i32
          %parallel_loop3A_204 = arith.muli %parallel_loop3A_122, %parallel_loop3A_203 : i32
          %parallel_loop3A_205 = arith.constant 768 : i32
          %parallel_loop3A_206 = arith.addi %parallel_loop3A_205, %parallel_loop3A_204 : i32
          %parallel_loop3A_207 = arith.index_cast %parallel_loop3A_206 : i32 to index
          %parallel_loop3A_208 = tpu.vector_load %arg10[%parallel_loop3A_207] {strides = array<i32>} : memref<4096xf32, #tpu.memory_space<vmem>>, vector<16xf32>,
          %parallel_loop3A_209 = vector.shape_cast %parallel_loop3A_208 : vector<16xf32> to vector<16xf32>
          %parallel_loop3A_210 = arith.constant 16 : i32
          %parallel_loop3A_211 = arith.muli %parallel_loop3A_122, %parallel_loop3A_210 : i32
          %parallel_loop3A_212 = arith.constant 768 : i32
          %parallel_loop3A_213 = arith.addi %parallel_loop3A_212, %parallel_loop3A_211 : i32
          %parallel_loop3A_214 = arith.index_cast %parallel_loop3A_213 : i32 to index
          %parallel_loop3A_215 = tpu.vector_load %arg12[%parallel_loop3A_214] {strides = array<i32>} : memref<4096xi32, #tpu.memory_space<vmem>>, vector<16xi32>,
          %parallel_loop3A_216 = vector.shape_cast %parallel_loop3A_215 : vector<16xi32> to vector<16xi32>
          %parallel_loop3A_217 = arith.constant 16 : i32
          %parallel_loop3A_218 = vector.broadcast %parallel_loop3A_217 : i32 to vector<16xi32>
          %parallel_loop3A_219 = arith.shli %parallel_loop3A_216, %parallel_loop3A_218 : vector<16xi32>
          %parallel_loop3A_220 = tpu.bitcast %parallel_loop3A_219 : vector<16xi32> -> vector<16xf32>
          %parallel_loop3A_221 = arith.constant -65536 : i32
          %parallel_loop3A_222 = vector.broadcast %parallel_loop3A_221 : i32 to vector<16xi32>
          %parallel_loop3A_223 = arith.andi %parallel_loop3A_216, %parallel_loop3A_222 : vector<16xi32>
          %parallel_loop3A_224 = tpu.bitcast %parallel_loop3A_223 : vector<16xi32> -> vector<16xf32>
          %parallel_loop3A_225 = arith.mulf %parallel_loop3A_209, %parallel_loop3A_220 : vector<16xf32>
          %parallel_loop3A_226 = arith.addf %parallel_loop3A_174, %parallel_loop3A_225 : vector<16xf32>
          %parallel_loop3A_227 = arith.mulf %parallel_loop3A_209, %parallel_loop3A_224 : vector<16xf32>
          %parallel_loop3A_228 = arith.addf %parallel_loop3A_176, %parallel_loop3A_227 : vector<16xf32>
          %parallel_loop3A_229 = arith.constant 16 : i32
          %parallel_loop3A_230 = arith.muli %parallel_loop3A_122, %parallel_loop3A_229 : i32
          %parallel_loop3A_231 = arith.constant 1024 : i32
          %parallel_loop3A_232 = arith.addi %parallel_loop3A_231, %parallel_loop3A_230 : i32
          %parallel_loop3A_233 = arith.index_cast %parallel_loop3A_232 : i32 to index
          %parallel_loop3A_234 = tpu.vector_load %arg10[%parallel_loop3A_233] {strides = array<i32>} : memref<4096xf32, #tpu.memory_space<vmem>>, vector<16xf32>,
          %parallel_loop3A_235 = vector.shape_cast %parallel_loop3A_234 : vector<16xf32> to vector<16xf32>
          %parallel_loop3A_236 = arith.constant 16 : i32
          %parallel_loop3A_237 = arith.muli %parallel_loop3A_122, %parallel_loop3A_236 : i32
          %parallel_loop3A_238 = arith.constant 1024 : i32
          %parallel_loop3A_239 = arith.addi %parallel_loop3A_238, %parallel_loop3A_237 : i32
          %parallel_loop3A_240 = arith.index_cast %parallel_loop3A_239 : i32 to index
          %parallel_loop3A_241 = tpu.vector_load %arg12[%parallel_loop3A_240] {strides = array<i32>} : memref<4096xi32, #tpu.memory_space<vmem>>, vector<16xi32>,
          %parallel_loop3A_242 = vector.shape_cast %parallel_loop3A_241 : vector<16xi32> to vector<16xi32>
          %parallel_loop3A_243 = arith.constant 16 : i32
          %parallel_loop3A_244 = vector.broadcast %parallel_loop3A_243 : i32 to vector<16xi32>
          %parallel_loop3A_245 = arith.shli %parallel_loop3A_242, %parallel_loop3A_244 : vector<16xi32>
          %parallel_loop3A_246 = tpu.bitcast %parallel_loop3A_245 : vector<16xi32> -> vector<16xf32>
          %parallel_loop3A_247 = arith.constant -65536 : i32
          %parallel_loop3A_248 = vector.broadcast %parallel_loop3A_247 : i32 to vector<16xi32>
          %parallel_loop3A_249 = arith.andi %parallel_loop3A_242, %parallel_loop3A_248 : vector<16xi32>
          %parallel_loop3A_250 = tpu.bitcast %parallel_loop3A_249 : vector<16xi32> -> vector<16xf32>
          %parallel_loop3A_251 = arith.mulf %parallel_loop3A_235, %parallel_loop3A_246 : vector<16xf32>
          %parallel_loop3A_252 = arith.addf %parallel_loop3A_200, %parallel_loop3A_251 : vector<16xf32>
          %parallel_loop3A_253 = arith.mulf %parallel_loop3A_235, %parallel_loop3A_250 : vector<16xf32>
          %parallel_loop3A_254 = arith.addf %parallel_loop3A_202, %parallel_loop3A_253 : vector<16xf32>
          %parallel_loop3A_255 = arith.constant 16 : i32
          %parallel_loop3A_256 = arith.muli %parallel_loop3A_122, %parallel_loop3A_255 : i32
          %parallel_loop3A_257 = arith.constant 1280 : i32
          %parallel_loop3A_258 = arith.addi %parallel_loop3A_257, %parallel_loop3A_256 : i32
          %parallel_loop3A_259 = arith.index_cast %parallel_loop3A_258 : i32 to index
          %parallel_loop3A_260 = tpu.vector_load %arg10[%parallel_loop3A_259] {strides = array<i32>} : memref<4096xf32, #tpu.memory_space<vmem>>, vector<16xf32>,
          %parallel_loop3A_261 = vector.shape_cast %parallel_loop3A_260 : vector<16xf32> to vector<16xf32>
          %parallel_loop3A_262 = arith.constant 16 : i32
          %parallel_loop3A_263 = arith.muli %parallel_loop3A_122, %parallel_loop3A_262 : i32
          %parallel_loop3A_264 = arith.constant 1280 : i32
          %parallel_loop3A_265 = arith.addi %parallel_loop3A_264, %parallel_loop3A_263 : i32
          %parallel_loop3A_266 = arith.index_cast %parallel_loop3A_265 : i32 to index
          %parallel_loop3A_267 = tpu.vector_load %arg12[%parallel_loop3A_266] {strides = array<i32>} : memref<4096xi32, #tpu.memory_space<vmem>>, vector<16xi32>,
          %parallel_loop3A_268 = vector.shape_cast %parallel_loop3A_267 : vector<16xi32> to vector<16xi32>
          %parallel_loop3A_269 = arith.constant 16 : i32
          %parallel_loop3A_270 = vector.broadcast %parallel_loop3A_269 : i32 to vector<16xi32>
          %parallel_loop3A_271 = arith.shli %parallel_loop3A_268, %parallel_loop3A_270 : vector<16xi32>
          %parallel_loop3A_272 = tpu.bitcast %parallel_loop3A_271 : vector<16xi32> -> vector<16xf32>
          %parallel_loop3A_273 = arith.constant -65536 : i32
          %parallel_loop3A_274 = vector.broadcast %parallel_loop3A_273 : i32 to vector<16xi32>
          %parallel_loop3A_275 = arith.andi %parallel_loop3A_268, %parallel_loop3A_274 : vector<16xi32>
          %parallel_loop3A_276 = tpu.bitcast %parallel_loop3A_275 : vector<16xi32> -> vector<16xf32>
          %parallel_loop3A_277 = arith.mulf %parallel_loop3A_261, %parallel_loop3A_272 : vector<16xf32>
          %parallel_loop3A_278 = arith.addf %parallel_loop3A_226, %parallel_loop3A_277 : vector<16xf32>
          %parallel_loop3A_279 = arith.mulf %parallel_loop3A_261, %parallel_loop3A_276 : vector<16xf32>
          %parallel_loop3A_280 = arith.addf %parallel_loop3A_228, %parallel_loop3A_279 : vector<16xf32>
          %parallel_loop3A_281 = arith.constant 16 : i32
          %parallel_loop3A_282 = arith.muli %parallel_loop3A_122, %parallel_loop3A_281 : i32
          %parallel_loop3A_283 = arith.constant 1536 : i32
          %parallel_loop3A_284 = arith.addi %parallel_loop3A_283, %parallel_loop3A_282 : i32
          %parallel_loop3A_285 = arith.index_cast %parallel_loop3A_284 : i32 to index
          %parallel_loop3A_286 = tpu.vector_load %arg10[%parallel_loop3A_285] {strides = array<i32>} : memref<4096xf32, #tpu.memory_space<vmem>>, vector<16xf32>,
          %parallel_loop3A_287 = vector.shape_cast %parallel_loop3A_286 : vector<16xf32> to vector<16xf32>
          %parallel_loop3A_288 = arith.constant 16 : i32
          %parallel_loop3A_289 = arith.muli %parallel_loop3A_122, %parallel_loop3A_288 : i32
          %parallel_loop3A_290 = arith.constant 1536 : i32
          %parallel_loop3A_291 = arith.addi %parallel_loop3A_290, %parallel_loop3A_289 : i32
          %parallel_loop3A_292 = arith.index_cast %parallel_loop3A_291 : i32 to index
          %parallel_loop3A_293 = tpu.vector_load %arg12[%parallel_loop3A_292] {strides = array<i32>} : memref<4096xi32, #tpu.memory_space<vmem>>, vector<16xi32>,
          %parallel_loop3A_294 = vector.shape_cast %parallel_loop3A_293 : vector<16xi32> to vector<16xi32>
          %parallel_loop3A_295 = arith.constant 16 : i32
          %parallel_loop3A_296 = vector.broadcast %parallel_loop3A_295 : i32 to vector<16xi32>
          %parallel_loop3A_297 = arith.shli %parallel_loop3A_294, %parallel_loop3A_296 : vector<16xi32>
          %parallel_loop3A_298 = tpu.bitcast %parallel_loop3A_297 : vector<16xi32> -> vector<16xf32>
          %parallel_loop3A_299 = arith.constant -65536 : i32
          %parallel_loop3A_300 = vector.broadcast %parallel_loop3A_299 : i32 to vector<16xi32>
          %parallel_loop3A_301 = arith.andi %parallel_loop3A_294, %parallel_loop3A_300 : vector<16xi32>
          %parallel_loop3A_302 = tpu.bitcast %parallel_loop3A_301 : vector<16xi32> -> vector<16xf32>
          %parallel_loop3A_303 = arith.mulf %parallel_loop3A_287, %parallel_loop3A_298 : vector<16xf32>
          %parallel_loop3A_304 = arith.addf %parallel_loop3A_252, %parallel_loop3A_303 : vector<16xf32>
          %parallel_loop3A_305 = arith.mulf %parallel_loop3A_287, %parallel_loop3A_302 : vector<16xf32>
          %parallel_loop3A_306 = arith.addf %parallel_loop3A_254, %parallel_loop3A_305 : vector<16xf32>
          %parallel_loop3A_307 = arith.constant 16 : i32
          %parallel_loop3A_308 = arith.muli %parallel_loop3A_122, %parallel_loop3A_307 : i32
          %parallel_loop3A_309 = arith.constant 1792 : i32
          %parallel_loop3A_310 = arith.addi %parallel_loop3A_309, %parallel_loop3A_308 : i32
          %parallel_loop3A_311 = arith.index_cast %parallel_loop3A_310 : i32 to index
          %parallel_loop3A_312 = tpu.vector_load %arg10[%parallel_loop3A_311] {strides = array<i32>} : memref<4096xf32, #tpu.memory_space<vmem>>, vector<16xf32>,
          %parallel_loop3A_313 = vector.shape_cast %parallel_loop3A_312 : vector<16xf32> to vector<16xf32>
          %parallel_loop3A_314 = arith.constant 16 : i32
          %parallel_loop3A_315 = arith.muli %parallel_loop3A_122, %parallel_loop3A_314 : i32
          %parallel_loop3A_316 = arith.constant 1792 : i32
          %parallel_loop3A_317 = arith.addi %parallel_loop3A_316, %parallel_loop3A_315 : i32
          %parallel_loop3A_318 = arith.index_cast %parallel_loop3A_317 : i32 to index
          %parallel_loop3A_319 = tpu.vector_load %arg12[%parallel_loop3A_318] {strides = array<i32>} : memref<4096xi32, #tpu.memory_space<vmem>>, vector<16xi32>,
          %parallel_loop3A_320 = vector.shape_cast %parallel_loop3A_319 : vector<16xi32> to vector<16xi32>
          %parallel_loop3A_321 = arith.constant 16 : i32
          %parallel_loop3A_322 = vector.broadcast %parallel_loop3A_321 : i32 to vector<16xi32>
          %parallel_loop3A_323 = arith.shli %parallel_loop3A_320, %parallel_loop3A_322 : vector<16xi32>
          %parallel_loop3A_324 = tpu.bitcast %parallel_loop3A_323 : vector<16xi32> -> vector<16xf32>
          %parallel_loop3A_325 = arith.constant -65536 : i32
          %parallel_loop3A_326 = vector.broadcast %parallel_loop3A_325 : i32 to vector<16xi32>
          %parallel_loop3A_327 = arith.andi %parallel_loop3A_320, %parallel_loop3A_326 : vector<16xi32>
          %parallel_loop3A_328 = tpu.bitcast %parallel_loop3A_327 : vector<16xi32> -> vector<16xf32>
          %parallel_loop3A_329 = arith.mulf %parallel_loop3A_313, %parallel_loop3A_324 : vector<16xf32>
          %parallel_loop3A_330 = arith.addf %parallel_loop3A_278, %parallel_loop3A_329 : vector<16xf32>
          %parallel_loop3A_331 = arith.mulf %parallel_loop3A_313, %parallel_loop3A_328 : vector<16xf32>
          %parallel_loop3A_332 = arith.addf %parallel_loop3A_280, %parallel_loop3A_331 : vector<16xf32>
          %parallel_loop3A_333 = arith.constant 16 : i32
          %parallel_loop3A_334 = arith.muli %parallel_loop3A_122, %parallel_loop3A_333 : i32
          %parallel_loop3A_335 = arith.constant 2048 : i32
          %parallel_loop3A_336 = arith.addi %parallel_loop3A_335, %parallel_loop3A_334 : i32
          %parallel_loop3A_337 = arith.index_cast %parallel_loop3A_336 : i32 to index
          %parallel_loop3A_338 = tpu.vector_load %arg10[%parallel_loop3A_337] {strides = array<i32>} : memref<4096xf32, #tpu.memory_space<vmem>>, vector<16xf32>,
          %parallel_loop3A_339 = vector.shape_cast %parallel_loop3A_338 : vector<16xf32> to vector<16xf32>
          %parallel_loop3A_340 = arith.constant 16 : i32
          %parallel_loop3A_341 = arith.muli %parallel_loop3A_122, %parallel_loop3A_340 : i32
          %parallel_loop3A_342 = arith.constant 2048 : i32
          %parallel_loop3A_343 = arith.addi %parallel_loop3A_342, %parallel_loop3A_341 : i32
          %parallel_loop3A_344 = arith.index_cast %parallel_loop3A_343 : i32 to index
          %parallel_loop3A_345 = tpu.vector_load %arg12[%parallel_loop3A_344] {strides = array<i32>} : memref<4096xi32, #tpu.memory_space<vmem>>, vector<16xi32>,
          %parallel_loop3A_346 = vector.shape_cast %parallel_loop3A_345 : vector<16xi32> to vector<16xi32>
          %parallel_loop3A_347 = arith.constant 16 : i32
          %parallel_loop3A_348 = vector.broadcast %parallel_loop3A_347 : i32 to vector<16xi32>
          %parallel_loop3A_349 = arith.shli %parallel_loop3A_346, %parallel_loop3A_348 : vector<16xi32>
          %parallel_loop3A_350 = tpu.bitcast %parallel_loop3A_349 : vector<16xi32> -> vector<16xf32>
          %parallel_loop3A_351 = arith.constant -65536 : i32
          %parallel_loop3A_352 = vector.broadcast %parallel_loop3A_351 : i32 to vector<16xi32>
          %parallel_loop3A_353 = arith.andi %parallel_loop3A_346, %parallel_loop3A_352 : vector<16xi32>
          %parallel_loop3A_354 = tpu.bitcast %parallel_loop3A_353 : vector<16xi32> -> vector<16xf32>
          %parallel_loop3A_355 = arith.mulf %parallel_loop3A_339, %parallel_loop3A_350 : vector<16xf32>
          %parallel_loop3A_356 = arith.addf %parallel_loop3A_304, %parallel_loop3A_355 : vector<16xf32>
          %parallel_loop3A_357 = arith.mulf %parallel_loop3A_339, %parallel_loop3A_354 : vector<16xf32>
          %parallel_loop3A_358 = arith.addf %parallel_loop3A_306, %parallel_loop3A_357 : vector<16xf32>
          %parallel_loop3A_359 = arith.constant 16 : i32
          %parallel_loop3A_360 = arith.muli %parallel_loop3A_122, %parallel_loop3A_359 : i32
          %parallel_loop3A_361 = arith.constant 2304 : i32
          %parallel_loop3A_362 = arith.addi %parallel_loop3A_361, %parallel_loop3A_360 : i32
          %parallel_loop3A_363 = arith.index_cast %parallel_loop3A_362 : i32 to index
          %parallel_loop3A_364 = tpu.vector_load %arg10[%parallel_loop3A_363] {strides = array<i32>} : memref<4096xf32, #tpu.memory_space<vmem>>, vector<16xf32>,
          %parallel_loop3A_365 = vector.shape_cast %parallel_loop3A_364 : vector<16xf32> to vector<16xf32>
          %parallel_loop3A_366 = arith.constant 16 : i32
          %parallel_loop3A_367 = arith.muli %parallel_loop3A_122, %parallel_loop3A_366 : i32
          %parallel_loop3A_368 = arith.constant 2304 : i32
          %parallel_loop3A_369 = arith.addi %parallel_loop3A_368, %parallel_loop3A_367 : i32
          %parallel_loop3A_370 = arith.index_cast %parallel_loop3A_369 : i32 to index
          %parallel_loop3A_371 = tpu.vector_load %arg12[%parallel_loop3A_370] {strides = array<i32>} : memref<4096xi32, #tpu.memory_space<vmem>>, vector<16xi32>,
          %parallel_loop3A_372 = vector.shape_cast %parallel_loop3A_371 : vector<16xi32> to vector<16xi32>
          %parallel_loop3A_373 = arith.constant 16 : i32
          %parallel_loop3A_374 = vector.broadcast %parallel_loop3A_373 : i32 to vector<16xi32>
          %parallel_loop3A_375 = arith.shli %parallel_loop3A_372, %parallel_loop3A_374 : vector<16xi32>
          %parallel_loop3A_376 = tpu.bitcast %parallel_loop3A_375 : vector<16xi32> -> vector<16xf32>
          %parallel_loop3A_377 = arith.constant -65536 : i32
          %parallel_loop3A_378 = vector.broadcast %parallel_loop3A_377 : i32 to vector<16xi32>
          %parallel_loop3A_379 = arith.andi %parallel_loop3A_372, %parallel_loop3A_378 : vector<16xi32>
          %parallel_loop3A_380 = tpu.bitcast %parallel_loop3A_379 : vector<16xi32> -> vector<16xf32>
          %parallel_loop3A_381 = arith.mulf %parallel_loop3A_365, %parallel_loop3A_376 : vector<16xf32>
          %parallel_loop3A_382 = arith.addf %parallel_loop3A_330, %parallel_loop3A_381 : vector<16xf32>
          %parallel_loop3A_383 = arith.mulf %parallel_loop3A_365, %parallel_loop3A_380 : vector<16xf32>
          %parallel_loop3A_384 = arith.addf %parallel_loop3A_332, %parallel_loop3A_383 : vector<16xf32>
          %parallel_loop3A_385 = arith.constant 16 : i32
          %parallel_loop3A_386 = arith.muli %parallel_loop3A_122, %parallel_loop3A_385 : i32
          %parallel_loop3A_387 = arith.constant 2560 : i32
          %parallel_loop3A_388 = arith.addi %parallel_loop3A_387, %parallel_loop3A_386 : i32
          %parallel_loop3A_389 = arith.index_cast %parallel_loop3A_388 : i32 to index
          %parallel_loop3A_390 = tpu.vector_load %arg10[%parallel_loop3A_389] {strides = array<i32>} : memref<4096xf32, #tpu.memory_space<vmem>>, vector<16xf32>,
          %parallel_loop3A_391 = vector.shape_cast %parallel_loop3A_390 : vector<16xf32> to vector<16xf32>
          %parallel_loop3A_392 = arith.constant 16 : i32
          %parallel_loop3A_393 = arith.muli %parallel_loop3A_122, %parallel_loop3A_392 : i32
          %parallel_loop3A_394 = arith.constant 2560 : i32
          %parallel_loop3A_395 = arith.addi %parallel_loop3A_394, %parallel_loop3A_393 : i32
          %parallel_loop3A_396 = arith.index_cast %parallel_loop3A_395 : i32 to index
          %parallel_loop3A_397 = tpu.vector_load %arg12[%parallel_loop3A_396] {strides = array<i32>} : memref<4096xi32, #tpu.memory_space<vmem>>, vector<16xi32>,
          %parallel_loop3A_398 = vector.shape_cast %parallel_loop3A_397 : vector<16xi32> to vector<16xi32>
          %parallel_loop3A_399 = arith.constant 16 : i32
          %parallel_loop3A_400 = vector.broadcast %parallel_loop3A_399 : i32 to vector<16xi32>
          %parallel_loop3A_401 = arith.shli %parallel_loop3A_398, %parallel_loop3A_400 : vector<16xi32>
          %parallel_loop3A_402 = tpu.bitcast %parallel_loop3A_401 : vector<16xi32> -> vector<16xf32>
          %parallel_loop3A_403 = arith.constant -65536 : i32
          %parallel_loop3A_404 = vector.broadcast %parallel_loop3A_403 : i32 to vector<16xi32>
          %parallel_loop3A_405 = arith.andi %parallel_loop3A_398, %parallel_loop3A_404 : vector<16xi32>
          %parallel_loop3A_406 = tpu.bitcast %parallel_loop3A_405 : vector<16xi32> -> vector<16xf32>
          %parallel_loop3A_407 = arith.mulf %parallel_loop3A_391, %parallel_loop3A_402 : vector<16xf32>
          %parallel_loop3A_408 = arith.addf %parallel_loop3A_356, %parallel_loop3A_407 : vector<16xf32>
          %parallel_loop3A_409 = arith.mulf %parallel_loop3A_391, %parallel_loop3A_406 : vector<16xf32>
          %parallel_loop3A_410 = arith.addf %parallel_loop3A_358, %parallel_loop3A_409 : vector<16xf32>
          %parallel_loop3A_411 = arith.constant 16 : i32
          %parallel_loop3A_412 = arith.muli %parallel_loop3A_122, %parallel_loop3A_411 : i32
          %parallel_loop3A_413 = arith.constant 2816 : i32
          %parallel_loop3A_414 = arith.addi %parallel_loop3A_413, %parallel_loop3A_412 : i32
          %parallel_loop3A_415 = arith.index_cast %parallel_loop3A_414 : i32 to index
          %parallel_loop3A_416 = tpu.vector_load %arg10[%parallel_loop3A_415] {strides = array<i32>} : memref<4096xf32, #tpu.memory_space<vmem>>, vector<16xf32>,
          %parallel_loop3A_417 = vector.shape_cast %parallel_loop3A_416 : vector<16xf32> to vector<16xf32>
          %parallel_loop3A_418 = arith.constant 16 : i32
          %parallel_loop3A_419 = arith.muli %parallel_loop3A_122, %parallel_loop3A_418 : i32
          %parallel_loop3A_420 = arith.constant 2816 : i32
          %parallel_loop3A_421 = arith.addi %parallel_loop3A_420, %parallel_loop3A_419 : i32
          %parallel_loop3A_422 = arith.index_cast %parallel_loop3A_421 : i32 to index
          %parallel_loop3A_423 = tpu.vector_load %arg12[%parallel_loop3A_422] {strides = array<i32>} : memref<4096xi32, #tpu.memory_space<vmem>>, vector<16xi32>,
          %parallel_loop3A_424 = vector.shape_cast %parallel_loop3A_423 : vector<16xi32> to vector<16xi32>
          %parallel_loop3A_425 = arith.constant 16 : i32
          %parallel_loop3A_426 = vector.broadcast %parallel_loop3A_425 : i32 to vector<16xi32>
          %parallel_loop3A_427 = arith.shli %parallel_loop3A_424, %parallel_loop3A_426 : vector<16xi32>
          %parallel_loop3A_428 = tpu.bitcast %parallel_loop3A_427 : vector<16xi32> -> vector<16xf32>
          %parallel_loop3A_429 = arith.constant -65536 : i32
          %parallel_loop3A_430 = vector.broadcast %parallel_loop3A_429 : i32 to vector<16xi32>
          %parallel_loop3A_431 = arith.andi %parallel_loop3A_424, %parallel_loop3A_430 : vector<16xi32>
          %parallel_loop3A_432 = tpu.bitcast %parallel_loop3A_431 : vector<16xi32> -> vector<16xf32>
          %parallel_loop3A_433 = arith.mulf %parallel_loop3A_417, %parallel_loop3A_428 : vector<16xf32>
          %parallel_loop3A_434 = arith.addf %parallel_loop3A_382, %parallel_loop3A_433 : vector<16xf32>
          %parallel_loop3A_435 = arith.mulf %parallel_loop3A_417, %parallel_loop3A_432 : vector<16xf32>
          %parallel_loop3A_436 = arith.addf %parallel_loop3A_384, %parallel_loop3A_435 : vector<16xf32>
          %parallel_loop3A_437 = arith.constant 16 : i32
          %parallel_loop3A_438 = arith.muli %parallel_loop3A_122, %parallel_loop3A_437 : i32
          %parallel_loop3A_439 = arith.constant 3072 : i32
          %parallel_loop3A_440 = arith.addi %parallel_loop3A_439, %parallel_loop3A_438 : i32
          %parallel_loop3A_441 = arith.index_cast %parallel_loop3A_440 : i32 to index
          %parallel_loop3A_442 = tpu.vector_load %arg10[%parallel_loop3A_441] {strides = array<i32>} : memref<4096xf32, #tpu.memory_space<vmem>>, vector<16xf32>,
          %parallel_loop3A_443 = vector.shape_cast %parallel_loop3A_442 : vector<16xf32> to vector<16xf32>
          %parallel_loop3A_444 = arith.constant 16 : i32
          %parallel_loop3A_445 = arith.muli %parallel_loop3A_122, %parallel_loop3A_444 : i32
          %parallel_loop3A_446 = arith.constant 3072 : i32
          %parallel_loop3A_447 = arith.addi %parallel_loop3A_446, %parallel_loop3A_445 : i32
          %parallel_loop3A_448 = arith.index_cast %parallel_loop3A_447 : i32 to index
          %parallel_loop3A_449 = tpu.vector_load %arg12[%parallel_loop3A_448] {strides = array<i32>} : memref<4096xi32, #tpu.memory_space<vmem>>, vector<16xi32>,
          %parallel_loop3A_450 = vector.shape_cast %parallel_loop3A_449 : vector<16xi32> to vector<16xi32>
          %parallel_loop3A_451 = arith.constant 16 : i32
          %parallel_loop3A_452 = vector.broadcast %parallel_loop3A_451 : i32 to vector<16xi32>
          %parallel_loop3A_453 = arith.shli %parallel_loop3A_450, %parallel_loop3A_452 : vector<16xi32>
          %parallel_loop3A_454 = tpu.bitcast %parallel_loop3A_453 : vector<16xi32> -> vector<16xf32>
          %parallel_loop3A_455 = arith.constant -65536 : i32
          %parallel_loop3A_456 = vector.broadcast %parallel_loop3A_455 : i32 to vector<16xi32>
          %parallel_loop3A_457 = arith.andi %parallel_loop3A_450, %parallel_loop3A_456 : vector<16xi32>
          %parallel_loop3A_458 = tpu.bitcast %parallel_loop3A_457 : vector<16xi32> -> vector<16xf32>
          %parallel_loop3A_459 = arith.mulf %parallel_loop3A_443, %parallel_loop3A_454 : vector<16xf32>
          %parallel_loop3A_460 = arith.addf %parallel_loop3A_408, %parallel_loop3A_459 : vector<16xf32>
          %parallel_loop3A_461 = arith.mulf %parallel_loop3A_443, %parallel_loop3A_458 : vector<16xf32>
          %parallel_loop3A_462 = arith.addf %parallel_loop3A_410, %parallel_loop3A_461 : vector<16xf32>
          %parallel_loop3A_463 = arith.constant 16 : i32
          %parallel_loop3A_464 = arith.muli %parallel_loop3A_122, %parallel_loop3A_463 : i32
          %parallel_loop3A_465 = arith.constant 3328 : i32
          %parallel_loop3A_466 = arith.addi %parallel_loop3A_465, %parallel_loop3A_464 : i32
          %parallel_loop3A_467 = arith.index_cast %parallel_loop3A_466 : i32 to index
          %parallel_loop3A_468 = tpu.vector_load %arg10[%parallel_loop3A_467] {strides = array<i32>} : memref<4096xf32, #tpu.memory_space<vmem>>, vector<16xf32>,
          %parallel_loop3A_469 = vector.shape_cast %parallel_loop3A_468 : vector<16xf32> to vector<16xf32>
          %parallel_loop3A_470 = arith.constant 16 : i32
          %parallel_loop3A_471 = arith.muli %parallel_loop3A_122, %parallel_loop3A_470 : i32
          %parallel_loop3A_472 = arith.constant 3328 : i32
          %parallel_loop3A_473 = arith.addi %parallel_loop3A_472, %parallel_loop3A_471 : i32
          %parallel_loop3A_474 = arith.index_cast %parallel_loop3A_473 : i32 to index
          %parallel_loop3A_475 = tpu.vector_load %arg12[%parallel_loop3A_474] {strides = array<i32>} : memref<4096xi32, #tpu.memory_space<vmem>>, vector<16xi32>,
          %parallel_loop3A_476 = vector.shape_cast %parallel_loop3A_475 : vector<16xi32> to vector<16xi32>
          %parallel_loop3A_477 = arith.constant 16 : i32
          %parallel_loop3A_478 = vector.broadcast %parallel_loop3A_477 : i32 to vector<16xi32>
          %parallel_loop3A_479 = arith.shli %parallel_loop3A_476, %parallel_loop3A_478 : vector<16xi32>
          %parallel_loop3A_480 = tpu.bitcast %parallel_loop3A_479 : vector<16xi32> -> vector<16xf32>
          %parallel_loop3A_481 = arith.constant -65536 : i32
          %parallel_loop3A_482 = vector.broadcast %parallel_loop3A_481 : i32 to vector<16xi32>
          %parallel_loop3A_483 = arith.andi %parallel_loop3A_476, %parallel_loop3A_482 : vector<16xi32>
          %parallel_loop3A_484 = tpu.bitcast %parallel_loop3A_483 : vector<16xi32> -> vector<16xf32>
          %parallel_loop3A_485 = arith.mulf %parallel_loop3A_469, %parallel_loop3A_480 : vector<16xf32>
          %parallel_loop3A_486 = arith.addf %parallel_loop3A_434, %parallel_loop3A_485 : vector<16xf32>
          %parallel_loop3A_487 = arith.mulf %parallel_loop3A_469, %parallel_loop3A_484 : vector<16xf32>
          %parallel_loop3A_488 = arith.addf %parallel_loop3A_436, %parallel_loop3A_487 : vector<16xf32>
          %parallel_loop3A_489 = arith.constant 16 : i32
          %parallel_loop3A_490 = arith.muli %parallel_loop3A_122, %parallel_loop3A_489 : i32
          %parallel_loop3A_491 = arith.constant 3584 : i32
          %parallel_loop3A_492 = arith.addi %parallel_loop3A_491, %parallel_loop3A_490 : i32
          %parallel_loop3A_493 = arith.index_cast %parallel_loop3A_492 : i32 to index
          %parallel_loop3A_494 = tpu.vector_load %arg10[%parallel_loop3A_493] {strides = array<i32>} : memref<4096xf32, #tpu.memory_space<vmem>>, vector<16xf32>,
          %parallel_loop3A_495 = vector.shape_cast %parallel_loop3A_494 : vector<16xf32> to vector<16xf32>
          %parallel_loop3A_496 = arith.constant 16 : i32
          %parallel_loop3A_497 = arith.muli %parallel_loop3A_122, %parallel_loop3A_496 : i32
          %parallel_loop3A_498 = arith.constant 3584 : i32
          %parallel_loop3A_499 = arith.addi %parallel_loop3A_498, %parallel_loop3A_497 : i32
          %parallel_loop3A_500 = arith.index_cast %parallel_loop3A_499 : i32 to index
          %parallel_loop3A_501 = tpu.vector_load %arg12[%parallel_loop3A_500] {strides = array<i32>} : memref<4096xi32, #tpu.memory_space<vmem>>, vector<16xi32>,
          %parallel_loop3A_502 = vector.shape_cast %parallel_loop3A_501 : vector<16xi32> to vector<16xi32>
          %parallel_loop3A_503 = arith.constant 16 : i32
          %parallel_loop3A_504 = vector.broadcast %parallel_loop3A_503 : i32 to vector<16xi32>
          %parallel_loop3A_505 = arith.shli %parallel_loop3A_502, %parallel_loop3A_504 : vector<16xi32>
          %parallel_loop3A_506 = tpu.bitcast %parallel_loop3A_505 : vector<16xi32> -> vector<16xf32>
          %parallel_loop3A_507 = arith.constant -65536 : i32
          %parallel_loop3A_508 = vector.broadcast %parallel_loop3A_507 : i32 to vector<16xi32>
          %parallel_loop3A_509 = arith.andi %parallel_loop3A_502, %parallel_loop3A_508 : vector<16xi32>
          %parallel_loop3A_510 = tpu.bitcast %parallel_loop3A_509 : vector<16xi32> -> vector<16xf32>
          %parallel_loop3A_511 = arith.mulf %parallel_loop3A_495, %parallel_loop3A_506 : vector<16xf32>
          %parallel_loop3A_512 = arith.addf %parallel_loop3A_460, %parallel_loop3A_511 : vector<16xf32>
          %parallel_loop3A_513 = arith.mulf %parallel_loop3A_495, %parallel_loop3A_510 : vector<16xf32>
          %parallel_loop3A_514 = arith.addf %parallel_loop3A_462, %parallel_loop3A_513 : vector<16xf32>
          %parallel_loop3A_515 = arith.constant 16 : i32
          %parallel_loop3A_516 = arith.muli %parallel_loop3A_122, %parallel_loop3A_515 : i32
          %parallel_loop3A_517 = arith.constant 3840 : i32
          %parallel_loop3A_518 = arith.addi %parallel_loop3A_517, %parallel_loop3A_516 : i32
          %parallel_loop3A_519 = arith.index_cast %parallel_loop3A_518 : i32 to index
          %parallel_loop3A_520 = tpu.vector_load %arg10[%parallel_loop3A_519] {strides = array<i32>} : memref<4096xf32, #tpu.memory_space<vmem>>, vector<16xf32>,
          %parallel_loop3A_521 = vector.shape_cast %parallel_loop3A_520 : vector<16xf32> to vector<16xf32>
          %parallel_loop3A_522 = arith.constant 16 : i32
          %parallel_loop3A_523 = arith.muli %parallel_loop3A_122, %parallel_loop3A_522 : i32
          %parallel_loop3A_524 = arith.constant 3840 : i32
          %parallel_loop3A_525 = arith.addi %parallel_loop3A_524, %parallel_loop3A_523 : i32
          %parallel_loop3A_526 = arith.index_cast %parallel_loop3A_525 : i32 to index
          %parallel_loop3A_527 = tpu.vector_load %arg12[%parallel_loop3A_526] {strides = array<i32>} : memref<4096xi32, #tpu.memory_space<vmem>>, vector<16xi32>,
          %parallel_loop3A_528 = vector.shape_cast %parallel_loop3A_527 : vector<16xi32> to vector<16xi32>
          %parallel_loop3A_529 = arith.constant 16 : i32
          %parallel_loop3A_530 = vector.broadcast %parallel_loop3A_529 : i32 to vector<16xi32>
          %parallel_loop3A_531 = arith.shli %parallel_loop3A_528, %parallel_loop3A_530 : vector<16xi32>
          %parallel_loop3A_532 = tpu.bitcast %parallel_loop3A_531 : vector<16xi32> -> vector<16xf32>
          %parallel_loop3A_533 = arith.constant -65536 : i32
          %parallel_loop3A_534 = vector.broadcast %parallel_loop3A_533 : i32 to vector<16xi32>
          %parallel_loop3A_535 = arith.andi %parallel_loop3A_528, %parallel_loop3A_534 : vector<16xi32>
          %parallel_loop3A_536 = tpu.bitcast %parallel_loop3A_535 : vector<16xi32> -> vector<16xf32>
          %parallel_loop3A_537 = arith.mulf %parallel_loop3A_521, %parallel_loop3A_532 : vector<16xf32>
          %parallel_loop3A_538 = arith.addf %parallel_loop3A_486, %parallel_loop3A_537 : vector<16xf32>
          %parallel_loop3A_539 = arith.mulf %parallel_loop3A_521, %parallel_loop3A_536 : vector<16xf32>
          %parallel_loop3A_540 = arith.addf %parallel_loop3A_488, %parallel_loop3A_539 : vector<16xf32>
          %parallel_loop3A_541 = arith.addf %parallel_loop3A_512, %parallel_loop3A_538 : vector<16xf32>
          %parallel_loop3A_542 = arith.constant 16 : i32
          %parallel_loop3A_543 = arith.muli %parallel_loop3A_122, %parallel_loop3A_542 : i32
          %parallel_loop3A_544 = arith.addi %mul3A_103, %parallel_loop3A_543 : i32
          %parallel_loop3A_545 = arith.constant 0 : i32
          %parallel_loop3A_546 = arith.index_cast %and3A_42 : i32 to index
          %parallel_loop3A_547 = arith.index_cast %parallel_loop3A_545 : i32 to index
          %parallel_loop3A_548 = arith.index_cast %parallel_loop3A_544 : i32 to index
          %parallel_loop3A_549 = tpu.vector_load %arg14[%parallel_loop3A_546, %parallel_loop3A_547, %parallel_loop3A_548] {strides = array<i32>} : memref<2x2x2048xf32, #tpu.memory_space<vmem>>, vector<1x1x16xf32>,
          %parallel_loop3A_550 = vector.shape_cast %parallel_loop3A_549 : vector<1x1x16xf32> to vector<16xf32>
          %parallel_loop3A_551 = vector.shape_cast %parallel_loop3A_541 : vector<16xf32> to vector<1x1x16xf32>
          tpu.vector_store %arg14[%parallel_loop3A_546, %parallel_loop3A_547, %parallel_loop3A_548], %parallel_loop3A_551 {strides = array<i32>} : memref<2x2x2048xf32, #tpu.memory_space<vmem>>, vector<1x1x16xf32>,
          %parallel_loop3A_552 = arith.addf %parallel_loop3A_514, %parallel_loop3A_540 : vector<16xf32>
          %parallel_loop3A_553 = arith.constant 16 : i32
          %parallel_loop3A_554 = arith.muli %parallel_loop3A_122, %parallel_loop3A_553 : i32
          %parallel_loop3A_555 = arith.addi %mul3A_103, %parallel_loop3A_554 : i32
          %parallel_loop3A_556 = arith.constant 1 : i32
          %parallel_loop3A_557 = arith.index_cast %and3A_42 : i32 to index
          %parallel_loop3A_558 = arith.index_cast %parallel_loop3A_556 : i32 to index
          %parallel_loop3A_559 = arith.index_cast %parallel_loop3A_555 : i32 to index
          %parallel_loop3A_560 = tpu.vector_load %arg14[%parallel_loop3A_557, %parallel_loop3A_558, %parallel_loop3A_559] {strides = array<i32>} : memref<2x2x2048xf32, #tpu.memory_space<vmem>>, vector<1x1x16xf32>,
          %parallel_loop3A_561 = vector.shape_cast %parallel_loop3A_560 : vector<1x1x16xf32> to vector<16xf32>
          %parallel_loop3A_562 = vector.shape_cast %parallel_loop3A_552 : vector<16xf32> to vector<1x1x16xf32>
          tpu.vector_store %arg14[%parallel_loop3A_557, %parallel_loop3A_558, %parallel_loop3A_559], %parallel_loop3A_562 {strides = array<i32>} : memref<2x2x2048xf32, #tpu.memory_space<vmem>>, vector<1x1x16xf32>,
        } {sc.loop_unroll_factor = 2 : i64, sc.parallel_access}
        %lt3A_107 = arith.constant 3 : i32
        %lt3A_108 = arith.cmpi slt, %scan3A_87, %lt3A_107 : i32
        %convert_element_type3A_109 = arith.extui %lt3A_108 : i1 to i32
        %cond3A_110 = arith.constant 0 : i32
        %cond3A_111 = arith.cmpi ne, %convert_element_type3A_109, %cond3A_110 : i32
        scf.if %cond3A_111 {
          %add3A_122 = arith.constant 2 : i32
          %add3A_123 = arith.addi %mul3A_90, %add3A_122 : i32
          %mul3A_124 = arith.constant 256 : i32
          %mul3A_125 = arith.muli %add3A_123, %mul3A_124 : i32
          %parallel_loop3A_126 = arith.constant 0 : i32
          %parallel_loop3A_127 = arith.constant 16 : i32
          %parallel_loop3A_128 = arith.constant 1 : i32
          scf.for %parallel_loop3A_131 = %parallel_loop3A_126 to %parallel_loop3A_127 step %parallel_loop3A_128  : i32 {
            %parallel_loop3A_132 = arith.constant 16 : i32
            %parallel_loop3A_133 = arith.muli %parallel_loop3A_131, %parallel_loop3A_132 : i32
            %parallel_loop3A_134 = arith.addi %mul3A_125, %parallel_loop3A_133 : i32
            %parallel_loop3A_135 = arith.constant 0 : i32
            %parallel_loop3A_136 = arith.addi %parallel_loop3A_135, %parallel_loop3A_134 : i32
            %parallel_loop3A_137 = arith.index_cast %parallel_loop3A_136 : i32 to index
            %parallel_loop3A_138 = tpu.vector_load %arg6[%parallel_loop3A_137] {strides = array<i32>} : memref<8192xf32, #tpu.memory_space<vmem>>, vector<16xf32>,
            %parallel_loop3A_139 = vector.shape_cast %parallel_loop3A_138 : vector<16xf32> to vector<16xf32>
            %parallel_loop3A_140 = arith.mulf %parallel_loop3A_139, %get3A_50 : vector<16xf32>
            %parallel_loop3A_141 = arith.fptosi %parallel_loop3A_140 : vector<16xf32> to vector<16xi32>
            %parallel_loop3A_142 = arith.sitofp %parallel_loop3A_141 : vector<16xi32> to vector<16xf32>
            %parallel_loop3A_143 = arith.subf %parallel_loop3A_140, %parallel_loop3A_142 : vector<16xf32>
            %parallel_loop3A_144 = arith.addi %parallel_loop3A_141, %broadcast_in_dim3A_11 : vector<16xi32>
            %parallel_loop3A_145 = arith.constant 2048 : i32
            %parallel_loop3A_146 = arith.addi %parallel_loop3A_145, %parallel_loop3A_134 : i32
            %parallel_loop3A_147 = arith.index_cast %parallel_loop3A_146 : i32 to index
            %parallel_loop3A_148 = tpu.vector_load %arg6[%parallel_loop3A_147] {strides = array<i32>} : memref<8192xf32, #tpu.memory_space<vmem>>, vector<16xf32>,
            %parallel_loop3A_149 = vector.shape_cast %parallel_loop3A_148 : vector<16xf32> to vector<16xf32>
            %parallel_loop3A_150 = arith.mulf %parallel_loop3A_149, %get3A_50 : vector<16xf32>
            %parallel_loop3A_151 = arith.fptosi %parallel_loop3A_150 : vector<16xf32> to vector<16xi32>
            %parallel_loop3A_152 = arith.sitofp %parallel_loop3A_151 : vector<16xi32> to vector<16xf32>
            %parallel_loop3A_153 = arith.subf %parallel_loop3A_150, %parallel_loop3A_152 : vector<16xf32>
            %parallel_loop3A_154 = arith.muli %parallel_loop3A_151, %broadcast_in_dim3A_13 : vector<16xi32>
            %parallel_loop3A_155 = arith.addi %parallel_loop3A_154, %broadcast_in_dim3A_13 : vector<16xi32>
            %parallel_loop3A_156 = arith.constant 4096 : i32
            %parallel_loop3A_157 = arith.addi %parallel_loop3A_156, %parallel_loop3A_134 : i32
            %parallel_loop3A_158 = arith.index_cast %parallel_loop3A_157 : i32 to index
            %parallel_loop3A_159 = tpu.vector_load %arg6[%parallel_loop3A_158] {strides = array<i32>} : memref<8192xf32, #tpu.memory_space<vmem>>, vector<16xf32>,
            %parallel_loop3A_160 = vector.shape_cast %parallel_loop3A_159 : vector<16xf32> to vector<16xf32>
            %parallel_loop3A_161 = arith.mulf %parallel_loop3A_160, %get3A_50 : vector<16xf32>
            %parallel_loop3A_162 = arith.fptosi %parallel_loop3A_161 : vector<16xf32> to vector<16xi32>
            %parallel_loop3A_163 = arith.sitofp %parallel_loop3A_162 : vector<16xi32> to vector<16xf32>
            %parallel_loop3A_164 = arith.subf %parallel_loop3A_161, %parallel_loop3A_163 : vector<16xf32>
            %parallel_loop3A_165 = arith.muli %parallel_loop3A_162, %broadcast_in_dim3A_15 : vector<16xi32>
            %parallel_loop3A_166 = arith.addi %parallel_loop3A_165, %broadcast_in_dim3A_15 : vector<16xi32>
            %parallel_loop3A_167 = arith.constant 6144 : i32
            %parallel_loop3A_168 = arith.addi %parallel_loop3A_167, %parallel_loop3A_134 : i32
            %parallel_loop3A_169 = arith.index_cast %parallel_loop3A_168 : i32 to index
            %parallel_loop3A_170 = tpu.vector_load %arg6[%parallel_loop3A_169] {strides = array<i32>} : memref<8192xf32, #tpu.memory_space<vmem>>, vector<16xf32>,
            %parallel_loop3A_171 = vector.shape_cast %parallel_loop3A_170 : vector<16xf32> to vector<16xf32>
            %parallel_loop3A_172 = arith.mulf %parallel_loop3A_171, %get3A_50 : vector<16xf32>
            %parallel_loop3A_173 = arith.fptosi %parallel_loop3A_172 : vector<16xf32> to vector<16xi32>
            %parallel_loop3A_174 = arith.sitofp %parallel_loop3A_173 : vector<16xi32> to vector<16xf32>
            %parallel_loop3A_175 = arith.subf %parallel_loop3A_172, %parallel_loop3A_174 : vector<16xf32>
            %parallel_loop3A_176 = arith.muli %parallel_loop3A_173, %broadcast_in_dim3A_17 : vector<16xi32>
            %parallel_loop3A_177 = arith.addi %parallel_loop3A_176, %broadcast_in_dim3A_17 : vector<16xi32>
            %parallel_loop3A_178 = arith.xori %parallel_loop3A_141, %parallel_loop3A_154 : vector<16xi32>
            %parallel_loop3A_179 = arith.xori %parallel_loop3A_144, %parallel_loop3A_154 : vector<16xi32>
            %parallel_loop3A_180 = arith.xori %parallel_loop3A_141, %parallel_loop3A_155 : vector<16xi32>
            %parallel_loop3A_181 = arith.xori %parallel_loop3A_144, %parallel_loop3A_155 : vector<16xi32>
            %parallel_loop3A_182 = arith.xori %parallel_loop3A_165, %parallel_loop3A_176 : vector<16xi32>
            %parallel_loop3A_183 = arith.xori %parallel_loop3A_166, %parallel_loop3A_176 : vector<16xi32>
            %parallel_loop3A_184 = arith.xori %parallel_loop3A_165, %parallel_loop3A_177 : vector<16xi32>
            %parallel_loop3A_185 = arith.xori %parallel_loop3A_166, %parallel_loop3A_177 : vector<16xi32>
            %parallel_loop3A_186 = arith.xori %parallel_loop3A_178, %parallel_loop3A_182 : vector<16xi32>
            %parallel_loop3A_187 = arith.constant 524287 : i32
            %parallel_loop3A_188 = vector.broadcast %parallel_loop3A_187 : i32 to vector<16xi32>
            %parallel_loop3A_189 = arith.andi %parallel_loop3A_186, %parallel_loop3A_188 : vector<16xi32>
            %parallel_loop3A_190 = arith.addi %parallel_loop3A_189, %broadcast_in_dim3A_53 : vector<16xi32>
            %parallel_loop3A_191 = arith.constant 16 : i32
            %parallel_loop3A_192 = arith.muli %parallel_loop3A_131, %parallel_loop3A_191 : i32
            %parallel_loop3A_193 = arith.constant 0 : i32
            %parallel_loop3A_194 = arith.addi %parallel_loop3A_193, %parallel_loop3A_192 : i32
            %parallel_loop3A_195 = arith.index_cast %parallel_loop3A_194 : i32 to index
            %parallel_loop3A_196 = tpu.vector_load %arg8[%parallel_loop3A_195] {strides = array<i32>} : memref<4096xi32, #tpu.memory_space<vmem>>, vector<16xi32>,
            %parallel_loop3A_197 = vector.shape_cast %parallel_loop3A_196 : vector<16xi32> to vector<16xi32>
            %parallel_loop3A_198 = vector.shape_cast %parallel_loop3A_190 : vector<16xi32> to vector<16xi32>
            tpu.vector_store %arg8[%parallel_loop3A_195], %parallel_loop3A_198 {strides = array<i32>} : memref<4096xi32, #tpu.memory_space<vmem>>, vector<16xi32>,
            %parallel_loop3A_199 = arith.xori %parallel_loop3A_179, %parallel_loop3A_182 : vector<16xi32>
            %parallel_loop3A_200 = arith.constant 524287 : i32
            %parallel_loop3A_201 = vector.broadcast %parallel_loop3A_200 : i32 to vector<16xi32>
            %parallel_loop3A_202 = arith.andi %parallel_loop3A_199, %parallel_loop3A_201 : vector<16xi32>
            %parallel_loop3A_203 = arith.addi %parallel_loop3A_202, %broadcast_in_dim3A_53 : vector<16xi32>
            %parallel_loop3A_204 = arith.constant 16 : i32
            %parallel_loop3A_205 = arith.muli %parallel_loop3A_131, %parallel_loop3A_204 : i32
            %parallel_loop3A_206 = arith.constant 256 : i32
            %parallel_loop3A_207 = arith.addi %parallel_loop3A_206, %parallel_loop3A_205 : i32
            %parallel_loop3A_208 = arith.index_cast %parallel_loop3A_207 : i32 to index
            %parallel_loop3A_209 = tpu.vector_load %arg8[%parallel_loop3A_208] {strides = array<i32>} : memref<4096xi32, #tpu.memory_space<vmem>>, vector<16xi32>,
            %parallel_loop3A_210 = vector.shape_cast %parallel_loop3A_209 : vector<16xi32> to vector<16xi32>
            %parallel_loop3A_211 = vector.shape_cast %parallel_loop3A_203 : vector<16xi32> to vector<16xi32>
            tpu.vector_store %arg8[%parallel_loop3A_208], %parallel_loop3A_211 {strides = array<i32>} : memref<4096xi32, #tpu.memory_space<vmem>>, vector<16xi32>,
            %parallel_loop3A_212 = arith.xori %parallel_loop3A_180, %parallel_loop3A_182 : vector<16xi32>
            %parallel_loop3A_213 = arith.constant 524287 : i32
            %parallel_loop3A_214 = vector.broadcast %parallel_loop3A_213 : i32 to vector<16xi32>
            %parallel_loop3A_215 = arith.andi %parallel_loop3A_212, %parallel_loop3A_214 : vector<16xi32>
            %parallel_loop3A_216 = arith.addi %parallel_loop3A_215, %broadcast_in_dim3A_53 : vector<16xi32>
            %parallel_loop3A_217 = arith.constant 16 : i32
            %parallel_loop3A_218 = arith.muli %parallel_loop3A_131, %parallel_loop3A_217 : i32
            %parallel_loop3A_219 = arith.constant 512 : i32
            %parallel_loop3A_220 = arith.addi %parallel_loop3A_219, %parallel_loop3A_218 : i32
            %parallel_loop3A_221 = arith.index_cast %parallel_loop3A_220 : i32 to index
            %parallel_loop3A_222 = tpu.vector_load %arg8[%parallel_loop3A_221] {strides = array<i32>} : memref<4096xi32, #tpu.memory_space<vmem>>, vector<16xi32>,
            %parallel_loop3A_223 = vector.shape_cast %parallel_loop3A_222 : vector<16xi32> to vector<16xi32>
            %parallel_loop3A_224 = vector.shape_cast %parallel_loop3A_216 : vector<16xi32> to vector<16xi32>
            tpu.vector_store %arg8[%parallel_loop3A_221], %parallel_loop3A_224 {strides = array<i32>} : memref<4096xi32, #tpu.memory_space<vmem>>, vector<16xi32>,
            %parallel_loop3A_225 = arith.xori %parallel_loop3A_181, %parallel_loop3A_182 : vector<16xi32>
            %parallel_loop3A_226 = arith.constant 524287 : i32
            %parallel_loop3A_227 = vector.broadcast %parallel_loop3A_226 : i32 to vector<16xi32>
            %parallel_loop3A_228 = arith.andi %parallel_loop3A_225, %parallel_loop3A_227 : vector<16xi32>
            %parallel_loop3A_229 = arith.addi %parallel_loop3A_228, %broadcast_in_dim3A_53 : vector<16xi32>
            %parallel_loop3A_230 = arith.constant 16 : i32
            %parallel_loop3A_231 = arith.muli %parallel_loop3A_131, %parallel_loop3A_230 : i32
            %parallel_loop3A_232 = arith.constant 768 : i32
            %parallel_loop3A_233 = arith.addi %parallel_loop3A_232, %parallel_loop3A_231 : i32
            %parallel_loop3A_234 = arith.index_cast %parallel_loop3A_233 : i32 to index
            %parallel_loop3A_235 = tpu.vector_load %arg8[%parallel_loop3A_234] {strides = array<i32>} : memref<4096xi32, #tpu.memory_space<vmem>>, vector<16xi32>,
            %parallel_loop3A_236 = vector.shape_cast %parallel_loop3A_235 : vector<16xi32> to vector<16xi32>
            %parallel_loop3A_237 = vector.shape_cast %parallel_loop3A_229 : vector<16xi32> to vector<16xi32>
            tpu.vector_store %arg8[%parallel_loop3A_234], %parallel_loop3A_237 {strides = array<i32>} : memref<4096xi32, #tpu.memory_space<vmem>>, vector<16xi32>,
            %parallel_loop3A_238 = arith.xori %parallel_loop3A_178, %parallel_loop3A_183 : vector<16xi32>
            %parallel_loop3A_239 = arith.constant 524287 : i32
            %parallel_loop3A_240 = vector.broadcast %parallel_loop3A_239 : i32 to vector<16xi32>
            %parallel_loop3A_241 = arith.andi %parallel_loop3A_238, %parallel_loop3A_240 : vector<16xi32>
            %parallel_loop3A_242 = arith.addi %parallel_loop3A_241, %broadcast_in_dim3A_53 : vector<16xi32>
            %parallel_loop3A_243 = arith.constant 16 : i32
            %parallel_loop3A_244 = arith.muli %parallel_loop3A_131, %parallel_loop3A_243 : i32
            %parallel_loop3A_245 = arith.constant 1024 : i32
            %parallel_loop3A_246 = arith.addi %parallel_loop3A_245, %parallel_loop3A_244 : i32
            %parallel_loop3A_247 = arith.index_cast %parallel_loop3A_246 : i32 to index
            %parallel_loop3A_248 = tpu.vector_load %arg8[%parallel_loop3A_247] {strides = array<i32>} : memref<4096xi32, #tpu.memory_space<vmem>>, vector<16xi32>,
            %parallel_loop3A_249 = vector.shape_cast %parallel_loop3A_248 : vector<16xi32> to vector<16xi32>
            %parallel_loop3A_250 = vector.shape_cast %parallel_loop3A_242 : vector<16xi32> to vector<16xi32>
            tpu.vector_store %arg8[%parallel_loop3A_247], %parallel_loop3A_250 {strides = array<i32>} : memref<4096xi32, #tpu.memory_space<vmem>>, vector<16xi32>,
            %parallel_loop3A_251 = arith.xori %parallel_loop3A_179, %parallel_loop3A_183 : vector<16xi32>
            %parallel_loop3A_252 = arith.constant 524287 : i32
            %parallel_loop3A_253 = vector.broadcast %parallel_loop3A_252 : i32 to vector<16xi32>
            %parallel_loop3A_254 = arith.andi %parallel_loop3A_251, %parallel_loop3A_253 : vector<16xi32>
            %parallel_loop3A_255 = arith.addi %parallel_loop3A_254, %broadcast_in_dim3A_53 : vector<16xi32>
            %parallel_loop3A_256 = arith.constant 16 : i32
            %parallel_loop3A_257 = arith.muli %parallel_loop3A_131, %parallel_loop3A_256 : i32
            %parallel_loop3A_258 = arith.constant 1280 : i32
            %parallel_loop3A_259 = arith.addi %parallel_loop3A_258, %parallel_loop3A_257 : i32
            %parallel_loop3A_260 = arith.index_cast %parallel_loop3A_259 : i32 to index
            %parallel_loop3A_261 = tpu.vector_load %arg8[%parallel_loop3A_260] {strides = array<i32>} : memref<4096xi32, #tpu.memory_space<vmem>>, vector<16xi32>,
            %parallel_loop3A_262 = vector.shape_cast %parallel_loop3A_261 : vector<16xi32> to vector<16xi32>
            %parallel_loop3A_263 = vector.shape_cast %parallel_loop3A_255 : vector<16xi32> to vector<16xi32>
            tpu.vector_store %arg8[%parallel_loop3A_260], %parallel_loop3A_263 {strides = array<i32>} : memref<4096xi32, #tpu.memory_space<vmem>>, vector<16xi32>,
            %parallel_loop3A_264 = arith.xori %parallel_loop3A_180, %parallel_loop3A_183 : vector<16xi32>
            %parallel_loop3A_265 = arith.constant 524287 : i32
            %parallel_loop3A_266 = vector.broadcast %parallel_loop3A_265 : i32 to vector<16xi32>
            %parallel_loop3A_267 = arith.andi %parallel_loop3A_264, %parallel_loop3A_266 : vector<16xi32>
            %parallel_loop3A_268 = arith.addi %parallel_loop3A_267, %broadcast_in_dim3A_53 : vector<16xi32>
            %parallel_loop3A_269 = arith.constant 16 : i32
            %parallel_loop3A_270 = arith.muli %parallel_loop3A_131, %parallel_loop3A_269 : i32
            %parallel_loop3A_271 = arith.constant 1536 : i32
            %parallel_loop3A_272 = arith.addi %parallel_loop3A_271, %parallel_loop3A_270 : i32
            %parallel_loop3A_273 = arith.index_cast %parallel_loop3A_272 : i32 to index
            %parallel_loop3A_274 = tpu.vector_load %arg8[%parallel_loop3A_273] {strides = array<i32>} : memref<4096xi32, #tpu.memory_space<vmem>>, vector<16xi32>,
            %parallel_loop3A_275 = vector.shape_cast %parallel_loop3A_274 : vector<16xi32> to vector<16xi32>
            %parallel_loop3A_276 = vector.shape_cast %parallel_loop3A_268 : vector<16xi32> to vector<16xi32>
            tpu.vector_store %arg8[%parallel_loop3A_273], %parallel_loop3A_276 {strides = array<i32>} : memref<4096xi32, #tpu.memory_space<vmem>>, vector<16xi32>,
            %parallel_loop3A_277 = arith.xori %parallel_loop3A_181, %parallel_loop3A_183 : vector<16xi32>
            %parallel_loop3A_278 = arith.constant 524287 : i32
            %parallel_loop3A_279 = vector.broadcast %parallel_loop3A_278 : i32 to vector<16xi32>
            %parallel_loop3A_280 = arith.andi %parallel_loop3A_277, %parallel_loop3A_279 : vector<16xi32>
            %parallel_loop3A_281 = arith.addi %parallel_loop3A_280, %broadcast_in_dim3A_53 : vector<16xi32>
            %parallel_loop3A_282 = arith.constant 16 : i32
            %parallel_loop3A_283 = arith.muli %parallel_loop3A_131, %parallel_loop3A_282 : i32
            %parallel_loop3A_284 = arith.constant 1792 : i32
            %parallel_loop3A_285 = arith.addi %parallel_loop3A_284, %parallel_loop3A_283 : i32
            %parallel_loop3A_286 = arith.index_cast %parallel_loop3A_285 : i32 to index
            %parallel_loop3A_287 = tpu.vector_load %arg8[%parallel_loop3A_286] {strides = array<i32>} : memref<4096xi32, #tpu.memory_space<vmem>>, vector<16xi32>,
            %parallel_loop3A_288 = vector.shape_cast %parallel_loop3A_287 : vector<16xi32> to vector<16xi32>
            %parallel_loop3A_289 = vector.shape_cast %parallel_loop3A_281 : vector<16xi32> to vector<16xi32>
            tpu.vector_store %arg8[%parallel_loop3A_286], %parallel_loop3A_289 {strides = array<i32>} : memref<4096xi32, #tpu.memory_space<vmem>>, vector<16xi32>,
            %parallel_loop3A_290 = arith.xori %parallel_loop3A_178, %parallel_loop3A_184 : vector<16xi32>
            %parallel_loop3A_291 = arith.constant 524287 : i32
            %parallel_loop3A_292 = vector.broadcast %parallel_loop3A_291 : i32 to vector<16xi32>
            %parallel_loop3A_293 = arith.andi %parallel_loop3A_290, %parallel_loop3A_292 : vector<16xi32>
            %parallel_loop3A_294 = arith.addi %parallel_loop3A_293, %broadcast_in_dim3A_53 : vector<16xi32>
            %parallel_loop3A_295 = arith.constant 16 : i32
            %parallel_loop3A_296 = arith.muli %parallel_loop3A_131, %parallel_loop3A_295 : i32
            %parallel_loop3A_297 = arith.constant 2048 : i32
            %parallel_loop3A_298 = arith.addi %parallel_loop3A_297, %parallel_loop3A_296 : i32
            %parallel_loop3A_299 = arith.index_cast %parallel_loop3A_298 : i32 to index
            %parallel_loop3A_300 = tpu.vector_load %arg8[%parallel_loop3A_299] {strides = array<i32>} : memref<4096xi32, #tpu.memory_space<vmem>>, vector<16xi32>,
            %parallel_loop3A_301 = vector.shape_cast %parallel_loop3A_300 : vector<16xi32> to vector<16xi32>
            %parallel_loop3A_302 = vector.shape_cast %parallel_loop3A_294 : vector<16xi32> to vector<16xi32>
            tpu.vector_store %arg8[%parallel_loop3A_299], %parallel_loop3A_302 {strides = array<i32>} : memref<4096xi32, #tpu.memory_space<vmem>>, vector<16xi32>,
            %parallel_loop3A_303 = arith.xori %parallel_loop3A_179, %parallel_loop3A_184 : vector<16xi32>
            %parallel_loop3A_304 = arith.constant 524287 : i32
            %parallel_loop3A_305 = vector.broadcast %parallel_loop3A_304 : i32 to vector<16xi32>
            %parallel_loop3A_306 = arith.andi %parallel_loop3A_303, %parallel_loop3A_305 : vector<16xi32>
            %parallel_loop3A_307 = arith.addi %parallel_loop3A_306, %broadcast_in_dim3A_53 : vector<16xi32>
            %parallel_loop3A_308 = arith.constant 16 : i32
            %parallel_loop3A_309 = arith.muli %parallel_loop3A_131, %parallel_loop3A_308 : i32
            %parallel_loop3A_310 = arith.constant 2304 : i32
            %parallel_loop3A_311 = arith.addi %parallel_loop3A_310, %parallel_loop3A_309 : i32
            %parallel_loop3A_312 = arith.index_cast %parallel_loop3A_311 : i32 to index
            %parallel_loop3A_313 = tpu.vector_load %arg8[%parallel_loop3A_312] {strides = array<i32>} : memref<4096xi32, #tpu.memory_space<vmem>>, vector<16xi32>,
            %parallel_loop3A_314 = vector.shape_cast %parallel_loop3A_313 : vector<16xi32> to vector<16xi32>
            %parallel_loop3A_315 = vector.shape_cast %parallel_loop3A_307 : vector<16xi32> to vector<16xi32>
            tpu.vector_store %arg8[%parallel_loop3A_312], %parallel_loop3A_315 {strides = array<i32>} : memref<4096xi32, #tpu.memory_space<vmem>>, vector<16xi32>,
            %parallel_loop3A_316 = arith.xori %parallel_loop3A_180, %parallel_loop3A_184 : vector<16xi32>
            %parallel_loop3A_317 = arith.constant 524287 : i32
            %parallel_loop3A_318 = vector.broadcast %parallel_loop3A_317 : i32 to vector<16xi32>
            %parallel_loop3A_319 = arith.andi %parallel_loop3A_316, %parallel_loop3A_318 : vector<16xi32>
            %parallel_loop3A_320 = arith.addi %parallel_loop3A_319, %broadcast_in_dim3A_53 : vector<16xi32>
            %parallel_loop3A_321 = arith.constant 16 : i32
            %parallel_loop3A_322 = arith.muli %parallel_loop3A_131, %parallel_loop3A_321 : i32
            %parallel_loop3A_323 = arith.constant 2560 : i32
            %parallel_loop3A_324 = arith.addi %parallel_loop3A_323, %parallel_loop3A_322 : i32
            %parallel_loop3A_325 = arith.index_cast %parallel_loop3A_324 : i32 to index
            %parallel_loop3A_326 = tpu.vector_load %arg8[%parallel_loop3A_325] {strides = array<i32>} : memref<4096xi32, #tpu.memory_space<vmem>>, vector<16xi32>,
            %parallel_loop3A_327 = vector.shape_cast %parallel_loop3A_326 : vector<16xi32> to vector<16xi32>
            %parallel_loop3A_328 = vector.shape_cast %parallel_loop3A_320 : vector<16xi32> to vector<16xi32>
            tpu.vector_store %arg8[%parallel_loop3A_325], %parallel_loop3A_328 {strides = array<i32>} : memref<4096xi32, #tpu.memory_space<vmem>>, vector<16xi32>,
            %parallel_loop3A_329 = arith.xori %parallel_loop3A_181, %parallel_loop3A_184 : vector<16xi32>
            %parallel_loop3A_330 = arith.constant 524287 : i32
            %parallel_loop3A_331 = vector.broadcast %parallel_loop3A_330 : i32 to vector<16xi32>
            %parallel_loop3A_332 = arith.andi %parallel_loop3A_329, %parallel_loop3A_331 : vector<16xi32>
            %parallel_loop3A_333 = arith.addi %parallel_loop3A_332, %broadcast_in_dim3A_53 : vector<16xi32>
            %parallel_loop3A_334 = arith.constant 16 : i32
            %parallel_loop3A_335 = arith.muli %parallel_loop3A_131, %parallel_loop3A_334 : i32
            %parallel_loop3A_336 = arith.constant 2816 : i32
            %parallel_loop3A_337 = arith.addi %parallel_loop3A_336, %parallel_loop3A_335 : i32
            %parallel_loop3A_338 = arith.index_cast %parallel_loop3A_337 : i32 to index
            %parallel_loop3A_339 = tpu.vector_load %arg8[%parallel_loop3A_338] {strides = array<i32>} : memref<4096xi32, #tpu.memory_space<vmem>>, vector<16xi32>,
            %parallel_loop3A_340 = vector.shape_cast %parallel_loop3A_339 : vector<16xi32> to vector<16xi32>
            %parallel_loop3A_341 = vector.shape_cast %parallel_loop3A_333 : vector<16xi32> to vector<16xi32>
            tpu.vector_store %arg8[%parallel_loop3A_338], %parallel_loop3A_341 {strides = array<i32>} : memref<4096xi32, #tpu.memory_space<vmem>>, vector<16xi32>,
            %parallel_loop3A_342 = arith.xori %parallel_loop3A_178, %parallel_loop3A_185 : vector<16xi32>
            %parallel_loop3A_343 = arith.constant 524287 : i32
            %parallel_loop3A_344 = vector.broadcast %parallel_loop3A_343 : i32 to vector<16xi32>
            %parallel_loop3A_345 = arith.andi %parallel_loop3A_342, %parallel_loop3A_344 : vector<16xi32>
            %parallel_loop3A_346 = arith.addi %parallel_loop3A_345, %broadcast_in_dim3A_53 : vector<16xi32>
            %parallel_loop3A_347 = arith.constant 16 : i32
            %parallel_loop3A_348 = arith.muli %parallel_loop3A_131, %parallel_loop3A_347 : i32
            %parallel_loop3A_349 = arith.constant 3072 : i32
            %parallel_loop3A_350 = arith.addi %parallel_loop3A_349, %parallel_loop3A_348 : i32
            %parallel_loop3A_351 = arith.index_cast %parallel_loop3A_350 : i32 to index
            %parallel_loop3A_352 = tpu.vector_load %arg8[%parallel_loop3A_351] {strides = array<i32>} : memref<4096xi32, #tpu.memory_space<vmem>>, vector<16xi32>,
            %parallel_loop3A_353 = vector.shape_cast %parallel_loop3A_352 : vector<16xi32> to vector<16xi32>
            %parallel_loop3A_354 = vector.shape_cast %parallel_loop3A_346 : vector<16xi32> to vector<16xi32>
            tpu.vector_store %arg8[%parallel_loop3A_351], %parallel_loop3A_354 {strides = array<i32>} : memref<4096xi32, #tpu.memory_space<vmem>>, vector<16xi32>,
            %parallel_loop3A_355 = arith.xori %parallel_loop3A_179, %parallel_loop3A_185 : vector<16xi32>
            %parallel_loop3A_356 = arith.constant 524287 : i32
            %parallel_loop3A_357 = vector.broadcast %parallel_loop3A_356 : i32 to vector<16xi32>
            %parallel_loop3A_358 = arith.andi %parallel_loop3A_355, %parallel_loop3A_357 : vector<16xi32>
            %parallel_loop3A_359 = arith.addi %parallel_loop3A_358, %broadcast_in_dim3A_53 : vector<16xi32>
            %parallel_loop3A_360 = arith.constant 16 : i32
            %parallel_loop3A_361 = arith.muli %parallel_loop3A_131, %parallel_loop3A_360 : i32
            %parallel_loop3A_362 = arith.constant 3328 : i32
            %parallel_loop3A_363 = arith.addi %parallel_loop3A_362, %parallel_loop3A_361 : i32
            %parallel_loop3A_364 = arith.index_cast %parallel_loop3A_363 : i32 to index
            %parallel_loop3A_365 = tpu.vector_load %arg8[%parallel_loop3A_364] {strides = array<i32>} : memref<4096xi32, #tpu.memory_space<vmem>>, vector<16xi32>,
            %parallel_loop3A_366 = vector.shape_cast %parallel_loop3A_365 : vector<16xi32> to vector<16xi32>
            %parallel_loop3A_367 = vector.shape_cast %parallel_loop3A_359 : vector<16xi32> to vector<16xi32>
            tpu.vector_store %arg8[%parallel_loop3A_364], %parallel_loop3A_367 {strides = array<i32>} : memref<4096xi32, #tpu.memory_space<vmem>>, vector<16xi32>,
            %parallel_loop3A_368 = arith.xori %parallel_loop3A_180, %parallel_loop3A_185 : vector<16xi32>
            %parallel_loop3A_369 = arith.constant 524287 : i32
            %parallel_loop3A_370 = vector.broadcast %parallel_loop3A_369 : i32 to vector<16xi32>
            %parallel_loop3A_371 = arith.andi %parallel_loop3A_368, %parallel_loop3A_370 : vector<16xi32>
            %parallel_loop3A_372 = arith.addi %parallel_loop3A_371, %broadcast_in_dim3A_53 : vector<16xi32>
            %parallel_loop3A_373 = arith.constant 16 : i32
            %parallel_loop3A_374 = arith.muli %parallel_loop3A_131, %parallel_loop3A_373 : i32
            %parallel_loop3A_375 = arith.constant 3584 : i32
            %parallel_loop3A_376 = arith.addi %parallel_loop3A_375, %parallel_loop3A_374 : i32
            %parallel_loop3A_377 = arith.index_cast %parallel_loop3A_376 : i32 to index
            %parallel_loop3A_378 = tpu.vector_load %arg8[%parallel_loop3A_377] {strides = array<i32>} : memref<4096xi32, #tpu.memory_space<vmem>>, vector<16xi32>,
            %parallel_loop3A_379 = vector.shape_cast %parallel_loop3A_378 : vector<16xi32> to vector<16xi32>
            %parallel_loop3A_380 = vector.shape_cast %parallel_loop3A_372 : vector<16xi32> to vector<16xi32>
            tpu.vector_store %arg8[%parallel_loop3A_377], %parallel_loop3A_380 {strides = array<i32>} : memref<4096xi32, #tpu.memory_space<vmem>>, vector<16xi32>,
            %parallel_loop3A_381 = arith.xori %parallel_loop3A_181, %parallel_loop3A_185 : vector<16xi32>
            %parallel_loop3A_382 = arith.constant 524287 : i32
            %parallel_loop3A_383 = vector.broadcast %parallel_loop3A_382 : i32 to vector<16xi32>
            %parallel_loop3A_384 = arith.andi %parallel_loop3A_381, %parallel_loop3A_383 : vector<16xi32>
            %parallel_loop3A_385 = arith.addi %parallel_loop3A_384, %broadcast_in_dim3A_53 : vector<16xi32>
            %parallel_loop3A_386 = arith.constant 16 : i32
            %parallel_loop3A_387 = arith.muli %parallel_loop3A_131, %parallel_loop3A_386 : i32
            %parallel_loop3A_388 = arith.constant 3840 : i32
            %parallel_loop3A_389 = arith.addi %parallel_loop3A_388, %parallel_loop3A_387 : i32
            %parallel_loop3A_390 = arith.index_cast %parallel_loop3A_389 : i32 to index
            %parallel_loop3A_391 = tpu.vector_load %arg8[%parallel_loop3A_390] {strides = array<i32>} : memref<4096xi32, #tpu.memory_space<vmem>>, vector<16xi32>,
            %parallel_loop3A_392 = vector.shape_cast %parallel_loop3A_391 : vector<16xi32> to vector<16xi32>
            %parallel_loop3A_393 = vector.shape_cast %parallel_loop3A_385 : vector<16xi32> to vector<16xi32>
            tpu.vector_store %arg8[%parallel_loop3A_390], %parallel_loop3A_393 {strides = array<i32>} : memref<4096xi32, #tpu.memory_space<vmem>>, vector<16xi32>,
            %parallel_loop3A_394 = arith.constant 1.000000e+00 : f32
            %parallel_loop3A_395 = vector.broadcast %parallel_loop3A_394 : f32 to vector<16xf32>
            %parallel_loop3A_396 = arith.subf %parallel_loop3A_395, %parallel_loop3A_143 : vector<16xf32>
            %parallel_loop3A_397 = arith.constant 1.000000e+00 : f32
            %parallel_loop3A_398 = vector.broadcast %parallel_loop3A_397 : f32 to vector<16xf32>
            %parallel_loop3A_399 = arith.subf %parallel_loop3A_398, %parallel_loop3A_153 : vector<16xf32>
            %parallel_loop3A_400 = arith.constant 1.000000e+00 : f32
            %parallel_loop3A_401 = vector.broadcast %parallel_loop3A_400 : f32 to vector<16xf32>
            %parallel_loop3A_402 = arith.subf %parallel_loop3A_401, %parallel_loop3A_164 : vector<16xf32>
            %parallel_loop3A_403 = arith.constant 1.000000e+00 : f32
            %parallel_loop3A_404 = vector.broadcast %parallel_loop3A_403 : f32 to vector<16xf32>
            %parallel_loop3A_405 = arith.subf %parallel_loop3A_404, %parallel_loop3A_175 : vector<16xf32>
            %parallel_loop3A_406 = arith.mulf %parallel_loop3A_396, %parallel_loop3A_399 : vector<16xf32>
            %parallel_loop3A_407 = arith.mulf %parallel_loop3A_143, %parallel_loop3A_399 : vector<16xf32>
            %parallel_loop3A_408 = arith.mulf %parallel_loop3A_396, %parallel_loop3A_153 : vector<16xf32>
            %parallel_loop3A_409 = arith.mulf %parallel_loop3A_143, %parallel_loop3A_153 : vector<16xf32>
            %parallel_loop3A_410 = arith.mulf %parallel_loop3A_402, %parallel_loop3A_405 : vector<16xf32>
            %parallel_loop3A_411 = arith.mulf %parallel_loop3A_164, %parallel_loop3A_405 : vector<16xf32>
            %parallel_loop3A_412 = arith.mulf %parallel_loop3A_402, %parallel_loop3A_175 : vector<16xf32>
            %parallel_loop3A_413 = arith.mulf %parallel_loop3A_164, %parallel_loop3A_175 : vector<16xf32>
            %parallel_loop3A_414 = arith.mulf %parallel_loop3A_406, %parallel_loop3A_410 : vector<16xf32>
            %parallel_loop3A_415 = arith.constant 16 : i32
            %parallel_loop3A_416 = arith.muli %parallel_loop3A_131, %parallel_loop3A_415 : i32
            %parallel_loop3A_417 = arith.constant 0 : i32
            %parallel_loop3A_418 = arith.addi %parallel_loop3A_417, %parallel_loop3A_416 : i32
            %parallel_loop3A_419 = arith.index_cast %parallel_loop3A_418 : i32 to index
            %parallel_loop3A_420 = tpu.vector_load %arg10[%parallel_loop3A_419] {strides = array<i32>} : memref<4096xf32, #tpu.memory_space<vmem>>, vector<16xf32>,
            %parallel_loop3A_421 = vector.shape_cast %parallel_loop3A_420 : vector<16xf32> to vector<16xf32>
            %parallel_loop3A_422 = vector.shape_cast %parallel_loop3A_414 : vector<16xf32> to vector<16xf32>
            tpu.vector_store %arg10[%parallel_loop3A_419], %parallel_loop3A_422 {strides = array<i32>} : memref<4096xf32, #tpu.memory_space<vmem>>, vector<16xf32>,
            %parallel_loop3A_423 = arith.mulf %parallel_loop3A_407, %parallel_loop3A_410 : vector<16xf32>
            %parallel_loop3A_424 = arith.constant 16 : i32
            %parallel_loop3A_425 = arith.muli %parallel_loop3A_131, %parallel_loop3A_424 : i32
            %parallel_loop3A_426 = arith.constant 256 : i32
            %parallel_loop3A_427 = arith.addi %parallel_loop3A_426, %parallel_loop3A_425 : i32
            %parallel_loop3A_428 = arith.index_cast %parallel_loop3A_427 : i32 to index
            %parallel_loop3A_429 = tpu.vector_load %arg10[%parallel_loop3A_428] {strides = array<i32>} : memref<4096xf32, #tpu.memory_space<vmem>>, vector<16xf32>,
            %parallel_loop3A_430 = vector.shape_cast %parallel_loop3A_429 : vector<16xf32> to vector<16xf32>
            %parallel_loop3A_431 = vector.shape_cast %parallel_loop3A_423 : vector<16xf32> to vector<16xf32>
            tpu.vector_store %arg10[%parallel_loop3A_428], %parallel_loop3A_431 {strides = array<i32>} : memref<4096xf32, #tpu.memory_space<vmem>>, vector<16xf32>,
            %parallel_loop3A_432 = arith.mulf %parallel_loop3A_408, %parallel_loop3A_410 : vector<16xf32>
            %parallel_loop3A_433 = arith.constant 16 : i32
            %parallel_loop3A_434 = arith.muli %parallel_loop3A_131, %parallel_loop3A_433 : i32
            %parallel_loop3A_435 = arith.constant 512 : i32
            %parallel_loop3A_436 = arith.addi %parallel_loop3A_435, %parallel_loop3A_434 : i32
            %parallel_loop3A_437 = arith.index_cast %parallel_loop3A_436 : i32 to index
            %parallel_loop3A_438 = tpu.vector_load %arg10[%parallel_loop3A_437] {strides = array<i32>} : memref<4096xf32, #tpu.memory_space<vmem>>, vector<16xf32>,
            %parallel_loop3A_439 = vector.shape_cast %parallel_loop3A_438 : vector<16xf32> to vector<16xf32>
            %parallel_loop3A_440 = vector.shape_cast %parallel_loop3A_432 : vector<16xf32> to vector<16xf32>
            tpu.vector_store %arg10[%parallel_loop3A_437], %parallel_loop3A_440 {strides = array<i32>} : memref<4096xf32, #tpu.memory_space<vmem>>, vector<16xf32>,
            %parallel_loop3A_441 = arith.mulf %parallel_loop3A_409, %parallel_loop3A_410 : vector<16xf32>
            %parallel_loop3A_442 = arith.constant 16 : i32
            %parallel_loop3A_443 = arith.muli %parallel_loop3A_131, %parallel_loop3A_442 : i32
            %parallel_loop3A_444 = arith.constant 768 : i32
            %parallel_loop3A_445 = arith.addi %parallel_loop3A_444, %parallel_loop3A_443 : i32
            %parallel_loop3A_446 = arith.index_cast %parallel_loop3A_445 : i32 to index
            %parallel_loop3A_447 = tpu.vector_load %arg10[%parallel_loop3A_446] {strides = array<i32>} : memref<4096xf32, #tpu.memory_space<vmem>>, vector<16xf32>,
            %parallel_loop3A_448 = vector.shape_cast %parallel_loop3A_447 : vector<16xf32> to vector<16xf32>
            %parallel_loop3A_449 = vector.shape_cast %parallel_loop3A_441 : vector<16xf32> to vector<16xf32>
            tpu.vector_store %arg10[%parallel_loop3A_446], %parallel_loop3A_449 {strides = array<i32>} : memref<4096xf32, #tpu.memory_space<vmem>>, vector<16xf32>,
            %parallel_loop3A_450 = arith.mulf %parallel_loop3A_406, %parallel_loop3A_411 : vector<16xf32>
            %parallel_loop3A_451 = arith.constant 16 : i32
            %parallel_loop3A_452 = arith.muli %parallel_loop3A_131, %parallel_loop3A_451 : i32
            %parallel_loop3A_453 = arith.constant 1024 : i32
            %parallel_loop3A_454 = arith.addi %parallel_loop3A_453, %parallel_loop3A_452 : i32
            %parallel_loop3A_455 = arith.index_cast %parallel_loop3A_454 : i32 to index
            %parallel_loop3A_456 = tpu.vector_load %arg10[%parallel_loop3A_455] {strides = array<i32>} : memref<4096xf32, #tpu.memory_space<vmem>>, vector<16xf32>,
            %parallel_loop3A_457 = vector.shape_cast %parallel_loop3A_456 : vector<16xf32> to vector<16xf32>
            %parallel_loop3A_458 = vector.shape_cast %parallel_loop3A_450 : vector<16xf32> to vector<16xf32>
            tpu.vector_store %arg10[%parallel_loop3A_455], %parallel_loop3A_458 {strides = array<i32>} : memref<4096xf32, #tpu.memory_space<vmem>>, vector<16xf32>,
            %parallel_loop3A_459 = arith.mulf %parallel_loop3A_407, %parallel_loop3A_411 : vector<16xf32>
            %parallel_loop3A_460 = arith.constant 16 : i32
            %parallel_loop3A_461 = arith.muli %parallel_loop3A_131, %parallel_loop3A_460 : i32
            %parallel_loop3A_462 = arith.constant 1280 : i32
            %parallel_loop3A_463 = arith.addi %parallel_loop3A_462, %parallel_loop3A_461 : i32
            %parallel_loop3A_464 = arith.index_cast %parallel_loop3A_463 : i32 to index
            %parallel_loop3A_465 = tpu.vector_load %arg10[%parallel_loop3A_464] {strides = array<i32>} : memref<4096xf32, #tpu.memory_space<vmem>>, vector<16xf32>,
            %parallel_loop3A_466 = vector.shape_cast %parallel_loop3A_465 : vector<16xf32> to vector<16xf32>
            %parallel_loop3A_467 = vector.shape_cast %parallel_loop3A_459 : vector<16xf32> to vector<16xf32>
            tpu.vector_store %arg10[%parallel_loop3A_464], %parallel_loop3A_467 {strides = array<i32>} : memref<4096xf32, #tpu.memory_space<vmem>>, vector<16xf32>,
            %parallel_loop3A_468 = arith.mulf %parallel_loop3A_408, %parallel_loop3A_411 : vector<16xf32>
            %parallel_loop3A_469 = arith.constant 16 : i32
            %parallel_loop3A_470 = arith.muli %parallel_loop3A_131, %parallel_loop3A_469 : i32
            %parallel_loop3A_471 = arith.constant 1536 : i32
            %parallel_loop3A_472 = arith.addi %parallel_loop3A_471, %parallel_loop3A_470 : i32
            %parallel_loop3A_473 = arith.index_cast %parallel_loop3A_472 : i32 to index
            %parallel_loop3A_474 = tpu.vector_load %arg10[%parallel_loop3A_473] {strides = array<i32>} : memref<4096xf32, #tpu.memory_space<vmem>>, vector<16xf32>,
            %parallel_loop3A_475 = vector.shape_cast %parallel_loop3A_474 : vector<16xf32> to vector<16xf32>
            %parallel_loop3A_476 = vector.shape_cast %parallel_loop3A_468 : vector<16xf32> to vector<16xf32>
            tpu.vector_store %arg10[%parallel_loop3A_473], %parallel_loop3A_476 {strides = array<i32>} : memref<4096xf32, #tpu.memory_space<vmem>>, vector<16xf32>,
            %parallel_loop3A_477 = arith.mulf %parallel_loop3A_409, %parallel_loop3A_411 : vector<16xf32>
            %parallel_loop3A_478 = arith.constant 16 : i32
            %parallel_loop3A_479 = arith.muli %parallel_loop3A_131, %parallel_loop3A_478 : i32
            %parallel_loop3A_480 = arith.constant 1792 : i32
            %parallel_loop3A_481 = arith.addi %parallel_loop3A_480, %parallel_loop3A_479 : i32
            %parallel_loop3A_482 = arith.index_cast %parallel_loop3A_481 : i32 to index
            %parallel_loop3A_483 = tpu.vector_load %arg10[%parallel_loop3A_482] {strides = array<i32>} : memref<4096xf32, #tpu.memory_space<vmem>>, vector<16xf32>,
            %parallel_loop3A_484 = vector.shape_cast %parallel_loop3A_483 : vector<16xf32> to vector<16xf32>
            %parallel_loop3A_485 = vector.shape_cast %parallel_loop3A_477 : vector<16xf32> to vector<16xf32>
            tpu.vector_store %arg10[%parallel_loop3A_482], %parallel_loop3A_485 {strides = array<i32>} : memref<4096xf32, #tpu.memory_space<vmem>>, vector<16xf32>,
            %parallel_loop3A_486 = arith.mulf %parallel_loop3A_406, %parallel_loop3A_412 : vector<16xf32>
            %parallel_loop3A_487 = arith.constant 16 : i32
            %parallel_loop3A_488 = arith.muli %parallel_loop3A_131, %parallel_loop3A_487 : i32
            %parallel_loop3A_489 = arith.constant 2048 : i32
            %parallel_loop3A_490 = arith.addi %parallel_loop3A_489, %parallel_loop3A_488 : i32
            %parallel_loop3A_491 = arith.index_cast %parallel_loop3A_490 : i32 to index
            %parallel_loop3A_492 = tpu.vector_load %arg10[%parallel_loop3A_491] {strides = array<i32>} : memref<4096xf32, #tpu.memory_space<vmem>>, vector<16xf32>,
            %parallel_loop3A_493 = vector.shape_cast %parallel_loop3A_492 : vector<16xf32> to vector<16xf32>
            %parallel_loop3A_494 = vector.shape_cast %parallel_loop3A_486 : vector<16xf32> to vector<16xf32>
            tpu.vector_store %arg10[%parallel_loop3A_491], %parallel_loop3A_494 {strides = array<i32>} : memref<4096xf32, #tpu.memory_space<vmem>>, vector<16xf32>,
            %parallel_loop3A_495 = arith.mulf %parallel_loop3A_407, %parallel_loop3A_412 : vector<16xf32>
            %parallel_loop3A_496 = arith.constant 16 : i32
            %parallel_loop3A_497 = arith.muli %parallel_loop3A_131, %parallel_loop3A_496 : i32
            %parallel_loop3A_498 = arith.constant 2304 : i32
            %parallel_loop3A_499 = arith.addi %parallel_loop3A_498, %parallel_loop3A_497 : i32
            %parallel_loop3A_500 = arith.index_cast %parallel_loop3A_499 : i32 to index
            %parallel_loop3A_501 = tpu.vector_load %arg10[%parallel_loop3A_500] {strides = array<i32>} : memref<4096xf32, #tpu.memory_space<vmem>>, vector<16xf32>,
            %parallel_loop3A_502 = vector.shape_cast %parallel_loop3A_501 : vector<16xf32> to vector<16xf32>
            %parallel_loop3A_503 = vector.shape_cast %parallel_loop3A_495 : vector<16xf32> to vector<16xf32>
            tpu.vector_store %arg10[%parallel_loop3A_500], %parallel_loop3A_503 {strides = array<i32>} : memref<4096xf32, #tpu.memory_space<vmem>>, vector<16xf32>,
            %parallel_loop3A_504 = arith.mulf %parallel_loop3A_408, %parallel_loop3A_412 : vector<16xf32>
            %parallel_loop3A_505 = arith.constant 16 : i32
            %parallel_loop3A_506 = arith.muli %parallel_loop3A_131, %parallel_loop3A_505 : i32
            %parallel_loop3A_507 = arith.constant 2560 : i32
            %parallel_loop3A_508 = arith.addi %parallel_loop3A_507, %parallel_loop3A_506 : i32
            %parallel_loop3A_509 = arith.index_cast %parallel_loop3A_508 : i32 to index
            %parallel_loop3A_510 = tpu.vector_load %arg10[%parallel_loop3A_509] {strides = array<i32>} : memref<4096xf32, #tpu.memory_space<vmem>>, vector<16xf32>,
            %parallel_loop3A_511 = vector.shape_cast %parallel_loop3A_510 : vector<16xf32> to vector<16xf32>
            %parallel_loop3A_512 = vector.shape_cast %parallel_loop3A_504 : vector<16xf32> to vector<16xf32>
            tpu.vector_store %arg10[%parallel_loop3A_509], %parallel_loop3A_512 {strides = array<i32>} : memref<4096xf32, #tpu.memory_space<vmem>>, vector<16xf32>,
            %parallel_loop3A_513 = arith.mulf %parallel_loop3A_409, %parallel_loop3A_412 : vector<16xf32>
            %parallel_loop3A_514 = arith.constant 16 : i32
            %parallel_loop3A_515 = arith.muli %parallel_loop3A_131, %parallel_loop3A_514 : i32
            %parallel_loop3A_516 = arith.constant 2816 : i32
            %parallel_loop3A_517 = arith.addi %parallel_loop3A_516, %parallel_loop3A_515 : i32
            %parallel_loop3A_518 = arith.index_cast %parallel_loop3A_517 : i32 to index
            %parallel_loop3A_519 = tpu.vector_load %arg10[%parallel_loop3A_518] {strides = array<i32>} : memref<4096xf32, #tpu.memory_space<vmem>>, vector<16xf32>,
            %parallel_loop3A_520 = vector.shape_cast %parallel_loop3A_519 : vector<16xf32> to vector<16xf32>
            %parallel_loop3A_521 = vector.shape_cast %parallel_loop3A_513 : vector<16xf32> to vector<16xf32>
            tpu.vector_store %arg10[%parallel_loop3A_518], %parallel_loop3A_521 {strides = array<i32>} : memref<4096xf32, #tpu.memory_space<vmem>>, vector<16xf32>,
            %parallel_loop3A_522 = arith.mulf %parallel_loop3A_406, %parallel_loop3A_413 : vector<16xf32>
            %parallel_loop3A_523 = arith.constant 16 : i32
            %parallel_loop3A_524 = arith.muli %parallel_loop3A_131, %parallel_loop3A_523 : i32
            %parallel_loop3A_525 = arith.constant 3072 : i32
            %parallel_loop3A_526 = arith.addi %parallel_loop3A_525, %parallel_loop3A_524 : i32
            %parallel_loop3A_527 = arith.index_cast %parallel_loop3A_526 : i32 to index
            %parallel_loop3A_528 = tpu.vector_load %arg10[%parallel_loop3A_527] {strides = array<i32>} : memref<4096xf32, #tpu.memory_space<vmem>>, vector<16xf32>,
            %parallel_loop3A_529 = vector.shape_cast %parallel_loop3A_528 : vector<16xf32> to vector<16xf32>
            %parallel_loop3A_530 = vector.shape_cast %parallel_loop3A_522 : vector<16xf32> to vector<16xf32>
            tpu.vector_store %arg10[%parallel_loop3A_527], %parallel_loop3A_530 {strides = array<i32>} : memref<4096xf32, #tpu.memory_space<vmem>>, vector<16xf32>,
            %parallel_loop3A_531 = arith.mulf %parallel_loop3A_407, %parallel_loop3A_413 : vector<16xf32>
            %parallel_loop3A_532 = arith.constant 16 : i32
            %parallel_loop3A_533 = arith.muli %parallel_loop3A_131, %parallel_loop3A_532 : i32
            %parallel_loop3A_534 = arith.constant 3328 : i32
            %parallel_loop3A_535 = arith.addi %parallel_loop3A_534, %parallel_loop3A_533 : i32
            %parallel_loop3A_536 = arith.index_cast %parallel_loop3A_535 : i32 to index
            %parallel_loop3A_537 = tpu.vector_load %arg10[%parallel_loop3A_536] {strides = array<i32>} : memref<4096xf32, #tpu.memory_space<vmem>>, vector<16xf32>,
            %parallel_loop3A_538 = vector.shape_cast %parallel_loop3A_537 : vector<16xf32> to vector<16xf32>
            %parallel_loop3A_539 = vector.shape_cast %parallel_loop3A_531 : vector<16xf32> to vector<16xf32>
            tpu.vector_store %arg10[%parallel_loop3A_536], %parallel_loop3A_539 {strides = array<i32>} : memref<4096xf32, #tpu.memory_space<vmem>>, vector<16xf32>,
            %parallel_loop3A_540 = arith.mulf %parallel_loop3A_408, %parallel_loop3A_413 : vector<16xf32>
            %parallel_loop3A_541 = arith.constant 16 : i32
            %parallel_loop3A_542 = arith.muli %parallel_loop3A_131, %parallel_loop3A_541 : i32
            %parallel_loop3A_543 = arith.constant 3584 : i32
            %parallel_loop3A_544 = arith.addi %parallel_loop3A_543, %parallel_loop3A_542 : i32
            %parallel_loop3A_545 = arith.index_cast %parallel_loop3A_544 : i32 to index
            %parallel_loop3A_546 = tpu.vector_load %arg10[%parallel_loop3A_545] {strides = array<i32>} : memref<4096xf32, #tpu.memory_space<vmem>>, vector<16xf32>,
            %parallel_loop3A_547 = vector.shape_cast %parallel_loop3A_546 : vector<16xf32> to vector<16xf32>
            %parallel_loop3A_548 = vector.shape_cast %parallel_loop3A_540 : vector<16xf32> to vector<16xf32>
            tpu.vector_store %arg10[%parallel_loop3A_545], %parallel_loop3A_548 {strides = array<i32>} : memref<4096xf32, #tpu.memory_space<vmem>>, vector<16xf32>,
            %parallel_loop3A_549 = arith.mulf %parallel_loop3A_409, %parallel_loop3A_413 : vector<16xf32>
            %parallel_loop3A_550 = arith.constant 16 : i32
            %parallel_loop3A_551 = arith.muli %parallel_loop3A_131, %parallel_loop3A_550 : i32
            %parallel_loop3A_552 = arith.constant 3840 : i32
            %parallel_loop3A_553 = arith.addi %parallel_loop3A_552, %parallel_loop3A_551 : i32
            %parallel_loop3A_554 = arith.index_cast %parallel_loop3A_553 : i32 to index
            %parallel_loop3A_555 = tpu.vector_load %arg10[%parallel_loop3A_554] {strides = array<i32>} : memref<4096xf32, #tpu.memory_space<vmem>>, vector<16xf32>,
            %parallel_loop3A_556 = vector.shape_cast %parallel_loop3A_555 : vector<16xf32> to vector<16xf32>
            %parallel_loop3A_557 = vector.shape_cast %parallel_loop3A_549 : vector<16xf32> to vector<16xf32>
            tpu.vector_store %arg10[%parallel_loop3A_554], %parallel_loop3A_557 {strides = array<i32>} : memref<4096xf32, #tpu.memory_space<vmem>>, vector<16xf32>,
          } {sc.loop_unroll_factor = 2 : i64, sc.parallel_access}
          %dma_start3A_129 = arith.constant 0 : i32
          %dma_start3A_130 = tpu.memref_slice %arg15[%dma_start3A_129] : memref<1048576xi32, #tpu.memory_space<vmem_shared>> -> memref<1048576xi32, #tpu.memory_space<vmem_shared>>
          tpu.enqueue_indirect_dma source(%dma_start3A_130 : memref<1048576xi32, #tpu.memory_space<vmem_shared>>) target(%arg12 : memref<4096xi32, #tpu.memory_space<vmem>>) offsets(%arg8 : memref<4096xi32, #tpu.memory_space<vmem>>) semaphore(%arg16 : memref<!tpu.dma_semaphore, #tpu.memory_space<semaphore_mem>>)
        } else {
        }
        %dma_wait3A_112 = arith.constant 0 : i32
        %dma_wait3A_113 = tpu.memref_slice %arg15[%dma_wait3A_112] : memref<1048576xi32, #tpu.memory_space<vmem_shared>> -> memref<1048576xi32, #tpu.memory_space<vmem_shared>>
        tpu.wait_indirect_dma semaphore(%arg17 : memref<!tpu.dma_semaphore, #tpu.memory_space<semaphore_mem>>) src(%dma_wait3A_113 : memref<1048576xi32, #tpu.memory_space<vmem_shared>>) dst(%arg13 : memref<4096xi32, #tpu.memory_space<vmem>>)
        %add3A_114 = arith.constant 1 : i32
        %add3A_115 = arith.addi %mul3A_90, %add3A_114 : i32
        %mul3A_116 = arith.constant 256 : i32
        %mul3A_117 = arith.muli %add3A_115, %mul3A_116 : i32
        %parallel_loop3A_118 = arith.constant 0 : i32
        %parallel_loop3A_119 = arith.constant 16 : i32
        %parallel_loop3A_120 = arith.constant 1 : i32
        scf.for %parallel_loop3A_122 = %parallel_loop3A_118 to %parallel_loop3A_119 step %parallel_loop3A_120  : i32 {
          %parallel_loop3A_123 = arith.constant 0.000000e+00 : f32
          %parallel_loop3A_124 = vector.broadcast %parallel_loop3A_123 : f32 to vector<16xf32>
          %parallel_loop3A_125 = arith.constant 16 : i32
          %parallel_loop3A_126 = arith.muli %parallel_loop3A_122, %parallel_loop3A_125 : i32
          %parallel_loop3A_127 = arith.constant 0 : i32
          %parallel_loop3A_128 = arith.addi %parallel_loop3A_127, %parallel_loop3A_126 : i32
          %parallel_loop3A_129 = arith.index_cast %parallel_loop3A_128 : i32 to index
          %parallel_loop3A_130 = tpu.vector_load %arg11[%parallel_loop3A_129] {strides = array<i32>} : memref<4096xf32, #tpu.memory_space<vmem>>, vector<16xf32>,
          %parallel_loop3A_131 = vector.shape_cast %parallel_loop3A_130 : vector<16xf32> to vector<16xf32>
          %parallel_loop3A_132 = arith.constant 16 : i32
          %parallel_loop3A_133 = arith.muli %parallel_loop3A_122, %parallel_loop3A_132 : i32
          %parallel_loop3A_134 = arith.constant 0 : i32
          %parallel_loop3A_135 = arith.addi %parallel_loop3A_134, %parallel_loop3A_133 : i32
          %parallel_loop3A_136 = arith.index_cast %parallel_loop3A_135 : i32 to index
          %parallel_loop3A_137 = tpu.vector_load %arg13[%parallel_loop3A_136] {strides = array<i32>} : memref<4096xi32, #tpu.memory_space<vmem>>, vector<16xi32>,
          %parallel_loop3A_138 = vector.shape_cast %parallel_loop3A_137 : vector<16xi32> to vector<16xi32>
          %parallel_loop3A_139 = arith.constant 16 : i32
          %parallel_loop3A_140 = vector.broadcast %parallel_loop3A_139 : i32 to vector<16xi32>
          %parallel_loop3A_141 = arith.shli %parallel_loop3A_138, %parallel_loop3A_140 : vector<16xi32>
          %parallel_loop3A_142 = tpu.bitcast %parallel_loop3A_141 : vector<16xi32> -> vector<16xf32>
          %parallel_loop3A_143 = arith.constant -65536 : i32
          %parallel_loop3A_144 = vector.broadcast %parallel_loop3A_143 : i32 to vector<16xi32>
          %parallel_loop3A_145 = arith.andi %parallel_loop3A_138, %parallel_loop3A_144 : vector<16xi32>
          %parallel_loop3A_146 = tpu.bitcast %parallel_loop3A_145 : vector<16xi32> -> vector<16xf32>
          %parallel_loop3A_147 = arith.mulf %parallel_loop3A_131, %parallel_loop3A_142 : vector<16xf32>
          %parallel_loop3A_148 = arith.addf %parallel_loop3A_124, %parallel_loop3A_147 : vector<16xf32>
          %parallel_loop3A_149 = arith.mulf %parallel_loop3A_131, %parallel_loop3A_146 : vector<16xf32>
          %parallel_loop3A_150 = arith.addf %parallel_loop3A_124, %parallel_loop3A_149 : vector<16xf32>
          %parallel_loop3A_151 = arith.constant 16 : i32
          %parallel_loop3A_152 = arith.muli %parallel_loop3A_122, %parallel_loop3A_151 : i32
          %parallel_loop3A_153 = arith.constant 256 : i32
          %parallel_loop3A_154 = arith.addi %parallel_loop3A_153, %parallel_loop3A_152 : i32
          %parallel_loop3A_155 = arith.index_cast %parallel_loop3A_154 : i32 to index
          %parallel_loop3A_156 = tpu.vector_load %arg11[%parallel_loop3A_155] {strides = array<i32>} : memref<4096xf32, #tpu.memory_space<vmem>>, vector<16xf32>,
          %parallel_loop3A_157 = vector.shape_cast %parallel_loop3A_156 : vector<16xf32> to vector<16xf32>
          %parallel_loop3A_158 = arith.constant 16 : i32
          %parallel_loop3A_159 = arith.muli %parallel_loop3A_122, %parallel_loop3A_158 : i32
          %parallel_loop3A_160 = arith.constant 256 : i32
          %parallel_loop3A_161 = arith.addi %parallel_loop3A_160, %parallel_loop3A_159 : i32
          %parallel_loop3A_162 = arith.index_cast %parallel_loop3A_161 : i32 to index
          %parallel_loop3A_163 = tpu.vector_load %arg13[%parallel_loop3A_162] {strides = array<i32>} : memref<4096xi32, #tpu.memory_space<vmem>>, vector<16xi32>,
          %parallel_loop3A_164 = vector.shape_cast %parallel_loop3A_163 : vector<16xi32> to vector<16xi32>
          %parallel_loop3A_165 = arith.constant 16 : i32
          %parallel_loop3A_166 = vector.broadcast %parallel_loop3A_165 : i32 to vector<16xi32>
          %parallel_loop3A_167 = arith.shli %parallel_loop3A_164, %parallel_loop3A_166 : vector<16xi32>
          %parallel_loop3A_168 = tpu.bitcast %parallel_loop3A_167 : vector<16xi32> -> vector<16xf32>
          %parallel_loop3A_169 = arith.constant -65536 : i32
          %parallel_loop3A_170 = vector.broadcast %parallel_loop3A_169 : i32 to vector<16xi32>
          %parallel_loop3A_171 = arith.andi %parallel_loop3A_164, %parallel_loop3A_170 : vector<16xi32>
          %parallel_loop3A_172 = tpu.bitcast %parallel_loop3A_171 : vector<16xi32> -> vector<16xf32>
          %parallel_loop3A_173 = arith.mulf %parallel_loop3A_157, %parallel_loop3A_168 : vector<16xf32>
          %parallel_loop3A_174 = arith.addf %parallel_loop3A_124, %parallel_loop3A_173 : vector<16xf32>
          %parallel_loop3A_175 = arith.mulf %parallel_loop3A_157, %parallel_loop3A_172 : vector<16xf32>
          %parallel_loop3A_176 = arith.addf %parallel_loop3A_124, %parallel_loop3A_175 : vector<16xf32>
          %parallel_loop3A_177 = arith.constant 16 : i32
          %parallel_loop3A_178 = arith.muli %parallel_loop3A_122, %parallel_loop3A_177 : i32
          %parallel_loop3A_179 = arith.constant 512 : i32
          %parallel_loop3A_180 = arith.addi %parallel_loop3A_179, %parallel_loop3A_178 : i32
          %parallel_loop3A_181 = arith.index_cast %parallel_loop3A_180 : i32 to index
          %parallel_loop3A_182 = tpu.vector_load %arg11[%parallel_loop3A_181] {strides = array<i32>} : memref<4096xf32, #tpu.memory_space<vmem>>, vector<16xf32>,
          %parallel_loop3A_183 = vector.shape_cast %parallel_loop3A_182 : vector<16xf32> to vector<16xf32>
          %parallel_loop3A_184 = arith.constant 16 : i32
          %parallel_loop3A_185 = arith.muli %parallel_loop3A_122, %parallel_loop3A_184 : i32
          %parallel_loop3A_186 = arith.constant 512 : i32
          %parallel_loop3A_187 = arith.addi %parallel_loop3A_186, %parallel_loop3A_185 : i32
          %parallel_loop3A_188 = arith.index_cast %parallel_loop3A_187 : i32 to index
          %parallel_loop3A_189 = tpu.vector_load %arg13[%parallel_loop3A_188] {strides = array<i32>} : memref<4096xi32, #tpu.memory_space<vmem>>, vector<16xi32>,
          %parallel_loop3A_190 = vector.shape_cast %parallel_loop3A_189 : vector<16xi32> to vector<16xi32>
          %parallel_loop3A_191 = arith.constant 16 : i32
          %parallel_loop3A_192 = vector.broadcast %parallel_loop3A_191 : i32 to vector<16xi32>
          %parallel_loop3A_193 = arith.shli %parallel_loop3A_190, %parallel_loop3A_192 : vector<16xi32>
          %parallel_loop3A_194 = tpu.bitcast %parallel_loop3A_193 : vector<16xi32> -> vector<16xf32>
          %parallel_loop3A_195 = arith.constant -65536 : i32
          %parallel_loop3A_196 = vector.broadcast %parallel_loop3A_195 : i32 to vector<16xi32>
          %parallel_loop3A_197 = arith.andi %parallel_loop3A_190, %parallel_loop3A_196 : vector<16xi32>
          %parallel_loop3A_198 = tpu.bitcast %parallel_loop3A_197 : vector<16xi32> -> vector<16xf32>
          %parallel_loop3A_199 = arith.mulf %parallel_loop3A_183, %parallel_loop3A_194 : vector<16xf32>
          %parallel_loop3A_200 = arith.addf %parallel_loop3A_148, %parallel_loop3A_199 : vector<16xf32>
          %parallel_loop3A_201 = arith.mulf %parallel_loop3A_183, %parallel_loop3A_198 : vector<16xf32>
          %parallel_loop3A_202 = arith.addf %parallel_loop3A_150, %parallel_loop3A_201 : vector<16xf32>
          %parallel_loop3A_203 = arith.constant 16 : i32
          %parallel_loop3A_204 = arith.muli %parallel_loop3A_122, %parallel_loop3A_203 : i32
          %parallel_loop3A_205 = arith.constant 768 : i32
          %parallel_loop3A_206 = arith.addi %parallel_loop3A_205, %parallel_loop3A_204 : i32
          %parallel_loop3A_207 = arith.index_cast %parallel_loop3A_206 : i32 to index
          %parallel_loop3A_208 = tpu.vector_load %arg11[%parallel_loop3A_207] {strides = array<i32>} : memref<4096xf32, #tpu.memory_space<vmem>>, vector<16xf32>,
          %parallel_loop3A_209 = vector.shape_cast %parallel_loop3A_208 : vector<16xf32> to vector<16xf32>
          %parallel_loop3A_210 = arith.constant 16 : i32
          %parallel_loop3A_211 = arith.muli %parallel_loop3A_122, %parallel_loop3A_210 : i32
          %parallel_loop3A_212 = arith.constant 768 : i32
          %parallel_loop3A_213 = arith.addi %parallel_loop3A_212, %parallel_loop3A_211 : i32
          %parallel_loop3A_214 = arith.index_cast %parallel_loop3A_213 : i32 to index
          %parallel_loop3A_215 = tpu.vector_load %arg13[%parallel_loop3A_214] {strides = array<i32>} : memref<4096xi32, #tpu.memory_space<vmem>>, vector<16xi32>,
          %parallel_loop3A_216 = vector.shape_cast %parallel_loop3A_215 : vector<16xi32> to vector<16xi32>
          %parallel_loop3A_217 = arith.constant 16 : i32
          %parallel_loop3A_218 = vector.broadcast %parallel_loop3A_217 : i32 to vector<16xi32>
          %parallel_loop3A_219 = arith.shli %parallel_loop3A_216, %parallel_loop3A_218 : vector<16xi32>
          %parallel_loop3A_220 = tpu.bitcast %parallel_loop3A_219 : vector<16xi32> -> vector<16xf32>
          %parallel_loop3A_221 = arith.constant -65536 : i32
          %parallel_loop3A_222 = vector.broadcast %parallel_loop3A_221 : i32 to vector<16xi32>
          %parallel_loop3A_223 = arith.andi %parallel_loop3A_216, %parallel_loop3A_222 : vector<16xi32>
          %parallel_loop3A_224 = tpu.bitcast %parallel_loop3A_223 : vector<16xi32> -> vector<16xf32>
          %parallel_loop3A_225 = arith.mulf %parallel_loop3A_209, %parallel_loop3A_220 : vector<16xf32>
          %parallel_loop3A_226 = arith.addf %parallel_loop3A_174, %parallel_loop3A_225 : vector<16xf32>
          %parallel_loop3A_227 = arith.mulf %parallel_loop3A_209, %parallel_loop3A_224 : vector<16xf32>
          %parallel_loop3A_228 = arith.addf %parallel_loop3A_176, %parallel_loop3A_227 : vector<16xf32>
          %parallel_loop3A_229 = arith.constant 16 : i32
          %parallel_loop3A_230 = arith.muli %parallel_loop3A_122, %parallel_loop3A_229 : i32
          %parallel_loop3A_231 = arith.constant 1024 : i32
          %parallel_loop3A_232 = arith.addi %parallel_loop3A_231, %parallel_loop3A_230 : i32
          %parallel_loop3A_233 = arith.index_cast %parallel_loop3A_232 : i32 to index
          %parallel_loop3A_234 = tpu.vector_load %arg11[%parallel_loop3A_233] {strides = array<i32>} : memref<4096xf32, #tpu.memory_space<vmem>>, vector<16xf32>,
          %parallel_loop3A_235 = vector.shape_cast %parallel_loop3A_234 : vector<16xf32> to vector<16xf32>
          %parallel_loop3A_236 = arith.constant 16 : i32
          %parallel_loop3A_237 = arith.muli %parallel_loop3A_122, %parallel_loop3A_236 : i32
          %parallel_loop3A_238 = arith.constant 1024 : i32
          %parallel_loop3A_239 = arith.addi %parallel_loop3A_238, %parallel_loop3A_237 : i32
          %parallel_loop3A_240 = arith.index_cast %parallel_loop3A_239 : i32 to index
          %parallel_loop3A_241 = tpu.vector_load %arg13[%parallel_loop3A_240] {strides = array<i32>} : memref<4096xi32, #tpu.memory_space<vmem>>, vector<16xi32>,
          %parallel_loop3A_242 = vector.shape_cast %parallel_loop3A_241 : vector<16xi32> to vector<16xi32>
          %parallel_loop3A_243 = arith.constant 16 : i32
          %parallel_loop3A_244 = vector.broadcast %parallel_loop3A_243 : i32 to vector<16xi32>
          %parallel_loop3A_245 = arith.shli %parallel_loop3A_242, %parallel_loop3A_244 : vector<16xi32>
          %parallel_loop3A_246 = tpu.bitcast %parallel_loop3A_245 : vector<16xi32> -> vector<16xf32>
          %parallel_loop3A_247 = arith.constant -65536 : i32
          %parallel_loop3A_248 = vector.broadcast %parallel_loop3A_247 : i32 to vector<16xi32>
          %parallel_loop3A_249 = arith.andi %parallel_loop3A_242, %parallel_loop3A_248 : vector<16xi32>
          %parallel_loop3A_250 = tpu.bitcast %parallel_loop3A_249 : vector<16xi32> -> vector<16xf32>
          %parallel_loop3A_251 = arith.mulf %parallel_loop3A_235, %parallel_loop3A_246 : vector<16xf32>
          %parallel_loop3A_252 = arith.addf %parallel_loop3A_200, %parallel_loop3A_251 : vector<16xf32>
          %parallel_loop3A_253 = arith.mulf %parallel_loop3A_235, %parallel_loop3A_250 : vector<16xf32>
          %parallel_loop3A_254 = arith.addf %parallel_loop3A_202, %parallel_loop3A_253 : vector<16xf32>
          %parallel_loop3A_255 = arith.constant 16 : i32
          %parallel_loop3A_256 = arith.muli %parallel_loop3A_122, %parallel_loop3A_255 : i32
          %parallel_loop3A_257 = arith.constant 1280 : i32
          %parallel_loop3A_258 = arith.addi %parallel_loop3A_257, %parallel_loop3A_256 : i32
          %parallel_loop3A_259 = arith.index_cast %parallel_loop3A_258 : i32 to index
          %parallel_loop3A_260 = tpu.vector_load %arg11[%parallel_loop3A_259] {strides = array<i32>} : memref<4096xf32, #tpu.memory_space<vmem>>, vector<16xf32>,
          %parallel_loop3A_261 = vector.shape_cast %parallel_loop3A_260 : vector<16xf32> to vector<16xf32>
          %parallel_loop3A_262 = arith.constant 16 : i32
          %parallel_loop3A_263 = arith.muli %parallel_loop3A_122, %parallel_loop3A_262 : i32
          %parallel_loop3A_264 = arith.constant 1280 : i32
          %parallel_loop3A_265 = arith.addi %parallel_loop3A_264, %parallel_loop3A_263 : i32
          %parallel_loop3A_266 = arith.index_cast %parallel_loop3A_265 : i32 to index
          %parallel_loop3A_267 = tpu.vector_load %arg13[%parallel_loop3A_266] {strides = array<i32>} : memref<4096xi32, #tpu.memory_space<vmem>>, vector<16xi32>,
          %parallel_loop3A_268 = vector.shape_cast %parallel_loop3A_267 : vector<16xi32> to vector<16xi32>
          %parallel_loop3A_269 = arith.constant 16 : i32
          %parallel_loop3A_270 = vector.broadcast %parallel_loop3A_269 : i32 to vector<16xi32>
          %parallel_loop3A_271 = arith.shli %parallel_loop3A_268, %parallel_loop3A_270 : vector<16xi32>
          %parallel_loop3A_272 = tpu.bitcast %parallel_loop3A_271 : vector<16xi32> -> vector<16xf32>
          %parallel_loop3A_273 = arith.constant -65536 : i32
          %parallel_loop3A_274 = vector.broadcast %parallel_loop3A_273 : i32 to vector<16xi32>
          %parallel_loop3A_275 = arith.andi %parallel_loop3A_268, %parallel_loop3A_274 : vector<16xi32>
          %parallel_loop3A_276 = tpu.bitcast %parallel_loop3A_275 : vector<16xi32> -> vector<16xf32>
          %parallel_loop3A_277 = arith.mulf %parallel_loop3A_261, %parallel_loop3A_272 : vector<16xf32>
          %parallel_loop3A_278 = arith.addf %parallel_loop3A_226, %parallel_loop3A_277 : vector<16xf32>
          %parallel_loop3A_279 = arith.mulf %parallel_loop3A_261, %parallel_loop3A_276 : vector<16xf32>
          %parallel_loop3A_280 = arith.addf %parallel_loop3A_228, %parallel_loop3A_279 : vector<16xf32>
          %parallel_loop3A_281 = arith.constant 16 : i32
          %parallel_loop3A_282 = arith.muli %parallel_loop3A_122, %parallel_loop3A_281 : i32
          %parallel_loop3A_283 = arith.constant 1536 : i32
          %parallel_loop3A_284 = arith.addi %parallel_loop3A_283, %parallel_loop3A_282 : i32
          %parallel_loop3A_285 = arith.index_cast %parallel_loop3A_284 : i32 to index
          %parallel_loop3A_286 = tpu.vector_load %arg11[%parallel_loop3A_285] {strides = array<i32>} : memref<4096xf32, #tpu.memory_space<vmem>>, vector<16xf32>,
          %parallel_loop3A_287 = vector.shape_cast %parallel_loop3A_286 : vector<16xf32> to vector<16xf32>
          %parallel_loop3A_288 = arith.constant 16 : i32
          %parallel_loop3A_289 = arith.muli %parallel_loop3A_122, %parallel_loop3A_288 : i32
          %parallel_loop3A_290 = arith.constant 1536 : i32
          %parallel_loop3A_291 = arith.addi %parallel_loop3A_290, %parallel_loop3A_289 : i32
          %parallel_loop3A_292 = arith.index_cast %parallel_loop3A_291 : i32 to index
          %parallel_loop3A_293 = tpu.vector_load %arg13[%parallel_loop3A_292] {strides = array<i32>} : memref<4096xi32, #tpu.memory_space<vmem>>, vector<16xi32>,
          %parallel_loop3A_294 = vector.shape_cast %parallel_loop3A_293 : vector<16xi32> to vector<16xi32>
          %parallel_loop3A_295 = arith.constant 16 : i32
          %parallel_loop3A_296 = vector.broadcast %parallel_loop3A_295 : i32 to vector<16xi32>
          %parallel_loop3A_297 = arith.shli %parallel_loop3A_294, %parallel_loop3A_296 : vector<16xi32>
          %parallel_loop3A_298 = tpu.bitcast %parallel_loop3A_297 : vector<16xi32> -> vector<16xf32>
          %parallel_loop3A_299 = arith.constant -65536 : i32
          %parallel_loop3A_300 = vector.broadcast %parallel_loop3A_299 : i32 to vector<16xi32>
          %parallel_loop3A_301 = arith.andi %parallel_loop3A_294, %parallel_loop3A_300 : vector<16xi32>
          %parallel_loop3A_302 = tpu.bitcast %parallel_loop3A_301 : vector<16xi32> -> vector<16xf32>
          %parallel_loop3A_303 = arith.mulf %parallel_loop3A_287, %parallel_loop3A_298 : vector<16xf32>
          %parallel_loop3A_304 = arith.addf %parallel_loop3A_252, %parallel_loop3A_303 : vector<16xf32>
          %parallel_loop3A_305 = arith.mulf %parallel_loop3A_287, %parallel_loop3A_302 : vector<16xf32>
          %parallel_loop3A_306 = arith.addf %parallel_loop3A_254, %parallel_loop3A_305 : vector<16xf32>
          %parallel_loop3A_307 = arith.constant 16 : i32
          %parallel_loop3A_308 = arith.muli %parallel_loop3A_122, %parallel_loop3A_307 : i32
          %parallel_loop3A_309 = arith.constant 1792 : i32
          %parallel_loop3A_310 = arith.addi %parallel_loop3A_309, %parallel_loop3A_308 : i32
          %parallel_loop3A_311 = arith.index_cast %parallel_loop3A_310 : i32 to index
          %parallel_loop3A_312 = tpu.vector_load %arg11[%parallel_loop3A_311] {strides = array<i32>} : memref<4096xf32, #tpu.memory_space<vmem>>, vector<16xf32>,
          %parallel_loop3A_313 = vector.shape_cast %parallel_loop3A_312 : vector<16xf32> to vector<16xf32>
          %parallel_loop3A_314 = arith.constant 16 : i32
          %parallel_loop3A_315 = arith.muli %parallel_loop3A_122, %parallel_loop3A_314 : i32
          %parallel_loop3A_316 = arith.constant 1792 : i32
          %parallel_loop3A_317 = arith.addi %parallel_loop3A_316, %parallel_loop3A_315 : i32
          %parallel_loop3A_318 = arith.index_cast %parallel_loop3A_317 : i32 to index
          %parallel_loop3A_319 = tpu.vector_load %arg13[%parallel_loop3A_318] {strides = array<i32>} : memref<4096xi32, #tpu.memory_space<vmem>>, vector<16xi32>,
          %parallel_loop3A_320 = vector.shape_cast %parallel_loop3A_319 : vector<16xi32> to vector<16xi32>
          %parallel_loop3A_321 = arith.constant 16 : i32
          %parallel_loop3A_322 = vector.broadcast %parallel_loop3A_321 : i32 to vector<16xi32>
          %parallel_loop3A_323 = arith.shli %parallel_loop3A_320, %parallel_loop3A_322 : vector<16xi32>
          %parallel_loop3A_324 = tpu.bitcast %parallel_loop3A_323 : vector<16xi32> -> vector<16xf32>
          %parallel_loop3A_325 = arith.constant -65536 : i32
          %parallel_loop3A_326 = vector.broadcast %parallel_loop3A_325 : i32 to vector<16xi32>
          %parallel_loop3A_327 = arith.andi %parallel_loop3A_320, %parallel_loop3A_326 : vector<16xi32>
          %parallel_loop3A_328 = tpu.bitcast %parallel_loop3A_327 : vector<16xi32> -> vector<16xf32>
          %parallel_loop3A_329 = arith.mulf %parallel_loop3A_313, %parallel_loop3A_324 : vector<16xf32>
          %parallel_loop3A_330 = arith.addf %parallel_loop3A_278, %parallel_loop3A_329 : vector<16xf32>
          %parallel_loop3A_331 = arith.mulf %parallel_loop3A_313, %parallel_loop3A_328 : vector<16xf32>
          %parallel_loop3A_332 = arith.addf %parallel_loop3A_280, %parallel_loop3A_331 : vector<16xf32>
          %parallel_loop3A_333 = arith.constant 16 : i32
          %parallel_loop3A_334 = arith.muli %parallel_loop3A_122, %parallel_loop3A_333 : i32
          %parallel_loop3A_335 = arith.constant 2048 : i32
          %parallel_loop3A_336 = arith.addi %parallel_loop3A_335, %parallel_loop3A_334 : i32
          %parallel_loop3A_337 = arith.index_cast %parallel_loop3A_336 : i32 to index
          %parallel_loop3A_338 = tpu.vector_load %arg11[%parallel_loop3A_337] {strides = array<i32>} : memref<4096xf32, #tpu.memory_space<vmem>>, vector<16xf32>,
          %parallel_loop3A_339 = vector.shape_cast %parallel_loop3A_338 : vector<16xf32> to vector<16xf32>
          %parallel_loop3A_340 = arith.constant 16 : i32
          %parallel_loop3A_341 = arith.muli %parallel_loop3A_122, %parallel_loop3A_340 : i32
          %parallel_loop3A_342 = arith.constant 2048 : i32
          %parallel_loop3A_343 = arith.addi %parallel_loop3A_342, %parallel_loop3A_341 : i32
          %parallel_loop3A_344 = arith.index_cast %parallel_loop3A_343 : i32 to index
          %parallel_loop3A_345 = tpu.vector_load %arg13[%parallel_loop3A_344] {strides = array<i32>} : memref<4096xi32, #tpu.memory_space<vmem>>, vector<16xi32>,
          %parallel_loop3A_346 = vector.shape_cast %parallel_loop3A_345 : vector<16xi32> to vector<16xi32>
          %parallel_loop3A_347 = arith.constant 16 : i32
          %parallel_loop3A_348 = vector.broadcast %parallel_loop3A_347 : i32 to vector<16xi32>
          %parallel_loop3A_349 = arith.shli %parallel_loop3A_346, %parallel_loop3A_348 : vector<16xi32>
          %parallel_loop3A_350 = tpu.bitcast %parallel_loop3A_349 : vector<16xi32> -> vector<16xf32>
          %parallel_loop3A_351 = arith.constant -65536 : i32
          %parallel_loop3A_352 = vector.broadcast %parallel_loop3A_351 : i32 to vector<16xi32>
          %parallel_loop3A_353 = arith.andi %parallel_loop3A_346, %parallel_loop3A_352 : vector<16xi32>
          %parallel_loop3A_354 = tpu.bitcast %parallel_loop3A_353 : vector<16xi32> -> vector<16xf32>
          %parallel_loop3A_355 = arith.mulf %parallel_loop3A_339, %parallel_loop3A_350 : vector<16xf32>
          %parallel_loop3A_356 = arith.addf %parallel_loop3A_304, %parallel_loop3A_355 : vector<16xf32>
          %parallel_loop3A_357 = arith.mulf %parallel_loop3A_339, %parallel_loop3A_354 : vector<16xf32>
          %parallel_loop3A_358 = arith.addf %parallel_loop3A_306, %parallel_loop3A_357 : vector<16xf32>
          %parallel_loop3A_359 = arith.constant 16 : i32
          %parallel_loop3A_360 = arith.muli %parallel_loop3A_122, %parallel_loop3A_359 : i32
          %parallel_loop3A_361 = arith.constant 2304 : i32
          %parallel_loop3A_362 = arith.addi %parallel_loop3A_361, %parallel_loop3A_360 : i32
          %parallel_loop3A_363 = arith.index_cast %parallel_loop3A_362 : i32 to index
          %parallel_loop3A_364 = tpu.vector_load %arg11[%parallel_loop3A_363] {strides = array<i32>} : memref<4096xf32, #tpu.memory_space<vmem>>, vector<16xf32>,
          %parallel_loop3A_365 = vector.shape_cast %parallel_loop3A_364 : vector<16xf32> to vector<16xf32>
          %parallel_loop3A_366 = arith.constant 16 : i32
          %parallel_loop3A_367 = arith.muli %parallel_loop3A_122, %parallel_loop3A_366 : i32
          %parallel_loop3A_368 = arith.constant 2304 : i32
          %parallel_loop3A_369 = arith.addi %parallel_loop3A_368, %parallel_loop3A_367 : i32
          %parallel_loop3A_370 = arith.index_cast %parallel_loop3A_369 : i32 to index
          %parallel_loop3A_371 = tpu.vector_load %arg13[%parallel_loop3A_370] {strides = array<i32>} : memref<4096xi32, #tpu.memory_space<vmem>>, vector<16xi32>,
          %parallel_loop3A_372 = vector.shape_cast %parallel_loop3A_371 : vector<16xi32> to vector<16xi32>
          %parallel_loop3A_373 = arith.constant 16 : i32
          %parallel_loop3A_374 = vector.broadcast %parallel_loop3A_373 : i32 to vector<16xi32>
          %parallel_loop3A_375 = arith.shli %parallel_loop3A_372, %parallel_loop3A_374 : vector<16xi32>
          %parallel_loop3A_376 = tpu.bitcast %parallel_loop3A_375 : vector<16xi32> -> vector<16xf32>
          %parallel_loop3A_377 = arith.constant -65536 : i32
          %parallel_loop3A_378 = vector.broadcast %parallel_loop3A_377 : i32 to vector<16xi32>
          %parallel_loop3A_379 = arith.andi %parallel_loop3A_372, %parallel_loop3A_378 : vector<16xi32>
          %parallel_loop3A_380 = tpu.bitcast %parallel_loop3A_379 : vector<16xi32> -> vector<16xf32>
          %parallel_loop3A_381 = arith.mulf %parallel_loop3A_365, %parallel_loop3A_376 : vector<16xf32>
          %parallel_loop3A_382 = arith.addf %parallel_loop3A_330, %parallel_loop3A_381 : vector<16xf32>
          %parallel_loop3A_383 = arith.mulf %parallel_loop3A_365, %parallel_loop3A_380 : vector<16xf32>
          %parallel_loop3A_384 = arith.addf %parallel_loop3A_332, %parallel_loop3A_383 : vector<16xf32>
          %parallel_loop3A_385 = arith.constant 16 : i32
          %parallel_loop3A_386 = arith.muli %parallel_loop3A_122, %parallel_loop3A_385 : i32
          %parallel_loop3A_387 = arith.constant 2560 : i32
          %parallel_loop3A_388 = arith.addi %parallel_loop3A_387, %parallel_loop3A_386 : i32
          %parallel_loop3A_389 = arith.index_cast %parallel_loop3A_388 : i32 to index
          %parallel_loop3A_390 = tpu.vector_load %arg11[%parallel_loop3A_389] {strides = array<i32>} : memref<4096xf32, #tpu.memory_space<vmem>>, vector<16xf32>,
          %parallel_loop3A_391 = vector.shape_cast %parallel_loop3A_390 : vector<16xf32> to vector<16xf32>
          %parallel_loop3A_392 = arith.constant 16 : i32
          %parallel_loop3A_393 = arith.muli %parallel_loop3A_122, %parallel_loop3A_392 : i32
          %parallel_loop3A_394 = arith.constant 2560 : i32
          %parallel_loop3A_395 = arith.addi %parallel_loop3A_394, %parallel_loop3A_393 : i32
          %parallel_loop3A_396 = arith.index_cast %parallel_loop3A_395 : i32 to index
          %parallel_loop3A_397 = tpu.vector_load %arg13[%parallel_loop3A_396] {strides = array<i32>} : memref<4096xi32, #tpu.memory_space<vmem>>, vector<16xi32>,
          %parallel_loop3A_398 = vector.shape_cast %parallel_loop3A_397 : vector<16xi32> to vector<16xi32>
          %parallel_loop3A_399 = arith.constant 16 : i32
          %parallel_loop3A_400 = vector.broadcast %parallel_loop3A_399 : i32 to vector<16xi32>
          %parallel_loop3A_401 = arith.shli %parallel_loop3A_398, %parallel_loop3A_400 : vector<16xi32>
          %parallel_loop3A_402 = tpu.bitcast %parallel_loop3A_401 : vector<16xi32> -> vector<16xf32>
          %parallel_loop3A_403 = arith.constant -65536 : i32
          %parallel_loop3A_404 = vector.broadcast %parallel_loop3A_403 : i32 to vector<16xi32>
          %parallel_loop3A_405 = arith.andi %parallel_loop3A_398, %parallel_loop3A_404 : vector<16xi32>
          %parallel_loop3A_406 = tpu.bitcast %parallel_loop3A_405 : vector<16xi32> -> vector<16xf32>
          %parallel_loop3A_407 = arith.mulf %parallel_loop3A_391, %parallel_loop3A_402 : vector<16xf32>
          %parallel_loop3A_408 = arith.addf %parallel_loop3A_356, %parallel_loop3A_407 : vector<16xf32>
          %parallel_loop3A_409 = arith.mulf %parallel_loop3A_391, %parallel_loop3A_406 : vector<16xf32>
          %parallel_loop3A_410 = arith.addf %parallel_loop3A_358, %parallel_loop3A_409 : vector<16xf32>
          %parallel_loop3A_411 = arith.constant 16 : i32
          %parallel_loop3A_412 = arith.muli %parallel_loop3A_122, %parallel_loop3A_411 : i32
          %parallel_loop3A_413 = arith.constant 2816 : i32
          %parallel_loop3A_414 = arith.addi %parallel_loop3A_413, %parallel_loop3A_412 : i32
          %parallel_loop3A_415 = arith.index_cast %parallel_loop3A_414 : i32 to index
          %parallel_loop3A_416 = tpu.vector_load %arg11[%parallel_loop3A_415] {strides = array<i32>} : memref<4096xf32, #tpu.memory_space<vmem>>, vector<16xf32>,
          %parallel_loop3A_417 = vector.shape_cast %parallel_loop3A_416 : vector<16xf32> to vector<16xf32>
          %parallel_loop3A_418 = arith.constant 16 : i32
          %parallel_loop3A_419 = arith.muli %parallel_loop3A_122, %parallel_loop3A_418 : i32
          %parallel_loop3A_420 = arith.constant 2816 : i32
          %parallel_loop3A_421 = arith.addi %parallel_loop3A_420, %parallel_loop3A_419 : i32
          %parallel_loop3A_422 = arith.index_cast %parallel_loop3A_421 : i32 to index
          %parallel_loop3A_423 = tpu.vector_load %arg13[%parallel_loop3A_422] {strides = array<i32>} : memref<4096xi32, #tpu.memory_space<vmem>>, vector<16xi32>,
          %parallel_loop3A_424 = vector.shape_cast %parallel_loop3A_423 : vector<16xi32> to vector<16xi32>
          %parallel_loop3A_425 = arith.constant 16 : i32
          %parallel_loop3A_426 = vector.broadcast %parallel_loop3A_425 : i32 to vector<16xi32>
          %parallel_loop3A_427 = arith.shli %parallel_loop3A_424, %parallel_loop3A_426 : vector<16xi32>
          %parallel_loop3A_428 = tpu.bitcast %parallel_loop3A_427 : vector<16xi32> -> vector<16xf32>
          %parallel_loop3A_429 = arith.constant -65536 : i32
          %parallel_loop3A_430 = vector.broadcast %parallel_loop3A_429 : i32 to vector<16xi32>
          %parallel_loop3A_431 = arith.andi %parallel_loop3A_424, %parallel_loop3A_430 : vector<16xi32>
          %parallel_loop3A_432 = tpu.bitcast %parallel_loop3A_431 : vector<16xi32> -> vector<16xf32>
          %parallel_loop3A_433 = arith.mulf %parallel_loop3A_417, %parallel_loop3A_428 : vector<16xf32>
          %parallel_loop3A_434 = arith.addf %parallel_loop3A_382, %parallel_loop3A_433 : vector<16xf32>
          %parallel_loop3A_435 = arith.mulf %parallel_loop3A_417, %parallel_loop3A_432 : vector<16xf32>
          %parallel_loop3A_436 = arith.addf %parallel_loop3A_384, %parallel_loop3A_435 : vector<16xf32>
          %parallel_loop3A_437 = arith.constant 16 : i32
          %parallel_loop3A_438 = arith.muli %parallel_loop3A_122, %parallel_loop3A_437 : i32
          %parallel_loop3A_439 = arith.constant 3072 : i32
          %parallel_loop3A_440 = arith.addi %parallel_loop3A_439, %parallel_loop3A_438 : i32
          %parallel_loop3A_441 = arith.index_cast %parallel_loop3A_440 : i32 to index
          %parallel_loop3A_442 = tpu.vector_load %arg11[%parallel_loop3A_441] {strides = array<i32>} : memref<4096xf32, #tpu.memory_space<vmem>>, vector<16xf32>,
          %parallel_loop3A_443 = vector.shape_cast %parallel_loop3A_442 : vector<16xf32> to vector<16xf32>
          %parallel_loop3A_444 = arith.constant 16 : i32
          %parallel_loop3A_445 = arith.muli %parallel_loop3A_122, %parallel_loop3A_444 : i32
          %parallel_loop3A_446 = arith.constant 3072 : i32
          %parallel_loop3A_447 = arith.addi %parallel_loop3A_446, %parallel_loop3A_445 : i32
          %parallel_loop3A_448 = arith.index_cast %parallel_loop3A_447 : i32 to index
          %parallel_loop3A_449 = tpu.vector_load %arg13[%parallel_loop3A_448] {strides = array<i32>} : memref<4096xi32, #tpu.memory_space<vmem>>, vector<16xi32>,
          %parallel_loop3A_450 = vector.shape_cast %parallel_loop3A_449 : vector<16xi32> to vector<16xi32>
          %parallel_loop3A_451 = arith.constant 16 : i32
          %parallel_loop3A_452 = vector.broadcast %parallel_loop3A_451 : i32 to vector<16xi32>
          %parallel_loop3A_453 = arith.shli %parallel_loop3A_450, %parallel_loop3A_452 : vector<16xi32>
          %parallel_loop3A_454 = tpu.bitcast %parallel_loop3A_453 : vector<16xi32> -> vector<16xf32>
          %parallel_loop3A_455 = arith.constant -65536 : i32
          %parallel_loop3A_456 = vector.broadcast %parallel_loop3A_455 : i32 to vector<16xi32>
          %parallel_loop3A_457 = arith.andi %parallel_loop3A_450, %parallel_loop3A_456 : vector<16xi32>
          %parallel_loop3A_458 = tpu.bitcast %parallel_loop3A_457 : vector<16xi32> -> vector<16xf32>
          %parallel_loop3A_459 = arith.mulf %parallel_loop3A_443, %parallel_loop3A_454 : vector<16xf32>
          %parallel_loop3A_460 = arith.addf %parallel_loop3A_408, %parallel_loop3A_459 : vector<16xf32>
          %parallel_loop3A_461 = arith.mulf %parallel_loop3A_443, %parallel_loop3A_458 : vector<16xf32>
          %parallel_loop3A_462 = arith.addf %parallel_loop3A_410, %parallel_loop3A_461 : vector<16xf32>
          %parallel_loop3A_463 = arith.constant 16 : i32
          %parallel_loop3A_464 = arith.muli %parallel_loop3A_122, %parallel_loop3A_463 : i32
          %parallel_loop3A_465 = arith.constant 3328 : i32
          %parallel_loop3A_466 = arith.addi %parallel_loop3A_465, %parallel_loop3A_464 : i32
          %parallel_loop3A_467 = arith.index_cast %parallel_loop3A_466 : i32 to index
          %parallel_loop3A_468 = tpu.vector_load %arg11[%parallel_loop3A_467] {strides = array<i32>} : memref<4096xf32, #tpu.memory_space<vmem>>, vector<16xf32>,
          %parallel_loop3A_469 = vector.shape_cast %parallel_loop3A_468 : vector<16xf32> to vector<16xf32>
          %parallel_loop3A_470 = arith.constant 16 : i32
          %parallel_loop3A_471 = arith.muli %parallel_loop3A_122, %parallel_loop3A_470 : i32
          %parallel_loop3A_472 = arith.constant 3328 : i32
          %parallel_loop3A_473 = arith.addi %parallel_loop3A_472, %parallel_loop3A_471 : i32
          %parallel_loop3A_474 = arith.index_cast %parallel_loop3A_473 : i32 to index
          %parallel_loop3A_475 = tpu.vector_load %arg13[%parallel_loop3A_474] {strides = array<i32>} : memref<4096xi32, #tpu.memory_space<vmem>>, vector<16xi32>,
          %parallel_loop3A_476 = vector.shape_cast %parallel_loop3A_475 : vector<16xi32> to vector<16xi32>
          %parallel_loop3A_477 = arith.constant 16 : i32
          %parallel_loop3A_478 = vector.broadcast %parallel_loop3A_477 : i32 to vector<16xi32>
          %parallel_loop3A_479 = arith.shli %parallel_loop3A_476, %parallel_loop3A_478 : vector<16xi32>
          %parallel_loop3A_480 = tpu.bitcast %parallel_loop3A_479 : vector<16xi32> -> vector<16xf32>
          %parallel_loop3A_481 = arith.constant -65536 : i32
          %parallel_loop3A_482 = vector.broadcast %parallel_loop3A_481 : i32 to vector<16xi32>
          %parallel_loop3A_483 = arith.andi %parallel_loop3A_476, %parallel_loop3A_482 : vector<16xi32>
          %parallel_loop3A_484 = tpu.bitcast %parallel_loop3A_483 : vector<16xi32> -> vector<16xf32>
          %parallel_loop3A_485 = arith.mulf %parallel_loop3A_469, %parallel_loop3A_480 : vector<16xf32>
          %parallel_loop3A_486 = arith.addf %parallel_loop3A_434, %parallel_loop3A_485 : vector<16xf32>
          %parallel_loop3A_487 = arith.mulf %parallel_loop3A_469, %parallel_loop3A_484 : vector<16xf32>
          %parallel_loop3A_488 = arith.addf %parallel_loop3A_436, %parallel_loop3A_487 : vector<16xf32>
          %parallel_loop3A_489 = arith.constant 16 : i32
          %parallel_loop3A_490 = arith.muli %parallel_loop3A_122, %parallel_loop3A_489 : i32
          %parallel_loop3A_491 = arith.constant 3584 : i32
          %parallel_loop3A_492 = arith.addi %parallel_loop3A_491, %parallel_loop3A_490 : i32
          %parallel_loop3A_493 = arith.index_cast %parallel_loop3A_492 : i32 to index
          %parallel_loop3A_494 = tpu.vector_load %arg11[%parallel_loop3A_493] {strides = array<i32>} : memref<4096xf32, #tpu.memory_space<vmem>>, vector<16xf32>,
          %parallel_loop3A_495 = vector.shape_cast %parallel_loop3A_494 : vector<16xf32> to vector<16xf32>
          %parallel_loop3A_496 = arith.constant 16 : i32
          %parallel_loop3A_497 = arith.muli %parallel_loop3A_122, %parallel_loop3A_496 : i32
          %parallel_loop3A_498 = arith.constant 3584 : i32
          %parallel_loop3A_499 = arith.addi %parallel_loop3A_498, %parallel_loop3A_497 : i32
          %parallel_loop3A_500 = arith.index_cast %parallel_loop3A_499 : i32 to index
          %parallel_loop3A_501 = tpu.vector_load %arg13[%parallel_loop3A_500] {strides = array<i32>} : memref<4096xi32, #tpu.memory_space<vmem>>, vector<16xi32>,
          %parallel_loop3A_502 = vector.shape_cast %parallel_loop3A_501 : vector<16xi32> to vector<16xi32>
          %parallel_loop3A_503 = arith.constant 16 : i32
          %parallel_loop3A_504 = vector.broadcast %parallel_loop3A_503 : i32 to vector<16xi32>
          %parallel_loop3A_505 = arith.shli %parallel_loop3A_502, %parallel_loop3A_504 : vector<16xi32>
          %parallel_loop3A_506 = tpu.bitcast %parallel_loop3A_505 : vector<16xi32> -> vector<16xf32>
          %parallel_loop3A_507 = arith.constant -65536 : i32
          %parallel_loop3A_508 = vector.broadcast %parallel_loop3A_507 : i32 to vector<16xi32>
          %parallel_loop3A_509 = arith.andi %parallel_loop3A_502, %parallel_loop3A_508 : vector<16xi32>
          %parallel_loop3A_510 = tpu.bitcast %parallel_loop3A_509 : vector<16xi32> -> vector<16xf32>
          %parallel_loop3A_511 = arith.mulf %parallel_loop3A_495, %parallel_loop3A_506 : vector<16xf32>
          %parallel_loop3A_512 = arith.addf %parallel_loop3A_460, %parallel_loop3A_511 : vector<16xf32>
          %parallel_loop3A_513 = arith.mulf %parallel_loop3A_495, %parallel_loop3A_510 : vector<16xf32>
          %parallel_loop3A_514 = arith.addf %parallel_loop3A_462, %parallel_loop3A_513 : vector<16xf32>
          %parallel_loop3A_515 = arith.constant 16 : i32
          %parallel_loop3A_516 = arith.muli %parallel_loop3A_122, %parallel_loop3A_515 : i32
          %parallel_loop3A_517 = arith.constant 3840 : i32
          %parallel_loop3A_518 = arith.addi %parallel_loop3A_517, %parallel_loop3A_516 : i32
          %parallel_loop3A_519 = arith.index_cast %parallel_loop3A_518 : i32 to index
          %parallel_loop3A_520 = tpu.vector_load %arg11[%parallel_loop3A_519] {strides = array<i32>} : memref<4096xf32, #tpu.memory_space<vmem>>, vector<16xf32>,
          %parallel_loop3A_521 = vector.shape_cast %parallel_loop3A_520 : vector<16xf32> to vector<16xf32>
          %parallel_loop3A_522 = arith.constant 16 : i32
          %parallel_loop3A_523 = arith.muli %parallel_loop3A_122, %parallel_loop3A_522 : i32
          %parallel_loop3A_524 = arith.constant 3840 : i32
          %parallel_loop3A_525 = arith.addi %parallel_loop3A_524, %parallel_loop3A_523 : i32
          %parallel_loop3A_526 = arith.index_cast %parallel_loop3A_525 : i32 to index
          %parallel_loop3A_527 = tpu.vector_load %arg13[%parallel_loop3A_526] {strides = array<i32>} : memref<4096xi32, #tpu.memory_space<vmem>>, vector<16xi32>,
          %parallel_loop3A_528 = vector.shape_cast %parallel_loop3A_527 : vector<16xi32> to vector<16xi32>
          %parallel_loop3A_529 = arith.constant 16 : i32
          %parallel_loop3A_530 = vector.broadcast %parallel_loop3A_529 : i32 to vector<16xi32>
          %parallel_loop3A_531 = arith.shli %parallel_loop3A_528, %parallel_loop3A_530 : vector<16xi32>
          %parallel_loop3A_532 = tpu.bitcast %parallel_loop3A_531 : vector<16xi32> -> vector<16xf32>
          %parallel_loop3A_533 = arith.constant -65536 : i32
          %parallel_loop3A_534 = vector.broadcast %parallel_loop3A_533 : i32 to vector<16xi32>
          %parallel_loop3A_535 = arith.andi %parallel_loop3A_528, %parallel_loop3A_534 : vector<16xi32>
          %parallel_loop3A_536 = tpu.bitcast %parallel_loop3A_535 : vector<16xi32> -> vector<16xf32>
          %parallel_loop3A_537 = arith.mulf %parallel_loop3A_521, %parallel_loop3A_532 : vector<16xf32>
          %parallel_loop3A_538 = arith.addf %parallel_loop3A_486, %parallel_loop3A_537 : vector<16xf32>
          %parallel_loop3A_539 = arith.mulf %parallel_loop3A_521, %parallel_loop3A_536 : vector<16xf32>
          %parallel_loop3A_540 = arith.addf %parallel_loop3A_488, %parallel_loop3A_539 : vector<16xf32>
          %parallel_loop3A_541 = arith.addf %parallel_loop3A_512, %parallel_loop3A_538 : vector<16xf32>
          %parallel_loop3A_542 = arith.constant 16 : i32
          %parallel_loop3A_543 = arith.muli %parallel_loop3A_122, %parallel_loop3A_542 : i32
          %parallel_loop3A_544 = arith.addi %mul3A_117, %parallel_loop3A_543 : i32
          %parallel_loop3A_545 = arith.constant 0 : i32
          %parallel_loop3A_546 = arith.index_cast %and3A_42 : i32 to index
          %parallel_loop3A_547 = arith.index_cast %parallel_loop3A_545 : i32 to index
          %parallel_loop3A_548 = arith.index_cast %parallel_loop3A_544 : i32 to index
          %parallel_loop3A_549 = tpu.vector_load %arg14[%parallel_loop3A_546, %parallel_loop3A_547, %parallel_loop3A_548] {strides = array<i32>} : memref<2x2x2048xf32, #tpu.memory_space<vmem>>, vector<1x1x16xf32>,
          %parallel_loop3A_550 = vector.shape_cast %parallel_loop3A_549 : vector<1x1x16xf32> to vector<16xf32>
          %parallel_loop3A_551 = vector.shape_cast %parallel_loop3A_541 : vector<16xf32> to vector<1x1x16xf32>
          tpu.vector_store %arg14[%parallel_loop3A_546, %parallel_loop3A_547, %parallel_loop3A_548], %parallel_loop3A_551 {strides = array<i32>} : memref<2x2x2048xf32, #tpu.memory_space<vmem>>, vector<1x1x16xf32>,
          %parallel_loop3A_552 = arith.addf %parallel_loop3A_514, %parallel_loop3A_540 : vector<16xf32>
          %parallel_loop3A_553 = arith.constant 16 : i32
          %parallel_loop3A_554 = arith.muli %parallel_loop3A_122, %parallel_loop3A_553 : i32
          %parallel_loop3A_555 = arith.addi %mul3A_117, %parallel_loop3A_554 : i32
          %parallel_loop3A_556 = arith.constant 1 : i32
          %parallel_loop3A_557 = arith.index_cast %and3A_42 : i32 to index
          %parallel_loop3A_558 = arith.index_cast %parallel_loop3A_556 : i32 to index
          %parallel_loop3A_559 = arith.index_cast %parallel_loop3A_555 : i32 to index
          %parallel_loop3A_560 = tpu.vector_load %arg14[%parallel_loop3A_557, %parallel_loop3A_558, %parallel_loop3A_559] {strides = array<i32>} : memref<2x2x2048xf32, #tpu.memory_space<vmem>>, vector<1x1x16xf32>,
          %parallel_loop3A_561 = vector.shape_cast %parallel_loop3A_560 : vector<1x1x16xf32> to vector<16xf32>
          %parallel_loop3A_562 = vector.shape_cast %parallel_loop3A_552 : vector<16xf32> to vector<1x1x16xf32>
          tpu.vector_store %arg14[%parallel_loop3A_557, %parallel_loop3A_558, %parallel_loop3A_559], %parallel_loop3A_562 {strides = array<i32>} : memref<2x2x2048xf32, #tpu.memory_space<vmem>>, vector<1x1x16xf32>,
        } {sc.loop_unroll_factor = 2 : i64, sc.parallel_access}
        %scan3A_121 = arith.constant 0 : i32
        scf.yield %scan3A_121 : i32
      }
      %scan3A_63 = arith.constant 4 : i32
      %mul3A_64 = arith.constant 2 : i32
      %mul3A_65 = arith.muli %mul3A_64, %scan3A_40 : i32
      %dma_start3A_66 = arith.constant 0 : i32
      %dma_start3A_67 = arith.constant 0 : i32
      %dma_start3A_68 = tpu.memref_slice %arg14[%and3A_42, %dma_start3A_66, %dma_start3A_67] : memref<2x2x2048xf32, #tpu.memory_space<vmem>> -> memref<1x2x2048xf32, #tpu.memory_space<vmem>>
      %dma_start3A_69 = tpu.memref_squeeze %dma_start3A_68 : memref<1x2x2048xf32, #tpu.memory_space<vmem>> -> memref<2x2048xf32, #tpu.memory_space<vmem>>
      %dma_start3A_70 = tpu.memref_slice %arg5[%mul3A_65, %mul3A_2] : memref<32x65536xf32, #tpu.memory_space<hbm>> -> memref<2x2048xf32, #tpu.memory_space<hbm>>
      %dma_start3A_71 = tpu.memref_slice %arg5[%mul3A_65, %mul3A_2] : memref<32x65536xf32, #tpu.memory_space<hbm>> -> memref<2x2048xf32, #tpu.memory_space<hbm>>
      %dma_start3A_72 = arith.constant 0 : i32
      %dma_start3A_73 = arith.constant 0 : i32
      %dma_start3A_74 = tpu.memref_slice %arg14[%and3A_42, %dma_start3A_72, %dma_start3A_73] : memref<2x2x2048xf32, #tpu.memory_space<vmem>> -> memref<1x2x2048xf32, #tpu.memory_space<vmem>>
      %dma_start3A_75 = tpu.memref_squeeze %dma_start3A_74 : memref<1x2x2048xf32, #tpu.memory_space<vmem>> -> memref<2x2048xf32, #tpu.memory_space<vmem>>
      tpu.enqueue_dma source(%dma_start3A_75 : memref<2x2048xf32, #tpu.memory_space<vmem>>) target(%dma_start3A_71 : memref<2x2048xf32, #tpu.memory_space<hbm>>) target_semaphore(%arg19 : memref<!tpu.dma_semaphore, #tpu.memory_space<semaphore_mem>>)
      %gt3A = arith.constant 0 : i32
      %gt3A_76 = arith.cmpi sgt, %scan3A_40, %gt3A : i32
      %convert_element_type3A_77 = arith.extui %gt3A_76 : i1 to i32
      %cond3A_78 = arith.constant 0 : i32
      %cond3A_79 = arith.cmpi ne, %convert_element_type3A_77, %cond3A_78 : i32
      scf.if %cond3A_79 {
        %sub3A = arith.constant 1 : i32
        %sub3A_87 = arith.subi %sub3A, %and3A_42 : i32
        %sub3A_88 = arith.constant 1 : i32
        %sub3A_89 = arith.subi %scan3A_40, %sub3A_88 : i32
        %mul3A_90 = arith.constant 2 : i32
        %mul3A_91 = arith.muli %mul3A_90, %sub3A_89 : i32
        %dma_wait3A_92 = arith.constant 0 : i32
        %dma_wait3A_93 = arith.constant 0 : i32
        %dma_wait3A_94 = tpu.memref_slice %arg14[%sub3A_87, %dma_wait3A_92, %dma_wait3A_93] : memref<2x2x2048xf32, #tpu.memory_space<vmem>> -> memref<1x2x2048xf32, #tpu.memory_space<vmem>>
        %dma_wait3A_95 = tpu.memref_squeeze %dma_wait3A_94 : memref<1x2x2048xf32, #tpu.memory_space<vmem>> -> memref<2x2048xf32, #tpu.memory_space<vmem>>
        %dma_wait3A_96 = tpu.memref_slice %arg5[%mul3A_91, %mul3A_2] : memref<32x65536xf32, #tpu.memory_space<hbm>> -> memref<2x2048xf32, #tpu.memory_space<hbm>>
        %dma_wait3A_97 = tpu.memref_slice %arg5[%mul3A_91, %mul3A_2] : memref<32x65536xf32, #tpu.memory_space<hbm>> -> memref<2x2048xf32, #tpu.memory_space<hbm>>
        %dma_wait3A_98 = arith.constant 0 : i32
        %dma_wait3A_99 = arith.constant 0 : i32
        %dma_wait3A_100 = tpu.memref_slice %arg14[%sub3A_87, %dma_wait3A_98, %dma_wait3A_99] : memref<2x2x2048xf32, #tpu.memory_space<vmem>> -> memref<1x2x2048xf32, #tpu.memory_space<vmem>>
        %dma_wait3A_101 = tpu.memref_squeeze %dma_wait3A_100 : memref<1x2x2048xf32, #tpu.memory_space<vmem>> -> memref<2x2048xf32, #tpu.memory_space<vmem>>
        tpu.wait_dma2 semaphore(%arg19 : memref<!tpu.dma_semaphore, #tpu.memory_space<semaphore_mem>>) src(%dma_wait3A_101 : memref<2x2048xf32, #tpu.memory_space<vmem>>) dst(%dma_wait3A_97 : memref<2x2048xf32, #tpu.memory_space<hbm>>)
      } else {
      }
      %lt3A_80 = arith.constant 16 : i32
      %lt3A_81 = arith.cmpi slt, %add3A_44, %lt3A_80 : i32
      %convert_element_type3A_82 = arith.extui %lt3A_81 : i1 to i32
      %cond3A_83 = arith.constant 0 : i32
      %cond3A_84 = arith.cmpi ne, %convert_element_type3A_82, %cond3A_83 : i32
      scf.if %cond3A_84 {
        %mul3A_87 = arith.constant 524288 : i32
        %mul3A_88 = arith.muli %add3A_44, %mul3A_87 : i32
        %mul3A_89 = arith.constant 32768 : i32
        %mul3A_90 = arith.muli %arg1, %mul3A_89 : i32
        %add3A_91 = arith.addi %mul3A_88, %mul3A_90 : i32
        %and3A_92 = arith.constant 1 : i32
        %and3A_93 = arith.andi %add3A_44, %and3A_92 : i32
        %mul3A_94 = arith.constant 524288 : i32
        %mul3A_95 = arith.muli %and3A_93, %mul3A_94 : i32
        %mul3A_96 = arith.constant 32768 : i32
        %mul3A_97 = arith.muli %arg1, %mul3A_96 : i32
        %add3A_98 = arith.addi %mul3A_95, %mul3A_97 : i32
        %dma_wait3A_99 = tpu.memref_slice %arg15[%add3A_98] : memref<1048576xi32, #tpu.memory_space<vmem_shared>> -> memref<32768xi32, #tpu.memory_space<vmem_shared>>
        %dma_wait3A_100 = tpu.memref_slice %arg3[%add3A_91] : memref<8388608xi32, #tpu.memory_space<hbm>> -> memref<32768xi32, #tpu.memory_space<hbm>>
        tpu.wait_dma2 semaphore(%arg18 : memref<!tpu.dma_semaphore, #tpu.memory_space<semaphore_mem>>) src(%dma_wait3A_100 : memref<32768xi32, #tpu.memory_space<hbm>>) dst(%dma_wait3A_99 : memref<32768xi32, #tpu.memory_space<vmem_shared>>)
      } else {
      }
      %barrier3A_85 = arith.constant 0 : index
      tpu.barrier barrier_id(%barrier3A_85)
      %scan3A_86 = arith.constant 0 : i32
      scf.yield %scan3A_86 : i32
    }
    %scan3A_27 = arith.constant 16 : i32
    %dma_wait3A = arith.constant 1 : i32
    %dma_wait3A_28 = arith.constant 0 : i32
    %dma_wait3A_29 = arith.constant 0 : i32
    %dma_wait3A_30 = tpu.memref_slice %arg14[%dma_wait3A, %dma_wait3A_28, %dma_wait3A_29] : memref<2x2x2048xf32, #tpu.memory_space<vmem>> -> memref<1x2x2048xf32, #tpu.memory_space<vmem>>
    %dma_wait3A_31 = tpu.memref_squeeze %dma_wait3A_30 : memref<1x2x2048xf32, #tpu.memory_space<vmem>> -> memref<2x2048xf32, #tpu.memory_space<vmem>>
    %dma_wait3A_32 = arith.constant 30 : i32
    %dma_wait3A_33 = tpu.memref_slice %arg5[%dma_wait3A_32, %mul3A_2] : memref<32x65536xf32, #tpu.memory_space<hbm>> -> memref<2x2048xf32, #tpu.memory_space<hbm>>
    %dma_wait3A_34 = arith.constant 30 : i32
    %dma_wait3A_35 = tpu.memref_slice %arg5[%dma_wait3A_34, %mul3A_2] : memref<32x65536xf32, #tpu.memory_space<hbm>> -> memref<2x2048xf32, #tpu.memory_space<hbm>>
    %dma_wait3A_36 = arith.constant 0 : i32
    %dma_wait3A_37 = arith.constant 0 : i32
    %dma_wait3A_38 = tpu.memref_slice %arg14[%dma_wait3A, %dma_wait3A_36, %dma_wait3A_37] : memref<2x2x2048xf32, #tpu.memory_space<vmem>> -> memref<1x2x2048xf32, #tpu.memory_space<vmem>>
    %dma_wait3A_39 = tpu.memref_squeeze %dma_wait3A_38 : memref<1x2x2048xf32, #tpu.memory_space<vmem>> -> memref<2x2048xf32, #tpu.memory_space<vmem>>
    tpu.wait_dma2 semaphore(%arg19 : memref<!tpu.dma_semaphore, #tpu.memory_space<semaphore_mem>>) src(%dma_wait3A_39 : memref<2x2048xf32, #tpu.memory_space<vmem>>) dst(%dma_wait3A_35 : memref<2x2048xf32, #tpu.memory_space<hbm>>)
    return
  }
}

module attributes {stable_mosaic.version = 14 : i64} {
  func.func @_mlp_body(%arg0: i32, %arg1: memref<32x4096xf32, #tpu.memory_space<vmem>>, %arg2: memref<32x64xf32, #tpu.memory_space<vmem>>, %arg3: memref<64x64xf32, #tpu.memory_space<vmem>>, %arg4: memref<64x9xf32, #tpu.memory_space<vmem>>, %arg5: memref<4096x9xf32, #tpu.memory_space<vmem>>) attributes {dimension_semantics = [#tpu.dimension_semantics<arbitrary>], iteration_bounds = array<i64: 16>, scalar_prefetch = 0 : i64, scratch_operands = 0 : i64, tpu.core_type = #tpu.core_type<tc>, window_params = [{transform_indices = @transform_0, window_bounds = array<i64: 32, 4096>}, {pipeline_mode = #tpu.pipeline_mode<synchronous>, transform_indices = @transform_1, window_bounds = array<i64: 32, 64>}, {pipeline_mode = #tpu.pipeline_mode<synchronous>, transform_indices = @transform_2, window_bounds = array<i64: 64, 64>}, {pipeline_mode = #tpu.pipeline_mode<synchronous>, transform_indices = @transform_3, window_bounds = array<i64: 64, 9>}, {transform_indices = @transform_4, window_bounds = array<i64: 4096, 9>}]} {
    %get3A = arith.constant 0 : index
    %get3A_0 = arith.constant 0 : index
    %get3A_1 = vector.load %arg1[%get3A, %get3A_0] : memref<32x4096xf32, #tpu.memory_space<vmem>>, vector<32x4096xf32>
    %get3A_2 = arith.constant 0 : index
    %get3A_3 = arith.constant 0 : index
    %get3A_4 = vector.load %arg2[%get3A_2, %get3A_3] : memref<32x64xf32, #tpu.memory_space<vmem>>, vector<32x64xf32>
    %dot_general3A = arith.constant dense<0.000000e+00> : vector<4096x64xf32>
    %dot_general3A_5 = tpu.matmul %get3A_1, %get3A_4, %dot_general3A {dimension_numbers = #tpu.dot_dimension_numbers<[0], [0], [1], [1], [0, 1, 1, 1], [], []>, transpose_lhs_hint = false} : vector<32x4096xf32>, vector<32x64xf32>, vector<4096x64xf32> -> vector<4096x64xf32>
    %max3A = arith.constant 0.000000e+00 : f32
    %max3A_6 = vector.broadcast %max3A : f32 to vector<4096x64xf32>
    %max3A_7 = arith.maximumf %dot_general3A_5, %max3A_6 : vector<4096x64xf32>
    %get3A_8 = arith.constant 0 : index
    %get3A_9 = arith.constant 0 : index
    %get3A_10 = vector.load %arg3[%get3A_8, %get3A_9] : memref<64x64xf32, #tpu.memory_space<vmem>>, vector<64x64xf32>
    %dot_general3A_11 = arith.constant dense<0.000000e+00> : vector<4096x64xf32>
    %dot_general3A_12 = tpu.matmul %max3A_7, %get3A_10, %dot_general3A_11 {dimension_numbers = #tpu.dot_dimension_numbers<[1], [0], [0], [1], [0, 0, 1, 1], [], []>, transpose_lhs_hint = false} : vector<4096x64xf32>, vector<64x64xf32>, vector<4096x64xf32> -> vector<4096x64xf32>
    %max3A_13 = arith.constant 0.000000e+00 : f32
    %max3A_14 = vector.broadcast %max3A_13 : f32 to vector<4096x64xf32>
    %max3A_15 = arith.maximumf %dot_general3A_12, %max3A_14 : vector<4096x64xf32>
    %get3A_16 = arith.constant 0 : index
    %get3A_17 = arith.constant 0 : index
    %get3A_18 = vector.load %arg4[%get3A_16, %get3A_17] : memref<64x9xf32, #tpu.memory_space<vmem>>, vector<64x9xf32>
    %dot_general3A_19 = arith.constant dense<0.000000e+00> : vector<4096x9xf32>
    %dot_general3A_20 = tpu.matmul %max3A_15, %get3A_18, %dot_general3A_19 {dimension_numbers = #tpu.dot_dimension_numbers<[1], [0], [0], [1], [0, 0, 1, 1], [], []>, transpose_lhs_hint = false} : vector<4096x64xf32>, vector<64x9xf32>, vector<4096x9xf32> -> vector<4096x9xf32>
    %swap3A = arith.constant 0 : index
    %swap3A_21 = arith.constant 0 : index
    %swap3A_22 = vector.load %arg5[%swap3A, %swap3A_21] : memref<4096x9xf32, #tpu.memory_space<vmem>>, vector<4096x9xf32>
    tpu.vector_store %arg5[%swap3A, %swap3A_21], %dot_general3A_20 {strides = array<i32>} : memref<4096x9xf32, #tpu.memory_space<vmem>>, vector<4096x9xf32>,
    return
  }
  func.func @transform_0(%arg0: i32) -> (i32, i32) {
    %c0_i32 = arith.constant 0 : i32
    %c0_i32_0 = arith.constant 0 : i32
    return %c0_i32, %arg0 : i32, i32
  }
  func.func @transform_1(%arg0: i32) -> (i32, i32) {
    %c0_i32 = arith.constant 0 : i32
    %c0_i32_0 = arith.constant 0 : i32
    %c0_i32_1 = arith.constant 0 : i32
    return %c0_i32, %c0_i32_0 : i32, i32
  }
  func.func @transform_2(%arg0: i32) -> (i32, i32) {
    %c0_i32 = arith.constant 0 : i32
    %c0_i32_0 = arith.constant 0 : i32
    %c0_i32_1 = arith.constant 0 : i32
    return %c0_i32, %c0_i32_0 : i32, i32
  }
  func.func @transform_3(%arg0: i32) -> (i32, i32) {
    %c0_i32 = arith.constant 0 : i32
    %c0_i32_0 = arith.constant 0 : i32
    %c0_i32_1 = arith.constant 0 : i32
    return %c0_i32, %c0_i32_0 : i32, i32
  }
  func.func @transform_4(%arg0: i32) -> (i32, i32) {
    %c0_i32 = arith.constant 0 : i32
    %c0_i32_0 = arith.constant 0 : i32
    return %arg0, %c0_i32 : i32, i32
  }
}

</mosaic_0001>

<sc_bundles>
// kernel: kernel.4.cloned.1.call-start
scs
__scs_entry_jumppad:
0x0: {  	(pc) =	sbr.rel $0x88, $3  }
0x1: {  	(tag) =	ssettag $0x0;
	lr =	simm.s32 $0x1  }
0x2: {  	[smem:$0x3F9B] =	sst lr;
	_ =	strace $0xD0000000  }
0x3: {  	_ = 	snop  }
0x4: {  	_ = 	snop  }
0x5: {  	_ = 	snop  }
0x6: {  	_ = 	snop  }
0x7: {  	_ = 	snop  }
__scs_overlays_trampoline_lowered:
0x8: {  	[smem:$0x3FAA] =	sst s0  }
0x9: {  	[smem:$0x3FAB] =	sst s1  }
0xa: {  	[smem:$0x3FAC] =	sst s2  }
0xb: {  	[smem:$0x3FAD] =	sst s3  }
0xc: {  	[smem:$0x3FAE] =	sst s4  }
0xd: {  	[smem:$0x3FAF] =	sst s5  }
0xe: {  	[smem:$0x3FB0] =	sst s6  }
0xf: {  	[smem:$0x3FB1] =	sst s7  }
0x10: {  	[smem:$0x3FB2] =	sst s8  }
0x11: {  	[smem:$0x3FB3] =	sst s9;
	s0 =	simm.s32 @!p0 $0x0  }
0x12: {  	s1 =	sld [smem:$0x3F99];
	s0 =	simm.s32 @p0 $0x1  }
0x13: {  	[smem:$0x3FB4] =	sst s0;
	s0 =	simm.s32 @!p1 $0x0  }
0x14: {  	s2 =	sld [smem:$0x3F98];
	s0 =	simm.s32 @p1 $0x1  }
0x15: {  	[smem:$0x3FB5] =	sst s0;
	s0 =	simm.s32 @!p2 $0x0  }
0x16: {  	s3 =	sld [smem:$0x3FDB];
	s0 =	simm.s32 @p2 $0x1  }
0x17: {  	s4 =	simm.s32 $0x1BF5;
	[smem:$0x3FB7] =	sst s0  }
0x18: {  	s0 =	sld [smem:$0x3F9A];
	_ =	swait.ge [sflag:s4], $0x0  }
0x19: {  	s7 =	sld [smem:$0x3F9B]  }
0x1a: {  	s8 =	sadd.s32 $0xFFFFE003, lr  }
0x1b: {  	s9 =	sadd.s32 $0xFFFFFEF7, lr;
	s5 =	simm.s32 $0xFFFFFFFF;
	p2 =	slt.u32 s8, $0xFFFFF086  }
0x1c: {  	p1 =	slt.u32 s9, $0xF7A;
	s5 =	simm.s32 @!p2 $0x0  }
0x1d: {  	s5 =	simm.s32 @p1 $0x1;
	p0 =	seq.s32 s7, s2  }
0x1e: {  	s7 =	smul.u32 @!p0 $0xF7A, s2;
	p2 =	seq.s32 @!p0 s5, $0x0  }
0x1f: {  	s9 =	smul.u32 $0xF7A, s1;
	s8 =	simm.s32 @!p0 $0x1BF5;
	p2 =	por !p2, p0  }
0x20: {  	[sflag:s8] =	ssyncset.s32 @!p0 $0xFFFFF086;
	s6 =	sadd.s32 @!p0 s3, s7;
	s7 =	simm.s32 @!p0 $0x108  }
0x21: {  	s3 =	sadd.s32 s3, s9;
	s6 =	sadd.s32 @!p0 $0x88, s6;
	s7 =	simm.s32 @p2 $0x1082  }
0x22: {  	[simem:s7], [sflag:s8] =	dma.local @!p0 [hbm:s6], $0xF7A  }
0x23: {  	s9 =	sor.u32 $0xD0000000, s2;
	s6 =	simm.s32 $0x108;
	_ =	swait.ge @!p0 [sflag:s8], $0x0  }
0x24: {  	s3 =	sadd.s32 $0x88, s3;
	s6 =	simm.s32 @!p1 $0x1082;
	[sflag:s4] =	ssyncset.s32 $0xFFFFF086  }
0x25: {  	[simem:s6], [sflag:s4] =	dma.local [hbm:s3], $0xF7A  }
0x26: {  	[smem:$0x3F9B] =	sst s1;
	(tag) =	ssettag s2;
	_ =	strace s9  }
0x27: {  	s1 =	sld [smem:$0x3FAB]  }
0x28: {  	s2 =	sld [smem:$0x3FAC]  }
0x29: {  	s4 =	sld [smem:$0x3FAE]  }
0x2a: {  	p0 =	seq.s32 s5, $0x0;
	s5 =	sld [smem:$0x3FAF]  }
0x2b: {  	s6 =	sld [smem:$0x3FB0]  }
0x2c: {  	s7 =	sld [smem:$0x3FB1]  }
0x2d: {  	s3 =	simm.s32 $0x108;
	s8 =	sld [smem:$0x3FB2]  }
0x2e: {  	s3 =	simm.s32 @!p0 $0x1082;
	s9 =	sld [smem:$0x3FB3]  }
0x2f: {  	lr =	sadd.s32 s0, s3;
	s0 =	sld [smem:$0x3FAA]  }
0x30: {  	s3 =	sld [smem:$0x3FAD]  }
0x31: {  	[smem:$0x3FB6] =	sst s10  }
0x32: {  	s10 =	sld [smem:$0x3FB4];
	_ =	sdelay $0x3  }
0x33: {  	p0 =	seq.s32 s10, $0x1;
	s10 =	sld [smem:$0x3FB6];
	_ =	sdelay $0x3  }
0x34: {  	[smem:$0x3FB6] =	sst s10  }
0x35: {  	s10 =	sld [smem:$0x3FB5];
	_ =	sdelay $0x3  }
0x36: {  	p1 =	seq.s32 s10, $0x1;
	s10 =	sld [smem:$0x3FB6];
	_ =	sdelay $0x3  }
0x37: {  	[smem:$0x3FB6] =	sst s10  }
0x38: {  	s10 =	sld [smem:$0x3FB7]  }
0x39: {  	_ = 	snop;
	(pc) =	sbr.ind lr, $3  }
0x3a: {  	_ = 	snop  }
0x3b: {  	_ = 	snop  }
0x3c: {  	p2 =	seq.s32 s10, $0x1;
	s10 =	sld [smem:$0x3FB6]  }
0x3d: {  	_ =	shalt  }
0x3e: {  	_ =	shalt  }
0x3f: {  	_ =	shalt  }
0x40: {  	_ =	shalt  }
0x41: {  	_ =	shalt  }
0x42: {  	_ =	shalt  }
0x43: {  	_ =	shalt  }
0x44: {  	_ =	shalt  }
0x45: {  	_ =	shalt  }
0x46: {  	_ =	shalt  }
0x47: {  	_ =	shalt  }
0x48: {  	_ =	shalt  }
0x49: {  	_ =	shalt  }
0x4a: {  	_ =	shalt  }
0x4b: {  	_ =	shalt  }
0x4c: {  	_ =	shalt  }
0x4d: {  	_ =	shalt  }
0x4e: {  	_ =	shalt  }
0x4f: {  	_ =	shalt  }
0x50: {  	_ =	shalt  }
0x51: {  	_ =	shalt  }
0x52: {  	_ =	shalt  }
0x53: {  	_ =	shalt  }
0x54: {  	_ =	shalt  }
0x55: {  	_ =	shalt  }
0x56: {  	_ =	shalt  }
0x57: {  	_ =	shalt  }
0x58: {  	_ =	shalt  }
0x59: {  	_ =	shalt  }
0x5a: {  	_ =	shalt  }
0x5b: {  	_ =	shalt  }
0x5c: {  	_ =	shalt  }
0x5d: {  	_ =	shalt  }
0x5e: {  	_ =	shalt  }
0x5f: {  	_ =	shalt  }
0x60: {  	_ =	shalt  }
0x61: {  	_ =	shalt  }
0x62: {  	_ =	shalt  }
0x63: {  	_ =	shalt  }
0x64: {  	_ =	shalt  }
0x65: {  	_ =	shalt  }
0x66: {  	_ =	shalt  }
0x67: {  	_ =	shalt  }
0x68: {  	_ =	shalt  }
0x69: {  	_ =	shalt  }
0x6a: {  	_ =	shalt  }
0x6b: {  	_ =	shalt  }
0x6c: {  	_ =	shalt  }
0x6d: {  	_ =	shalt  }
0x6e: {  	_ =	shalt  }
0x6f: {  	_ =	shalt  }
0x70: {  	_ =	shalt  }
0x71: {  	_ =	shalt  }
0x72: {  	_ =	shalt  }
0x73: {  	_ =	shalt  }
0x74: {  	_ =	shalt  }
0x75: {  	_ =	shalt  }
0x76: {  	_ =	shalt  }
0x77: {  	_ =	shalt  }
0x78: {  	_ =	shalt  }
0x79: {  	_ =	shalt  }
0x7a: {  	_ =	shalt  }
0x7b: {  	_ =	shalt  }
0x7c: {  	_ =	shalt  }
0x7d: {  	_ =	shalt  }
0x7e: {  	_ =	shalt  }
0x7f: {  	_ =	shalt  }
0x80: {  	_ =	shalt  }
0x81: {  	_ =	shalt  }
0x82: {  	_ =	shalt  }
0x83: {  	_ =	shalt  }
0x84: {  	_ =	shalt  }
0x85: {  	_ =	shalt  }
0x86: {  	_ =	shalt  }
0x87: {  	_ =	shalt  }
.Lfunc_end0:
.L_simem_size_0:
called_computation.1_lowered:
.L_overlay_start_0:
0x88: {  	s2 =	sld [smem:$0x3FD9]  }
0x89: {  	s3 =	sld [smem:$0x3FFE];
	_ =	sdelay $0x1  }
0x8a: {  	s1 =	srdreg.scid  }
0x8b: {  	s0 =	sand.u32 $0x1, s1  }
0x8c: {  	s17 =	sshll.u32 s0, $0xA;
	s2 =	sadd.s32 s3, s2  }
0x8d: {  	s2 =	sadd.s32 s2, s17  }
0x8e: {  	[smem:$0x3FC2] =	sst s2  }
0x8f: {  	_ = 	snop  }
0x90: {  	s2 =	sld [smem:$0x3FD0];
	(tm) =	ssettm $0x1  }
0x91: {  	s18 =	sld [smem:$0x3FFB];
	_ =	sdelay $0x3  }
0x92: {  	_ =	strace s18  }
0x93: {  	s3 =	sld [smem:$0x3FFC];
	_ =	sdelay $0x3  }
0x94: {  	_ =	strace s3  }
0x95: {  	s3 =	sld [smem:$0x3FFD];
	_ =	sdelay $0x3  }
0x96: {  	_ =	strace s3  }
0x97: {  	_ =	strace $0x8FFFFFFF  }
0x98: {  	s19 =	sld [smem:$0x3FDB];
	_ =	sdelay $0x1  }
0x99: {  	s4 =	simm.s32 $_scs_section_size  }
0x9a: {  	s5 =	simm.s32 $_size__tile_overlayer_lowered;
	s6 =	simm.s32 $_tile_overlayer_lowered  }
0x9b: {  	s22 =	simm.s32 $0x1BFF;
	s21 =	sshll.u32 s6, $0x1;
	s3 =	sadd.s32 s4, s19  }
0x9c: {  	s7 =	simm.s32 $0x0;
	s20 =	sshll.u32 s5, $0x1;
	s5 =	sadd.s32 s21, s3  }
0x9d: {  	[timem:s7], [sflag:s22] =	dma.local [hbm:s5], s20  }
0x9e: {  	_ =	swait.ge [sflag:s22], s20  }
0x9f: {  	s4 =	ssub.s32 $0x0, s20;
	[sflag:s22] =	ssyncset.done $0x0  }
0xa0: {  	[sflag:s22] =	ssyncadd.s32 s4;
	_ =	sdelay $0x1  }
0xa1: {  	s23 =	simm.s32 $0x1B8B  }
0xa2: {  	_ =	swait.ge [sflag:s23], $0x1  }
0xa3: {  	[sflag:s23] =	ssyncset.done $0x0  }
0xa4: {  	s25 =	simm.s32 $0x1B8E;
	s24 =	sld [smem:$0x3FFE];
	[sflag:s23] =	ssyncadd.s32 $0xFFFFFFFF  }
0xa5: {  	s26 =	simm.s32 $execute0_lowered;
	[smem:$0x3FD2] =	sst s25  }
0xa6: {  	s5 =	sshll.u32 s26, $0x1;
	_ =	strace $0x80000049;
	[dreg:$0x1] =	wrdreg $0xFFFFFFFF  }
0xa7: {  	s28 =	simm.s32 $_size_execute0_lowered;
	s3 =	sadd.s32 s3, s5;
	[dreg:$0x0] =	wrdreg $0x0  }
0xa8: {  	s5 =	sshll.u32 s28, $0x1;
	[dreg:$0x2] =	wrdreg s3  }
0xa9: {  	[dreg:$0x3] =	wrdreg s5  }
0xaa: {  	[dreg:$0x4] =	wrdreg $0xC0  }
0xab: {  	_ =	task [dreg:s7], $0x5FFFF  }
0xac: {  	[dreg:$0x1] =	wrdreg $0xFFFFFFFF  }
0xad: {  	[dreg:$0x0] =	wrdreg $0x60  }
0xae: {  	[dreg:$0x2] =	wrdreg s2  }
0xaf: {  	[dreg:$0x3] =	wrdreg s24  }
0xb0: {  	[dreg:$0x4] =	wrdreg $0xA1000  }
0xb1: {  	[dreg:$0x5] =	wrdreg $0x9  }
0xb2: {  	_ =	task.clear_ibuf [dreg:s7], $0x6FFFF;
	_ =	strace $0x90000049  }
0xb3: {  	s29 =	simm.s32 $0x9;
	_ =	strace $0x8000004B  }
0xb4: {  	_ =	swait.ge [sflag:s29], $0x1  }
0xb5: {  	[sflag:s29] =	ssyncadd.s32 $0xFFFFFFFF  }
0xb6: {  	_ =	strace $0x9000004B  }
0xb7: {  	_ =	sfence  }
0xb8: {  	s30 =	sld [smem:$0x0];
	_ =	sdelay $0x2  }
0xb9: {  	s31 =	sshll.u32 s1, $0xD;
	s1 =	sshrl.u32 s1, $0x2  }
0xba: {  	s3 =	sand.u32 $0x4000, s31;
	s1 =	sadd.s32 s1, s30  }
0xbb: {  	s0 =	sor.u32 s3, s0;
	s1 =	sshll.u32 s1, $0x11  }
0xbc: {  	s0 =	sor.u32 s1, s0  }
0xbd: {  	s0 =	sadd.s32 $0x8F2B, s0  }
0xbe: {  	[sflag:s0] =	ssyncadd.remote.s32 $0x1  }
0xbf: {  	_ =	sfence.sel $0xFFFF  }
0xc0: {  	[dreg:$0x0] =	wrdreg $0xFFFFFFFF;
	(pc) =	sbr.abs _section_cstart, $3  }
0xc1: {  	[dreg:$0x1] =	wrdreg $0xFFFFFFFF  }
0xc2: {  	_ =	task.clear_ibuf [dreg:s7], $0x2FFFF;
	_ =	strace $0x9FFFFFFF  }
0xc3: {  	(tm) =	ssettm $0x7FFFFFFF  }
tec
execute0_lowered:
.L_overlay_start_1:
0x0: {  	(tag) =	ssettag $0x1  }
0x1: {  	s0 =	rddreg [dreg:$0x0]  }
0x2: {  	s2 =	rddreg [dreg:$0x1]  }
0x3: {  	s1 =	rddreg [dreg:$0x2];
	s4 =	simm.s32 $0x0;
	s3 =	srdreg.scid  }
0x4: {  	s10 =	stileid.u32;
	s17 =	simm.s32 $0x1000;
	s22 =	simm.s32 $0x2100  }
0x5: {  	s28 =	simm.s32 $0x2;
	[smem:$0x7FF] =	sst s4;
	s3 =	sand.u32 $0x1, s3  }
0x6: {  	s5 =	sshll.u32 s10, $0xC;
	s4 =	sadd.s32 $0x101200, s2;
	s7 =	sadd.s32 $0x1200, s2  }
0x7: {  	s9 =	sshll.u32 s10, $0xF;
	s30 =	sshll.u32 s10, $0x6;
	_ =	strace $0x8000004A  }
0x8: {  	s6 =	sshll.u32 s3, $0xB;
	s3 =	ssub.s32 $0x2, s3;
	[dreg:$0x4] =	wrdreg s7  }
0x9: {  	s11 =	sadd.s32 s9, s1;
	s26 =	sadd.s32 s4, s5;
	s6 =	sor.u32 s6, s5  }
0xa: {  	s23 =	sshrl.u32 s3, $0x1;
	[dreg:$0x9] =	wrdreg s26;
	s31 =	sshrl.u32 s11, $0x3  }
0xb: {  	s26 =	simm.s32 $0x1;
	s5 =	simm.s32 $0x0;
	s8 =	sshrl.u32 s6, $0x3  }
0xc: {  	s3 =	ssub.s32 s3, s23;
	[dreg:$0xc] =	wrdreg s31;
	s0 =	sadd.s32 s0, s8  }
0xd: {  	s2 =	sadd.s32 s6, s2;
	s29 =	smax.u32 s3, $0x1;
	[dreg:$0x5] =	wrdreg s0  }
.Ltmp0:
0xe: {  	s24 =	sadd.s32 $0x2000, s0;
	[dreg:$0xa] =	wrdreg s29;
	(pc) =	sbr.rel .LBB2_1-.Ltmp0, $4  }
0xf: {  	s23 =	simm.s32 $0x6100;
	s25 =	sadd.s32 $0x4000, s0;
	[dreg:$0x6] =	wrdreg s24  }
0x10: {  	s13 =	sadd.s32 $0x1400, s2;
	s0 =	sadd.s32 $0x6000, s0;
	[dreg:$0x7] =	wrdreg s25  }
0x11: {  	[dreg:$0x8] =	wrdreg s0;
	s0 =	sor.u32 $0x1C05, s30;
	s24 =	simm.s32 $0x3100  }
0x12: {  	s25 =	simm.s32 $0x7100;
	[dreg:$0xb] =	wrdreg s0;
	s0 =	simm.s32 $0x3  }
.LBB2_17:
0x13: {  	[bflag:$0x0] =	sbarrier.arrive $0xFFFF  }
.LBB2_19:
0x14: {  	s3 =	simm.s32 $0x4  }
0x15: {  	_ =	swait.ge [sflag:s3], $0x1000  }
0x16: {  	s5 =	rddreg [dreg:$0xd]  }
0x17: {  	s2 =	rddreg [dreg:$0xa];
	s5 =	sadd.s32 $0x1, s5  }
0x18: {  	p0 =	sne.s32 s5, s2  }
.Ltmp1:
0x19: {  	_ = 	snop;
	(pc) =	sbr.rel @!p0 .LBB2_20-.Ltmp1, $3  }
0x1a: {  	_ =	sdelay $0x1  }
0x1b: {  	[sflag:s3] =	ssyncset.done $0x0  }
0x1c: {  	[sflag:s3] =	ssyncadd.s32 $0xFFFFF000  }
.LBB2_1:
0x1d: {  	[dreg:$0xd] =	wrdreg s5  }
0x1e: {  	s2 =	simm.s32 $0x0;
	s3 =	rddreg [dreg:$0x5];
	s14 =	simm.s32 $0x5  }
0x1f: {  	[tilespmem:s2], [sflag:$0x5] =	stream.linear.gather [hbm4b:s3+s2], $0x800, $0x38;
	[tilespmem:$0x1A100] =	vst v63  }
0x20: {  	_ =	swait.ge [sflag:s14], $0x800  }
0x21: {  	[sflag:s14] =	ssyncset.done $0x0  }
0x22: {  	s6 =	simm.s32 $0x800;
	s15 =	rddreg [dreg:$0x6];
	[sflag:s14] =	ssyncadd.s32 $0xFFFFF800  }
0x23: {  	[tilespmem:s6], [sflag:$0x5] =	stream.linear.gather [hbm4b:s15+s2], $0x800, $0x38;
	[tilespmem:$0x1A100] =	vst v63  }
0x24: {  	_ =	swait.ge [sflag:s14], $0x800  }
0x25: {  	[sflag:s14] =	ssyncset.done $0x0  }
0x26: {  	s16 =	rddreg [dreg:$0x7];
	[sflag:s14] =	ssyncadd.s32 $0xFFFFF800  }
0x27: {  	[tilespmem:s17], [sflag:$0x5] =	stream.linear.gather [hbm4b:s16+s2], $0x800, $0x38;
	[tilespmem:$0x1A100] =	vst v63  }
0x28: {  	_ =	swait.ge [sflag:s14], $0x800  }
0x29: {  	[sflag:s14] =	ssyncset.done $0x0  }
0x2a: {  	s19 =	simm.s32 $0x1800;
	s18 =	rddreg [dreg:$0x8];
	[sflag:s14] =	ssyncadd.s32 $0xFFFFF800  }
0x2b: {  	[tilespmem:s19], [sflag:$0x5] =	stream.linear.gather [hbm4b:s18+s2], $0x800, $0x38;
	[tilespmem:$0x1A100] =	vst v63  }
0x2c: {  	_ =	swait.ge [sflag:s14], $0x800  }
0x2d: {  	[sflag:s14] =	ssyncset.done $0x0  }
0x2e: {  	s21 =	simm.s32 $0x2000;
	s20 =	rddreg [dreg:$0x4];
	[sflag:s14] =	ssyncadd.s32 $0xFFFFF800  }
0x2f: {  	[tilespmem:s21], [sflag:$0x5] =	stream.linear.gather [hbm4b:s20+s2], $0x100, $0x38;
	[tilespmem:$0x1A100] =	vst v63  }
0x30: {  	_ =	swait.ge [sflag:s14], $0x100  }
0x31: {  	s29 =	rddreg [dreg:$0x9]  }
0x32: {  	[sflag:s14] =	ssyncset.done $0x0;
	s30 =	rddreg [dreg:$0xb]  }
0x33: {  	s31 =	rddreg [dreg:$0xc];
	[sflag:s14] =	ssyncadd.s32 $0xFFFFFF00  }
0x34: {  	[spmem:s31], [sflag:s30] =	dma.local [hbm:s29], $0x1000  }
0x35: {  	_ =	swait.ge [sflag:s14], $0x1000  }
0x36: {  	[sflag:s14] =	ssyncset.done $0x0  }
0x37: {  	[sflag:s14] =	ssyncadd.s32 $0xFFFFF000  }
0x38: {  	s18 =	simm.s32 $0x0;
	[bflag:$0x0] =	sbarrier.arrive $0xFFFF  }
.LBB2_2:
0x39: {  	s19 =	sadd.s32 $0x1, s18;
	p0 =	seq.s32 s18, $0xF  }
0x3a: {  	s5 =	stileid.u32;
	s2 =	sshll.u32 @!p0 s19, $0x13  }
0x3b: {  	s29 =	sshll.u32 s18, $0x4;
	s3 =	sand.u32 @!p0 $0x80000, s2;
	s2 =	sor.u32 @!p0 s9, s2  }
0x3c: {  	s5 =	sshll.u32 @!p0 s5, $0x6;
	s3 =	sadd.s32 @!p0 s3, s11;
	s2 =	sshrl.u32 @!p0 s2, $0x3  }
0x3d: {  	s5 =	sor.u32 @!p0 $0x1C03, s5;
	s2 =	sadd.s32 @!p0 s4, s2;
	s3 =	sshrl.u32 @!p0 s3, $0x3  }
0x3e: {  	[spmem:s3], [sflag:s5] =	dma.local @!p0 [hbm:s2], $0x1000  }
0x3f: {  	s2 =	sand.u32 $0x3FFFFFF0, s29  }
0x40: {  	s7 =	simm.s32 $0x0;
	v0 =	vld [tilespmem:s2+$0x2000]  }
0x41: {  	v1 =	vld [tilespmem:s7+$0x0]  }
0x42: {  	s30 =	sand.u32 $0xE0, s7;
	v2 =	vld [tilespmem:s7+$0x800]  }
0x43: {  	v3 =	vld [tilespmem:s30+$0x1000]  }
0x44: {  	v4 =	vld [tilespmem:s30+$0x1800]  }
0x45: {  	v24 =	vld [tilespmem:s7+$0x10]  }
0x46: {  	v25 =	vld [tilespmem:s7+$0x1010];
	_ =	sdelay $0x2  }
0x47: {  	v5 =	vmul.f32 v1, v0;
	v2 =	vmul.f32 v2, v0  }
0x48: {  	v3 =	vmul.f32 v3, v0;
	v4 =	vmul.f32 v4, v0  }
0x49: {  	v24 =	vmul.f32 v24, v0;
	v25 =	vmul.f32 v25, v0  }
0x4a: {  	v1 =	vtrunc.f32 v5;
	v7 =	vtrunc.f32 v2  }
0x4b: {  	v8 =	vtrunc.f32 v3;
	v9 =	vtrunc.f32 v4  }
0x4c: {  	v30 =	vtrunc.f32 v24;
	v33 =	vtrunc.f32 v25  }
0x4d: {  	s5 =	sand.u32 $0x1, s18;
	v6 =	vcvt.f32.s32 v1;
	v7 =	vcvt.f32.s32 v7  }
0x4e: {  	s31 =	sshll.u32 s5, $0x13;
	v8 =	vcvt.f32.s32 v8;
	v9 =	vcvt.f32.s32 v9  }
0x4f: {  	v1 =	vmov s31;
	v30 =	vcvt.f32.s32 v30;
	v33 =	vcvt.f32.s32 v33  }
0x50: {  	v10 =	vadd.s32 $0x1, v6;
	v11 =	vmul.u32 $0x9E3779B1, v7;
	v12 =	vcvt.s32.f32 v6  }
0x51: {  	v7 =	vcvt.s32.f32 v7;
	v13 =	vmul.u32 $0x30025795, v8;
	v8 =	vcvt.s32.f32 v8  }
0x52: {  	v14 =	vcvt.s32.f32 v9;
	v9 =	vmul.u32 $0xDB06C2F5, v9;
	v37 =	vcvt.s32.f32 v30  }
0x53: {  	v39 =	vcvt.s32.f32 v33;
	v33 =	vmul.u32 $0x30025795, v33;
	v43 =	vadd.s32 $0x1, v30  }
0x54: {  	v15 =	vadd.s32 $0x9E3779B1, v11;
	v16 =	vxor.u32 v6, v11;
	v11 =	vxor.u32 v10, v11  }
0x55: {  	v5 =	vsub.f32 v5, v12;
	v7 =	vsub.f32 v2, v7;
	v2 =	vadd.s32 $0x30025795, v13  }
0x56: {  	v12 =	vxor.u32 v13, v9;
	v3 =	vsub.f32 v3, v8;
	v4 =	vsub.f32 v4, v14  }
0x57: {  	v8 =	vadd.s32 $0xDB06C2F5, v9;
	v37 =	vsub.f32 v24, v37;
	v39 =	vsub.f32 v25, v39  }
0x58: {  	v6 =	vxor.u32 v6, v15;
	v10 =	vxor.u32 v10, v15;
	v14 =	vxor.u32 v16, v12  }
0x59: {  	v15 =	vxor.u32 v11, v12;
	v9 =	vxor.u32 v9, v2;
	v13 =	vxor.u32 v13, v8  }
0x5a: {  	v8 =	vxor.u32 v2, v8;
	v17 =	vxor.u32 v6, v12;
	v12 =	vxor.u32 v10, v12  }
0x5b: {  	v14 =	vand.u32 $0x7FFFF, v14;
	v2 =	vmul.f32 v7, v5;
	v15 =	vand.u32 $0x7FFFF, v15  }
0x5c: {  	v18 =	vxor.u32 v16, v9;
	v19 =	vxor.u32 v11, v9;
	v20 =	vxor.u32 v6, v9  }
0x5d: {  	v9 =	vxor.u32 v10, v9;
	v21 =	vxor.u32 v16, v13;
	v22 =	vxor.u32 v11, v13  }
0x5e: {  	v16 =	vxor.u32 v16, v8;
	v32 =	vsub.f32 $1.000000000e+00, v4;
	v35 =	vsub.f32 $1.000000000e+00, v5  }
0x5f: {  	v11 =	vxor.u32 v11, v8;
	v36 =	vsub.f32 $1.000000000e+00, v7;
	v24 =	vsub.f32 $1.000000000e+00, v37  }
0x60: {  	v41 =	vsub.f32 $1.000000000e+00, v39;
	v14 =	vor.u32 v1, v14;
	v17 =	vand.u32 $0x7FFFF, v17  }
0x61: {  	v15 =	vor.u32 v1, v15;
	v12 =	vand.u32 $0x7FFFF, v12;
	v18 =	vand.u32 $0x7FFFF, v18  }
0x62: {  	s8 =	simm.s32 $0x2900;
	v19 =	vand.u32 $0x7FFFF, v19;
	v20 =	vand.u32 $0x7FFFF, v20;
	v9 =	vand.u32 $0x7FFFF, v9  }
0x63: {  	v21 =	vand.u32 $0x7FFFF, v21;
	v22 =	vand.u32 $0x7FFFF, v22;
	v11 =	vand.u32 $0x7FFFF, v11;
	[tilespmem:s8+$0xFFFFF800] =	vst v14  }
0x64: {  	v17 =	vor.u32 v1, v17;
	v12 =	vor.u32 v1, v12;
	v18 =	vor.u32 v1, v18;
	[tilespmem:s8+$0xFFFFF900] =	vst v15  }
0x65: {  	v19 =	vor.u32 v1, v19;
	v23 =	vor.u32 v1, v20;
	v20 =	vxor.u32 v6, v13;
	[tilespmem:s8+$0xFFFFFA00] =	vst v17  }
0x66: {  	v9 =	vor.u32 v1, v9;
	v13 =	vxor.u32 v10, v13;
	v26 =	vor.u32 v1, v21;
	[tilespmem:s8+$0xFFFFFB00] =	vst v12  }
0x67: {  	v27 =	vor.u32 v1, v22;
	v22 =	vsub.f32 $1.000000000e+00, v3;
	v6 =	vxor.u32 v6, v8;
	[tilespmem:s8+$0xFFFFFC00] =	vst v18  }
0x68: {  	v21 =	vld [tilespmem:s7+$0x810];
	v8 =	vxor.u32 v10, v8;
	v5 =	vmul.f32 v36, v5;
	v7 =	vmul.f32 v7, v35;
	[tilespmem:s8+$0xFFFFFD00] =	vst v19  }
0x69: {  	v20 =	vand.u32 $0x7FFFF, v20;
	v6 =	vand.u32 $0x7FFFF, v6;
	v12 =	vmul.f32 v36, v35;
	[tilespmem:s8+$0xFFFFFE00] =	vst v23  }
0x6a: {  	[tilespmem:s8+$0xFFFFFF00] =	vst v9;
	v28 =	vor.u32 v1, v20;
	v20 =	vld [tilespmem:s7+$0x1810];
	v10 =	vmul.f32 v4, v22;
	v17 =	vmul.f32 v32, v22  }
0x6b: {  	v8 =	vand.u32 $0x7FFFF, v8;
	[tilespmem:s8+$0x0] =	vst v26;
	v6 =	vor.u32 v1, v6;
	v32 =	vmul.f32 v32, v3  }
0x6c: {  	v8 =	vor.u32 v1, v8;
	[tilespmem:s8+$0x600] =	vst v6;
	v29 =	vmul.f32 v10, v2;
	v6 =	vmul.f32 v17, v12  }
0x6d: {  	v11 =	vor.u32 v1, v11;
	[tilespmem:s8+$0x700] =	vst v8;
	v8 =	vmul.f32 v17, v5;
	v21 =	vmul.f32 v21, v0  }
0x6e: {  	v16 =	vand.u32 $0x7FFFF, v16;
	[tilespmem:s8+$0x500] =	vst v11;
	v11 =	vmul.f32 v17, v2;
	v63 =	vmul.f32 v32, v5  }
0x6f: {  	v16 =	vor.u32 v1, v16;
	[tilespmem:s8+$0x100] =	vst v27;
	v20 =	vmul.f32 v20, v0;
	v31 =	vtrunc.f32 v21  }
0x70: {  	v13 =	vand.u32 $0x7FFFF, v13;
	[tilespmem:s8+$0x400] =	vst v16;
	v45 =	vmul.f32 v32, v2;
	v31 =	vcvt.f32.s32 v31  }
0x71: {  	v13 =	vor.u32 v1, v13;
	[tilespmem:s8+$0x200] =	vst v28;
	v46 =	vmul.f32 v10, v12;
	v34 =	vtrunc.f32 v20  }
0x72: {  	s10 =	simm.s32 $0x4900;
	v14 =	vadd.s32 $0x30025795, v33;
	[tilespmem:s8+$0x300] =	vst v13;
	v34 =	vcvt.f32.s32 v34;
	v38 =	vcvt.s32.f32 v31  }
0x73: {  	v47 =	vmul.f32 v10, v5;
	[tilespmem:s10+$0xFFFFF800] =	vst v6;
	v6 =	vmul.f32 v32, v12;
	v31 =	vmul.u32 $0x9E3779B1, v31  }
0x74: {  	[tilespmem:s10+$0xFFFFF900] =	vst v8;
	v8 =	vmul.f32 v32, v7;
	v40 =	vcvt.s32.f32 v34;
	v38 =	vsub.f32 v21, v38  }
0x75: {  	v34 =	vmul.u32 $0xDB06C2F5, v34;
	v21 =	vadd.s32 $0x9E3779B1, v31;
	v26 =	vxor.u32 v43, v31  }
0x76: {  	v53 =	vxor.u32 v30, v21;
	v18 =	vxor.u32 v43, v21;
	v40 =	vsub.f32 v20, v40  }
0x77: {  	v25 =	vsub.f32 $1.000000000e+00, v38;
	v15 =	vadd.s32 $0xDB06C2F5, v34;
	v54 =	vxor.u32 v34, v14  }
0x78: {  	v19 =	vmul.f32 v38, v24;
	v22 =	vmul.f32 v38, v37;
	v27 =	vxor.u32 v33, v34  }
0x79: {  	v44 =	vxor.u32 v33, v15;
	v9 =	vxor.u32 v14, v15;
	v14 =	vxor.u32 v30, v31  }
0x7a: {  	v28 =	vxor.u32 v53, v27;
	v31 =	vxor.u32 v18, v27;
	v55 =	vxor.u32 v26, v54  }
0x7b: {  	v56 =	vxor.u32 v53, v54;
	v35 =	vxor.u32 v18, v54;
	v20 =	vmul.f32 v25, v24  }
0x7c: {  	v16 =	vxor.u32 v26, v27;
	v21 =	vmul.f32 v25, v37;
	v25 =	vmul.f32 v4, v3  }
0x7d: {  	v42 =	vsub.f32 $1.000000000e+00, v40;
	v24 =	vmul.f32 v40, v41;
	v23 =	vmul.f32 v40, v39  }
0x7e: {  	v30 =	vxor.u32 v14, v54;
	v57 =	vxor.u32 v14, v44;
	v58 =	vxor.u32 v26, v44  }
0x7f: {  	v59 =	vxor.u32 v53, v44;
	v60 =	vxor.u32 v18, v44;
	v61 =	vxor.u32 v14, v9  }
0x80: {  	v62 =	vxor.u32 v26, v9;
	v15 =	vxor.u32 v53, v9;
	v14 =	vxor.u32 v14, v27  }
0x81: {  	v13 =	vxor.u32 v18, v9;
	v26 =	vand.u32 $0x7FFFF, v28;
	v9 =	vmul.f32 v17, v7  }
0x82: {  	[tilespmem:s10+$0x300] =	vst v29;
	v27 =	vand.u32 $0x7FFFF, v31;
	v31 =	vand.u32 $0x7FFFF, v56;
	v18 =	vmul.f32 v10, v7  }
0x83: {  	[tilespmem:s10+$0xFFFFFB00] =	vst v11;
	v29 =	vand.u32 $0x7FFFF, v35;
	v28 =	vand.u32 $0x7FFFF, v30;
	v3 =	vmul.f32 v42, v41  }
0x84: {  	[tilespmem:s10+$0xFFFFFD00] =	vst v63;
	v30 =	vand.u32 $0x7FFFF, v55;
	v4 =	vmul.f32 v42, v39;
	v17 =	vmul.f32 v25, v12  }
0x85: {  	[tilespmem:s10+$0xFFFFFF00] =	vst v45;
	v33 =	vand.u32 $0x7FFFF, v57;
	v39 =	vmul.f32 v25, v5;
	v38 =	vmul.f32 v25, v7  }
0x86: {  	[tilespmem:s10+$0x0] =	vst v46;
	v32 =	vand.u32 $0x7FFFF, v58;
	v5 =	vmul.f32 v24, v20;
	v12 =	vmul.f32 v3, v20  }
0x87: {  	[tilespmem:s10+$0xFFFFFE00] =	vst v8;
	v34 =	vand.u32 $0x7FFFF, v59;
	v10 =	vmul.f32 v3, v21;
	v11 =	vmul.f32 v3, v19  }
0x88: {  	v35 =	vand.u32 $0x7FFFF, v60;
	[tilespmem:s10+$0xFFFFFA00] =	vst v9;
	v8 =	vmul.f32 v3, v22;
	v9 =	vmul.f32 v4, v20  }
0x89: {  	s20 =	simm.s32 $0x0;
	[tilespmem:s10+$0xFFFFFC00] =	vst v6;
	v36 =	vand.u32 $0x7FFFF, v61;
	v6 =	vmul.f32 v4, v21;
	v7 =	vmul.f32 v4, v19  }
0x8a: {  	s21 =	simm.s32 $0x20;
	s14 =	simm.s32 $0x2900;
	s12 =	simm.s32 $0x4900;
	[tilespmem:s10+$0x100] =	vst v47;
	v37 =	vand.u32 $0x7FFFF, v62;
	v4 =	vmul.f32 v4, v22;
	v3 =	vmul.f32 v24, v21  }
.LBB2_3:
0x8b: {  	v40 =	vld [tilespmem:s21+$0x0];
	[tilespmem:s10+$0x200] =	vst v18;
	v41 =	vand.u32 $0x7FFFF, v15;
	v18 =	vmul.f32 v24, v19;
	v15 =	vmul.f32 v24, v22;
	s7 =	sadd.s32 $0x20, s7  }
0x8c: {  	v42 =	vand.u32 $0x7FFFF, v13;
	v13 =	vmul.f32 v23, v21;
	v24 =	vld [tilespmem:s21+$0x800];
	s2 =	sand.u32 $0xE0, s7;
	[tilespmem:s10+$0x400] =	vst v17;
	v17 =	vmul.f32 v23, v20  }
0x8d: {  	v2 =	vmul.f32 v25, v2;
	v20 =	vand.u32 $0x7FFFF, v14;
	v14 =	vmul.f32 v23, v19;
	v21 =	vld [tilespmem:s2+$0x1000];
	[tilespmem:s10+$0x500] =	vst v39  }
0x8e: {  	v26 =	vor.u32 v1, v26;
	v19 =	vand.u32 $0x7FFFF, v16;
	v16 =	vmul.f32 v23, v22;
	v39 =	vld [tilespmem:s2+$0x1800];
	[tilespmem:s10+$0x600] =	vst v38  }
0x8f: {  	v30 =	vor.u32 v1, v30;
	v22 =	vor.u32 v1, v27;
	v23 =	vor.u32 v1, v28;
	v25 =	vld [tilespmem:s21+$0x10];
	[tilespmem:s8+$0xFFFFFA10] =	vst v26  }
0x90: {  	v29 =	vor.u32 v1, v29;
	v26 =	vld [tilespmem:s21+$0x810];
	[tilespmem:s8+$0xFFFFFB10] =	vst v22;
	v22 =	vor.u32 v1, v31;
	v31 =	vor.u32 v1, v33  }
0x91: {  	v33 =	vmul.f32 v40, v0;
	v27 =	vld [tilespmem:s21+$0x1010];
	[tilespmem:s8+$0xFFFFFC10] =	vst v23;
	v23 =	vor.u32 v1, v32;
	v32 =	vor.u32 v1, v34  }
0x92: {  	v34 =	vmul.f32 v24, v0;
	v38 =	vmul.f32 v21, v0;
	v28 =	vld [tilespmem:s21+$0x1810];
	[tilespmem:s8+$0xFFFFFD10] =	vst v30;
	v21 =	vor.u32 v1, v35  }
0x93: {  	v24 =	vtrunc.f32 v33;
	v30 =	vmul.f32 v39, v0;
	[tilespmem:s8+$0xFFFFFE10] =	vst v22;
	v22 =	vor.u32 v1, v36  }
0x94: {  	v35 =	vcvt.f32.s32 v24;
	v24 =	vtrunc.f32 v34;
	[tilespmem:s8+$0xFFFFFF10] =	vst v29;
	v29 =	vor.u32 v1, v37  }
0x95: {  	v24 =	vcvt.f32.s32 v24;
	v36 =	vtrunc.f32 v38;
	[tilespmem:s8+$0x10] =	vst v31;
	v31 =	vor.u32 v1, v41  }
0x96: {  	v39 =	vor.u32 v1, v42;
	v36 =	vcvt.f32.s32 v36;
	v37 =	vtrunc.f32 v30;
	[tilespmem:s8+$0x110] =	vst v23  }
0x97: {  	v23 =	vadd.s32 $0x1, v35;
	v40 =	vmul.u32 $0x9E3779B1, v24;
	v37 =	vcvt.f32.s32 v37;
	[tilespmem:s10+$0x700] =	vst v2  }
0x98: {  	v41 =	vcvt.s32.f32 v24;
	v2 =	vcvt.s32.f32 v35;
	v42 =	vmul.u32 $0x30025795, v36;
	[tilespmem:s8+$0x210] =	vst v32  }
0x99: {  	v32 =	vcvt.s32.f32 v36;
	v36 =	vcvt.s32.f32 v37;
	v37 =	vmul.u32 $0xDB06C2F5, v37;
	[tilespmem:s8+$0x310] =	vst v21  }
0x9a: {  	v43 =	vadd.s32 $0x9E3779B1, v40;
	v44 =	vxor.u32 v35, v40;
	v40 =	vxor.u32 v23, v40;
	[tilespmem:s8+$0x410] =	vst v22  }
0x9b: {  	v24 =	vsub.f32 v33, v2;
	v21 =	vsub.f32 v34, v41;
	v33 =	vxor.u32 v35, v43;
	[tilespmem:s8+$0x510] =	vst v29  }
0x9c: {  	v2 =	vadd.s32 $0x30025795, v42;
	v34 =	vxor.u32 v42, v37;
	v29 =	vxor.u32 v23, v43;
	[tilespmem:s8+$0x610] =	vst v31  }
0x9d: {  	s20 =	sadd.s32 $0x2, s20;
	v22 =	vsub.f32 v38, v32;
	v23 =	vsub.f32 v30, v36;
	v30 =	vadd.s32 $0xDB06C2F5, v37;
	[tilespmem:s8+$0x710] =	vst v39  }
0x9e: {  	p0 =	slt.u32 s20, $0xE;
	v32 =	vxor.u32 v40, v34;
	v35 =	vxor.u32 v33, v34;
	v31 =	vxor.u32 v44, v34  }
0x9f: {  	v36 =	vxor.u32 v37, v2;
	v37 =	vxor.u32 v42, v30;
	v34 =	vxor.u32 v29, v34  }
0xa0: {  	v30 =	vxor.u32 v2, v30;
	v2 =	vmul.f32 v21, v24;
	v31 =	vand.u32 $0x7FFFF, v31  }
0xa1: {  	v32 =	vand.u32 $0x7FFFF, v32;
	v35 =	vand.u32 $0x7FFFF, v35;
	s8 =	sadd.s32 $0x20, s8;
	v31 =	vor.u32 v1, v31  }
0xa2: {  	[tilespmem:s8+$0xFFFFF800] =	vst v31;
	v31 =	vor.u32 v1, v32;
	v32 =	vand.u32 $0x7FFFF, v34;
	v34 =	vxor.u32 v44, v36  }
0xa3: {  	v38 =	vxor.u32 v33, v36;
	[tilespmem:s8+$0xFFFFF900] =	vst v31;
	v31 =	vor.u32 v1, v35;
	v35 =	vxor.u32 v40, v36  }
0xa4: {  	[tilespmem:s8+$0xFFFFFA00] =	vst v31;
	v31 =	vor.u32 v1, v32;
	v32 =	vand.u32 $0x7FFFF, v34;
	v34 =	vxor.u32 v29, v36  }
0xa5: {  	[tilespmem:s8+$0xFFFFFB00] =	vst v31;
	v31 =	vor.u32 v1, v32;
	v32 =	vand.u32 $0x7FFFF, v35;
	v35 =	vxor.u32 v44, v37  }
0xa6: {  	v36 =	vxor.u32 v40, v37;
	[tilespmem:s8+$0xFFFFFC00] =	vst v31;
	v31 =	vor.u32 v1, v32;
	v32 =	vand.u32 $0x7FFFF, v38  }
0xa7: {  	[tilespmem:s8+$0xFFFFFD00] =	vst v31;
	v31 =	vor.u32 v1, v32;
	v32 =	vand.u32 $0x7FFFF, v34;
	v34 =	vxor.u32 v33, v37  }
0xa8: {  	[tilespmem:s8+$0xFFFFFE00] =	vst v31;
	v31 =	vor.u32 v1, v32;
	v32 =	vand.u32 $0x7FFFF, v35;
	v35 =	vxor.u32 v29, v37  }
0xa9: {  	[tilespmem:s8+$0xFFFFFF00] =	vst v31;
	v31 =	vor.u32 v1, v32;
	v32 =	vand.u32 $0x7FFFF, v36;
	v36 =	vxor.u32 v44, v30  }
0xaa: {  	[tilespmem:s8+$0x0] =	vst v31;
	v31 =	vor.u32 v1, v32;
	v32 =	vand.u32 $0x7FFFF, v34;
	v34 =	vxor.u32 v40, v30  }
0xab: {  	v33 =	vxor.u32 v33, v30;
	[tilespmem:s8+$0x100] =	vst v31;
	v31 =	vor.u32 v1, v32;
	v32 =	vand.u32 $0x7FFFF, v35  }
0xac: {  	v35 =	vsub.f32 $1.000000000e+00, v22;
	[tilespmem:s8+$0x200] =	vst v31;
	v31 =	vor.u32 v1, v32;
	v32 =	vand.u32 $0x7FFFF, v36  }
0xad: {  	v30 =	vxor.u32 v29, v30;
	[tilespmem:s8+$0x300] =	vst v31;
	v31 =	vor.u32 v1, v32;
	v32 =	vand.u32 $0x7FFFF, v34  }
0xae: {  	v29 =	vmul.f32 v23, v35;
	[tilespmem:s8+$0x400] =	vst v31;
	v31 =	vor.u32 v1, v32;
	v32 =	vand.u32 $0x7FFFF, v33  }
0xaf: {  	v25 =	vmul.f32 v25, v0;
	v30 =	vand.u32 $0x7FFFF, v30;
	[tilespmem:s8+$0x500] =	vst v31;
	v31 =	vor.u32 v1, v32  }
0xb0: {  	v26 =	vmul.f32 v26, v0;
	v30 =	vor.u32 v1, v30;
	[tilespmem:s8+$0x600] =	vst v31;
	v31 =	vmul.f32 v29, v2  }
0xb1: {  	v27 =	vmul.f32 v27, v0;
	v28 =	vmul.f32 v28, v0;
	s10 =	sadd.s32 $0x20, s10;
	[tilespmem:s8+$0x700] =	vst v30;
	v30 =	vsub.f32 $1.000000000e+00, v23  }
0xb2: {  	v33 =	vtrunc.f32 v26;
	v32 =	vsub.f32 $1.000000000e+00, v24;
	[tilespmem:s10+$0x300] =	vst v31;
	v31 =	vtrunc.f32 v25  }
0xb3: {  	v37 =	vtrunc.f32 v28;
	v36 =	vtrunc.f32 v27;
	v34 =	vsub.f32 $1.000000000e+00, v21  }
0xb4: {  	v20 =	vor.u32 v1, v20;
	v33 =	vcvt.f32.s32 v33;
	v31 =	vcvt.f32.s32 v31  }
0xb5: {  	v19 =	vor.u32 v1, v19;
	v37 =	vcvt.f32.s32 v37;
	v36 =	vcvt.f32.s32 v36;
	[tilespmem:s14+$0xFFFFF810] =	vst v20  }
0xb6: {  	v38 =	vcvt.s32.f32 v33;
	v33 =	vmul.u32 $0x9E3779B1, v33;
	v20 =	vcvt.s32.f32 v31;
	[tilespmem:s14+$0xFFFFF910] =	vst v19;
	s14 =	smov.u32 s8  }
0xb7: {  	v39 =	vcvt.s32.f32 v37;
	v19 =	vcvt.s32.f32 v36;
	v36 =	vmul.u32 $0x30025795, v36;
	[tilespmem:s12+$0xFFFFF810] =	vst v12  }
0xb8: {  	v37 =	vmul.u32 $0xDB06C2F5, v37;
	v26 =	vsub.f32 v26, v38;
	v12 =	vsub.f32 v25, v20;
	[tilespmem:s12+$0xFFFFF910] =	vst v10  }
0xb9: {  	v28 =	vsub.f32 v28, v39;
	v10 =	vadd.s32 $0x9E3779B1, v33;
	v27 =	vsub.f32 v27, v19;
	[tilespmem:s12+$0xFFFFFA10] =	vst v11  }
0xba: {  	v25 =	vsub.f32 $1.000000000e+00, v26;
	v11 =	vadd.s32 $0x30025795, v36;
	v19 =	vsub.f32 $1.000000000e+00, v12;
	[tilespmem:s12+$0xFFFFFB10] =	vst v8  }
0xbb: {  	v39 =	vsub.f32 $1.000000000e+00, v28;
	v8 =	vadd.s32 $0xDB06C2F5, v37;
	v38 =	vsub.f32 $1.000000000e+00, v27;
	[tilespmem:s12+$0xFFFFFC10] =	vst v9  }
0xbc: {  	v9 =	vmul.f32 v30, v35;
	v30 =	vmul.f32 v30, v22;
	v35 =	vadd.s32 $0x1, v31;
	[tilespmem:s12+$0xFFFFFD10] =	vst v6  }
0xbd: {  	v40 =	vxor.u32 v31, v10;
	v6 =	vmul.f32 v34, v32;
	v34 =	vmul.f32 v34, v24;
	[tilespmem:s12+$0xFFFFFE10] =	vst v7  }
0xbe: {  	v20 =	vmul.f32 v25, v19;
	v10 =	vxor.u32 v35, v10;
	v7 =	vmul.f32 v21, v32;
	[tilespmem:s12+$0xFFFFFF10] =	vst v4  }
0xbf: {  	v19 =	vmul.f32 v26, v19;
	v21 =	vmul.f32 v25, v12;
	v4 =	vxor.u32 v37, v11;
	[tilespmem:s12+$0x10] =	vst v5  }
0xc0: {  	v42 =	vmul.f32 v39, v27;
	v41 =	vmul.f32 v39, v38;
	v5 =	vxor.u32 v36, v8;
	[tilespmem:s12+$0x110] =	vst v3  }
0xc1: {  	v24 =	vmul.f32 v28, v38;
	v25 =	vmul.f32 v23, v22;
	v3 =	vxor.u32 v11, v8;
	[tilespmem:s12+$0x210] =	vst v18  }
0xc2: {  	v22 =	vmul.f32 v26, v12;
	v23 =	vmul.f32 v28, v27;
	v8 =	vxor.u32 v31, v33;
	[tilespmem:s12+$0x310] =	vst v15  }
0xc3: {  	v12 =	vxor.u32 v36, v37;
	v11 =	vxor.u32 v35, v33;
	v18 =	vxor.u32 v8, v4;
	[tilespmem:s12+$0x410] =	vst v17  }
0xc4: {  	v27 =	vxor.u32 v10, v12;
	v31 =	vxor.u32 v11, v4;
	v17 =	vxor.u32 v40, v12;
	[tilespmem:s12+$0x510] =	vst v13  }
0xc5: {  	v32 =	vxor.u32 v40, v4;
	v4 =	vxor.u32 v10, v4;
	v33 =	vxor.u32 v8, v5;
	[tilespmem:s12+$0x610] =	vst v14  }
0xc6: {  	v36 =	vxor.u32 v40, v5;
	v35 =	vxor.u32 v11, v5;
	v5 =	vxor.u32 v10, v5;
	[tilespmem:s12+$0x710] =	vst v16;
	s12 =	smov.u32 s10  }
0xc7: {  	v37 =	vxor.u32 v8, v3;
	v43 =	vxor.u32 v11, v3;
	v15 =	vxor.u32 v40, v3  }
0xc8: {  	v13 =	vxor.u32 v10, v3;
	v14 =	vxor.u32 v8, v12;
	v16 =	vxor.u32 v11, v12  }
0xc9: {  	v3 =	vmul.f32 v9, v6;
	v26 =	vand.u32 $0x7FFFF, v17;
	v8 =	vmul.f32 v9, v34  }
0xca: {  	v27 =	vand.u32 $0x7FFFF, v27;
	v10 =	vmul.f32 v9, v7;
	v9 =	vmul.f32 v9, v2  }
0xcb: {  	v28 =	vand.u32 $0x7FFFF, v18;
	v11 =	vmul.f32 v30, v34;
	[tilespmem:s10+$0xFFFFF800] =	vst v3;
	v3 =	vmul.f32 v30, v6  }
0xcc: {  	v40 =	vmul.f32 v30, v2;
	[tilespmem:s10+$0xFFFFF900] =	vst v8;
	v8 =	vmul.f32 v30, v7;
	v30 =	vand.u32 $0x7FFFF, v31  }
0xcd: {  	v44 =	vmul.f32 v29, v6;
	v45 =	vmul.f32 v29, v34;
	v31 =	vand.u32 $0x7FFFF, v32;
	[tilespmem:s10+$0xFFFFFA00] =	vst v10  }
0xce: {  	v18 =	vmul.f32 v29, v7;
	v29 =	vand.u32 $0x7FFFF, v4;
	v17 =	vmul.f32 v25, v6;
	[tilespmem:s10+$0xFFFFFB00] =	vst v9  }
0xcf: {  	v39 =	vmul.f32 v25, v34;
	v38 =	vmul.f32 v25, v7;
	v33 =	vand.u32 $0x7FFFF, v33;
	[tilespmem:s10+$0xFFFFFC00] =	vst v3  }
.Ltmp2:
0xd0: {  	v12 =	vmul.f32 v41, v20;
	v32 =	vand.u32 $0x7FFFF, v35;
	v10 =	vmul.f32 v41, v21;
	[tilespmem:s10+$0xFFFFFD00] =	vst v11;
	(pc) =	sbr.rel @p0 .LBB2_3-.Ltmp2, $4  }
0xd1: {  	v34 =	vand.u32 $0x7FFFF, v36;
	v11 =	vmul.f32 v41, v19;
	[tilespmem:s10+$0xFFFFFE00] =	vst v8;
	v8 =	vmul.f32 v41, v22  }
0xd2: {  	v6 =	vmul.f32 v42, v21;
	v35 =	vand.u32 $0x7FFFF, v5;
	v9 =	vmul.f32 v42, v20;
	[tilespmem:s10+$0xFFFFFF00] =	vst v40  }
0xd3: {  	v4 =	vmul.f32 v42, v22;
	v36 =	vand.u32 $0x7FFFF, v37;
	v7 =	vmul.f32 v42, v19;
	[tilespmem:s10+$0x0] =	vst v44  }
0xd4: {  	s21 =	sadd.s32 $0x20, s21;
	v37 =	vand.u32 $0x7FFFF, v43;
	v5 =	vmul.f32 v24, v20;
	v3 =	vmul.f32 v24, v21;
	[tilespmem:s10+$0x100] =	vst v45  }
0xd5: {  	[tilespmem:s10+$0x200] =	vst v18  }
0xd6: {  	[tilespmem:s10+$0x400] =	vst v17  }
0xd7: {  	[tilespmem:s10+$0x500] =	vst v39  }
0xd8: {  	[tilespmem:s10+$0x600] =	vst v38;
	v50 =	vor.u32 v1, v26  }
0xd9: {  	v51 =	vor.u32 v1, v27;
	[tilespmem:s8+$0xFFFFFA10] =	vst v50  }
0xda: {  	v52 =	vor.u32 v1, v28;
	[tilespmem:s8+$0xFFFFFB10] =	vst v51  }
0xdb: {  	v53 =	vor.u32 v1, v30;
	[tilespmem:s8+$0xFFFFFC10] =	vst v52  }
0xdc: {  	v54 =	vor.u32 v1, v31;
	[tilespmem:s8+$0xFFFFFD10] =	vst v53  }
0xdd: {  	v55 =	vor.u32 v1, v29;
	[tilespmem:s8+$0xFFFFFE10] =	vst v54  }
0xde: {  	v56 =	vor.u32 v1, v33;
	[tilespmem:s8+$0xFFFFFF10] =	vst v55  }
0xdf: {  	v57 =	vor.u32 v1, v32;
	[tilespmem:s8+$0x10] =	vst v56  }
0xe0: {  	v58 =	vor.u32 v1, v34;
	[tilespmem:s8+$0x110] =	vst v57  }
0xe1: {  	v59 =	vor.u32 v1, v36;
	[tilespmem:s8+$0x210] =	vst v58  }
0xe2: {  	v2 =	vmul.f32 v25, v2;
	v60 =	vor.u32 v1, v37;
	[tilespmem:s8+$0x410] =	vst v59  }
0xe3: {  	[tilespmem:s8+$0x510] =	vst v60  }
0xe4: {  	v13 =	vand.u32 $0x7FFFF, v13;
	[tilespmem:s10+$0x700] =	vst v2;
	v2 =	vor.u32 v1, v35  }
0xe5: {  	v13 =	vor.u32 v1, v13;
	[tilespmem:s8+$0x310] =	vst v2;
	v2 =	vand.u32 $0x7FFFF, v15  }
0xe6: {  	v14 =	vand.u32 $0x7FFFF, v14;
	[tilespmem:s8+$0x710] =	vst v13;
	v2 =	vor.u32 v1, v2  }
0xe7: {  	v61 =	vor.u32 v1, v14;
	[tilespmem:s8+$0x610] =	vst v2;
	v2 =	vand.u32 $0x7FFFF, v16  }
0xe8: {  	[tilespmem:s14+$0xFFFFF810] =	vst v61;
	v2 =	vor.u32 v1, v2  }
0xe9: {  	[tilespmem:s14+$0xFFFFF910] =	vst v2  }
0xea: {  	[tilespmem:s12+$0xFFFFF810] =	vst v12  }
0xeb: {  	[tilespmem:s12+$0xFFFFF910] =	vst v10  }
0xec: {  	[tilespmem:s12+$0xFFFFFA10] =	vst v11  }
0xed: {  	[tilespmem:s12+$0xFFFFFB10] =	vst v8  }
0xee: {  	[tilespmem:s12+$0xFFFFFC10] =	vst v9  }
0xef: {  	[tilespmem:s12+$0xFFFFFD10] =	vst v6  }
0xf0: {  	[tilespmem:s12+$0xFFFFFE10] =	vst v7  }
0xf1: {  	[tilespmem:s12+$0xFFFFFF10] =	vst v4  }
0xf2: {  	v62 =	vmul.f32 v24, v22;
	[tilespmem:s12+$0x10] =	vst v5  }
0xf3: {  	v63 =	vmul.f32 v23, v19;
	[tilespmem:s12+$0x110] =	vst v3  }
0xf4: {  	v2 =	vmul.f32 v24, v19;
	[tilespmem:s12+$0x310] =	vst v62  }
0xf5: {  	v3 =	vmul.f32 v23, v20;
	[tilespmem:s12+$0x610] =	vst v63  }
0xf6: {  	[tilespmem:s12+$0x210] =	vst v2;
	v2 =	vmul.f32 v23, v21  }
0xf7: {  	[tilespmem:s12+$0x410] =	vst v3;
	v3 =	vmul.f32 v23, v22  }
0xf8: {  	s2 =	sshll.u32 s5, $0xC;
	s31 =	simm.s32 $0x0;
	[tilespmem:s12+$0x510] =	vst v2  }
0xf9: {  	s5 =	sor.u32 $0x8100, s2;
	s10 =	simm.s32 $0x0;
	s8 =	simm.s32 $0x200;
	[tilespmem:s12+$0x710] =	vst v3  }
0xfa: {  	[tilespmem:s23], [sflag:$0x1] =	stream.indirect.gather [spmem:s1], $0x1, s22, s17, $0xb8;
	[tilespmem:$0x1A100] =	vst v63  }
.LBB2_5:
0xfb: {  	s12 =	sshll.u32 s10, $0x9;
	s7 =	simm.s32 $0xFFFFFFFE;
	s14 =	simm.s32 $0x3900  }
0xfc: {  	s20 =	simm.s32 $0x5900;
	s21 =	simm.s32 $0x0;
	s6 =	sor.u32 $0x100, s12  }
.LBB2_6:
0xfd: {  	s2 =	sand.u32 $0x80, s21  }
0xfe: {  	s30 =	sand.u32 $0x60, s21;
	s29 =	sadd.s32 s2, s6  }
0xff: {  	s2 =	sadd.s32 s30, s29;
	s16 =	sadd.s32 $0x1000, s29  }
0x100: {  	v2 =	vld [tilespmem:s2+$0x0];
	s2 =	sadd.s32 $0x800, s29;
	s15 =	sadd.s32 s30, s16  }
0x101: {  	s3 =	sadd.s32 s30, s2;
	v4 =	vld [tilespmem:s15+$0x0]  }
0x102: {  	v3 =	vld [tilespmem:s3+$0x0]  }
0x103: {  	s3 =	sadd.s32 $0x1800, s29  }
0x104: {  	s30 =	sadd.s32 s30, s3  }
0x105: {  	v5 =	vld [tilespmem:s30+$0x0];
	s30 =	sadd.s32 $0x10, s21;
	v2 =	vmul.f32 v2, v0  }
0x106: {  	s15 =	sand.u32 $0x70, s30;
	v4 =	vmul.f32 v4, v0  }
0x107: {  	s29 =	sadd.s32 s15, s29;
	v6 =	vtrunc.f32 v2;
	v3 =	vmul.f32 v3, v0  }
0x108: {  	s2 =	sadd.s32 s15, s2;
	v30 =	vld [tilespmem:s29+$0x0];
	v6 =	vcvt.f32.s32 v6  }
0x109: {  	s30 =	sadd.s32 s15, s3;
	v32 =	vld [tilespmem:s2+$0x0];
	v9 =	vtrunc.f32 v4;
	v8 =	vtrunc.f32 v3  }
0x10a: {  	s29 =	sadd.s32 s15, s16;
	v37 =	vld [tilespmem:s30+$0x0];
	v5 =	vmul.f32 v5, v0;
	v47 =	vcvt.f32.s32 v9  }
0x10b: {  	v26 =	vld [tilespmem:s29+$0x0];
	v7 =	vcvt.s32.f32 v6;
	v8 =	vcvt.f32.s32 v8  }
0x10c: {  	v10 =	vadd.s32 $0x1, v6;
	v48 =	vtrunc.f32 v5  }
0x10d: {  	v12 =	vcvt.s32.f32 v47;
	v2 =	vsub.f32 v2, v7;
	v11 =	vcvt.s32.f32 v8  }
0x10e: {  	v9 =	vcvt.f32.s32 v48;
	v8 =	vmul.u32 $0x9E3779B1, v8;
	v40 =	vmul.f32 v30, v0  }
0x10f: {  	v7 =	vmul.u32 $0x30025795, v47;
	v43 =	vmul.f32 v32, v0;
	v47 =	vmul.f32 v37, v0  }
0x110: {  	v4 =	vsub.f32 v4, v12;
	v46 =	vmul.f32 v26, v0;
	v3 =	vsub.f32 v3, v11  }
0x111: {  	v49 =	vcvt.s32.f32 v9;
	v9 =	vmul.u32 $0xDB06C2F5, v9;
	v13 =	vadd.s32 $0x9E3779B1, v8  }
0x112: {  	v50 =	vadd.s32 $0x30025795, v7;
	v14 =	vxor.u32 v6, v8;
	v8 =	vxor.u32 v10, v8  }
0x113: {  	v54 =	vsub.f32 $1.000000000e+00, v2;
	v44 =	vtrunc.f32 v40;
	v45 =	vtrunc.f32 v43  }
0x114: {  	v6 =	vxor.u32 v6, v13;
	v10 =	vxor.u32 v10, v13;
	v57 =	vsub.f32 $1.000000000e+00, v4  }
0x115: {  	v5 =	vsub.f32 v5, v49;
	v51 =	vadd.s32 $0xDB06C2F5, v9;
	v52 =	vxor.u32 v7, v9  }
0x116: {  	v9 =	vxor.u32 v9, v50;
	v23 =	vsub.f32 $1.000000000e+00, v3;
	v49 =	vtrunc.f32 v47  }
0x117: {  	v7 =	vxor.u32 v7, v51;
	v11 =	vxor.u32 v50, v51;
	v53 =	vxor.u32 v14, v52  }
0x118: {  	v15 =	vxor.u32 v8, v52;
	v16 =	vxor.u32 v6, v52;
	v13 =	vxor.u32 v10, v52  }
0x119: {  	v17 =	vxor.u32 v14, v9;
	v18 =	vxor.u32 v8, v9;
	v19 =	vxor.u32 v6, v9  }
0x11a: {  	v9 =	vxor.u32 v10, v9;
	v50 =	vcvt.f32.s32 v49;
	v12 =	vand.u32 $0x7FFFF, v53  }
0x11b: {  	v15 =	vand.u32 $0x7FFFF, v15;
	v16 =	vand.u32 $0x7FFFF, v16;
	v13 =	vand.u32 $0x7FFFF, v13  }
0x11c: {  	v17 =	vand.u32 $0x7FFFF, v17;
	v18 =	vand.u32 $0x7FFFF, v18;
	v19 =	vand.u32 $0x7FFFF, v19  }
0x11d: {  	v9 =	vand.u32 $0x7FFFF, v9;
	v20 =	vxor.u32 v14, v7;
	v21 =	vxor.u32 v8, v7  }
0x11e: {  	v22 =	vxor.u32 v6, v7;
	v7 =	vxor.u32 v10, v7;
	v12 =	vor.u32 v1, v12  }
0x11f: {  	v58 =	vsub.f32 $1.000000000e+00, v5;
	v24 =	vmul.f32 v23, v54;
	v15 =	vor.u32 v1, v15;
	[tilespmem:s14+$0xFFFFF800] =	vst v12  }
0x120: {  	v59 =	vxor.u32 v14, v11;
	v60 =	vmul.f32 v23, v2;
	v16 =	vor.u32 v1, v16;
	[tilespmem:s14+$0xFFFFF900] =	vst v15  }
0x121: {  	v2 =	vmul.f32 v3, v2;
	v8 =	vxor.u32 v8, v11;
	v13 =	vor.u32 v1, v13;
	[tilespmem:s14+$0xFFFFFA00] =	vst v16  }
0x122: {  	v6 =	vxor.u32 v6, v11;
	v10 =	vxor.u32 v10, v11;
	v17 =	vor.u32 v1, v17;
	[tilespmem:s14+$0xFFFFFB00] =	vst v13  }
0x123: {  	v18 =	vor.u32 v1, v18;
	v19 =	vor.u32 v1, v19;
	v9 =	vor.u32 v1, v9;
	[tilespmem:s14+$0xFFFFFC00] =	vst v17  }
0x124: {  	v20 =	vand.u32 $0x7FFFF, v20;
	v21 =	vand.u32 $0x7FFFF, v21;
	v22 =	vand.u32 $0x7FFFF, v22;
	[tilespmem:s14+$0xFFFFFD00] =	vst v18  }
0x125: {  	v7 =	vand.u32 $0x7FFFF, v7;
	v8 =	vand.u32 $0x7FFFF, v8;
	v6 =	vand.u32 $0x7FFFF, v6;
	[tilespmem:s14+$0xFFFFFE00] =	vst v19  }
0x126: {  	v38 =	vand.u32 $0x7FFFF, v10;
	v20 =	vor.u32 v1, v20;
	v55 =	vor.u32 v1, v21;
	[tilespmem:s14+$0xFFFFFF00] =	vst v9  }
0x127: {  	v56 =	vor.u32 v1, v22;
	v12 =	vmul.f32 v3, v54;
	v3 =	vmul.f32 v58, v57;
	[tilespmem:s14+$0x0] =	vst v20  }
0x128: {  	v7 =	vor.u32 v1, v7;
	v61 =	vmul.f32 v58, v4;
	v16 =	vmul.f32 v5, v57;
	[tilespmem:s14+$0x100] =	vst v55  }
0x129: {  	v13 =	vand.u32 $0x7FFFF, v59;
	v4 =	vmul.f32 v5, v4;
	v5 =	vcvt.f32.s32 v45;
	[tilespmem:s14+$0x200] =	vst v56  }
0x12a: {  	v8 =	vor.u32 v1, v8;
	v54 =	vcvt.s32.f32 v50;
	[tilespmem:s14+$0x300] =	vst v7;
	v62 =	vmul.f32 v3, v24  }
0x12b: {  	v6 =	vor.u32 v1, v6;
	[tilespmem:s14+$0x500] =	vst v8;
	v63 =	vmul.f32 v3, v60;
	v28 =	vmul.f32 v3, v12  }
0x12c: {  	v41 =	vor.u32 v1, v38;
	[tilespmem:s14+$0x600] =	vst v6;
	v3 =	vmul.f32 v3, v2;
	v29 =	vmul.f32 v61, v24  }
0x12d: {  	v13 =	vor.u32 v1, v13;
	[tilespmem:s14+$0x700] =	vst v41;
	v31 =	vmul.f32 v61, v60;
	v22 =	vmul.f32 v61, v12  }
0x12e: {  	v17 =	vmul.f32 v61, v2;
	v33 =	vmul.f32 v16, v24;
	[tilespmem:s14+$0x400] =	vst v13  }
0x12f: {  	v34 =	vmul.f32 v16, v60;
	v25 =	vmul.f32 v16, v12;
	[tilespmem:s20+$0xFFFFF800] =	vst v62  }
0x130: {  	v35 =	vmul.f32 v16, v2;
	v36 =	vmul.f32 v4, v24;
	[tilespmem:s20+$0xFFFFF900] =	vst v63  }
0x131: {  	v39 =	vmul.f32 v4, v60;
	v42 =	vmul.f32 v4, v12;
	[tilespmem:s20+$0xFFFFFA00] =	vst v28  }
0x132: {  	v2 =	vmul.f32 v4, v2;
	v4 =	vcvt.f32.s32 v44;
	[tilespmem:s20+$0xFFFFFB00] =	vst v3  }
0x133: {  	v52 =	vcvt.s32.f32 v5;
	v5 =	vmul.u32 $0x9E3779B1, v5;
	v16 =	vmul.u32 $0xDB06C2F5, v50;
	[tilespmem:s20+$0xFFFFFC00] =	vst v29  }
0x134: {  	v9 =	vsub.f32 v47, v54;
	v48 =	vcvt.s32.f32 v4;
	v3 =	vtrunc.f32 v46;
	[tilespmem:s20+$0xFFFFFD00] =	vst v31  }
0x135: {  	v51 =	vadd.s32 $0x1, v4;
	[tilespmem:s20+$0xFFFFFE00] =	vst v22;
	v12 =	vsub.f32 v43, v52;
	v3 =	vcvt.f32.s32 v3  }
0x136: {  	[tilespmem:s20+$0xFFFFFF00] =	vst v17;
	v55 =	vadd.s32 $0x9E3779B1, v5;
	v57 =	vadd.s32 $0xDB06C2F5, v16;
	v58 =	vxor.u32 v4, v5  }
0x137: {  	[tilespmem:s20+$0x0] =	vst v33;
	v49 =	vsub.f32 $1.000000000e+00, v9;
	v5 =	vxor.u32 v51, v5;
	v53 =	vcvt.s32.f32 v3  }
0x138: {  	[tilespmem:s20+$0x100] =	vst v34;
	v4 =	vxor.u32 v4, v55;
	v14 =	vsub.f32 v40, v48;
	v3 =	vmul.u32 $0x30025795, v3  }
0x139: {  	[tilespmem:s20+$0x200] =	vst v25;
	v15 =	vxor.u32 v51, v55;
	v47 =	vsub.f32 $1.000000000e+00, v12;
	v6 =	vsub.f32 v46, v53  }
0x13a: {  	[tilespmem:s20+$0x300] =	vst v35;
	v56 =	vadd.s32 $0x30025795, v3;
	v59 =	vxor.u32 v3, v16;
	v3 =	vxor.u32 v3, v57  }
0x13b: {  	[tilespmem:s20+$0x400] =	vst v36;
	v46 =	vsub.f32 $1.000000000e+00, v14;
	v60 =	vxor.u32 v16, v56;
	v61 =	vxor.u32 v58, v59  }
0x13c: {  	[tilespmem:s20+$0x500] =	vst v39;
	v7 =	vxor.u32 v56, v57;
	v63 =	vxor.u32 v5, v59;
	v22 =	vxor.u32 v4, v59  }
0x13d: {  	[tilespmem:s20+$0x600] =	vst v42;
	v25 =	vxor.u32 v15, v59;
	v36 =	vxor.u32 v58, v3;
	v62 =	vand.u32 $0x7FFFF, v61  }
0x13e: {  	[tilespmem:s20+$0x700] =	vst v2;
	v39 =	vxor.u32 v5, v3;
	v21 =	vand.u32 $0x7FFFF, v63;
	v20 =	vor.u32 v1, v62  }
0x13f: {  	v41 =	vxor.u32 v4, v3;
	v24 =	vand.u32 $0x7FFFF, v22;
	v23 =	vor.u32 v1, v21;
	[tilespmem:s14+$0xFFFFF810] =	vst v20  }
0x140: {  	v3 =	vxor.u32 v15, v3;
	v26 =	vand.u32 $0x7FFFF, v25;
	v2 =	vor.u32 v1, v24;
	[tilespmem:s14+$0xFFFFF910] =	vst v23  }
0x141: {  	v27 =	vxor.u32 v58, v60;
	v40 =	vand.u32 $0x7FFFF, v39;
	v28 =	vor.u32 v1, v26;
	[tilespmem:s14+$0xFFFFFA10] =	vst v2  }
0x142: {  	v30 =	vxor.u32 v5, v60;
	v43 =	vand.u32 $0x7FFFF, v41;
	v42 =	vor.u32 v1, v40;
	[tilespmem:s14+$0xFFFFFB10] =	vst v28  }
0x143: {  	v33 =	vxor.u32 v4, v60;
	v29 =	vand.u32 $0x7FFFF, v27;
	v44 =	vor.u32 v1, v43;
	[tilespmem:s14+$0x110] =	vst v42  }
0x144: {  	v11 =	vxor.u32 v15, v60;
	v32 =	vand.u32 $0x7FFFF, v30;
	v31 =	vor.u32 v1, v29;
	[tilespmem:s14+$0x210] =	vst v44  }
0x145: {  	v38 =	vand.u32 $0x7FFFF, v36;
	v34 =	vand.u32 $0x7FFFF, v33;
	v2 =	vor.u32 v1, v32;
	[tilespmem:s14+$0xFFFFFC10] =	vst v31  }
0x146: {  	v3 =	vand.u32 $0x7FFFF, v3;
	v11 =	vand.u32 $0x7FFFF, v11;
	v35 =	vor.u32 v1, v34;
	[tilespmem:s14+$0xFFFFFD10] =	vst v2  }
0x147: {  	v45 =	vxor.u32 v58, v7;
	v5 =	vxor.u32 v5, v7;
	v37 =	vor.u32 v1, v11;
	[tilespmem:s14+$0xFFFFFE10] =	vst v35  }
0x148: {  	v4 =	vxor.u32 v4, v7;
	v48 =	vsub.f32 $1.000000000e+00, v6;
	v2 =	vor.u32 v1, v38;
	[tilespmem:s14+$0xFFFFFF10] =	vst v37  }
0x149: {  	v50 =	vmul.f32 v47, v46;
	[tilespmem:s14+$0x10] =	vst v2;
	v2 =	vor.u32 v1, v3;
	v3 =	vand.u32 $0x7FFFF, v45  }
0x14a: {  	v5 =	vand.u32 $0x7FFFF, v5;
	v4 =	vand.u32 $0x7FFFF, v4;
	[tilespmem:s14+$0x310] =	vst v2;
	v2 =	vor.u32 v1, v3  }
0x14b: {  	v51 =	vmul.f32 v49, v48;
	v3 =	vor.u32 v1, v5;
	[tilespmem:s14+$0x410] =	vst v2;
	v2 =	vxor.u32 v15, v7  }
0x14c: {  	v52 =	vmul.f32 v47, v14;
	[tilespmem:s14+$0x510] =	vst v3;
	v3 =	vor.u32 v1, v4;
	v2 =	vand.u32 $0x7FFFF, v2  }
0x14d: {  	v54 =	vmul.f32 v49, v6;
	v53 =	vmul.f32 v51, v50;
	[tilespmem:s14+$0x610] =	vst v3;
	v2 =	vor.u32 v1, v2  }
0x14e: {  	v11 =	vmul.f32 v51, v52;
	[tilespmem:s14+$0x710] =	vst v2  }
0x14f: {  	v56 =	vmul.f32 v54, v50;
	v8 =	vmul.f32 v9, v48;
	[tilespmem:s20+$0xFFFFF810] =	vst v53  }
0x150: {  	v57 =	vmul.f32 v54, v52;
	[tilespmem:s20+$0xFFFFF910] =	vst v11  }
0x151: {  	v6 =	vmul.f32 v9, v6;
	v60 =	vmul.f32 v8, v50;
	[tilespmem:s20+$0xFFFFFC10] =	vst v56  }
0x152: {  	v61 =	vmul.f32 v8, v52;
	[tilespmem:s20+$0xFFFFFD10] =	vst v57  }
0x153: {  	v5 =	vmul.f32 v6, v50;
	v3 =	vmul.f32 v12, v46;
	[tilespmem:s20+$0x10] =	vst v60  }
0x154: {  	v4 =	vmul.f32 v6, v52;
	[tilespmem:s20+$0x110] =	vst v61  }
0x155: {  	v55 =	vmul.f32 v51, v3;
	[tilespmem:s20+$0x410] =	vst v5  }
0x156: {  	v58 =	vmul.f32 v54, v3;
	[tilespmem:s20+$0x510] =	vst v4  }
0x157: {  	v2 =	vmul.f32 v12, v14;
	v62 =	vmul.f32 v8, v3;
	[tilespmem:s20+$0xFFFFFA10] =	vst v55  }
0x158: {  	s7 =	sadd.s32 $0x2, s7;
	v3 =	vmul.f32 v6, v3;
	[tilespmem:s20+$0xFFFFFE10] =	vst v58  }
0x159: {  	p0 =	slt.u32 s7, $0xE;
	v7 =	vmul.f32 v51, v2;
	[tilespmem:s20+$0x210] =	vst v62  }
.Ltmp3:
0x15a: {  	v59 =	vmul.f32 v54, v2;
	[tilespmem:s20+$0x610] =	vst v3;
	(pc) =	sbr.rel @p0 .LBB2_6-.Ltmp3, $4  }
0x15b: {  	v63 =	vmul.f32 v8, v2;
	[tilespmem:s20+$0xFFFFFB10] =	vst v7  }
0x15c: {  	v2 =	vmul.f32 v6, v2;
	[tilespmem:s20+$0xFFFFFF10] =	vst v59  }
0x15d: {  	[tilespmem:s20+$0x310] =	vst v63  }
0x15e: {  	s21 =	sadd.s32 $0x20, s21;
	s14 =	sadd.s32 $0x20, s14;
	[tilespmem:s20+$0x710] =	vst v2;
	s20 =	sadd.s32 $0x20, s20  }
0x15f: {  	[tilespmem:s25], [sflag:$0x2] =	stream.indirect.gather [spmem:s1], $0x1, s24, s17, $0xb8;
	[tilespmem:$0x1A100] =	vst v63  }
0x160: {  	_ =	swait.ge [sflag:s26], $0x1000  }
0x161: {  	[sflag:s26] =	ssyncset.done $0x0  }
0x162: {  	s14 =	simm.s32 $0x6900;
	[sflag:s26] =	ssyncadd.s32 $0xFFFFF000  }
0x163: {  	s6 =	simm.s32 $0x4900;
	v18 =	vld [tilespmem:s14+$0x610]  }
0x164: {  	v19 =	vld [tilespmem:s6+$0x410]  }
0x165: {  	v6 =	vld [tilespmem:s14+$0x410]  }
0x166: {  	v20 =	vld [tilespmem:s6+$0x210]  }
0x167: {  	v7 =	vld [tilespmem:s14+$0x210]  }
0x168: {  	v9 =	vld [tilespmem:s14+$0x10]  }
0x169: {  	v10 =	vld [tilespmem:s6+$0xFFFFFE10]  }
0x16a: {  	v12 =	vld [tilespmem:s14+$0xFFFFFE10]  }
0x16b: {  	v13 =	vld [tilespmem:s6+$0xFFFFFC10]  }
0x16c: {  	v15 =	vld [tilespmem:s14+$0xFFFFFC10]  }
0x16d: {  	v21 =	vld [tilespmem:s14+$0xFFFFFA10]  }
0x16e: {  	v23 =	vld [tilespmem:s14+$0xFFFFF810]  }
0x16f: {  	v24 =	vld [tilespmem:s14+$0xFFFFF910]  }
0x170: {  	v30 =	vld [tilespmem:s14+$0xFFFFFD10]  }
0x171: {  	v33 =	vld [tilespmem:s14+$0xFFFFFF10]  }
0x172: {  	v16 =	vld [tilespmem:s6+$0xFFFFFA10];
	v2 =	vshll.u32 v6, $0x10;
	v3 =	vshll.u32 v7, $0x10;
	v11 =	vshll.u32 v12, $0x10  }
0x173: {  	v22 =	vld [tilespmem:s6+$0xFFFFF810];
	v14 =	vshll.u32 v18, $0x10;
	v27 =	vshll.u32 v21, $0x10;
	v29 =	vshll.u32 v23, $0x10  }
0x174: {  	v25 =	vld [tilespmem:s6+$0xFFFFF910];
	v23 =	vand.u32 $0xFFFF0000, v23;
	v31 =	vshll.u32 v24, $0x10;
	v24 =	vand.u32 $0xFFFF0000, v24  }
0x175: {  	v49 =	vld [tilespmem:s14+$0xFFFFFB00];
	v21 =	vand.u32 $0xFFFF0000, v21;
	v34 =	vand.u32 $0xFFFF0000, v15;
	v36 =	vand.u32 $0xFFFF0000, v30  }
0x176: {  	v8 =	vld [tilespmem:s6+$0x10];
	v37 =	vand.u32 $0xFFFF0000, v12;
	v62 =	vand.u32 $0xFFFF0000, v33;
	v63 =	vand.u32 $0xFFFF0000, v9  }
0x177: {  	v17 =	vld [tilespmem:s6+$0x610];
	v42 =	vand.u32 $0xFFFF0000, v7;
	v2 =	vmul.f32 v2, v19;
	v4 =	vmul.f32 v3, v20  }
0x178: {  	v26 =	vld [tilespmem:s14+$0xFFFFFB10];
	v44 =	vand.u32 $0xFFFF0000, v6;
	v11 =	vmul.f32 v11, v10;
	v27 =	vmul.f32 v27, v16  }
0x179: {  	v28 =	vld [tilespmem:s6+$0xFFFFFB10];
	v18 =	vand.u32 $0xFFFF0000, v18;
	v23 =	vmul.f32 v23, v22;
	v24 =	vmul.f32 v24, v25  }
0x17a: {  	v32 =	vld [tilespmem:s6+$0xFFFFFD10];
	v52 =	vshll.u32 v49, $0x10;
	v21 =	vmul.f32 v21, v16;
	v34 =	vmul.f32 v34, v13  }
0x17b: {  	v46 =	vld [tilespmem:s14+$0xFFFFF900];
	v30 =	vshll.u32 v30, $0x10;
	v61 =	vmul.f32 v37, v10;
	v40 =	vmul.f32 v63, v8  }
0x17c: {  	v12 =	vld [tilespmem:s14+$0x310];
	v3 =	vshll.u32 v9, $0x10;
	v20 =	vmul.f32 v42, v20;
	v19 =	vmul.f32 v44, v19  }
0x17d: {  	v7 =	vld [tilespmem:s14+$0x710];
	v16 =	vand.u32 $0xFFFF0000, v26;
	v22 =	vmul.f32 v29, v22;
	v25 =	vmul.f32 v31, v25  }
0x17e: {  	v5 =	vmul.f32 v3, v8;
	v3 =	vmul.f32 v14, v17;
	v14 =	vshll.u32 v15, $0x10;
	v15 =	vld [tilespmem:s6+$0xFFFFFF10]  }
0x17f: {  	v35 =	vmul.f32 v16, v28;
	v16 =	vld [tilespmem:s14+$0x110];
	v23 =	vadd.f32 $0.0e+00, v23;
	v24 =	vadd.f32 $0.0e+00, v24  }
0x180: {  	v26 =	vshll.u32 v26, $0x10;
	v30 =	vmul.f32 v30, v32;
	v14 =	vmul.f32 v14, v13;
	v13 =	vld [tilespmem:s6+$0x110]  }
0x181: {  	v6 =	vld [tilespmem:s6+$0x710];
	v21 =	vadd.f32 v21, v23;
	v23 =	vadd.f32 v35, v24;
	v24 =	vmul.f32 v36, v32  }
0x182: {  	v10 =	vld [tilespmem:s6+$0x310];
	v31 =	vshll.u32 v46, $0x10;
	v17 =	vmul.f32 v18, v17;
	v26 =	vmul.f32 v26, v28  }
0x183: {  	v9 =	vld [tilespmem:s14+$0x510];
	v21 =	vadd.f32 v34, v21;
	v23 =	vadd.f32 v24, v23;
	v24 =	vmul.f32 v62, v15  }
0x184: {  	v8 =	vld [tilespmem:s6+$0x510];
	v22 =	vadd.f32 $0.0e+00, v22;
	v25 =	vadd.f32 $0.0e+00, v25;
	v41 =	vand.u32 $0xFFFF0000, v16  }
0x185: {  	v28 =	vld [tilespmem:s14+$0xFFFFFF00];
	v21 =	vadd.f32 v61, v21;
	v23 =	vadd.f32 v24, v23;
	v24 =	vmul.f32 v41, v13  }
0x186: {  	v45 =	vld [tilespmem:s14+$0xFFFFF800];
	v43 =	vand.u32 $0xFFFF0000, v12;
	v18 =	vand.u32 $0xFFFF0000, v7;
	v35 =	vand.u32 $0xFFFF0000, v49  }
0x187: {  	v48 =	vld [tilespmem:s6+$0xFFFFF800];
	v21 =	vadd.f32 v40, v21;
	v23 =	vadd.f32 v24, v23;
	v24 =	vmul.f32 v43, v10  }
0x188: {  	v50 =	vld [tilespmem:s6+$0xFFFFFA00];
	v22 =	vadd.f32 v27, v22;
	v25 =	vadd.f32 v26, v25;
	v47 =	vand.u32 $0xFFFF0000, v9  }
0x189: {  	v26 =	vld [tilespmem:s14+$0x100];
	v20 =	vadd.f32 v20, v21;
	v21 =	vadd.f32 v24, v23;
	v23 =	vmul.f32 v47, v8  }
0x18a: {  	v18 =	vmul.f32 v18, v6;
	v57 =	vshll.u32 v28, $0x10;
	v14 =	vadd.f32 v14, v22;
	v24 =	vld [tilespmem:s6+$0xFFFFF900]  }
0x18b: {  	v29 =	vld [tilespmem:s14+$0xFFFFFA00];
	v28 =	vand.u32 $0xFFFF0000, v28;
	v19 =	vadd.f32 v19, v20;
	v20 =	vadd.f32 v23, v21  }
0x18c: {  	v54 =	vld [tilespmem:s14+$0xFFFFFE00];
	v22 =	vadd.f32 v30, v25;
	v21 =	vshll.u32 v45, $0x10;
	v23 =	vand.u32 $0xFFFF0000, v45  }
0x18d: {  	v17 =	vadd.f32 v17, v19;
	v18 =	vadd.f32 v18, v20;
	v20 =	vmul.f32 v23, v48;
	v23 =	vld [tilespmem:s6+$0xFFFFFB00]  }
0x18e: {  	v41 =	vld [tilespmem:s6+$0xFFFFFE00];
	v62 =	vshll.u32 v26, $0x10;
	v19 =	vmul.f32 v21, v48;
	v21 =	vand.u32 $0xFFFF0000, v46  }
0x18f: {  	v31 =	vmul.f32 v31, v24;
	v21 =	vmul.f32 v21, v24;
	v51 =	vadd.f32 v18, v17;
	v17 =	vld [tilespmem:s14+$0xFFFFFC00]  }
0x190: {  	v24 =	vand.u32 $0xFFFF0000, v29;
	v18 =	vshll.u32 v29, $0x10;
	v29 =	vld [tilespmem:s14+$0xFFFFFD00];
	v19 =	vadd.f32 $0.0e+00, v19  }
0x191: {  	v38 =	vld [tilespmem:s6+$0xFFFFFC00];
	v20 =	vadd.f32 $0.0e+00, v20;
	v24 =	vmul.f32 v24, v50;
	v18 =	vmul.f32 v18, v50  }
0x192: {  	v53 =	vld [tilespmem:s6+$0xFFFFFD00];
	v31 =	vadd.f32 $0.0e+00, v31;
	v21 =	vadd.f32 $0.0e+00, v21;
	v36 =	vmul.f32 v52, v23  }
0x193: {  	v58 =	vld [tilespmem:s6+$0x100];
	v23 =	vmul.f32 v35, v23;
	v18 =	vadd.f32 v18, v19;
	v35 =	vand.u32 $0xFFFF0000, v54  }
0x194: {  	v19 =	vadd.f32 v24, v20;
	v35 =	vmul.f32 v35, v41;
	v39 =	vshll.u32 v17, $0x10  }
0x195: {  	v24 =	vld [tilespmem:s6+$0xFFFFFF00];
	v17 =	vand.u32 $0xFFFF0000, v17;
	v40 =	vshll.u32 v29, $0x10;
	v29 =	vand.u32 $0xFFFF0000, v29  }
0x196: {  	v59 =	vld [tilespmem:s14+$0x200];
	v31 =	vadd.f32 v36, v31;
	v20 =	vmul.f32 v39, v38;
	v17 =	vmul.f32 v17, v38  }
0x197: {  	v21 =	vadd.f32 v23, v21;
	v23 =	vld [tilespmem:s14+$0x0];
	v55 =	vmul.f32 v40, v53;
	v27 =	vmul.f32 v29, v53  }
0x198: {  	v56 =	vld [tilespmem:s6+$0x0];
	v29 =	vshll.u32 v54, $0x10;
	v39 =	vmul.f32 v62, v58;
	v20 =	vadd.f32 v20, v18  }
0x199: {  	v60 =	vld [tilespmem:s6+$0x200];
	v17 =	vadd.f32 v17, v19;
	v19 =	vshll.u32 v33, $0x10;
	v31 =	vadd.f32 v55, v31  }
0x19a: {  	v21 =	vadd.f32 v27, v21;
	v27 =	vmul.f32 v29, v41;
	v29 =	vld [tilespmem:s14+$0x300];
	v25 =	vmul.f32 v57, v24  }
0x19b: {  	v28 =	vmul.f32 v28, v24;
	v18 =	vld [tilespmem:s6+$0x300];
	v33 =	vand.u32 $0xFFFF0000, v59;
	v15 =	vmul.f32 v19, v15  }
0x19c: {  	v24 =	vld [tilespmem:s14+$0x500];
	v19 =	vand.u32 $0xFFFF0000, v26;
	v26 =	vshll.u32 v16, $0x10;
	v30 =	vshll.u32 v23, $0x10  }
0x19d: {  	v16 =	vld [tilespmem:s6+$0x400];
	v61 =	vand.u32 $0xFFFF0000, v23;
	v27 =	vadd.f32 v27, v20;
	v35 =	vadd.f32 v35, v17  }
0x19e: {  	v23 =	vld [tilespmem:s14+$0x400];
	v31 =	vadd.f32 v25, v31;
	v28 =	vadd.f32 v28, v21;
	v38 =	vmul.f32 v19, v58  }
0x19f: {  	v20 =	vadd.f32 v11, v14;
	v17 =	vld [tilespmem:s6+$0x500];
	v25 =	vmul.f32 v26, v13;
	v63 =	vmul.f32 v30, v56  }
0x1a0: {  	s20 =	simm.s32 $0x10;
	s2 =	sand.u32 $0xD00, s31;
	v19 =	vld [tilespmem:s14+$0x600];
	v37 =	vmul.f32 v61, v56;
	v22 =	vadd.f32 v15, v22;
	v15 =	vshll.u32 v59, $0x10  }
0x1a1: {  	s3 =	simm.s32 $0x0;
	s2 =	sadd.s32 s2, s5;
	s7 =	sand.u32 $0x70, s20;
	v21 =	vld [tilespmem:s14+$0x700];
	v26 =	vmul.f32 v15, v60;
	v28 =	vadd.f32 v38, v28;
	v32 =	vshll.u32 v29, $0x10  }
0x1a2: {  	s21 =	simm.s32 $0x0;
	s15 =	sand.u32 $0x60, s3;
	s3 =	sadd.s32 s7, s2;
	v11 =	vld [tilespmem:s6+$0x600];
	v30 =	vand.u32 $0xFFFF0000, v29;
	v29 =	vshll.u32 v12, $0x10;
	v13 =	vadd.f32 v63, v27  }
0x1a3: {  	s16 =	sadd.s32 s15, s2;
	s7 =	smov.u32 s31;
	[tilespmem:s3+$0x80] =	vst v51;
	v14 =	vadd.f32 v37, v35;
	v12 =	vld [tilespmem:s6+$0x700];
	v27 =	vadd.f32 v39, v31;
	v31 =	vmul.f32 v33, v60;
	s6 =	simm.s32 $0x4920  }
.LBB2_8:
0x1a4: {  	v15 =	vld [tilespmem:s6+$0x610];
	v32 =	vmul.f32 v32, v18;
	v5 =	vadd.f32 v5, v20;
	v33 =	vadd.f32 v25, v22;
	s14 =	sadd.s32 $0x20, s14  }
0x1a5: {  	v18 =	vmul.f32 v30, v18;
	v30 =	vshll.u32 v23, $0x10;
	v10 =	vmul.f32 v29, v10;
	v20 =	vld [tilespmem:s14+$0x610]  }
0x1a6: {  	v23 =	vand.u32 $0xFFFF0000, v23;
	v29 =	vshll.u32 v24, $0x10;
	v24 =	vand.u32 $0xFFFF0000, v24;
	v22 =	vld [tilespmem:s6+$0x410]  }
0x1a7: {  	v13 =	vadd.f32 v26, v13;
	v9 =	vshll.u32 v9, $0x10;
	v14 =	vadd.f32 v31, v14;
	v25 =	vld [tilespmem:s14+$0x410]  }
0x1a8: {  	v27 =	vadd.f32 v32, v27;
	v18 =	vadd.f32 v18, v28;
	v28 =	vmul.f32 v30, v16;
	v26 =	vld [tilespmem:s6+$0x210]  }
0x1a9: {  	v16 =	vmul.f32 v23, v16;
	v5 =	vadd.f32 v4, v5;
	v10 =	vadd.f32 v10, v33;
	v30 =	vld [tilespmem:s14+$0x210]  }
0x1aa: {  	v4 =	vmul.f32 v29, v17;
	v17 =	vmul.f32 v24, v17;
	v23 =	vshll.u32 v19, $0x10;
	v31 =	vld [tilespmem:s6+$0x10]  }
0x1ab: {  	v8 =	vmul.f32 v9, v8;
	v19 =	vand.u32 $0xFFFF0000, v19;
	v24 =	vshll.u32 v21, $0x10;
	v29 =	vld [tilespmem:s14+$0x10]  }
0x1ac: {  	v21 =	vand.u32 $0xFFFF0000, v21;
	v33 =	vshll.u32 v20, $0x10;
	v9 =	vld [tilespmem:s6+$0xFFFFFE10];
	v32 =	vshll.u32 v25, $0x10  }
0x1ad: {  	v7 =	vshll.u32 v7, $0x10;
	v13 =	vadd.f32 v28, v13;
	v34 =	vld [tilespmem:s14+$0xFFFFFE10];
	v32 =	vmul.f32 v32, v22  }
0x1ae: {  	v14 =	vadd.f32 v16, v14;
	v16 =	vadd.f32 v4, v27;
	v28 =	vld [tilespmem:s6+$0xFFFFFC10];
	v35 =	vshll.u32 v30, $0x10  }
0x1af: {  	v17 =	vadd.f32 v17, v18;
	v18 =	vadd.f32 v2, v5;
	v27 =	vld [tilespmem:s14+$0xFFFFFC10];
	v4 =	vmul.f32 v35, v26;
	v2 =	vmovc v32  }
0x1b0: {  	v23 =	vmul.f32 v23, v11;
	v8 =	vadd.f32 v8, v10;
	v32 =	vld [tilespmem:s6+$0xFFFFFA10];
	v5 =	vshll.u32 v29, $0x10  }
0x1b1: {  	v19 =	vmul.f32 v19, v11;
	v35 =	vadd.f32 v3, v18;
	v10 =	vld [tilespmem:s14+$0xFFFFFA10];
	v5 =	vmul.f32 v5, v31  }
0x1b2: {  	v21 =	vmul.f32 v21, v12;
	v18 =	vmul.f32 v24, v12;
	v36 =	vld [tilespmem:s6+$0xFFFFF810];
	v3 =	vshll.u32 v34, $0x10  }
0x1b3: {  	v13 =	vadd.f32 v23, v13;
	v37 =	vld [tilespmem:s14+$0xFFFFF810];
	v11 =	vmul.f32 v3, v9;
	v3 =	vmul.f32 v33, v15  }
0x1b4: {  	s21 =	sadd.s32 $0x2, s21;
	v6 =	vmul.f32 v7, v6;
	v14 =	vadd.f32 v19, v14;
	v33 =	vld [tilespmem:s14+$0xFFFFF910];
	v12 =	vshll.u32 v27, $0x10  }
0x1b5: {  	p0 =	slt.u32 s21, $0xE;
	v7 =	vadd.f32 v18, v16;
	v16 =	vadd.f32 v21, v17;
	v38 =	vld [tilespmem:s6+$0xFFFFF910];
	v12 =	vmul.f32 v12, v28  }
0x1b6: {  	v6 =	vadd.f32 v6, v8;
	v17 =	vshll.u32 v10, $0x10;
	v39 =	vld [tilespmem:s14+$0xFFFFFB10]  }
0x1b7: {  	v7 =	vadd.f32 v7, v13;
	v8 =	vadd.f32 v16, v14;
	v18 =	vmul.f32 v17, v32;
	v23 =	vld [tilespmem:s6+$0xFFFFFB10]  }
0x1b8: {  	v6 =	vadd.f32 v6, v35;
	v40 =	vshll.u32 v37, $0x10;
	v24 =	vld [tilespmem:s14+$0xFFFFFD10]  }
0x1b9: {  	v13 =	vand.u32 $0xFFFF0000, v37;
	v35 =	vshll.u32 v33, $0x10;
	v14 =	vand.u32 $0xFFFF0000, v33;
	v21 =	vld [tilespmem:s6+$0xFFFFFD10];
	[tilespmem:s16+$0x0] =	vst v7  }
0x1ba: {  	v10 =	vand.u32 $0xFFFF0000, v10;
	v7 =	vmul.f32 v13, v36;
	v13 =	vmul.f32 v14, v38;
	v19 =	vld [tilespmem:s14+$0xFFFFFF10];
	[tilespmem:s16+$0x80] =	vst v8  }
0x1bb: {  	v8 =	vmul.f32 v10, v32;
	v14 =	vand.u32 $0xFFFF0000, v27;
	v10 =	vand.u32 $0xFFFF0000, v39;
	v16 =	vld [tilespmem:s6+$0xFFFFFF10];
	[tilespmem:s3+$0x0] =	vst v6  }
0x1bc: {  	v6 =	vadd.f32 $0.0e+00, v7;
	v7 =	vadd.f32 $0.0e+00, v13;
	v10 =	vmul.f32 v10, v23;
	v17 =	vld [tilespmem:s14+$0x110]  }
0x1bd: {  	v27 =	vmul.f32 v14, v28;
	v28 =	vand.u32 $0xFFFF0000, v34;
	v14 =	vand.u32 $0xFFFF0000, v24;
	v13 =	vld [tilespmem:s6+$0x110]  }
0x1be: {  	v6 =	vadd.f32 v8, v6;
	v7 =	vadd.f32 v10, v7;
	v8 =	vmul.f32 v14, v21;
	v14 =	vld [tilespmem:s14+$0x310]  }
0x1bf: {  	v29 =	vand.u32 $0xFFFF0000, v29;
	v28 =	vmul.f32 v28, v9;
	v9 =	vand.u32 $0xFFFF0000, v19;
	v10 =	vld [tilespmem:s6+$0x310]  }
0x1c0: {  	v6 =	vadd.f32 v27, v6;
	v7 =	vadd.f32 v8, v7;
	v27 =	vmul.f32 v9, v16;
	v9 =	vld [tilespmem:s14+$0x510]  }
0x1c1: {  	v30 =	vand.u32 $0xFFFF0000, v30;
	v29 =	vmul.f32 v29, v31;
	v31 =	vand.u32 $0xFFFF0000, v17;
	v8 =	vld [tilespmem:s6+$0x510]  }
0x1c2: {  	v28 =	vadd.f32 v28, v6;
	v27 =	vadd.f32 v27, v7;
	v31 =	vmul.f32 v31, v13;
	v7 =	vld [tilespmem:s14+$0x710]  }
0x1c3: {  	v25 =	vand.u32 $0xFFFF0000, v25;
	v26 =	vmul.f32 v30, v26;
	v30 =	vand.u32 $0xFFFF0000, v14;
	v6 =	vld [tilespmem:s6+$0x710]  }
0x1c4: {  	v28 =	vadd.f32 v29, v28;
	v32 =	vld [tilespmem:s14+$0xFFFFF800];
	v27 =	vadd.f32 v31, v27;
	v29 =	vmul.f32 v30, v10  }
0x1c5: {  	v20 =	vand.u32 $0xFFFF0000, v20;
	v22 =	vmul.f32 v25, v22;
	v30 =	vld [tilespmem:s14+$0xFFFFF900];
	v25 =	vand.u32 $0xFFFF0000, v9  }
0x1c6: {  	v26 =	vadd.f32 v26, v28;
	v31 =	vld [tilespmem:s6+$0xFFFFF800];
	v27 =	vadd.f32 v29, v27;
	v25 =	vmul.f32 v25, v8  }
0x1c7: {  	v15 =	vmul.f32 v20, v15;
	v29 =	vmul.f32 v40, v36;
	v28 =	vld [tilespmem:s6+$0xFFFFF900];
	v20 =	vand.u32 $0xFFFF0000, v7  }
0x1c8: {  	v22 =	vadd.f32 v22, v26;
	v33 =	vld [tilespmem:s14+$0xFFFFFA00];
	v25 =	vadd.f32 v25, v27;
	v20 =	vmul.f32 v20, v6  }
0x1c9: {  	v34 =	vmul.f32 v35, v38;
	v26 =	vshll.u32 v32, $0x10;
	v27 =	vand.u32 $0xFFFF0000, v32;
	v32 =	vld [tilespmem:s14+$0xFFFFFB00]  }
0x1ca: {  	s7 =	sadd.s32 $0x40, s7;
	v15 =	vadd.f32 v15, v22;
	v35 =	vshll.u32 v30, $0x10;
	v36 =	vld [tilespmem:s6+$0xFFFFFA00];
	v20 =	vadd.f32 v20, v25  }
0x1cb: {  	s20 =	sadd.s32 $0x20, s20;
	s2 =	sand.u32 $0xD00, s7;
	v22 =	vmul.f32 v26, v31;
	v25 =	vmul.f32 v27, v31;
	v26 =	vand.u32 $0xFFFF0000, v30;
	v27 =	vld [tilespmem:s6+$0xFFFFFB00]  }
0x1cc: {  	s15 =	sand.u32 $0x70, s20;
	s2 =	sadd.s32 s2, s5;
	s3 =	sadd.s32 $0xFFFFFFF0, s20;
	v30 =	vmul.f32 v35, v28;
	v26 =	vmul.f32 v26, v28;
	v28 =	vld [tilespmem:s14+$0xFFFFFC00];
	v15 =	vadd.f32 v20, v15  }
0x1cd: {  	s16 =	sand.u32 $0x60, s3;
	s3 =	sadd.s32 s15, s2;
	v35 =	vshll.u32 v39, $0x10;
	v20 =	vshll.u32 v33, $0x10;
	v31 =	vand.u32 $0xFFFF0000, v33;
	v33 =	vld [tilespmem:s14+$0xFFFFFD00]  }
0x1ce: {  	s16 =	sadd.s32 s16, s2;
	v22 =	vadd.f32 $0.0e+00, v22;
	v37 =	vshll.u32 v32, $0x10;
	v32 =	vand.u32 $0xFFFF0000, v32;
	v38 =	vld [tilespmem:s6+$0xFFFFFC00];
	[tilespmem:s3+$0x80] =	vst v15  }
0x1cf: {  	v15 =	vadd.f32 $0.0e+00, v25;
	v25 =	vadd.f32 $0.0e+00, v30;
	v20 =	vmul.f32 v20, v36;
	v30 =	vld [tilespmem:s6+$0xFFFFFD00]  }
0x1d0: {  	v29 =	vadd.f32 $0.0e+00, v29;
	v26 =	vadd.f32 $0.0e+00, v26;
	v31 =	vmul.f32 v31, v36;
	v36 =	vld [tilespmem:s14+$0xFFFFFE00]  }
0x1d1: {  	v34 =	vadd.f32 $0.0e+00, v34;
	v37 =	vmul.f32 v37, v27;
	v27 =	vmul.f32 v32, v27;
	v32 =	vld [tilespmem:s14+$0xFFFFFF00]  }
0x1d2: {  	v23 =	vmul.f32 v35, v23;
	v39 =	vshll.u32 v28, $0x10;
	v28 =	vand.u32 $0xFFFF0000, v28;
	v40 =	vld [tilespmem:s6+$0xFFFFFE00]  }
0x1d3: {  	v24 =	vshll.u32 v24, $0x10;
	v35 =	vshll.u32 v33, $0x10;
	v33 =	vand.u32 $0xFFFF0000, v33;
	v41 =	vld [tilespmem:s6+$0xFFFFFF00]  }
0x1d4: {  	v20 =	vadd.f32 v20, v22;
	v15 =	vadd.f32 v31, v15;
	v22 =	vmul.f32 v39, v38;
	v31 =	vld [tilespmem:s14+$0x0]  }
0x1d5: {  	v25 =	vadd.f32 v37, v25;
	v26 =	vadd.f32 v27, v26;
	v27 =	vmul.f32 v28, v38;
	v28 =	vld [tilespmem:s14+$0x100]  }
0x1d6: {  	v29 =	vadd.f32 v18, v29;
	v23 =	vadd.f32 v23, v34;
	v35 =	vmul.f32 v35, v30;
	v37 =	vld [tilespmem:s6+$0x0]  }
0x1d7: {  	v21 =	vmul.f32 v24, v21;
	v18 =	vmul.f32 v33, v30;
	v30 =	vshll.u32 v36, $0x10;
	v33 =	vld [tilespmem:s6+$0x100]  }
0x1d8: {  	v24 =	vand.u32 $0xFFFF0000, v36;
	v34 =	vshll.u32 v32, $0x10;
	v32 =	vand.u32 $0xFFFF0000, v32;
	v36 =	vld [tilespmem:s14+$0x200]  }
0x1d9: {  	v19 =	vshll.u32 v19, $0x10;
	v20 =	vadd.f32 v22, v20;
	v15 =	vadd.f32 v27, v15;
	v27 =	vld [tilespmem:s14+$0x300]  }
0x1da: {  	v22 =	vadd.f32 v35, v25;
	v25 =	vadd.f32 v18, v26;
	v26 =	vmul.f32 v30, v40;
	v35 =	vld [tilespmem:s6+$0x200]  }
0x1db: {  	v12 =	vadd.f32 v12, v29;
	v29 =	vadd.f32 v21, v23;
	v30 =	vmul.f32 v24, v40;
	v18 =	vld [tilespmem:s6+$0x300]  }
0x1dc: {  	v21 =	vmul.f32 v34, v41;
	v32 =	vmul.f32 v32, v41;
	v34 =	vshll.u32 v31, $0x10;
	v23 =	vld [tilespmem:s14+$0x400]  }
0x1dd: {  	v39 =	vmul.f32 v19, v16;
	v31 =	vand.u32 $0xFFFF0000, v31;
	v38 =	vshll.u32 v28, $0x10;
	v24 =	vld [tilespmem:s14+$0x500]  }
0x1de: {  	v40 =	vshll.u32 v17, $0x10;
	v26 =	vadd.f32 v26, v20;
	v28 =	vand.u32 $0xFFFF0000, v28;
	v16 =	vld [tilespmem:s6+$0x400]  }
0x1df: {  	v15 =	vadd.f32 v30, v15;
	v41 =	vadd.f32 v21, v22;
	v34 =	vmul.f32 v34, v37;
	v17 =	vld [tilespmem:s6+$0x500]  }
0x1e0: {  	v20 =	vadd.f32 v11, v12;
	v42 =	vadd.f32 v32, v25;
	v31 =	vmul.f32 v31, v37;
	v19 =	vld [tilespmem:s14+$0x600]  }
.Ltmp4:
0x1e1: {  	v22 =	vadd.f32 v39, v29;
	v37 =	vmul.f32 v38, v33;
	v28 =	vmul.f32 v28, v33;
	v21 =	vld [tilespmem:s14+$0x700];
	(pc) =	sbr.rel @p0 .LBB2_8-.Ltmp4, $4  }
0x1e2: {  	v25 =	vmul.f32 v40, v13;
	v33 =	vshll.u32 v36, $0x10;
	v36 =	vand.u32 $0xFFFF0000, v36;
	v11 =	vld [tilespmem:s6+$0x600]  }
0x1e3: {  	v29 =	vshll.u32 v14, $0x10;
	v32 =	vshll.u32 v27, $0x10;
	v30 =	vand.u32 $0xFFFF0000, v27;
	v12 =	vld [tilespmem:s6+$0x700]  }
0x1e4: {  	v13 =	vadd.f32 v34, v26;
	v14 =	vadd.f32 v31, v15;
	v26 =	vmul.f32 v33, v35  }
0x1e5: {  	v27 =	vadd.f32 v37, v41;
	v28 =	vadd.f32 v28, v42;
	v31 =	vmul.f32 v36, v35;
	s6 =	sadd.s32 $0x20, s6  }
0x1e6: {  	v15 =	vmul.f32 v32, v18  }
0x1e7: {  	v5 =	vadd.f32 v5, v20;
	v43 =	vadd.f32 v25, v22;
	v44 =	vmul.f32 v30, v18  }
0x1e8: {  	v45 =	vshll.u32 v23, $0x10;
	v10 =	vmul.f32 v29, v10;
	v46 =	vand.u32 $0xFFFF0000, v23  }
0x1e9: {  	v47 =	vshll.u32 v24, $0x10;
	v48 =	vand.u32 $0xFFFF0000, v24;
	v13 =	vadd.f32 v26, v13  }
0x1ea: {  	v9 =	vshll.u32 v9, $0x10;
	v53 =	vshll.u32 v19, $0x10;
	v54 =	vand.u32 $0xFFFF0000, v19  }
0x1eb: {  	v55 =	vshll.u32 v21, $0x10;
	v57 =	vand.u32 $0xFFFF0000, v21;
	v7 =	vshll.u32 v7, $0x10  }
0x1ec: {  	v14 =	vadd.f32 v31, v14;
	v22 =	vmul.f32 v45, v16;
	v49 =	vmul.f32 v46, v16  }
0x1ed: {  	v51 =	vmul.f32 v47, v17;
	v52 =	vmul.f32 v48, v17;
	v15 =	vadd.f32 v15, v27  }
0x1ee: {  	v8 =	vmul.f32 v9, v8;
	v18 =	vadd.f32 v44, v28;
	v4 =	vadd.f32 v4, v5  }
0x1ef: {  	v59 =	vmul.f32 v53, v11;
	v50 =	vadd.f32 v10, v43;
	v56 =	vadd.f32 v22, v13  }
0x1f0: {  	v61 =	vmul.f32 v54, v11;
	v14 =	vadd.f32 v49, v14;
	v10 =	vadd.f32 v51, v15  }
0x1f1: {  	v60 =	vmul.f32 v55, v12;
	v58 =	vadd.f32 v52, v18;
	v2 =	vadd.f32 v2, v4  }
0x1f2: {  	v6 =	vmul.f32 v7, v6;
	v5 =	vadd.f32 v8, v50;
	v4 =	vadd.f32 v59, v56  }
0x1f3: {  	v2 =	vadd.f32 v3, v2;
	v3 =	vmul.f32 v57, v12;
	v62 =	vadd.f32 v60, v10  }
0x1f4: {  	p0 =	seq.s32 s10, $0x3;
	v63 =	vadd.f32 v61, v14;
	v5 =	vadd.f32 v6, v5  }
.Ltmp5:
0x1f5: {  	v3 =	vadd.f32 v3, v58;
	v4 =	vadd.f32 v62, v4;
	(pc) =	sbr.rel @p0 .LBB2_13-.Ltmp5, $4  }
0x1f6: {  	v2 =	vadd.f32 v5, v2  }
0x1f7: {  	v3 =	vadd.f32 v3, v63;
	[tilespmem:s16+$0x0] =	vst v4  }
0x1f8: {  	[tilespmem:s3+$0x0] =	vst v2  }
0x1f9: {  	[tilespmem:s16+$0x80] =	vst v3  }
0x1fa: {  	s6 =	sadd.s32 $0x200, s12;
	s7 =	simm.s32 $0xFFFFFFFE  }
0x1fb: {  	s12 =	simm.s32 $0x0;
	s14 =	simm.s32 $0x2900;
	s20 =	simm.s32 $0x4900  }
.LBB2_11:
0x1fc: {  	s2 =	sand.u32 $0x80, s12  }
0x1fd: {  	s15 =	sand.u32 $0x60, s12;
	s21 =	sadd.s32 s2, s6  }
0x1fe: {  	s2 =	sadd.s32 s15, s21;
	s16 =	sadd.s32 $0x1000, s21  }
0x1ff: {  	v2 =	vld [tilespmem:s2+$0x0];
	s2 =	sadd.s32 $0x800, s21;
	s29 =	sadd.s32 s15, s16  }
0x200: {  	s3 =	sadd.s32 s15, s2;
	v4 =	vld [tilespmem:s29+$0x0]  }
0x201: {  	v3 =	vld [tilespmem:s3+$0x0]  }
0x202: {  	s3 =	sadd.s32 $0x1800, s21  }
0x203: {  	s30 =	sadd.s32 $0x10, s12;
	s15 =	sadd.s32 s15, s3  }
0x204: {  	v5 =	vld [tilespmem:s15+$0x0];
	s15 =	sand.u32 $0x70, s30;
	v2 =	vmul.f32 v2, v0  }
0x205: {  	s21 =	sadd.s32 s15, s21;
	v4 =	vmul.f32 v4, v0  }
0x206: {  	s2 =	sadd.s32 s15, s2;
	v30 =	vld [tilespmem:s21+$0x0];
	v6 =	vtrunc.f32 v2;
	v3 =	vmul.f32 v3, v0  }
0x207: {  	s29 =	sadd.s32 s15, s16;
	v32 =	vld [tilespmem:s2+$0x0];
	v6 =	vcvt.f32.s32 v6  }
0x208: {  	v26 =	vld [tilespmem:s29+$0x0];
	v9 =	vtrunc.f32 v4;
	v8 =	vtrunc.f32 v3  }
0x209: {  	s30 =	sadd.s32 s15, s3;
	v5 =	vmul.f32 v5, v0;
	v47 =	vcvt.f32.s32 v9  }
0x20a: {  	v37 =	vld [tilespmem:s30+$0x0];
	v7 =	vcvt.s32.f32 v6;
	v8 =	vcvt.f32.s32 v8  }
0x20b: {  	v48 =	vtrunc.f32 v5;
	v12 =	vcvt.s32.f32 v47  }
0x20c: {  	v10 =	vadd.s32 $0x1, v6;
	v40 =	vmul.f32 v30, v0;
	v43 =	vmul.f32 v32, v0  }
0x20d: {  	v46 =	vmul.f32 v26, v0;
	v2 =	vsub.f32 v2, v7;
	v11 =	vcvt.s32.f32 v8  }
0x20e: {  	v9 =	vcvt.f32.s32 v48;
	v8 =	vmul.u32 $0x9E3779B1, v8;
	v7 =	vmul.u32 $0x30025795, v47  }
0x20f: {  	v47 =	vmul.f32 v37, v0;
	v4 =	vsub.f32 v4, v12;
	v44 =	vtrunc.f32 v40  }
0x210: {  	v45 =	vtrunc.f32 v43;
	v3 =	vsub.f32 v3, v11;
	v49 =	vcvt.s32.f32 v9  }
0x211: {  	v9 =	vmul.u32 $0xDB06C2F5, v9;
	v13 =	vadd.s32 $0x9E3779B1, v8;
	v50 =	vadd.s32 $0x30025795, v7  }
0x212: {  	v14 =	vxor.u32 v6, v8;
	v8 =	vxor.u32 v10, v8;
	v54 =	vsub.f32 $1.000000000e+00, v2  }
0x213: {  	v6 =	vxor.u32 v6, v13;
	v10 =	vxor.u32 v10, v13;
	v57 =	vsub.f32 $1.000000000e+00, v4  }
0x214: {  	v5 =	vsub.f32 v5, v49;
	v51 =	vadd.s32 $0xDB06C2F5, v9;
	v52 =	vxor.u32 v7, v9  }
0x215: {  	v9 =	vxor.u32 v9, v50;
	v23 =	vsub.f32 $1.000000000e+00, v3;
	v49 =	vtrunc.f32 v47  }
0x216: {  	v7 =	vxor.u32 v7, v51;
	v11 =	vxor.u32 v50, v51;
	v53 =	vxor.u32 v14, v52  }
0x217: {  	v15 =	vxor.u32 v8, v52;
	v16 =	vxor.u32 v6, v52;
	v13 =	vxor.u32 v10, v52  }
0x218: {  	v17 =	vxor.u32 v14, v9;
	v18 =	vxor.u32 v8, v9;
	v19 =	vxor.u32 v6, v9  }
0x219: {  	v9 =	vxor.u32 v10, v9;
	v50 =	vcvt.f32.s32 v49;
	v12 =	vand.u32 $0x7FFFF, v53  }
0x21a: {  	v15 =	vand.u32 $0x7FFFF, v15;
	v16 =	vand.u32 $0x7FFFF, v16;
	v13 =	vand.u32 $0x7FFFF, v13  }
0x21b: {  	v17 =	vand.u32 $0x7FFFF, v17;
	v18 =	vand.u32 $0x7FFFF, v18;
	v19 =	vand.u32 $0x7FFFF, v19  }
0x21c: {  	v9 =	vand.u32 $0x7FFFF, v9;
	v20 =	vxor.u32 v14, v7;
	v21 =	vxor.u32 v8, v7  }
0x21d: {  	v22 =	vxor.u32 v6, v7;
	v7 =	vxor.u32 v10, v7;
	v12 =	vor.u32 v1, v12  }
0x21e: {  	v58 =	vsub.f32 $1.000000000e+00, v5;
	v24 =	vmul.f32 v23, v54;
	v15 =	vor.u32 v1, v15;
	[tilespmem:s14+$0xFFFFF800] =	vst v12  }
0x21f: {  	v59 =	vxor.u32 v14, v11;
	v60 =	vmul.f32 v23, v2;
	v16 =	vor.u32 v1, v16;
	[tilespmem:s14+$0xFFFFF900] =	vst v15  }
0x220: {  	v2 =	vmul.f32 v3, v2;
	v8 =	vxor.u32 v8, v11;
	v13 =	vor.u32 v1, v13;
	[tilespmem:s14+$0xFFFFFA00] =	vst v16  }
0x221: {  	v6 =	vxor.u32 v6, v11;
	v10 =	vxor.u32 v10, v11;
	v17 =	vor.u32 v1, v17;
	[tilespmem:s14+$0xFFFFFB00] =	vst v13  }
0x222: {  	v18 =	vor.u32 v1, v18;
	v19 =	vor.u32 v1, v19;
	v9 =	vor.u32 v1, v9;
	[tilespmem:s14+$0xFFFFFC00] =	vst v17  }
0x223: {  	v20 =	vand.u32 $0x7FFFF, v20;
	v21 =	vand.u32 $0x7FFFF, v21;
	v22 =	vand.u32 $0x7FFFF, v22;
	[tilespmem:s14+$0xFFFFFD00] =	vst v18  }
0x224: {  	v7 =	vand.u32 $0x7FFFF, v7;
	v8 =	vand.u32 $0x7FFFF, v8;
	v6 =	vand.u32 $0x7FFFF, v6;
	[tilespmem:s14+$0xFFFFFE00] =	vst v19  }
0x225: {  	v38 =	vand.u32 $0x7FFFF, v10;
	v20 =	vor.u32 v1, v20;
	v55 =	vor.u32 v1, v21;
	[tilespmem:s14+$0xFFFFFF00] =	vst v9  }
0x226: {  	v56 =	vor.u32 v1, v22;
	v12 =	vmul.f32 v3, v54;
	v3 =	vmul.f32 v58, v57;
	[tilespmem:s14+$0x0] =	vst v20  }
0x227: {  	v7 =	vor.u32 v1, v7;
	v61 =	vmul.f32 v58, v4;
	v16 =	vmul.f32 v5, v57;
	[tilespmem:s14+$0x100] =	vst v55  }
0x228: {  	v13 =	vand.u32 $0x7FFFF, v59;
	v4 =	vmul.f32 v5, v4;
	v5 =	vcvt.f32.s32 v45;
	[tilespmem:s14+$0x200] =	vst v56  }
0x229: {  	v8 =	vor.u32 v1, v8;
	v54 =	vcvt.s32.f32 v50;
	[tilespmem:s14+$0x300] =	vst v7;
	v62 =	vmul.f32 v3, v24  }
0x22a: {  	v6 =	vor.u32 v1, v6;
	[tilespmem:s14+$0x500] =	vst v8;
	v63 =	vmul.f32 v3, v60;
	v28 =	vmul.f32 v3, v12  }
0x22b: {  	v41 =	vor.u32 v1, v38;
	[tilespmem:s14+$0x600] =	vst v6;
	v3 =	vmul.f32 v3, v2;
	v29 =	vmul.f32 v61, v24  }
0x22c: {  	v13 =	vor.u32 v1, v13;
	[tilespmem:s14+$0x700] =	vst v41;
	v31 =	vmul.f32 v61, v60;
	v22 =	vmul.f32 v61, v12  }
0x22d: {  	v17 =	vmul.f32 v61, v2;
	v33 =	vmul.f32 v16, v24;
	[tilespmem:s14+$0x400] =	vst v13  }
0x22e: {  	v34 =	vmul.f32 v16, v60;
	v25 =	vmul.f32 v16, v12;
	[tilespmem:s20+$0xFFFFF800] =	vst v62  }
0x22f: {  	v35 =	vmul.f32 v16, v2;
	v36 =	vmul.f32 v4, v24;
	[tilespmem:s20+$0xFFFFF900] =	vst v63  }
0x230: {  	v39 =	vmul.f32 v4, v60;
	v42 =	vmul.f32 v4, v12;
	[tilespmem:s20+$0xFFFFFA00] =	vst v28  }
0x231: {  	v2 =	vmul.f32 v4, v2;
	v4 =	vcvt.f32.s32 v44;
	[tilespmem:s20+$0xFFFFFB00] =	vst v3  }
0x232: {  	v52 =	vcvt.s32.f32 v5;
	v5 =	vmul.u32 $0x9E3779B1, v5;
	v16 =	vmul.u32 $0xDB06C2F5, v50;
	[tilespmem:s20+$0xFFFFFC00] =	vst v29  }
0x233: {  	v9 =	vsub.f32 v47, v54;
	v48 =	vcvt.s32.f32 v4;
	v3 =	vtrunc.f32 v46;
	[tilespmem:s20+$0xFFFFFD00] =	vst v31  }
0x234: {  	v51 =	vadd.s32 $0x1, v4;
	[tilespmem:s20+$0xFFFFFE00] =	vst v22;
	v12 =	vsub.f32 v43, v52;
	v3 =	vcvt.f32.s32 v3  }
0x235: {  	[tilespmem:s20+$0xFFFFFF00] =	vst v17;
	v55 =	vadd.s32 $0x9E3779B1, v5;
	v57 =	vadd.s32 $0xDB06C2F5, v16;
	v58 =	vxor.u32 v4, v5  }
0x236: {  	[tilespmem:s20+$0x0] =	vst v33;
	v49 =	vsub.f32 $1.000000000e+00, v9;
	v5 =	vxor.u32 v51, v5;
	v53 =	vcvt.s32.f32 v3  }
0x237: {  	[tilespmem:s20+$0x100] =	vst v34;
	v4 =	vxor.u32 v4, v55;
	v14 =	vsub.f32 v40, v48;
	v3 =	vmul.u32 $0x30025795, v3  }
0x238: {  	[tilespmem:s20+$0x200] =	vst v25;
	v15 =	vxor.u32 v51, v55;
	v47 =	vsub.f32 $1.000000000e+00, v12;
	v6 =	vsub.f32 v46, v53  }
0x239: {  	[tilespmem:s20+$0x300] =	vst v35;
	v56 =	vadd.s32 $0x30025795, v3;
	v59 =	vxor.u32 v3, v16;
	v3 =	vxor.u32 v3, v57  }
0x23a: {  	[tilespmem:s20+$0x400] =	vst v36;
	v46 =	vsub.f32 $1.000000000e+00, v14;
	v60 =	vxor.u32 v16, v56;
	v61 =	vxor.u32 v58, v59  }
0x23b: {  	[tilespmem:s20+$0x500] =	vst v39;
	v7 =	vxor.u32 v56, v57;
	v63 =	vxor.u32 v5, v59;
	v22 =	vxor.u32 v4, v59  }
0x23c: {  	[tilespmem:s20+$0x600] =	vst v42;
	v25 =	vxor.u32 v15, v59;
	v36 =	vxor.u32 v58, v3;
	v62 =	vand.u32 $0x7FFFF, v61  }
0x23d: {  	[tilespmem:s20+$0x700] =	vst v2;
	v39 =	vxor.u32 v5, v3;
	v21 =	vand.u32 $0x7FFFF, v63;
	v20 =	vor.u32 v1, v62  }
0x23e: {  	v41 =	vxor.u32 v4, v3;
	v24 =	vand.u32 $0x7FFFF, v22;
	v23 =	vor.u32 v1, v21;
	[tilespmem:s14+$0xFFFFF810] =	vst v20  }
0x23f: {  	v3 =	vxor.u32 v15, v3;
	v26 =	vand.u32 $0x7FFFF, v25;
	v2 =	vor.u32 v1, v24;
	[tilespmem:s14+$0xFFFFF910] =	vst v23  }
0x240: {  	v27 =	vxor.u32 v58, v60;
	v40 =	vand.u32 $0x7FFFF, v39;
	v28 =	vor.u32 v1, v26;
	[tilespmem:s14+$0xFFFFFA10] =	vst v2  }
0x241: {  	v30 =	vxor.u32 v5, v60;
	v43 =	vand.u32 $0x7FFFF, v41;
	v42 =	vor.u32 v1, v40;
	[tilespmem:s14+$0xFFFFFB10] =	vst v28  }
0x242: {  	v33 =	vxor.u32 v4, v60;
	v29 =	vand.u32 $0x7FFFF, v27;
	v44 =	vor.u32 v1, v43;
	[tilespmem:s14+$0x110] =	vst v42  }
0x243: {  	v11 =	vxor.u32 v15, v60;
	v32 =	vand.u32 $0x7FFFF, v30;
	v31 =	vor.u32 v1, v29;
	[tilespmem:s14+$0x210] =	vst v44  }
0x244: {  	v38 =	vand.u32 $0x7FFFF, v36;
	v34 =	vand.u32 $0x7FFFF, v33;
	v2 =	vor.u32 v1, v32;
	[tilespmem:s14+$0xFFFFFC10] =	vst v31  }
0x245: {  	v3 =	vand.u32 $0x7FFFF, v3;
	v11 =	vand.u32 $0x7FFFF, v11;
	v35 =	vor.u32 v1, v34;
	[tilespmem:s14+$0xFFFFFD10] =	vst v2  }
0x246: {  	v45 =	vxor.u32 v58, v7;
	v5 =	vxor.u32 v5, v7;
	v37 =	vor.u32 v1, v11;
	[tilespmem:s14+$0xFFFFFE10] =	vst v35  }
0x247: {  	v4 =	vxor.u32 v4, v7;
	v48 =	vsub.f32 $1.000000000e+00, v6;
	v2 =	vor.u32 v1, v38;
	[tilespmem:s14+$0xFFFFFF10] =	vst v37  }
0x248: {  	v50 =	vmul.f32 v47, v46;
	[tilespmem:s14+$0x10] =	vst v2;
	v2 =	vor.u32 v1, v3;
	v3 =	vand.u32 $0x7FFFF, v45  }
0x249: {  	v5 =	vand.u32 $0x7FFFF, v5;
	v4 =	vand.u32 $0x7FFFF, v4;
	[tilespmem:s14+$0x310] =	vst v2;
	v2 =	vor.u32 v1, v3  }
0x24a: {  	v51 =	vmul.f32 v49, v48;
	v3 =	vor.u32 v1, v5;
	[tilespmem:s14+$0x410] =	vst v2;
	v2 =	vxor.u32 v15, v7  }
0x24b: {  	v52 =	vmul.f32 v47, v14;
	[tilespmem:s14+$0x510] =	vst v3;
	v3 =	vor.u32 v1, v4;
	v2 =	vand.u32 $0x7FFFF, v2  }
0x24c: {  	v54 =	vmul.f32 v49, v6;
	v53 =	vmul.f32 v51, v50;
	[tilespmem:s14+$0x610] =	vst v3;
	v2 =	vor.u32 v1, v2  }
0x24d: {  	v11 =	vmul.f32 v51, v52;
	[tilespmem:s14+$0x710] =	vst v2  }
0x24e: {  	v56 =	vmul.f32 v54, v50;
	v8 =	vmul.f32 v9, v48;
	[tilespmem:s20+$0xFFFFF810] =	vst v53  }
0x24f: {  	v57 =	vmul.f32 v54, v52;
	[tilespmem:s20+$0xFFFFF910] =	vst v11  }
0x250: {  	v6 =	vmul.f32 v9, v6;
	v60 =	vmul.f32 v8, v50;
	[tilespmem:s20+$0xFFFFFC10] =	vst v56  }
0x251: {  	v61 =	vmul.f32 v8, v52;
	[tilespmem:s20+$0xFFFFFD10] =	vst v57  }
0x252: {  	v5 =	vmul.f32 v6, v50;
	v3 =	vmul.f32 v12, v46;
	[tilespmem:s20+$0x10] =	vst v60  }
0x253: {  	v4 =	vmul.f32 v6, v52;
	[tilespmem:s20+$0x110] =	vst v61  }
0x254: {  	v55 =	vmul.f32 v51, v3;
	[tilespmem:s20+$0x410] =	vst v5  }
0x255: {  	v58 =	vmul.f32 v54, v3;
	[tilespmem:s20+$0x510] =	vst v4  }
0x256: {  	v2 =	vmul.f32 v12, v14;
	v62 =	vmul.f32 v8, v3;
	[tilespmem:s20+$0xFFFFFA10] =	vst v55  }
0x257: {  	s7 =	sadd.s32 $0x2, s7;
	v3 =	vmul.f32 v6, v3;
	[tilespmem:s20+$0xFFFFFE10] =	vst v58  }
0x258: {  	p0 =	slt.u32 s7, $0xE;
	v7 =	vmul.f32 v51, v2;
	[tilespmem:s20+$0x210] =	vst v62  }
.Ltmp6:
0x259: {  	v59 =	vmul.f32 v54, v2;
	[tilespmem:s20+$0x610] =	vst v3;
	(pc) =	sbr.rel @p0 .LBB2_11-.Ltmp6, $4  }
0x25a: {  	v63 =	vmul.f32 v8, v2;
	[tilespmem:s20+$0xFFFFFB10] =	vst v7  }
0x25b: {  	v2 =	vmul.f32 v6, v2;
	[tilespmem:s20+$0xFFFFFF10] =	vst v59  }
0x25c: {  	[tilespmem:s20+$0x310] =	vst v63  }
0x25d: {  	s12 =	sadd.s32 $0x20, s12;
	s14 =	sadd.s32 $0x20, s14;
	[tilespmem:s20+$0x710] =	vst v2;
	s20 =	sadd.s32 $0x20, s20  }
0x25e: {  	[tilespmem:s23], [sflag:$0x1] =	stream.indirect.gather [spmem:s1], $0x1, s22, s17, $0xb8;
	[tilespmem:$0x1A100] =	vst v63  }
.LBB2_13:
0x25f: {  	_ =	swait.ge [sflag:s28], $0x1000  }
0x260: {  	[sflag:s28] =	ssyncset.done $0x0  }
0x261: {  	s12 =	simm.s32 $0x7900;
	[sflag:s28] =	ssyncadd.s32 $0xFFFFF000  }
0x262: {  	s6 =	simm.s32 $0x5900;
	v18 =	vld [tilespmem:s12+$0x610]  }
0x263: {  	v19 =	vld [tilespmem:s6+$0x410]  }
0x264: {  	v6 =	vld [tilespmem:s12+$0x410]  }
0x265: {  	v20 =	vld [tilespmem:s6+$0x210]  }
0x266: {  	v7 =	vld [tilespmem:s12+$0x210]  }
0x267: {  	v9 =	vld [tilespmem:s12+$0x10]  }
0x268: {  	v10 =	vld [tilespmem:s6+$0xFFFFFE10]  }
0x269: {  	v12 =	vld [tilespmem:s12+$0xFFFFFE10]  }
0x26a: {  	v13 =	vld [tilespmem:s6+$0xFFFFFC10]  }
0x26b: {  	v15 =	vld [tilespmem:s12+$0xFFFFFC10]  }
0x26c: {  	v21 =	vld [tilespmem:s12+$0xFFFFFA10]  }
0x26d: {  	v23 =	vld [tilespmem:s12+$0xFFFFF810]  }
0x26e: {  	v24 =	vld [tilespmem:s12+$0xFFFFF910]  }
0x26f: {  	v30 =	vld [tilespmem:s12+$0xFFFFFD10]  }
0x270: {  	v33 =	vld [tilespmem:s12+$0xFFFFFF10]  }
0x271: {  	v16 =	vld [tilespmem:s6+$0xFFFFFA10];
	v2 =	vshll.u32 v6, $0x10;
	v3 =	vshll.u32 v7, $0x10;
	v11 =	vshll.u32 v12, $0x10  }
0x272: {  	v22 =	vld [tilespmem:s6+$0xFFFFF810];
	v14 =	vshll.u32 v18, $0x10;
	v27 =	vshll.u32 v21, $0x10;
	v29 =	vshll.u32 v23, $0x10  }
0x273: {  	v25 =	vld [tilespmem:s6+$0xFFFFF910];
	v23 =	vand.u32 $0xFFFF0000, v23;
	v31 =	vshll.u32 v24, $0x10;
	v24 =	vand.u32 $0xFFFF0000, v24  }
0x274: {  	v49 =	vld [tilespmem:s12+$0xFFFFFB00];
	v21 =	vand.u32 $0xFFFF0000, v21;
	v34 =	vand.u32 $0xFFFF0000, v15;
	v36 =	vand.u32 $0xFFFF0000, v30  }
0x275: {  	v8 =	vld [tilespmem:s6+$0x10];
	v37 =	vand.u32 $0xFFFF0000, v12;
	v62 =	vand.u32 $0xFFFF0000, v33;
	v63 =	vand.u32 $0xFFFF0000, v9  }
0x276: {  	v17 =	vld [tilespmem:s6+$0x610];
	v42 =	vand.u32 $0xFFFF0000, v7;
	v2 =	vmul.f32 v2, v19;
	v4 =	vmul.f32 v3, v20  }
0x277: {  	v26 =	vld [tilespmem:s12+$0xFFFFFB10];
	v44 =	vand.u32 $0xFFFF0000, v6;
	v11 =	vmul.f32 v11, v10;
	v27 =	vmul.f32 v27, v16  }
0x278: {  	v28 =	vld [tilespmem:s6+$0xFFFFFB10];
	v18 =	vand.u32 $0xFFFF0000, v18;
	v23 =	vmul.f32 v23, v22;
	v24 =	vmul.f32 v24, v25  }
0x279: {  	v32 =	vld [tilespmem:s6+$0xFFFFFD10];
	v52 =	vshll.u32 v49, $0x10;
	v21 =	vmul.f32 v21, v16;
	v34 =	vmul.f32 v34, v13  }
0x27a: {  	v46 =	vld [tilespmem:s12+$0xFFFFF900];
	v30 =	vshll.u32 v30, $0x10;
	v61 =	vmul.f32 v37, v10;
	v40 =	vmul.f32 v63, v8  }
0x27b: {  	v12 =	vld [tilespmem:s12+$0x310];
	v3 =	vshll.u32 v9, $0x10;
	v20 =	vmul.f32 v42, v20;
	v19 =	vmul.f32 v44, v19  }
0x27c: {  	v7 =	vld [tilespmem:s12+$0x710];
	v16 =	vand.u32 $0xFFFF0000, v26;
	v22 =	vmul.f32 v29, v22;
	v25 =	vmul.f32 v31, v25  }
0x27d: {  	v5 =	vmul.f32 v3, v8;
	v3 =	vmul.f32 v14, v17;
	v14 =	vshll.u32 v15, $0x10;
	v15 =	vld [tilespmem:s6+$0xFFFFFF10]  }
0x27e: {  	v35 =	vmul.f32 v16, v28;
	v16 =	vld [tilespmem:s12+$0x110];
	v23 =	vadd.f32 $0.0e+00, v23;
	v24 =	vadd.f32 $0.0e+00, v24  }
0x27f: {  	v26 =	vshll.u32 v26, $0x10;
	v30 =	vmul.f32 v30, v32;
	v14 =	vmul.f32 v14, v13;
	v13 =	vld [tilespmem:s6+$0x110]  }
0x280: {  	v6 =	vld [tilespmem:s6+$0x710];
	v21 =	vadd.f32 v21, v23;
	v23 =	vadd.f32 v35, v24;
	v24 =	vmul.f32 v36, v32  }
0x281: {  	v10 =	vld [tilespmem:s6+$0x310];
	v31 =	vshll.u32 v46, $0x10;
	v17 =	vmul.f32 v18, v17;
	v26 =	vmul.f32 v26, v28  }
0x282: {  	v9 =	vld [tilespmem:s12+$0x510];
	v21 =	vadd.f32 v34, v21;
	v23 =	vadd.f32 v24, v23;
	v24 =	vmul.f32 v62, v15  }
0x283: {  	v8 =	vld [tilespmem:s6+$0x510];
	v22 =	vadd.f32 $0.0e+00, v22;
	v25 =	vadd.f32 $0.0e+00, v25;
	v41 =	vand.u32 $0xFFFF0000, v16  }
0x284: {  	v28 =	vld [tilespmem:s12+$0xFFFFFF00];
	v21 =	vadd.f32 v61, v21;
	v23 =	vadd.f32 v24, v23;
	v24 =	vmul.f32 v41, v13  }
0x285: {  	v45 =	vld [tilespmem:s12+$0xFFFFF800];
	v43 =	vand.u32 $0xFFFF0000, v12;
	v18 =	vand.u32 $0xFFFF0000, v7;
	v35 =	vand.u32 $0xFFFF0000, v49  }
0x286: {  	v48 =	vld [tilespmem:s6+$0xFFFFF800];
	v21 =	vadd.f32 v40, v21;
	v23 =	vadd.f32 v24, v23;
	v24 =	vmul.f32 v43, v10  }
0x287: {  	v50 =	vld [tilespmem:s6+$0xFFFFFA00];
	v22 =	vadd.f32 v27, v22;
	v25 =	vadd.f32 v26, v25;
	v47 =	vand.u32 $0xFFFF0000, v9  }
0x288: {  	v26 =	vld [tilespmem:s12+$0x100];
	v20 =	vadd.f32 v20, v21;
	v21 =	vadd.f32 v24, v23;
	v23 =	vmul.f32 v47, v8  }
0x289: {  	v18 =	vmul.f32 v18, v6;
	v57 =	vshll.u32 v28, $0x10;
	v14 =	vadd.f32 v14, v22;
	v24 =	vld [tilespmem:s6+$0xFFFFF900]  }
0x28a: {  	v29 =	vld [tilespmem:s12+$0xFFFFFA00];
	v28 =	vand.u32 $0xFFFF0000, v28;
	v19 =	vadd.f32 v19, v20;
	v20 =	vadd.f32 v23, v21  }
0x28b: {  	v54 =	vld [tilespmem:s12+$0xFFFFFE00];
	v22 =	vadd.f32 v30, v25;
	v21 =	vshll.u32 v45, $0x10;
	v23 =	vand.u32 $0xFFFF0000, v45  }
0x28c: {  	v17 =	vadd.f32 v17, v19;
	v18 =	vadd.f32 v18, v20;
	v20 =	vmul.f32 v23, v48;
	v23 =	vld [tilespmem:s6+$0xFFFFFB00]  }
0x28d: {  	v41 =	vld [tilespmem:s6+$0xFFFFFE00];
	v62 =	vshll.u32 v26, $0x10;
	v19 =	vmul.f32 v21, v48;
	v21 =	vand.u32 $0xFFFF0000, v46  }
0x28e: {  	v31 =	vmul.f32 v31, v24;
	v21 =	vmul.f32 v21, v24;
	v51 =	vadd.f32 v18, v17;
	v17 =	vld [tilespmem:s12+$0xFFFFFC00]  }
0x28f: {  	v24 =	vand.u32 $0xFFFF0000, v29;
	v18 =	vshll.u32 v29, $0x10;
	v29 =	vld [tilespmem:s12+$0xFFFFFD00];
	v19 =	vadd.f32 $0.0e+00, v19  }
0x290: {  	v38 =	vld [tilespmem:s6+$0xFFFFFC00];
	v20 =	vadd.f32 $0.0e+00, v20;
	v24 =	vmul.f32 v24, v50;
	v18 =	vmul.f32 v18, v50  }
0x291: {  	v53 =	vld [tilespmem:s6+$0xFFFFFD00];
	v31 =	vadd.f32 $0.0e+00, v31;
	v21 =	vadd.f32 $0.0e+00, v21;
	v36 =	vmul.f32 v52, v23  }
0x292: {  	v58 =	vld [tilespmem:s6+$0x100];
	v23 =	vmul.f32 v35, v23;
	v18 =	vadd.f32 v18, v19;
	v35 =	vand.u32 $0xFFFF0000, v54  }
0x293: {  	v19 =	vadd.f32 v24, v20;
	v35 =	vmul.f32 v35, v41;
	v39 =	vshll.u32 v17, $0x10  }
0x294: {  	v24 =	vld [tilespmem:s6+$0xFFFFFF00];
	v17 =	vand.u32 $0xFFFF0000, v17;
	v40 =	vshll.u32 v29, $0x10;
	v29 =	vand.u32 $0xFFFF0000, v29  }
0x295: {  	v59 =	vld [tilespmem:s12+$0x200];
	v31 =	vadd.f32 v36, v31;
	v20 =	vmul.f32 v39, v38;
	v17 =	vmul.f32 v17, v38  }
0x296: {  	v21 =	vadd.f32 v23, v21;
	v23 =	vld [tilespmem:s12+$0x0];
	v55 =	vmul.f32 v40, v53;
	v27 =	vmul.f32 v29, v53  }
0x297: {  	v56 =	vld [tilespmem:s6+$0x0];
	v29 =	vshll.u32 v54, $0x10;
	v39 =	vmul.f32 v62, v58;
	v20 =	vadd.f32 v20, v18  }
0x298: {  	v60 =	vld [tilespmem:s6+$0x200];
	v17 =	vadd.f32 v17, v19;
	v19 =	vshll.u32 v33, $0x10;
	v31 =	vadd.f32 v55, v31  }
0x299: {  	v21 =	vadd.f32 v27, v21;
	v27 =	vmul.f32 v29, v41;
	v29 =	vld [tilespmem:s12+$0x300];
	v25 =	vmul.f32 v57, v24  }
0x29a: {  	v28 =	vmul.f32 v28, v24;
	v18 =	vld [tilespmem:s6+$0x300];
	v33 =	vand.u32 $0xFFFF0000, v59;
	v15 =	vmul.f32 v19, v15  }
0x29b: {  	v24 =	vld [tilespmem:s12+$0x500];
	v19 =	vand.u32 $0xFFFF0000, v26;
	v26 =	vshll.u32 v16, $0x10;
	v30 =	vshll.u32 v23, $0x10  }
0x29c: {  	v16 =	vld [tilespmem:s6+$0x400];
	v61 =	vand.u32 $0xFFFF0000, v23;
	v27 =	vadd.f32 v27, v20;
	v35 =	vadd.f32 v35, v17  }
0x29d: {  	v23 =	vld [tilespmem:s12+$0x400];
	v31 =	vadd.f32 v25, v31;
	v28 =	vadd.f32 v28, v21;
	v38 =	vmul.f32 v19, v58  }
0x29e: {  	v20 =	vadd.f32 v11, v14;
	v17 =	vld [tilespmem:s6+$0x500];
	v25 =	vmul.f32 v26, v13;
	v63 =	vmul.f32 v30, v56  }
0x29f: {  	s14 =	simm.s32 $0x10;
	s2 =	sand.u32 $0xF00, s8;
	v19 =	vld [tilespmem:s12+$0x600];
	v37 =	vmul.f32 v61, v56;
	v22 =	vadd.f32 v15, v22;
	v15 =	vshll.u32 v59, $0x10  }
0x2a0: {  	s3 =	simm.s32 $0x0;
	s2 =	sadd.s32 s2, s5;
	s7 =	sand.u32 $0x70, s14;
	v21 =	vld [tilespmem:s12+$0x700];
	v26 =	vmul.f32 v15, v60;
	v28 =	vadd.f32 v38, v28;
	v32 =	vshll.u32 v29, $0x10  }
0x2a1: {  	s20 =	simm.s32 $0x0;
	s3 =	sand.u32 $0x60, s3;
	s21 =	sadd.s32 s7, s2;
	v11 =	vld [tilespmem:s6+$0x600];
	v30 =	vand.u32 $0xFFFF0000, v29;
	v29 =	vshll.u32 v12, $0x10;
	v13 =	vadd.f32 v63, v27  }
0x2a2: {  	s3 =	sadd.s32 s3, s2;
	s7 =	smov.u32 s8;
	[tilespmem:s21+$0x80] =	vst v51;
	v14 =	vadd.f32 v37, v35;
	v12 =	vld [tilespmem:s6+$0x700];
	v27 =	vadd.f32 v39, v31;
	v31 =	vmul.f32 v33, v60;
	s6 =	simm.s32 $0x5920  }
.LBB2_14:
0x2a3: {  	v15 =	vld [tilespmem:s6+$0x610];
	v32 =	vmul.f32 v32, v18;
	v5 =	vadd.f32 v5, v20;
	v33 =	vadd.f32 v25, v22;
	s12 =	sadd.s32 $0x20, s12  }
0x2a4: {  	v18 =	vmul.f32 v30, v18;
	v30 =	vshll.u32 v23, $0x10;
	v10 =	vmul.f32 v29, v10;
	v20 =	vld [tilespmem:s12+$0x610]  }
0x2a5: {  	v23 =	vand.u32 $0xFFFF0000, v23;
	v29 =	vshll.u32 v24, $0x10;
	v24 =	vand.u32 $0xFFFF0000, v24;
	v22 =	vld [tilespmem:s6+$0x410]  }
0x2a6: {  	v13 =	vadd.f32 v26, v13;
	v9 =	vshll.u32 v9, $0x10;
	v14 =	vadd.f32 v31, v14;
	v25 =	vld [tilespmem:s12+$0x410]  }
0x2a7: {  	v27 =	vadd.f32 v32, v27;
	v18 =	vadd.f32 v18, v28;
	v28 =	vmul.f32 v30, v16;
	v26 =	vld [tilespmem:s6+$0x210]  }
0x2a8: {  	v16 =	vmul.f32 v23, v16;
	v5 =	vadd.f32 v4, v5;
	v10 =	vadd.f32 v10, v33;
	v30 =	vld [tilespmem:s12+$0x210]  }
0x2a9: {  	v4 =	vmul.f32 v29, v17;
	v17 =	vmul.f32 v24, v17;
	v23 =	vshll.u32 v19, $0x10;
	v31 =	vld [tilespmem:s6+$0x10]  }
0x2aa: {  	v8 =	vmul.f32 v9, v8;
	v19 =	vand.u32 $0xFFFF0000, v19;
	v24 =	vshll.u32 v21, $0x10;
	v29 =	vld [tilespmem:s12+$0x10]  }
0x2ab: {  	v21 =	vand.u32 $0xFFFF0000, v21;
	v33 =	vshll.u32 v20, $0x10;
	v9 =	vld [tilespmem:s6+$0xFFFFFE10];
	v32 =	vshll.u32 v25, $0x10  }
0x2ac: {  	v7 =	vshll.u32 v7, $0x10;
	v13 =	vadd.f32 v28, v13;
	v34 =	vld [tilespmem:s12+$0xFFFFFE10];
	v32 =	vmul.f32 v32, v22  }
0x2ad: {  	v14 =	vadd.f32 v16, v14;
	v16 =	vadd.f32 v4, v27;
	v28 =	vld [tilespmem:s6+$0xFFFFFC10];
	v35 =	vshll.u32 v30, $0x10  }
0x2ae: {  	v17 =	vadd.f32 v17, v18;
	v18 =	vadd.f32 v2, v5;
	v27 =	vld [tilespmem:s12+$0xFFFFFC10];
	v4 =	vmul.f32 v35, v26;
	v2 =	vmovc v32  }
0x2af: {  	v23 =	vmul.f32 v23, v11;
	v8 =	vadd.f32 v8, v10;
	v32 =	vld [tilespmem:s6+$0xFFFFFA10];
	v5 =	vshll.u32 v29, $0x10  }
0x2b0: {  	v19 =	vmul.f32 v19, v11;
	v35 =	vadd.f32 v3, v18;
	v10 =	vld [tilespmem:s12+$0xFFFFFA10];
	v5 =	vmul.f32 v5, v31  }
0x2b1: {  	v21 =	vmul.f32 v21, v12;
	v18 =	vmul.f32 v24, v12;
	v36 =	vld [tilespmem:s6+$0xFFFFF810];
	v3 =	vshll.u32 v34, $0x10  }
0x2b2: {  	v13 =	vadd.f32 v23, v13;
	v37 =	vld [tilespmem:s12+$0xFFFFF810];
	v11 =	vmul.f32 v3, v9;
	v3 =	vmul.f32 v33, v15  }
0x2b3: {  	s20 =	sadd.s32 $0x2, s20;
	v6 =	vmul.f32 v7, v6;
	v14 =	vadd.f32 v19, v14;
	v33 =	vld [tilespmem:s12+$0xFFFFF910];
	v12 =	vshll.u32 v27, $0x10  }
0x2b4: {  	p0 =	slt.u32 s20, $0xE;
	v7 =	vadd.f32 v18, v16;
	v16 =	vadd.f32 v21, v17;
	v38 =	vld [tilespmem:s6+$0xFFFFF910];
	v12 =	vmul.f32 v12, v28  }
0x2b5: {  	v6 =	vadd.f32 v6, v8;
	v17 =	vshll.u32 v10, $0x10;
	v39 =	vld [tilespmem:s12+$0xFFFFFB10]  }
0x2b6: {  	v7 =	vadd.f32 v7, v13;
	v8 =	vadd.f32 v16, v14;
	v18 =	vmul.f32 v17, v32;
	v23 =	vld [tilespmem:s6+$0xFFFFFB10]  }
0x2b7: {  	v6 =	vadd.f32 v6, v35;
	v40 =	vshll.u32 v37, $0x10;
	v24 =	vld [tilespmem:s12+$0xFFFFFD10]  }
0x2b8: {  	v13 =	vand.u32 $0xFFFF0000, v37;
	v35 =	vshll.u32 v33, $0x10;
	v14 =	vand.u32 $0xFFFF0000, v33;
	v21 =	vld [tilespmem:s6+$0xFFFFFD10];
	[tilespmem:s3+$0x0] =	vst v7  }
0x2b9: {  	v10 =	vand.u32 $0xFFFF0000, v10;
	v7 =	vmul.f32 v13, v36;
	v13 =	vmul.f32 v14, v38;
	v19 =	vld [tilespmem:s12+$0xFFFFFF10];
	[tilespmem:s3+$0x80] =	vst v8  }
0x2ba: {  	v8 =	vmul.f32 v10, v32;
	v14 =	vand.u32 $0xFFFF0000, v27;
	v10 =	vand.u32 $0xFFFF0000, v39;
	v16 =	vld [tilespmem:s6+$0xFFFFFF10];
	[tilespmem:s21+$0x0] =	vst v6  }
0x2bb: {  	v6 =	vadd.f32 $0.0e+00, v7;
	v7 =	vadd.f32 $0.0e+00, v13;
	v10 =	vmul.f32 v10, v23;
	v17 =	vld [tilespmem:s12+$0x110]  }
0x2bc: {  	v27 =	vmul.f32 v14, v28;
	v28 =	vand.u32 $0xFFFF0000, v34;
	v14 =	vand.u32 $0xFFFF0000, v24;
	v13 =	vld [tilespmem:s6+$0x110]  }
0x2bd: {  	v6 =	vadd.f32 v8, v6;
	v7 =	vadd.f32 v10, v7;
	v8 =	vmul.f32 v14, v21;
	v14 =	vld [tilespmem:s12+$0x310]  }
0x2be: {  	v29 =	vand.u32 $0xFFFF0000, v29;
	v28 =	vmul.f32 v28, v9;
	v9 =	vand.u32 $0xFFFF0000, v19;
	v10 =	vld [tilespmem:s6+$0x310]  }
0x2bf: {  	v6 =	vadd.f32 v27, v6;
	v7 =	vadd.f32 v8, v7;
	v27 =	vmul.f32 v9, v16;
	v9 =	vld [tilespmem:s12+$0x510]  }
0x2c0: {  	v30 =	vand.u32 $0xFFFF0000, v30;
	v29 =	vmul.f32 v29, v31;
	v31 =	vand.u32 $0xFFFF0000, v17;
	v8 =	vld [tilespmem:s6+$0x510]  }
0x2c1: {  	v28 =	vadd.f32 v28, v6;
	v27 =	vadd.f32 v27, v7;
	v31 =	vmul.f32 v31, v13;
	v7 =	vld [tilespmem:s12+$0x710]  }
0x2c2: {  	v25 =	vand.u32 $0xFFFF0000, v25;
	v26 =	vmul.f32 v30, v26;
	v30 =	vand.u32 $0xFFFF0000, v14;
	v6 =	vld [tilespmem:s6+$0x710]  }
0x2c3: {  	v28 =	vadd.f32 v29, v28;
	v32 =	vld [tilespmem:s12+$0xFFFFF800];
	v27 =	vadd.f32 v31, v27;
	v29 =	vmul.f32 v30, v10  }
0x2c4: {  	v20 =	vand.u32 $0xFFFF0000, v20;
	v22 =	vmul.f32 v25, v22;
	v30 =	vld [tilespmem:s12+$0xFFFFF900];
	v25 =	vand.u32 $0xFFFF0000, v9  }
0x2c5: {  	v26 =	vadd.f32 v26, v28;
	v31 =	vld [tilespmem:s6+$0xFFFFF800];
	v27 =	vadd.f32 v29, v27;
	v25 =	vmul.f32 v25, v8  }
0x2c6: {  	v15 =	vmul.f32 v20, v15;
	v29 =	vmul.f32 v40, v36;
	v28 =	vld [tilespmem:s6+$0xFFFFF900];
	v20 =	vand.u32 $0xFFFF0000, v7  }
0x2c7: {  	v22 =	vadd.f32 v22, v26;
	v33 =	vld [tilespmem:s12+$0xFFFFFA00];
	v25 =	vadd.f32 v25, v27;
	v20 =	vmul.f32 v20, v6  }
0x2c8: {  	v34 =	vmul.f32 v35, v38;
	v26 =	vshll.u32 v32, $0x10;
	v27 =	vand.u32 $0xFFFF0000, v32;
	v32 =	vld [tilespmem:s12+$0xFFFFFB00]  }
0x2c9: {  	s7 =	sadd.s32 $0x40, s7;
	v15 =	vadd.f32 v15, v22;
	v35 =	vshll.u32 v30, $0x10;
	v36 =	vld [tilespmem:s6+$0xFFFFFA00];
	v20 =	vadd.f32 v20, v25  }
0x2ca: {  	s14 =	sadd.s32 $0x20, s14;
	s2 =	sand.u32 $0xF00, s7;
	v22 =	vmul.f32 v26, v31;
	v25 =	vmul.f32 v27, v31;
	v26 =	vand.u32 $0xFFFF0000, v30;
	v27 =	vld [tilespmem:s6+$0xFFFFFB00]  }
0x2cb: {  	s15 =	sand.u32 $0x70, s14;
	s2 =	sadd.s32 s2, s5;
	s3 =	sadd.s32 $0xFFFFFFF0, s14;
	v30 =	vmul.f32 v35, v28;
	v26 =	vmul.f32 v26, v28;
	v28 =	vld [tilespmem:s12+$0xFFFFFC00];
	v15 =	vadd.f32 v20, v15  }
0x2cc: {  	s3 =	sand.u32 $0x60, s3;
	s21 =	sadd.s32 s15, s2;
	v35 =	vshll.u32 v39, $0x10;
	v20 =	vshll.u32 v33, $0x10;
	v31 =	vand.u32 $0xFFFF0000, v33;
	v33 =	vld [tilespmem:s12+$0xFFFFFD00]  }
0x2cd: {  	s3 =	sadd.s32 s3, s2;
	v22 =	vadd.f32 $0.0e+00, v22;
	v37 =	vshll.u32 v32, $0x10;
	v32 =	vand.u32 $0xFFFF0000, v32;
	v38 =	vld [tilespmem:s6+$0xFFFFFC00];
	[tilespmem:s21+$0x80] =	vst v15  }
0x2ce: {  	v15 =	vadd.f32 $0.0e+00, v25;
	v25 =	vadd.f32 $0.0e+00, v30;
	v20 =	vmul.f32 v20, v36;
	v30 =	vld [tilespmem:s6+$0xFFFFFD00]  }
0x2cf: {  	v29 =	vadd.f32 $0.0e+00, v29;
	v26 =	vadd.f32 $0.0e+00, v26;
	v31 =	vmul.f32 v31, v36;
	v36 =	vld [tilespmem:s12+$0xFFFFFE00]  }
0x2d0: {  	v34 =	vadd.f32 $0.0e+00, v34;
	v37 =	vmul.f32 v37, v27;
	v27 =	vmul.f32 v32, v27;
	v32 =	vld [tilespmem:s12+$0xFFFFFF00]  }
0x2d1: {  	v23 =	vmul.f32 v35, v23;
	v39 =	vshll.u32 v28, $0x10;
	v28 =	vand.u32 $0xFFFF0000, v28;
	v40 =	vld [tilespmem:s6+$0xFFFFFE00]  }
0x2d2: {  	v24 =	vshll.u32 v24, $0x10;
	v35 =	vshll.u32 v33, $0x10;
	v33 =	vand.u32 $0xFFFF0000, v33;
	v41 =	vld [tilespmem:s6+$0xFFFFFF00]  }
0x2d3: {  	v20 =	vadd.f32 v20, v22;
	v15 =	vadd.f32 v31, v15;
	v22 =	vmul.f32 v39, v38;
	v31 =	vld [tilespmem:s12+$0x0]  }
0x2d4: {  	v25 =	vadd.f32 v37, v25;
	v26 =	vadd.f32 v27, v26;
	v27 =	vmul.f32 v28, v38;
	v28 =	vld [tilespmem:s12+$0x100]  }
0x2d5: {  	v29 =	vadd.f32 v18, v29;
	v23 =	vadd.f32 v23, v34;
	v35 =	vmul.f32 v35, v30;
	v37 =	vld [tilespmem:s6+$0x0]  }
0x2d6: {  	v21 =	vmul.f32 v24, v21;
	v18 =	vmul.f32 v33, v30;
	v30 =	vshll.u32 v36, $0x10;
	v33 =	vld [tilespmem:s6+$0x100]  }
0x2d7: {  	v24 =	vand.u32 $0xFFFF0000, v36;
	v34 =	vshll.u32 v32, $0x10;
	v32 =	vand.u32 $0xFFFF0000, v32;
	v36 =	vld [tilespmem:s12+$0x200]  }
0x2d8: {  	v19 =	vshll.u32 v19, $0x10;
	v20 =	vadd.f32 v22, v20;
	v15 =	vadd.f32 v27, v15;
	v27 =	vld [tilespmem:s12+$0x300]  }
0x2d9: {  	v22 =	vadd.f32 v35, v25;
	v25 =	vadd.f32 v18, v26;
	v26 =	vmul.f32 v30, v40;
	v35 =	vld [tilespmem:s6+$0x200]  }
0x2da: {  	v12 =	vadd.f32 v12, v29;
	v29 =	vadd.f32 v21, v23;
	v30 =	vmul.f32 v24, v40;
	v18 =	vld [tilespmem:s6+$0x300]  }
0x2db: {  	v21 =	vmul.f32 v34, v41;
	v32 =	vmul.f32 v32, v41;
	v34 =	vshll.u32 v31, $0x10;
	v23 =	vld [tilespmem:s12+$0x400]  }
0x2dc: {  	v39 =	vmul.f32 v19, v16;
	v31 =	vand.u32 $0xFFFF0000, v31;
	v38 =	vshll.u32 v28, $0x10;
	v24 =	vld [tilespmem:s12+$0x500]  }
0x2dd: {  	v40 =	vshll.u32 v17, $0x10;
	v26 =	vadd.f32 v26, v20;
	v28 =	vand.u32 $0xFFFF0000, v28;
	v16 =	vld [tilespmem:s6+$0x400]  }
0x2de: {  	v15 =	vadd.f32 v30, v15;
	v41 =	vadd.f32 v21, v22;
	v34 =	vmul.f32 v34, v37;
	v17 =	vld [tilespmem:s6+$0x500]  }
0x2df: {  	v20 =	vadd.f32 v11, v12;
	v42 =	vadd.f32 v32, v25;
	v31 =	vmul.f32 v31, v37;
	v19 =	vld [tilespmem:s12+$0x600]  }
.Ltmp7:
0x2e0: {  	v22 =	vadd.f32 v39, v29;
	v37 =	vmul.f32 v38, v33;
	v28 =	vmul.f32 v28, v33;
	v21 =	vld [tilespmem:s12+$0x700];
	(pc) =	sbr.rel @p0 .LBB2_14-.Ltmp7, $4  }
0x2e1: {  	v25 =	vmul.f32 v40, v13;
	v33 =	vshll.u32 v36, $0x10;
	v36 =	vand.u32 $0xFFFF0000, v36;
	v11 =	vld [tilespmem:s6+$0x600]  }
0x2e2: {  	v29 =	vshll.u32 v14, $0x10;
	v32 =	vshll.u32 v27, $0x10;
	v30 =	vand.u32 $0xFFFF0000, v27;
	v12 =	vld [tilespmem:s6+$0x700]  }
0x2e3: {  	v13 =	vadd.f32 v34, v26;
	v14 =	vadd.f32 v31, v15;
	v26 =	vmul.f32 v33, v35  }
0x2e4: {  	v27 =	vadd.f32 v37, v41;
	v28 =	vadd.f32 v28, v42;
	v31 =	vmul.f32 v36, v35;
	s6 =	sadd.s32 $0x20, s6  }
0x2e5: {  	v15 =	vmul.f32 v32, v18  }
0x2e6: {  	v5 =	vadd.f32 v5, v20;
	v43 =	vadd.f32 v25, v22;
	v44 =	vmul.f32 v30, v18  }
0x2e7: {  	v45 =	vshll.u32 v23, $0x10;
	v10 =	vmul.f32 v29, v10;
	v46 =	vand.u32 $0xFFFF0000, v23  }
0x2e8: {  	v47 =	vshll.u32 v24, $0x10;
	v48 =	vand.u32 $0xFFFF0000, v24;
	v13 =	vadd.f32 v26, v13  }
0x2e9: {  	v9 =	vshll.u32 v9, $0x10;
	v53 =	vshll.u32 v19, $0x10;
	v54 =	vand.u32 $0xFFFF0000, v19  }
0x2ea: {  	v55 =	vshll.u32 v21, $0x10;
	v57 =	vand.u32 $0xFFFF0000, v21;
	v7 =	vshll.u32 v7, $0x10  }
0x2eb: {  	v14 =	vadd.f32 v31, v14;
	v22 =	vmul.f32 v45, v16;
	v49 =	vmul.f32 v46, v16  }
0x2ec: {  	v51 =	vmul.f32 v47, v17;
	v52 =	vmul.f32 v48, v17;
	v15 =	vadd.f32 v15, v27  }
0x2ed: {  	v8 =	vmul.f32 v9, v8;
	v18 =	vadd.f32 v44, v28;
	v4 =	vadd.f32 v4, v5  }
0x2ee: {  	v59 =	vmul.f32 v53, v11;
	v50 =	vadd.f32 v10, v43;
	v56 =	vadd.f32 v22, v13  }
0x2ef: {  	v61 =	vmul.f32 v54, v11;
	v14 =	vadd.f32 v49, v14;
	v10 =	vadd.f32 v51, v15  }
0x2f0: {  	v60 =	vmul.f32 v55, v12;
	v58 =	vadd.f32 v52, v18;
	v2 =	vadd.f32 v2, v4  }
0x2f1: {  	v6 =	vmul.f32 v7, v6;
	v5 =	vadd.f32 v8, v50;
	v4 =	vadd.f32 v59, v56  }
0x2f2: {  	s10 =	sadd.s32 $0x1, s10;
	v2 =	vadd.f32 v3, v2;
	v3 =	vmul.f32 v57, v12;
	v62 =	vadd.f32 v60, v10  }
0x2f3: {  	p0 =	sne.s32 s10, $0x4;
	v63 =	vadd.f32 v61, v14;
	v5 =	vadd.f32 v6, v5  }
.Ltmp8:
0x2f4: {  	v3 =	vadd.f32 v3, v58;
	v4 =	vadd.f32 v62, v4;
	(pc) =	sbr.rel @p0 .LBB2_5-.Ltmp8, $4  }
0x2f5: {  	v2 =	vadd.f32 v5, v2  }
0x2f6: {  	v3 =	vadd.f32 v3, v63;
	[tilespmem:s3+$0x0] =	vst v4  }
0x2f7: {  	[tilespmem:s21+$0x0] =	vst v2  }
0x2f8: {  	s31 =	sadd.s32 $0x400, s31;
	s8 =	sadd.s32 $0x400, s8;
	[tilespmem:s3+$0x80] =	vst v3  }
0x2f9: {  	s2 =	sshll.u32 s18, $0xE;
	s3 =	sshll.u32 s18, $0x5  }
0x2fa: {  	p0 =	seq.s32 s18, $0x0;
	s2 =	sand.u32 $0x30000, s2;
	s3 =	sand.u32 $0x60, s3  }
0x2fb: {  	s31 =	simm.s32 $0x100;
	p1 =	sne.s32 @!p0 s18, $0xF;
	s2 =	sor.u32 s3, s2  }
0x2fc: {  	s6 =	simm.s32 $0x400;
	p1 =	por p0, p1;
	s2 =	sadd.s32 s2, s13  }
0x2fd: {  	[hbm4b:s2+s31] =	stream.strided.scatter [tilespmem:s5], [sflag:$0x4], $0x1000, s6, s31, $0x38;
	[tilespmem:$0x1A100] =	vst v63  }
.Ltmp9:
0x2fe: {  	_ = 	snop;
	(pc) =	sbr.rel @!p1 .LBB2_17-.Ltmp9, $4  }
0x2ff: {  	s2 =	simm.s32 @!p0 $0x4  }
0x300: {  	_ =	swait.ge @!p0 [sflag:s2], $0x1000  }
0x301: {  	[sflag:s2] =	ssyncset.done @!p0 $0x0  }
0x302: {  	[sflag:s2] =	ssyncadd.s32 @!p0 $0xFFFFF000  }
0x303: {  	p0 =	sne.s32 s19, $0x10  }
.Ltmp10:
0x304: {  	_ =	swait.ge [sflag:s0], $0x1000;
	(pc) =	sbr.rel @p0 .LBB2_2-.Ltmp10, $4  }
.Ltmp11:
0x305: {  	[sflag:s0] =	ssyncset.done $0x0;
	(pc) =	sbr.rel @!p0 .LBB2_19-.Ltmp11, $4  }
0x306: {  	[sflag:s0] =	ssyncadd.s32 $0xFFFFF000  }
0x307: {  	[bflag:$0x0] =	sbarrier.arrive $0xFFFF  }
0x308: {  	s18 =	smov.u32 s19  }
0x309: {  	_ = 	snop  }
.LBB2_20:
0x30a: {  	_ =	sfence.sel $0x180000  }
0x30b: {  	[bflag:$0x0] =	sbarrier.arrive $0xFFFF  }
0x30c: {  	_ =	strace $0x9000004A  }
0x30d: {  	s0 =	stileid.u32;
	[bflag:$0x2] =	sbarrier.arrive $0xFFFF  }
0x30e: {  	p0 =	sne.s32 s0, $0x0;
	s0 =	rddreg [dreg:$0x3]  }
0x30f: {  	s0 =	sadd.s32 @!p0 $0x100000, s0  }
0x310: {  	[sflag:s0] =	ssyncadd.tile.s32 @!p0 $0x1;
	_ =	shalt  }
.Lfunc_end2:
_tile_overlayer_lowered:
.L_overlay_start_2:
0x311: {  	(tag) =	ssettag $0x2  }
0x312: {  	s0 =	rddreg [dreg:$0x0];
	s2 =	stileid.u32  }
0x313: {  	s1 =	rddreg [dreg:$0x1];
	p0 =	sne.s32 s2, $0x0  }
0x314: {  	s3 =	rddreg [dreg:$0x2];
	[bflag:$0x3] =	sbarrier.arrive $0xFFFF;
	s2 =	simm.s32 @!p0 $0x1C05  }
0x315: {  	[timem:s3], [sflag:s2] =	dma.local @!p0 [hbm:s0], s1  }
0x316: {  	s0 =	simm.s32 @!p0 $0x5  }
0x317: {  	_ =	swait.ge @!p0 [sflag:s0], s1  }
0x318: {  	s1 =	ssub.s32 @!p0 $0x0, s1;
	[sflag:s0] =	ssyncset.done @!p0 $0x0  }
0x319: {  	[sflag:s0] =	ssyncadd.s32 @!p0 s1  }
0x31a: {  	[bflag:$0x3] =	sbarrier.arrive $0xFFFF  }
0x31b: {  	_ =	shalt  }

// kernel: sparse-core-data-format-call.cloned.1.call-start
scs
called_computation_lowered:
.L_overlay_start_0:
0x0: {  	s1 =	sld [smem:$0x3FD9]  }
0x1: {  	s2 =	sld [smem:$0x3FFE];
	_ =	sdelay $0x1  }
0x2: {  	s3 =	srdreg.scid  }
0x3: {  	s0 =	sand.u32 $0x1, s3  }
0x4: {  	s17 =	sshll.u32 s0, $0xA;
	s1 =	sadd.s32 s2, s1  }
0x5: {  	s1 =	sadd.s32 s1, s17  }
0x6: {  	[smem:$0x3FC2] =	sst s1  }
0x7: {  	_ = 	snop  }
0x8: {  	(tm) =	ssettm $0x1  }
0x9: {  	s18 =	sld [smem:$0x3FFB];
	_ =	sdelay $0x3  }
0xa: {  	_ =	strace s18  }
0xb: {  	s1 =	sld [smem:$0x3FFC];
	_ =	sdelay $0x3  }
0xc: {  	_ =	strace s1  }
0xd: {  	s1 =	sld [smem:$0x3FFD];
	_ =	sdelay $0x3  }
0xe: {  	_ =	strace s1  }
0xf: {  	_ =	strace $0x8FFFFFFF  }
0x10: {  	s19 =	sld [smem:$0x3FDB];
	_ =	sdelay $0x1  }
0x11: {  	s20 =	simm.s32 $_scs_section_size  }
0x12: {  	s4 =	simm.s32 $_size__tile_overlayer_lowered;
	s5 =	simm.s32 $_tile_overlayer_lowered  }
0x13: {  	s23 =	simm.s32 $0x1BFF;
	s22 =	sshll.u32 s5, $0x1;
	s1 =	sadd.s32 s20, s19  }
0x14: {  	s6 =	simm.s32 $0x0;
	s21 =	sshll.u32 s4, $0x1;
	s4 =	sadd.s32 s22, s1  }
0x15: {  	[timem:s6], [sflag:s23] =	dma.local [hbm:s4], s21  }
0x16: {  	_ =	swait.ge [sflag:s23], s21  }
0x17: {  	s2 =	ssub.s32 $0x0, s21;
	[sflag:s23] =	ssyncset.done $0x0  }
0x18: {  	[sflag:s23] =	ssyncadd.s32 s2;
	_ =	sdelay $0x1  }
0x19: {  	s24 =	simm.s32 $0x1B8B  }
0x1a: {  	_ =	swait.ge [sflag:s24], $0x1  }
0x1b: {  	[sflag:s24] =	ssyncset.done $0x0  }
0x1c: {  	s26 =	simm.s32 $0x1B8E;
	s25 =	sld [smem:$0x3FFE];
	[sflag:s24] =	ssyncadd.s32 $0xFFFFFFFF  }
0x1d: {  	s27 =	simm.s32 $execute0_lowered;
	[smem:$0x3FD2] =	sst s26  }
0x1e: {  	s4 =	sshll.u32 s27, $0x1;
	_ =	strace $0x80000046;
	[dreg:$0x1] =	wrdreg $0xFFFFFFFF  }
0x1f: {  	s28 =	simm.s32 $_size_execute0_lowered;
	s1 =	sadd.s32 s1, s4;
	[dreg:$0x0] =	wrdreg $0x0  }
0x20: {  	s4 =	sshll.u32 s28, $0x1;
	[dreg:$0x2] =	wrdreg s1  }
0x21: {  	[dreg:$0x3] =	wrdreg s4  }
0x22: {  	[dreg:$0x4] =	wrdreg $0xC0  }
0x23: {  	_ =	task [dreg:s6], $0x5FFFF  }
0x24: {  	[dreg:$0x1] =	wrdreg $0xFFFFFFFF  }
0x25: {  	[dreg:$0x0] =	wrdreg $0x60  }
0x26: {  	[dreg:$0x2] =	wrdreg s25  }
0x27: {  	[dreg:$0x3] =	wrdreg $0x9  }
0x28: {  	_ =	task.clear_ibuf [dreg:s6], $0x4FFFF;
	_ =	strace $0x90000046  }
0x29: {  	s29 =	simm.s32 $0x9;
	_ =	strace $0x80000048  }
0x2a: {  	_ =	swait.ge [sflag:s29], $0x1  }
0x2b: {  	[sflag:s29] =	ssyncadd.s32 $0xFFFFFFFF  }
0x2c: {  	_ =	strace $0x90000048  }
0x2d: {  	_ =	sfence  }
0x2e: {  	s30 =	sld [smem:$0x0];
	_ =	sdelay $0x2  }
0x2f: {  	s31 =	sshll.u32 s3, $0xD;
	s3 =	sshrl.u32 s3, $0x2  }
0x30: {  	s2 =	sand.u32 $0x4000, s31;
	s1 =	sadd.s32 s3, s30  }
0x31: {  	s0 =	sor.u32 s2, s0;
	s1 =	sshll.u32 s1, $0x11  }
0x32: {  	s0 =	sor.u32 s1, s0  }
0x33: {  	s0 =	sadd.s32 $0x8F2B, s0  }
0x34: {  	[sflag:s0] =	ssyncadd.remote.s32 $0x1  }
0x35: {  	_ =	sfence.sel $0xFFFF  }
0x36: {  	[dreg:$0x0] =	wrdreg $0xFFFFFFFF;
	(pc) =	sbr.abs _section_cstart, $3  }
0x37: {  	[dreg:$0x1] =	wrdreg $0xFFFFFFFF  }
0x38: {  	_ =	task.clear_ibuf [dreg:s6], $0x2FFFF;
	_ =	strace $0x9FFFFFFF  }
0x39: {  	(tm) =	ssettm $0x7FFFFFFF  }
tec
execute0_lowered:
.L_overlay_start_1:
0x0: {  	(tag) =	ssettag $0x1  }
0x1: {  	s0 =	stileid.u32;
	s1 =	srdreg.scid  }
0x2: {  	s7 =	rddreg [dreg:$0x0];
	s31 =	simm.s32 $0x2;
	s15 =	simm.s32 $0x0  }
0x3: {  	s9 =	simm.s32 $0x800;
	s2 =	sshll.u32 s0, $0x3;
	s1 =	sshll.u32 s1, $0x7  }
0x4: {  	s10 =	simm.s32 $0x80000;
	s1 =	sor.u32 s2, s1;
	s2 =	sand.u32 $0x1, s0  }
0x5: {  	s11 =	simm.s32 $0x0;
	s1 =	sand.u32 $0xF0, s1;
	s4 =	ssub.s32 $0x2, s2  }
0x6: {  	s16 =	simm.s32 $0x0;
	s3 =	ssub.s32 $0x1000, s1;
	s6 =	sshrl.u32 s4, $0x1  }
0x7: {  	s4 =	sand.u32 $0x1, s4;
	s5 =	sand.u32 $0xF0, s3;
	s8 =	sshrl.u32 s3, $0x8  }
0x8: {  	s3 =	rddreg [dreg:$0x1];
	p0 =	sne.s32 s5, $0x0;
	s5 =	simm.s32 $0x1  }
.Ltmp0:
0x9: {  	s6 =	sadd.s32 s4, s6;
	s5 =	simm.s32 @!p0 $0x0;
	(pc) =	sbr.rel .LBB1_1-.Ltmp0, $4  }
0xa: {  	_ =	strace $0x80000047;
	s4 =	simm.s32 $0x1;
	s5 =	sadd.s32 s5, s8  }
0xb: {  	s14 =	simm.s32 $0x0;
	[sflag:s4] =	ssyncpa.u1 $0x0;
	s5 =	smul.u32 s6, s5  }
0xc: {  	s13 =	smov.u32 s2;
	s12 =	smov.u32 s1;
	[sflag:s31] =	ssyncpa.u1 $0x0  }
0xd: {  	s6 =	sadd.s32 $0x1200, s7;
	s7 =	sadd.s32 $0x101200, s7;
	s8 =	sadd.s32 $0x1, s5  }
.LBB1_7:
0xe: {  	s17 =	sadd.s32 $0x100, s12  }
0xf: {  	s15 =	sadd.s32 $0x2, s13;
	s19 =	smov.u32 s13;
	p1 =	sgt.s32 s17, $0xFFF  }
0x10: {  	s19 =	smov.u32 @p1 s15  }
0x11: {  	s17 =	smov.u32 @p1 s1;
	p1 =	sgt.s32 s19, $0x1  }
0x12: {  	s19 =	smov.u32 @p1 s2;
	p1 =	sne.s32 s14, s8  }
.Ltmp1:
0x13: {  	p0 =	slt.u32 s14, $0x2;
	(pc) =	sbr.rel @!p1 .LBB1_8-.Ltmp1, $4  }
0x14: {  	s18 =	simm.s32 @!p0 $0x2  }
0x15: {  	s16 =	smov.u32 s13;
	s11 =	sadd.s32 $0x4000, s11;
	_ =	swait.ge @!p0 [sflag:s18], $0x4000  }
0x16: {  	s15 =	smov.u32 s12;
	[sflag:s18] =	ssyncset.done @!p0 $0x0;
	s12 =	smov.u32 s17  }
0x17: {  	s14 =	sadd.s32 $0x1, s14;
	[sflag:s18] =	ssyncadd.s32 @!p0 $0xFFFFC000;
	s13 =	smov.u32 s19  }
.LBB1_1:
0x18: {  	p0 =	sge.u32 s14, s5  }
0x19: {  	s31 =	sadd.s32 $0xFFFFFFFF, s14;
	s17 =	sxor.u32 @!p0 $0xFFFFFFFF, s14;
	s18 =	sshll.u32 @!p0 s13, $0x13  }
0x1a: {  	s19 =	sshll.u32 @!p0 s12, $0x7;
	s17 =	sshll.u32 @!p0 s17, $0xE;
	s18 =	sadd.s32 @!p0 s6, s18  }
0x1b: {  	s17 =	sand.u32 @!p0 $0x4000, s17;
	s18 =	sadd.s32 @!p0 s19, s18;
	s19 =	simm.s32 @!p0 $0x0  }
0x1c: {  	[tilespmem:s17], [sflag:$0x1] =	stream.linear.gather @!p0 [hbm4b:s18+s19], $0x4000, $0x38;
	[tilespmem:$0x10000] =	vst v63  }
0x1d: {  	p0 =	sge.u32 s31, s5  }
.Ltmp2:
0x1e: {  	_ = 	snop;
	(pc) =	sbr.rel @p0 .LBB1_7-.Ltmp2, $1  }
0x1f: {  	_ =	sdelay $0x3  }
0x20: {  	s18 =	sand.u32 $0x4000, s11  }
0x21: {  	_ =	swait.ge [sflag:s4], $0x4000;
	s20 =	sshll.u32 s14, $0xE;
	s17 =	sor.u32 $0x8040, s18  }
0x22: {  	s19 =	sor.u32 $0x40, s18;
	[sflag:s4] =	ssyncset.done $0x0;
	s31 =	sand.u32 $0x4000, s20  }
0x23: {  	s20 =	simm.s32 $0x0;
	[sflag:s4] =	ssyncadd.s32 $0xFFFFC000;
	s18 =	sor.u32 $0x8000, s31  }
.LBB1_3:
0x24: {  	v0 =	vmov s19;
	_ =	sdelay $0x3  }
0x25: {  	s22 =	simm.s32 $0x0  }
0x26: {  	v6 =	vld.idx.msk [tilespmem:v0+s22+$0x30 ss:$0x1], $0xffff  }
0x27: {  	v7 =	vld.idx.msk [tilespmem:v0+s22+$0xFFFFFFC0 ss:$0x1], $0xffff  }
0x28: {  	v5 =	vld.idx.msk [tilespmem:v0+s22+$0xFFFFFFD0 ss:$0x1], $0xffff  }
0x29: {  	v4 =	vld.idx.msk [tilespmem:v0+s22+$0xFFFFFFE0 ss:$0x1], $0xffff  }
0x2a: {  	v3 =	vld.idx.msk [tilespmem:v0+s22+$0xFFFFFFF0 ss:$0x1], $0xffff  }
0x2b: {  	v1 =	vld.idx.msk [tilespmem:v0+s22+$0x0 ss:$0x1], $0xffff  }
0x2c: {  	v2 =	vld.idx.msk [tilespmem:v0+s22+$0x10 ss:$0x1], $0xffff;
	[tilespmem:s17+$0x30] =	vst v6  }
0x2d: {  	s21 =	simm.s32 $0x80;
	s23 =	simm.s32 $0x400;
	[tilespmem:s17+$0xFFFFFFC0] =	vst v7;
	v6 =	vld.idx.msk [tilespmem:v0+s22+$0x20 ss:$0x1], $0xffff;
	s22 =	smov.u32 s17  }
.LBB1_4:
0x2e: {  	p0 =	sne.s32 s23, $0xE00;
	v7 =	vld.idx.msk [tilespmem:v0+s21+$0x30 ss:$0x1], $0xffff;
	[tilespmem:s22+$0xFFFFFFD0] =	vst v5  }
0x2f: {  	v8 =	vld.idx.msk [tilespmem:v0+s21+$0xFFFFFFC0 ss:$0x1], $0xffff;
	[tilespmem:s22+$0xFFFFFFE0] =	vst v4  }
0x30: {  	v5 =	vld.idx.msk [tilespmem:v0+s21+$0xFFFFFFD0 ss:$0x1], $0xffff;
	[tilespmem:s22+$0xFFFFFFF0] =	vst v3  }
.Ltmp3:
0x31: {  	v4 =	vld.idx.msk [tilespmem:v0+s21+$0xFFFFFFE0 ss:$0x1], $0xffff;
	[tilespmem:s22+$0x0] =	vst v1;
	(pc) =	sbr.rel @p0 .LBB1_4-.Ltmp3, $4  }
0x32: {  	v3 =	vld.idx.msk [tilespmem:v0+s21+$0xFFFFFFF0 ss:$0x1], $0xffff;
	[tilespmem:s22+$0x10] =	vst v2  }
0x33: {  	v1 =	vld.idx.msk [tilespmem:v0+s21+$0x0 ss:$0x1], $0xffff;
	[tilespmem:s22+$0x20] =	vst v6;
	s22 =	sadd.s32 $0x800, s22  }
0x34: {  	v2 =	vld.idx.msk [tilespmem:v0+s21+$0x10 ss:$0x1], $0xffff;
	[tilespmem:s22+$0x30] =	vst v7  }
0x35: {  	[tilespmem:s22+$0xFFFFFFC0] =	vst v8;
	v6 =	vld.idx.msk [tilespmem:v0+s21+$0x20 ss:$0x1], $0xffff;
	s21 =	sshra.s32 s23, $0x2;
	s23 =	sadd.s32 $0x200, s23  }
0x36: {  	_ =	sdelay $0x2  }
0x37: {  	[tilespmem:s22+$0xFFFFFFD0] =	vst v5  }
0x38: {  	v56 =	vld.idx.msk [tilespmem:v0+s21+$0x30 ss:$0x1], $0xffff;
	[tilespmem:s22+$0xFFFFFFE0] =	vst v4  }
0x39: {  	v57 =	vld.idx.msk [tilespmem:v0+s21+$0xFFFFFFC0 ss:$0x1], $0xffff;
	[tilespmem:s22+$0xFFFFFFF0] =	vst v3  }
0x3a: {  	v58 =	vld.idx.msk [tilespmem:v0+s21+$0xFFFFFFD0 ss:$0x1], $0xffff;
	[tilespmem:s22+$0x0] =	vst v1  }
0x3b: {  	v59 =	vld.idx.msk [tilespmem:v0+s21+$0xFFFFFFE0 ss:$0x1], $0xffff;
	[tilespmem:s22+$0x10] =	vst v2  }
0x3c: {  	v60 =	vld.idx.msk [tilespmem:v0+s21+$0xFFFFFFF0 ss:$0x1], $0xffff;
	s31 =	sadd.s32 $0x800, s22;
	[tilespmem:s22+$0x20] =	vst v6  }
0x3d: {  	v61 =	vld.idx.msk [tilespmem:v0+s21+$0x0 ss:$0x1], $0xffff;
	[tilespmem:s31+$0x30] =	vst v56  }
0x3e: {  	v62 =	vld.idx.msk [tilespmem:v0+s21+$0x10 ss:$0x1], $0xffff;
	s20 =	sadd.s32 $0x1, s20;
	[tilespmem:s31+$0xFFFFFFC0] =	vst v57  }
0x3f: {  	v63 =	vld.idx.msk [tilespmem:v0+s21+$0x20 ss:$0x1], $0xffff;
	p0 =	sne.s32 s20, $0x10;
	[tilespmem:s31+$0xFFFFFFD0] =	vst v58  }
.Ltmp4:
0x40: {  	[tilespmem:s31+$0xFFFFFFE0] =	vst v59;
	(pc) =	sbr.rel @p0 .LBB1_3-.Ltmp4, $4  }
0x41: {  	[tilespmem:s31+$0xFFFFFFF0] =	vst v60  }
0x42: {  	[tilespmem:s31+$0x0] =	vst v61  }
0x43: {  	[tilespmem:s31+$0x10] =	vst v62  }
0x44: {  	s17 =	sadd.s32 $0x80, s17;
	s19 =	sadd.s32 $0x400, s19;
	[tilespmem:s31+$0x20] =	vst v63  }
.Ltmp5:
0x45: {  	(pc) =	sbr.rel .LBB1_7-.Ltmp5, $4  }
0x46: {  	s16 =	sshll.u32 s16, $0x13;
	s15 =	sshll.u32 s15, $0x4  }
0x47: {  	s15 =	sand.u32 $0xFFF0, s15;
	s16 =	sadd.s32 s7, s16  }
0x48: {  	s15 =	sadd.s32 s15, s16  }
0x49: {  	[hbm4b:s15+s9] =	stream.strided.scatter [tilespmem:s18], [sflag:$0x2], $0x4000, s10, s9, $0x38;
	[tilespmem:$0x10000] =	vst v63  }
.LBB1_8:
0x4a: {  	_ =	sfence.sel $0x180000  }
0x4b: {  	s1 =	simm.s32 $0x1;
	[bflag:$0x0] =	sbarrier.arrive $0xFFFF  }
0x4c: {  	s31 =	simm.s32 $0x2;
	[sflag:s1] =	ssyncpa.u1 $0x1  }
0x4d: {  	[sflag:s31] =	ssyncpa.u1 $0x1  }
0x4e: {  	p0 =	sne.s32 s0, $0x0;
	_ =	strace $0x90000047  }
0x4f: {  	s0 =	sadd.s32 @!p0 $0x100000, s3;
	[bflag:$0x2] =	sbarrier.arrive $0xFFFF  }
0x50: {  	[sflag:s0] =	ssyncadd.tile.s32 @!p0 $0x1;
	_ =	shalt  }
.Lfunc_end1:
_tile_overlayer_lowered:
.L_overlay_start_2:
0x51: {  	(tag) =	ssettag $0x2  }
0x52: {  	s0 =	rddreg [dreg:$0x0];
	s2 =	stileid.u32  }
0x53: {  	s1 =	rddreg [dreg:$0x1];
	p0 =	sne.s32 s2, $0x0  }
0x54: {  	s3 =	rddreg [dreg:$0x2];
	[bflag:$0x3] =	sbarrier.arrive $0xFFFF;
	s2 =	simm.s32 @!p0 $0x1C01  }
0x55: {  	[timem:s3], [sflag:s2] =	dma.local @!p0 [hbm:s0], s1  }
0x56: {  	s0 =	simm.s32 @!p0 $0x1  }
0x57: {  	_ =	swait.ge @!p0 [sflag:s0], s1  }
0x58: {  	s1 =	ssub.s32 @!p0 $0x0, s1;
	[sflag:s0] =	ssyncset.done @!p0 $0x0  }
0x59: {  	[sflag:s0] =	ssyncadd.s32 @!p0 s1  }
0x5a: {  	[bflag:$0x3] =	sbarrier.arrive $0xFFFF  }
0x5b: {  	_ =	shalt  }

</sc_bundles>
